<compile_context>
chip_gen: v7x
topology: tpu7x:2x2x1
jax: 0.10.2.dev20260603
libtpu: 0.0.44.dev20260713+nightly
codegen_flags: <defaults>
</compile_context>

<pallas_src>
import functools

import jax
import jax.numpy as jnp
from jax import lax
from jax.experimental import pallas as pl
from jax.experimental.pallas import tpu as pltpu
from jax.experimental.pallas import tpu_sc as plsc

B = 16384
EMB = 50
BERT_DIM = 768
NW = 32
NCHUNK = 1
CB = B // NCHUNK
BPW = CB // NW
BC = 64
NBC = BPW // BC


def _sc_gather(users, items, categories, subcategories, ent0,
               user_table, news_table, cat_table, subcat_table, entity_table,
               bert_table):
    mesh = plsc.VectorSubcoreMesh(core_axis_name="c", subcore_axis_name="s")
    out_type = (
        jax.ShapeDtypeStruct((CB, EMB), jnp.float32),
        jax.ShapeDtypeStruct((CB, EMB), jnp.float32),
        jax.ShapeDtypeStruct((CB, EMB), jnp.float32),
        jax.ShapeDtypeStruct((CB, EMB), jnp.float32),
        jax.ShapeDtypeStruct((CB, EMB), jnp.float32),
        jax.ShapeDtypeStruct((CB, BERT_DIM), jnp.float32),
    )

    @functools.partial(
        pl.kernel, mesh=mesh, out_type=out_type,
        scratch_types=[
            pltpu.VMEM((BPW, EMB), jnp.float32),
            pltpu.VMEM((BPW,), jnp.int32),
            pltpu.VMEM((BC, BERT_DIM), jnp.float32),
            pltpu.SemaphoreType.DMA,
            pltpu.SemaphoreType.DMA,
        ],
        compiler_params=pltpu.CompilerParams(needs_layout_passes=False),
    )
    def k(users_h, items_h, cats_h, subcats_h, ent_h,
          user_t, news_t, cat_t, subcat_t, ent_t, bert_t,
          out_user, out_news, out_cat, out_subcat, out_ent, out_bert,
          rows_v, idx_v, row768_v, sem, bsem):
        wid = lax.axis_index("s") * 2 + lax.axis_index("c")
        base = wid * BPW
        for idx_h, tab, out in ((users_h, user_t, out_user),
                                (items_h, news_t, out_news),
                                (cats_h, cat_t, out_cat),
                                (subcats_h, subcat_t, out_subcat),
                                (ent_h, ent_t, out_ent)):
            pltpu.sync_copy(idx_h.at[pl.ds(base, BPW)], idx_v)

            def fire(g, _):
                v = idx_v[pl.ds(g * 16, 16)]
                for lane in range(16):
                    s = lax.squeeze(lax.slice(v, (lane,), (lane + 1,)), (0,))
                    pltpu.async_copy(tab.at[pl.ds(s, 1)],
                                     rows_v.at[pl.ds(g * 16 + lane, 1)], sem)
                return 0

            lax.fori_loop(0, BPW // 16, fire, 0)

            def drain(r, _):
                pltpu.make_async_copy(tab.at[pl.ds(0, 1)],
                                      rows_v.at[pl.ds(0, 1)], sem).wait()
                return 0

            lax.fori_loop(0, BPW, drain, 0)
            pltpu.sync_copy(rows_v, out.at[pl.ds(base, BPW)])
        pltpu.sync_copy(items_h.at[pl.ds(base, BPW)], idx_v)
        for c in range(NBC):
            pltpu.async_copy(
                bert_t.at[idx_v.at[pl.ds(c * BC, BC)]], row768_v, bsem
            ).wait()
            pltpu.sync_copy(row768_v, out_bert.at[pl.ds(base + c * BC, BC)])

    return k(users, items, categories, subcategories, ent0,
             user_table, news_table, cat_table, subcat_table, entity_table,
             bert_table)


BLK = 512


def _tc_body(u_ref, n_ref, c_ref, s_ref, e_ref, bt_ref,
             wb_ref, bb_ref, wc_ref, bc_ref, o_ref):
    f32 = jnp.float32
    bert = jax.nn.sigmoid(
        jnp.dot(bt_ref[...], wb_ref[...], preferred_element_type=f32)
        + bb_ref[...])
    wc = wc_ref[...]
    z = (jnp.dot(n_ref[...], wc[0:EMB], preferred_element_type=f32)
         + jnp.dot(bert, wc[EMB:2 * EMB], preferred_element_type=f32)
         + jnp.dot(c_ref[...], wc[2 * EMB:3 * EMB], preferred_element_type=f32)
         + jnp.dot(s_ref[...], wc[3 * EMB:4 * EMB], preferred_element_type=f32)
         + jnp.dot(e_ref[...], wc[4 * EMB:5 * EMB], preferred_element_type=f32)
         + bc_ref[...])
    nc = jax.nn.sigmoid(z)
    o_ref[...] = jax.nn.sigmoid(jnp.sum(u_ref[...] * nc, axis=1))


def _tc_compute(user50, news50, cat50, subcat50, ent50, bert768,
                W_bert, b_bert, W_content, b_content):
    grid = CB // BLK
    row_spec = pl.BlockSpec((BLK, EMB), lambda i: (i, 0))
    bert_spec = pl.BlockSpec((BLK, BERT_DIM), lambda i: (i, 0))
    full = lambda shape: pl.BlockSpec(shape, lambda i: (0,) * len(shape))
    return pl.pallas_call(
        _tc_body,
        grid=(grid,),
        in_specs=[row_spec, row_spec, row_spec, row_spec, row_spec, bert_spec,
                  full((BERT_DIM, EMB)), full((EMB,)),
                  full((5 * EMB, EMB)), full((EMB,))],
        out_specs=pl.BlockSpec((BLK,), lambda i: (i,)),
        out_shape=jax.ShapeDtypeStruct((CB,), jnp.float32),
    )(user50, news50, cat50, subcat50, ent50, bert768,
      W_bert, b_bert, W_content, b_content)


def kernel(users, items, categories, subcategories, entities,
           user_table, news_table, cat_table, subcat_table, entity_table,
           bert_table, W_bert, b_bert, W_content, b_content):
    ent0 = entities[:, 0]
    outs = []
    for k in range(NCHUNK):
        sl = slice(k * CB, (k + 1) * CB)
        gathered = _sc_gather(
            users[sl], items[sl], categories[sl], subcategories[sl], ent0[sl],
            user_table, news_table, cat_table, subcat_table, entity_table,
            bert_table)
        outs.append(_tc_compute(*gathered,
                                W_bert, b_bert, W_content, b_content))
    if NCHUNK == 1:
        return outs[0]
    return jnp.concatenate(outs)

# --- scband reference (transcript-rebuilt; emitter-appended) ---
"""Pipeline reference for scband-content-based-model-85452669321784 (READ-ONLY COPY).

The authoritative reference and input builder live on the scoring server;
editing this copy changes nothing except your own understanding.
"""

import jax, jax.numpy as jnp
import numpy as np

B = 16384
NUM_USERS = 1000000
NUM_NEWS = 100000
NUM_CAT = 1000
NUM_SUBCAT = 1000
NUM_ENT = 100000
EMB = 50
BERT_DIM = 768


def setup_inputs(seed: int = 0) -> dict:
    key = jax.random.key(seed)
    ks = jax.random.split(key, 16)
    users = jax.random.randint(ks[0], (B,), 0, NUM_USERS)
    items = jax.random.randint(ks[1], (B,), 0, NUM_NEWS)
    categories = jax.random.randint(ks[2], (B,), 0, NUM_CAT)
    subcategories = jax.random.randint(ks[3], (B,), 0, NUM_SUBCAT)
    entities = jax.random.randint(ks[4], (B, 2), 0, NUM_ENT)
    user_table = jax.random.normal(ks[5], (NUM_USERS, EMB), dtype=jnp.float32)
    news_table = jax.random.normal(ks[6], (NUM_NEWS, EMB), dtype=jnp.float32)
    cat_table = jax.random.normal(ks[7], (NUM_CAT, EMB), dtype=jnp.float32)
    subcat_table = jax.random.normal(ks[8], (NUM_SUBCAT, EMB), dtype=jnp.float32)
    entity_table = jax.random.normal(ks[9], (NUM_ENT, EMB), dtype=jnp.float32)
    bert_table = jax.random.normal(ks[10], (NUM_NEWS, BERT_DIM), dtype=jnp.float32)
    W_bert = jax.random.normal(ks[11], (BERT_DIM, EMB), dtype=jnp.float32) * (1.0 / np.sqrt(BERT_DIM))
    b_bert = jnp.zeros((EMB,), dtype=jnp.float32)
    W_content = jax.random.normal(ks[12], (EMB * 5, EMB), dtype=jnp.float32) * (1.0 / np.sqrt(EMB * 5))
    b_content = jnp.zeros((EMB,), dtype=jnp.float32)
    return {
        "users": users, "items": items, "categories": categories,
        "subcategories": subcategories, "entities": entities,
        "user_table": user_table, "news_table": news_table,
        "cat_table": cat_table, "subcat_table": subcat_table,
        "entity_table": entity_table, "bert_table": bert_table,
        "W_bert": W_bert, "b_bert": b_bert,
        "W_content": W_content, "b_content": b_content,
    }


def reference(users, items, categories, subcategories, entities,
              user_table, news_table, cat_table, subcat_table, entity_table,
              bert_table, W_bert, b_bert, W_content, b_content):
    user_emb = jnp.take(user_table, users, axis=0)
    bert_emb = jnp.take(bert_table, items, axis=0)
    bert_emb = jax.nn.sigmoid(bert_emb @ W_bert + b_bert)
    cat_emb = jnp.take(cat_table, categories, axis=0)
    news_emb = jnp.take(news_table, items, axis=0)
    subcat_emb = jnp.take(subcat_table, subcategories, axis=0)
    ent_emb = jnp.take(entity_table, entities[:, 0], axis=0)
    news_content = jnp.concatenate([news_emb, bert_emb, cat_emb, subcat_emb, ent_emb], axis=1)
    news_content = jax.nn.sigmoid(news_content @ W_content + b_content)
    dot_prod = jnp.sum(user_emb * news_content, axis=1)
    return jax.nn.sigmoid(dot_prod)

if __name__ == "__main__":
    import jax
    _d = setup_inputs()
    print(jax.jit(kernel)(*tuple(_d.values())))

</pallas_src>

<mosaic_0001>
#map = affine_map<(d0, d1) -> (0)>
#map1 = affine_map<(d0, d1) -> (0, 0)>
module attributes {stable_mosaic.version = 14 : i64} {
  func.func @k(%arg0: i32, %arg1: i32, %arg2: memref<16384xi32, #tpu.memory_space<hbm>>, %arg3: memref<16384xi32, #tpu.memory_space<hbm>>, %arg4: memref<16384xi32, #tpu.memory_space<hbm>>, %arg5: memref<16384xi32, #tpu.memory_space<hbm>>, %arg6: memref<16384xi32, #tpu.memory_space<hbm>>, %arg7: memref<1000000x50xf32, #tpu.memory_space<hbm>>, %arg8: memref<100000x50xf32, #tpu.memory_space<hbm>>, %arg9: memref<1000x50xf32, #tpu.memory_space<hbm>>, %arg10: memref<1000x50xf32, #tpu.memory_space<hbm>>, %arg11: memref<100000x50xf32, #tpu.memory_space<hbm>>, %arg12: memref<100000x768xf32, #tpu.memory_space<hbm>>, %arg13: memref<16384x50xf32, #tpu.memory_space<hbm>>, %arg14: memref<16384x50xf32, #tpu.memory_space<hbm>>, %arg15: memref<16384x50xf32, #tpu.memory_space<hbm>>, %arg16: memref<16384x50xf32, #tpu.memory_space<hbm>>, %arg17: memref<16384x50xf32, #tpu.memory_space<hbm>>, %arg18: memref<16384x768xf32, #tpu.memory_space<hbm>>, %arg19: memref<512x50xf32, #tpu.memory_space<vmem>>, %arg20: memref<512xi32, #tpu.memory_space<vmem>>, %arg21: memref<64x768xf32, #tpu.memory_space<vmem>>, %arg22: memref<!tpu.dma_semaphore, #tpu.memory_space<semaphore_mem>>, %arg23: memref<!tpu.dma_semaphore, #tpu.memory_space<semaphore_mem>>) attributes {dimension_semantics = [#tpu.dimension_semantics<core_parallel>, #tpu.dimension_semantics<subcore_parallel>], iteration_bounds = array<i64: 2, 16>, scalar_prefetch = 0 : i64, scratch_operands = 5 : i64, tpu.core_type = #tpu.core_type<sc_vector_subcore>, window_params = [{transform_indices = #map}, {transform_indices = #map}, {transform_indices = #map}, {transform_indices = #map}, {transform_indices = #map}, {transform_indices = #map1}, {transform_indices = #map1}, {transform_indices = #map1}, {transform_indices = #map1}, {transform_indices = #map1}, {transform_indices = #map1}, {transform_indices = #map1}, {transform_indices = #map1}, {transform_indices = #map1}, {transform_indices = #map1}, {transform_indices = #map1}, {transform_indices = #map1}]} {
    %mul3A = arith.constant 2 : i32
    %mul3A_0 = arith.muli %arg1, %mul3A : i32
    %add3A = arith.addi %mul3A_0, %arg0 : i32
    %mul3A_1 = arith.constant 512 : i32
    %mul3A_2 = arith.muli %add3A, %mul3A_1 : i32
    "tpu.region"() ({
      %run_scoped3A = tpu.sem_alloc : memref<!tpu.dma_semaphore, #tpu.memory_space<semaphore_mem>>
      %dma_start3A_166 = tpu.memref_slice %arg2[%mul3A_2] : memref<16384xi32, #tpu.memory_space<hbm>> -> memref<512xi32, #tpu.memory_space<hbm>>
      %dma_start3A_167 = tpu.memref_slice %arg2[%mul3A_2] : memref<16384xi32, #tpu.memory_space<hbm>> -> memref<512xi32, #tpu.memory_space<hbm>>
      tpu.enqueue_dma source(%dma_start3A_167 : memref<512xi32, #tpu.memory_space<hbm>>) target(%arg20 : memref<512xi32, #tpu.memory_space<vmem>>) target_semaphore(%run_scoped3A : memref<!tpu.dma_semaphore, #tpu.memory_space<semaphore_mem>>)
      %dma_wait3A_168 = tpu.memref_slice %arg2[%mul3A_2] : memref<16384xi32, #tpu.memory_space<hbm>> -> memref<512xi32, #tpu.memory_space<hbm>>
      %dma_wait3A_169 = tpu.memref_slice %arg2[%mul3A_2] : memref<16384xi32, #tpu.memory_space<hbm>> -> memref<512xi32, #tpu.memory_space<hbm>>
      tpu.wait_dma2 semaphore(%run_scoped3A : memref<!tpu.dma_semaphore, #tpu.memory_space<semaphore_mem>>) src(%dma_wait3A_169 : memref<512xi32, #tpu.memory_space<hbm>>) dst(%arg20 : memref<512xi32, #tpu.memory_space<vmem>>)
      tpu.yield
    }) : () -> ()
    %scan3A = arith.constant 0 : i32
    %scan3A_3 = arith.constant 0 : i32
    %scan3A_4 = arith.constant 32 : i32
    %scan3A_5 = arith.addi %scan3A_3, %scan3A_4 : i32
    %scan3A_6 = arith.constant 1 : i32
    %scan3A_7 = scf.for %scan3A_166 = %scan3A_3 to %scan3A_5 step %scan3A_6 iter_args(%scan3A_167 = %scan3A) -> (i32)  : i32 {
      %mul3A_168 = arith.constant 16 : i32
      %mul3A_169 = arith.muli %scan3A_166, %mul3A_168 : i32
      %get3A = arith.index_cast %mul3A_169 : i32 to index
      %get3A_170 = tpu.vector_load %arg20[%get3A] {strides = array<i32>} : memref<512xi32, #tpu.memory_space<vmem>>, vector<16xi32>,
      %slice3A = vector.extract_strided_slice %get3A_170 {offsets = [0], sizes = [1], strides = [1]} : vector<16xi32> to vector<1xi32>
      %squeeze3A = vector.extract %slice3A[0] : i32 from vector<1xi32>
      %mul3A_171 = arith.constant 16 : i32
      %mul3A_172 = arith.muli %scan3A_166, %mul3A_171 : i32
      %add3A_173 = arith.constant 0 : i32
      %add3A_174 = arith.addi %mul3A_172, %add3A_173 : i32
      %dma_start3A_175 = arith.constant 0 : i32
      %dma_start3A_176 = tpu.memref_slice %arg19[%add3A_174, %dma_start3A_175] : memref<512x50xf32, #tpu.memory_space<vmem>> -> memref<1x50xf32, #tpu.memory_space<vmem>>
      %dma_start3A_177 = arith.constant 0 : i32
      %dma_start3A_178 = tpu.memref_slice %arg7[%squeeze3A, %dma_start3A_177] : memref<1000000x50xf32, #tpu.memory_space<hbm>> -> memref<1x50xf32, #tpu.memory_space<hbm>>
      %dma_start3A_179 = arith.constant 0 : i32
      %dma_start3A_180 = tpu.memref_slice %arg19[%add3A_174, %dma_start3A_179] : memref<512x50xf32, #tpu.memory_space<vmem>> -> memref<1x50xf32, #tpu.memory_space<vmem>>
      %dma_start3A_181 = arith.constant 0 : i32
      %dma_start3A_182 = tpu.memref_slice %arg7[%squeeze3A, %dma_start3A_181] : memref<1000000x50xf32, #tpu.memory_space<hbm>> -> memref<1x50xf32, #tpu.memory_space<hbm>>
      tpu.enqueue_dma source(%dma_start3A_182 : memref<1x50xf32, #tpu.memory_space<hbm>>) target(%dma_start3A_180 : memref<1x50xf32, #tpu.memory_space<vmem>>) target_semaphore(%arg22 : memref<!tpu.dma_semaphore, #tpu.memory_space<semaphore_mem>>)
      %slice3A_183 = vector.extract_strided_slice %get3A_170 {offsets = [1], sizes = [1], strides = [1]} : vector<16xi32> to vector<1xi32>
      %squeeze3A_184 = vector.extract %slice3A_183[0] : i32 from vector<1xi32>
      %mul3A_185 = arith.constant 16 : i32
      %mul3A_186 = arith.muli %scan3A_166, %mul3A_185 : i32
      %add3A_187 = arith.constant 1 : i32
      %add3A_188 = arith.addi %mul3A_186, %add3A_187 : i32
      %dma_start3A_189 = arith.constant 0 : i32
      %dma_start3A_190 = tpu.memref_slice %arg19[%add3A_188, %dma_start3A_189] : memref<512x50xf32, #tpu.memory_space<vmem>> -> memref<1x50xf32, #tpu.memory_space<vmem>>
      %dma_start3A_191 = arith.constant 0 : i32
      %dma_start3A_192 = tpu.memref_slice %arg7[%squeeze3A_184, %dma_start3A_191] : memref<1000000x50xf32, #tpu.memory_space<hbm>> -> memref<1x50xf32, #tpu.memory_space<hbm>>
      %dma_start3A_193 = arith.constant 0 : i32
      %dma_start3A_194 = tpu.memref_slice %arg19[%add3A_188, %dma_start3A_193] : memref<512x50xf32, #tpu.memory_space<vmem>> -> memref<1x50xf32, #tpu.memory_space<vmem>>
      %dma_start3A_195 = arith.constant 0 : i32
      %dma_start3A_196 = tpu.memref_slice %arg7[%squeeze3A_184, %dma_start3A_195] : memref<1000000x50xf32, #tpu.memory_space<hbm>> -> memref<1x50xf32, #tpu.memory_space<hbm>>
      tpu.enqueue_dma source(%dma_start3A_196 : memref<1x50xf32, #tpu.memory_space<hbm>>) target(%dma_start3A_194 : memref<1x50xf32, #tpu.memory_space<vmem>>) target_semaphore(%arg22 : memref<!tpu.dma_semaphore, #tpu.memory_space<semaphore_mem>>)
      %slice3A_197 = vector.extract_strided_slice %get3A_170 {offsets = [2], sizes = [1], strides = [1]} : vector<16xi32> to vector<1xi32>
      %squeeze3A_198 = vector.extract %slice3A_197[0] : i32 from vector<1xi32>
      %mul3A_199 = arith.constant 16 : i32
      %mul3A_200 = arith.muli %scan3A_166, %mul3A_199 : i32
      %add3A_201 = arith.constant 2 : i32
      %add3A_202 = arith.addi %mul3A_200, %add3A_201 : i32
      %dma_start3A_203 = arith.constant 0 : i32
      %dma_start3A_204 = tpu.memref_slice %arg19[%add3A_202, %dma_start3A_203] : memref<512x50xf32, #tpu.memory_space<vmem>> -> memref<1x50xf32, #tpu.memory_space<vmem>>
      %dma_start3A_205 = arith.constant 0 : i32
      %dma_start3A_206 = tpu.memref_slice %arg7[%squeeze3A_198, %dma_start3A_205] : memref<1000000x50xf32, #tpu.memory_space<hbm>> -> memref<1x50xf32, #tpu.memory_space<hbm>>
      %dma_start3A_207 = arith.constant 0 : i32
      %dma_start3A_208 = tpu.memref_slice %arg19[%add3A_202, %dma_start3A_207] : memref<512x50xf32, #tpu.memory_space<vmem>> -> memref<1x50xf32, #tpu.memory_space<vmem>>
      %dma_start3A_209 = arith.constant 0 : i32
      %dma_start3A_210 = tpu.memref_slice %arg7[%squeeze3A_198, %dma_start3A_209] : memref<1000000x50xf32, #tpu.memory_space<hbm>> -> memref<1x50xf32, #tpu.memory_space<hbm>>
      tpu.enqueue_dma source(%dma_start3A_210 : memref<1x50xf32, #tpu.memory_space<hbm>>) target(%dma_start3A_208 : memref<1x50xf32, #tpu.memory_space<vmem>>) target_semaphore(%arg22 : memref<!tpu.dma_semaphore, #tpu.memory_space<semaphore_mem>>)
      %slice3A_211 = vector.extract_strided_slice %get3A_170 {offsets = [3], sizes = [1], strides = [1]} : vector<16xi32> to vector<1xi32>
      %squeeze3A_212 = vector.extract %slice3A_211[0] : i32 from vector<1xi32>
      %mul3A_213 = arith.constant 16 : i32
      %mul3A_214 = arith.muli %scan3A_166, %mul3A_213 : i32
      %add3A_215 = arith.constant 3 : i32
      %add3A_216 = arith.addi %mul3A_214, %add3A_215 : i32
      %dma_start3A_217 = arith.constant 0 : i32
      %dma_start3A_218 = tpu.memref_slice %arg19[%add3A_216, %dma_start3A_217] : memref<512x50xf32, #tpu.memory_space<vmem>> -> memref<1x50xf32, #tpu.memory_space<vmem>>
      %dma_start3A_219 = arith.constant 0 : i32
      %dma_start3A_220 = tpu.memref_slice %arg7[%squeeze3A_212, %dma_start3A_219] : memref<1000000x50xf32, #tpu.memory_space<hbm>> -> memref<1x50xf32, #tpu.memory_space<hbm>>
      %dma_start3A_221 = arith.constant 0 : i32
      %dma_start3A_222 = tpu.memref_slice %arg19[%add3A_216, %dma_start3A_221] : memref<512x50xf32, #tpu.memory_space<vmem>> -> memref<1x50xf32, #tpu.memory_space<vmem>>
      %dma_start3A_223 = arith.constant 0 : i32
      %dma_start3A_224 = tpu.memref_slice %arg7[%squeeze3A_212, %dma_start3A_223] : memref<1000000x50xf32, #tpu.memory_space<hbm>> -> memref<1x50xf32, #tpu.memory_space<hbm>>
      tpu.enqueue_dma source(%dma_start3A_224 : memref<1x50xf32, #tpu.memory_space<hbm>>) target(%dma_start3A_222 : memref<1x50xf32, #tpu.memory_space<vmem>>) target_semaphore(%arg22 : memref<!tpu.dma_semaphore, #tpu.memory_space<semaphore_mem>>)
      %slice3A_225 = vector.extract_strided_slice %get3A_170 {offsets = [4], sizes = [1], strides = [1]} : vector<16xi32> to vector<1xi32>
      %squeeze3A_226 = vector.extract %slice3A_225[0] : i32 from vector<1xi32>
      %mul3A_227 = arith.constant 16 : i32
      %mul3A_228 = arith.muli %scan3A_166, %mul3A_227 : i32
      %add3A_229 = arith.constant 4 : i32
      %add3A_230 = arith.addi %mul3A_228, %add3A_229 : i32
      %dma_start3A_231 = arith.constant 0 : i32
      %dma_start3A_232 = tpu.memref_slice %arg19[%add3A_230, %dma_start3A_231] : memref<512x50xf32, #tpu.memory_space<vmem>> -> memref<1x50xf32, #tpu.memory_space<vmem>>
      %dma_start3A_233 = arith.constant 0 : i32
      %dma_start3A_234 = tpu.memref_slice %arg7[%squeeze3A_226, %dma_start3A_233] : memref<1000000x50xf32, #tpu.memory_space<hbm>> -> memref<1x50xf32, #tpu.memory_space<hbm>>
      %dma_start3A_235 = arith.constant 0 : i32
      %dma_start3A_236 = tpu.memref_slice %arg19[%add3A_230, %dma_start3A_235] : memref<512x50xf32, #tpu.memory_space<vmem>> -> memref<1x50xf32, #tpu.memory_space<vmem>>
      %dma_start3A_237 = arith.constant 0 : i32
      %dma_start3A_238 = tpu.memref_slice %arg7[%squeeze3A_226, %dma_start3A_237] : memref<1000000x50xf32, #tpu.memory_space<hbm>> -> memref<1x50xf32, #tpu.memory_space<hbm>>
      tpu.enqueue_dma source(%dma_start3A_238 : memref<1x50xf32, #tpu.memory_space<hbm>>) target(%dma_start3A_236 : memref<1x50xf32, #tpu.memory_space<vmem>>) target_semaphore(%arg22 : memref<!tpu.dma_semaphore, #tpu.memory_space<semaphore_mem>>)
      %slice3A_239 = vector.extract_strided_slice %get3A_170 {offsets = [5], sizes = [1], strides = [1]} : vector<16xi32> to vector<1xi32>
      %squeeze3A_240 = vector.extract %slice3A_239[0] : i32 from vector<1xi32>
      %mul3A_241 = arith.constant 16 : i32
      %mul3A_242 = arith.muli %scan3A_166, %mul3A_241 : i32
      %add3A_243 = arith.constant 5 : i32
      %add3A_244 = arith.addi %mul3A_242, %add3A_243 : i32
      %dma_start3A_245 = arith.constant 0 : i32
      %dma_start3A_246 = tpu.memref_slice %arg19[%add3A_244, %dma_start3A_245] : memref<512x50xf32, #tpu.memory_space<vmem>> -> memref<1x50xf32, #tpu.memory_space<vmem>>
      %dma_start3A_247 = arith.constant 0 : i32
      %dma_start3A_248 = tpu.memref_slice %arg7[%squeeze3A_240, %dma_start3A_247] : memref<1000000x50xf32, #tpu.memory_space<hbm>> -> memref<1x50xf32, #tpu.memory_space<hbm>>
      %dma_start3A_249 = arith.constant 0 : i32
      %dma_start3A_250 = tpu.memref_slice %arg19[%add3A_244, %dma_start3A_249] : memref<512x50xf32, #tpu.memory_space<vmem>> -> memref<1x50xf32, #tpu.memory_space<vmem>>
      %dma_start3A_251 = arith.constant 0 : i32
      %dma_start3A_252 = tpu.memref_slice %arg7[%squeeze3A_240, %dma_start3A_251] : memref<1000000x50xf32, #tpu.memory_space<hbm>> -> memref<1x50xf32, #tpu.memory_space<hbm>>
      tpu.enqueue_dma source(%dma_start3A_252 : memref<1x50xf32, #tpu.memory_space<hbm>>) target(%dma_start3A_250 : memref<1x50xf32, #tpu.memory_space<vmem>>) target_semaphore(%arg22 : memref<!tpu.dma_semaphore, #tpu.memory_space<semaphore_mem>>)
      %slice3A_253 = vector.extract_strided_slice %get3A_170 {offsets = [6], sizes = [1], strides = [1]} : vector<16xi32> to vector<1xi32>
      %squeeze3A_254 = vector.extract %slice3A_253[0] : i32 from vector<1xi32>
      %mul3A_255 = arith.constant 16 : i32
      %mul3A_256 = arith.muli %scan3A_166, %mul3A_255 : i32
      %add3A_257 = arith.constant 6 : i32
      %add3A_258 = arith.addi %mul3A_256, %add3A_257 : i32
      %dma_start3A_259 = arith.constant 0 : i32
      %dma_start3A_260 = tpu.memref_slice %arg19[%add3A_258, %dma_start3A_259] : memref<512x50xf32, #tpu.memory_space<vmem>> -> memref<1x50xf32, #tpu.memory_space<vmem>>
      %dma_start3A_261 = arith.constant 0 : i32
      %dma_start3A_262 = tpu.memref_slice %arg7[%squeeze3A_254, %dma_start3A_261] : memref<1000000x50xf32, #tpu.memory_space<hbm>> -> memref<1x50xf32, #tpu.memory_space<hbm>>
      %dma_start3A_263 = arith.constant 0 : i32
      %dma_start3A_264 = tpu.memref_slice %arg19[%add3A_258, %dma_start3A_263] : memref<512x50xf32, #tpu.memory_space<vmem>> -> memref<1x50xf32, #tpu.memory_space<vmem>>
      %dma_start3A_265 = arith.constant 0 : i32
      %dma_start3A_266 = tpu.memref_slice %arg7[%squeeze3A_254, %dma_start3A_265] : memref<1000000x50xf32, #tpu.memory_space<hbm>> -> memref<1x50xf32, #tpu.memory_space<hbm>>
      tpu.enqueue_dma source(%dma_start3A_266 : memref<1x50xf32, #tpu.memory_space<hbm>>) target(%dma_start3A_264 : memref<1x50xf32, #tpu.memory_space<vmem>>) target_semaphore(%arg22 : memref<!tpu.dma_semaphore, #tpu.memory_space<semaphore_mem>>)
      %slice3A_267 = vector.extract_strided_slice %get3A_170 {offsets = [7], sizes = [1], strides = [1]} : vector<16xi32> to vector<1xi32>
      %squeeze3A_268 = vector.extract %slice3A_267[0] : i32 from vector<1xi32>
      %mul3A_269 = arith.constant 16 : i32
      %mul3A_270 = arith.muli %scan3A_166, %mul3A_269 : i32
      %add3A_271 = arith.constant 7 : i32
      %add3A_272 = arith.addi %mul3A_270, %add3A_271 : i32
      %dma_start3A_273 = arith.constant 0 : i32
      %dma_start3A_274 = tpu.memref_slice %arg19[%add3A_272, %dma_start3A_273] : memref<512x50xf32, #tpu.memory_space<vmem>> -> memref<1x50xf32, #tpu.memory_space<vmem>>
      %dma_start3A_275 = arith.constant 0 : i32
      %dma_start3A_276 = tpu.memref_slice %arg7[%squeeze3A_268, %dma_start3A_275] : memref<1000000x50xf32, #tpu.memory_space<hbm>> -> memref<1x50xf32, #tpu.memory_space<hbm>>
      %dma_start3A_277 = arith.constant 0 : i32
      %dma_start3A_278 = tpu.memref_slice %arg19[%add3A_272, %dma_start3A_277] : memref<512x50xf32, #tpu.memory_space<vmem>> -> memref<1x50xf32, #tpu.memory_space<vmem>>
      %dma_start3A_279 = arith.constant 0 : i32
      %dma_start3A_280 = tpu.memref_slice %arg7[%squeeze3A_268, %dma_start3A_279] : memref<1000000x50xf32, #tpu.memory_space<hbm>> -> memref<1x50xf32, #tpu.memory_space<hbm>>
      tpu.enqueue_dma source(%dma_start3A_280 : memref<1x50xf32, #tpu.memory_space<hbm>>) target(%dma_start3A_278 : memref<1x50xf32, #tpu.memory_space<vmem>>) target_semaphore(%arg22 : memref<!tpu.dma_semaphore, #tpu.memory_space<semaphore_mem>>)
      %slice3A_281 = vector.extract_strided_slice %get3A_170 {offsets = [8], sizes = [1], strides = [1]} : vector<16xi32> to vector<1xi32>
      %squeeze3A_282 = vector.extract %slice3A_281[0] : i32 from vector<1xi32>
      %mul3A_283 = arith.constant 16 : i32
      %mul3A_284 = arith.muli %scan3A_166, %mul3A_283 : i32
      %add3A_285 = arith.constant 8 : i32
      %add3A_286 = arith.addi %mul3A_284, %add3A_285 : i32
      %dma_start3A_287 = arith.constant 0 : i32
      %dma_start3A_288 = tpu.memref_slice %arg19[%add3A_286, %dma_start3A_287] : memref<512x50xf32, #tpu.memory_space<vmem>> -> memref<1x50xf32, #tpu.memory_space<vmem>>
      %dma_start3A_289 = arith.constant 0 : i32
      %dma_start3A_290 = tpu.memref_slice %arg7[%squeeze3A_282, %dma_start3A_289] : memref<1000000x50xf32, #tpu.memory_space<hbm>> -> memref<1x50xf32, #tpu.memory_space<hbm>>
      %dma_start3A_291 = arith.constant 0 : i32
      %dma_start3A_292 = tpu.memref_slice %arg19[%add3A_286, %dma_start3A_291] : memref<512x50xf32, #tpu.memory_space<vmem>> -> memref<1x50xf32, #tpu.memory_space<vmem>>
      %dma_start3A_293 = arith.constant 0 : i32
      %dma_start3A_294 = tpu.memref_slice %arg7[%squeeze3A_282, %dma_start3A_293] : memref<1000000x50xf32, #tpu.memory_space<hbm>> -> memref<1x50xf32, #tpu.memory_space<hbm>>
      tpu.enqueue_dma source(%dma_start3A_294 : memref<1x50xf32, #tpu.memory_space<hbm>>) target(%dma_start3A_292 : memref<1x50xf32, #tpu.memory_space<vmem>>) target_semaphore(%arg22 : memref<!tpu.dma_semaphore, #tpu.memory_space<semaphore_mem>>)
      %slice3A_295 = vector.extract_strided_slice %get3A_170 {offsets = [9], sizes = [1], strides = [1]} : vector<16xi32> to vector<1xi32>
      %squeeze3A_296 = vector.extract %slice3A_295[0] : i32 from vector<1xi32>
      %mul3A_297 = arith.constant 16 : i32
      %mul3A_298 = arith.muli %scan3A_166, %mul3A_297 : i32
      %add3A_299 = arith.constant 9 : i32
      %add3A_300 = arith.addi %mul3A_298, %add3A_299 : i32
      %dma_start3A_301 = arith.constant 0 : i32
      %dma_start3A_302 = tpu.memref_slice %arg19[%add3A_300, %dma_start3A_301] : memref<512x50xf32, #tpu.memory_space<vmem>> -> memref<1x50xf32, #tpu.memory_space<vmem>>
      %dma_start3A_303 = arith.constant 0 : i32
      %dma_start3A_304 = tpu.memref_slice %arg7[%squeeze3A_296, %dma_start3A_303] : memref<1000000x50xf32, #tpu.memory_space<hbm>> -> memref<1x50xf32, #tpu.memory_space<hbm>>
      %dma_start3A_305 = arith.constant 0 : i32
      %dma_start3A_306 = tpu.memref_slice %arg19[%add3A_300, %dma_start3A_305] : memref<512x50xf32, #tpu.memory_space<vmem>> -> memref<1x50xf32, #tpu.memory_space<vmem>>
      %dma_start3A_307 = arith.constant 0 : i32
      %dma_start3A_308 = tpu.memref_slice %arg7[%squeeze3A_296, %dma_start3A_307] : memref<1000000x50xf32, #tpu.memory_space<hbm>> -> memref<1x50xf32, #tpu.memory_space<hbm>>
      tpu.enqueue_dma source(%dma_start3A_308 : memref<1x50xf32, #tpu.memory_space<hbm>>) target(%dma_start3A_306 : memref<1x50xf32, #tpu.memory_space<vmem>>) target_semaphore(%arg22 : memref<!tpu.dma_semaphore, #tpu.memory_space<semaphore_mem>>)
      %slice3A_309 = vector.extract_strided_slice %get3A_170 {offsets = [10], sizes = [1], strides = [1]} : vector<16xi32> to vector<1xi32>
      %squeeze3A_310 = vector.extract %slice3A_309[0] : i32 from vector<1xi32>
      %mul3A_311 = arith.constant 16 : i32
      %mul3A_312 = arith.muli %scan3A_166, %mul3A_311 : i32
      %add3A_313 = arith.constant 10 : i32
      %add3A_314 = arith.addi %mul3A_312, %add3A_313 : i32
      %dma_start3A_315 = arith.constant 0 : i32
      %dma_start3A_316 = tpu.memref_slice %arg19[%add3A_314, %dma_start3A_315] : memref<512x50xf32, #tpu.memory_space<vmem>> -> memref<1x50xf32, #tpu.memory_space<vmem>>
      %dma_start3A_317 = arith.constant 0 : i32
      %dma_start3A_318 = tpu.memref_slice %arg7[%squeeze3A_310, %dma_start3A_317] : memref<1000000x50xf32, #tpu.memory_space<hbm>> -> memref<1x50xf32, #tpu.memory_space<hbm>>
      %dma_start3A_319 = arith.constant 0 : i32
      %dma_start3A_320 = tpu.memref_slice %arg19[%add3A_314, %dma_start3A_319] : memref<512x50xf32, #tpu.memory_space<vmem>> -> memref<1x50xf32, #tpu.memory_space<vmem>>
      %dma_start3A_321 = arith.constant 0 : i32
      %dma_start3A_322 = tpu.memref_slice %arg7[%squeeze3A_310, %dma_start3A_321] : memref<1000000x50xf32, #tpu.memory_space<hbm>> -> memref<1x50xf32, #tpu.memory_space<hbm>>
      tpu.enqueue_dma source(%dma_start3A_322 : memref<1x50xf32, #tpu.memory_space<hbm>>) target(%dma_start3A_320 : memref<1x50xf32, #tpu.memory_space<vmem>>) target_semaphore(%arg22 : memref<!tpu.dma_semaphore, #tpu.memory_space<semaphore_mem>>)
      %slice3A_323 = vector.extract_strided_slice %get3A_170 {offsets = [11], sizes = [1], strides = [1]} : vector<16xi32> to vector<1xi32>
      %squeeze3A_324 = vector.extract %slice3A_323[0] : i32 from vector<1xi32>
      %mul3A_325 = arith.constant 16 : i32
      %mul3A_326 = arith.muli %scan3A_166, %mul3A_325 : i32
      %add3A_327 = arith.constant 11 : i32
      %add3A_328 = arith.addi %mul3A_326, %add3A_327 : i32
      %dma_start3A_329 = arith.constant 0 : i32
      %dma_start3A_330 = tpu.memref_slice %arg19[%add3A_328, %dma_start3A_329] : memref<512x50xf32, #tpu.memory_space<vmem>> -> memref<1x50xf32, #tpu.memory_space<vmem>>
      %dma_start3A_331 = arith.constant 0 : i32
      %dma_start3A_332 = tpu.memref_slice %arg7[%squeeze3A_324, %dma_start3A_331] : memref<1000000x50xf32, #tpu.memory_space<hbm>> -> memref<1x50xf32, #tpu.memory_space<hbm>>
      %dma_start3A_333 = arith.constant 0 : i32
      %dma_start3A_334 = tpu.memref_slice %arg19[%add3A_328, %dma_start3A_333] : memref<512x50xf32, #tpu.memory_space<vmem>> -> memref<1x50xf32, #tpu.memory_space<vmem>>
      %dma_start3A_335 = arith.constant 0 : i32
      %dma_start3A_336 = tpu.memref_slice %arg7[%squeeze3A_324, %dma_start3A_335] : memref<1000000x50xf32, #tpu.memory_space<hbm>> -> memref<1x50xf32, #tpu.memory_space<hbm>>
      tpu.enqueue_dma source(%dma_start3A_336 : memref<1x50xf32, #tpu.memory_space<hbm>>) target(%dma_start3A_334 : memref<1x50xf32, #tpu.memory_space<vmem>>) target_semaphore(%arg22 : memref<!tpu.dma_semaphore, #tpu.memory_space<semaphore_mem>>)
      %slice3A_337 = vector.extract_strided_slice %get3A_170 {offsets = [12], sizes = [1], strides = [1]} : vector<16xi32> to vector<1xi32>
      %squeeze3A_338 = vector.extract %slice3A_337[0] : i32 from vector<1xi32>
      %mul3A_339 = arith.constant 16 : i32
      %mul3A_340 = arith.muli %scan3A_166, %mul3A_339 : i32
      %add3A_341 = arith.constant 12 : i32
      %add3A_342 = arith.addi %mul3A_340, %add3A_341 : i32
      %dma_start3A_343 = arith.constant 0 : i32
      %dma_start3A_344 = tpu.memref_slice %arg19[%add3A_342, %dma_start3A_343] : memref<512x50xf32, #tpu.memory_space<vmem>> -> memref<1x50xf32, #tpu.memory_space<vmem>>
      %dma_start3A_345 = arith.constant 0 : i32
      %dma_start3A_346 = tpu.memref_slice %arg7[%squeeze3A_338, %dma_start3A_345] : memref<1000000x50xf32, #tpu.memory_space<hbm>> -> memref<1x50xf32, #tpu.memory_space<hbm>>
      %dma_start3A_347 = arith.constant 0 : i32
      %dma_start3A_348 = tpu.memref_slice %arg19[%add3A_342, %dma_start3A_347] : memref<512x50xf32, #tpu.memory_space<vmem>> -> memref<1x50xf32, #tpu.memory_space<vmem>>
      %dma_start3A_349 = arith.constant 0 : i32
      %dma_start3A_350 = tpu.memref_slice %arg7[%squeeze3A_338, %dma_start3A_349] : memref<1000000x50xf32, #tpu.memory_space<hbm>> -> memref<1x50xf32, #tpu.memory_space<hbm>>
      tpu.enqueue_dma source(%dma_start3A_350 : memref<1x50xf32, #tpu.memory_space<hbm>>) target(%dma_start3A_348 : memref<1x50xf32, #tpu.memory_space<vmem>>) target_semaphore(%arg22 : memref<!tpu.dma_semaphore, #tpu.memory_space<semaphore_mem>>)
      %slice3A_351 = vector.extract_strided_slice %get3A_170 {offsets = [13], sizes = [1], strides = [1]} : vector<16xi32> to vector<1xi32>
      %squeeze3A_352 = vector.extract %slice3A_351[0] : i32 from vector<1xi32>
      %mul3A_353 = arith.constant 16 : i32
      %mul3A_354 = arith.muli %scan3A_166, %mul3A_353 : i32
      %add3A_355 = arith.constant 13 : i32
      %add3A_356 = arith.addi %mul3A_354, %add3A_355 : i32
      %dma_start3A_357 = arith.constant 0 : i32
      %dma_start3A_358 = tpu.memref_slice %arg19[%add3A_356, %dma_start3A_357] : memref<512x50xf32, #tpu.memory_space<vmem>> -> memref<1x50xf32, #tpu.memory_space<vmem>>
      %dma_start3A_359 = arith.constant 0 : i32
      %dma_start3A_360 = tpu.memref_slice %arg7[%squeeze3A_352, %dma_start3A_359] : memref<1000000x50xf32, #tpu.memory_space<hbm>> -> memref<1x50xf32, #tpu.memory_space<hbm>>
      %dma_start3A_361 = arith.constant 0 : i32
      %dma_start3A_362 = tpu.memref_slice %arg19[%add3A_356, %dma_start3A_361] : memref<512x50xf32, #tpu.memory_space<vmem>> -> memref<1x50xf32, #tpu.memory_space<vmem>>
      %dma_start3A_363 = arith.constant 0 : i32
      %dma_start3A_364 = tpu.memref_slice %arg7[%squeeze3A_352, %dma_start3A_363] : memref<1000000x50xf32, #tpu.memory_space<hbm>> -> memref<1x50xf32, #tpu.memory_space<hbm>>
      tpu.enqueue_dma source(%dma_start3A_364 : memref<1x50xf32, #tpu.memory_space<hbm>>) target(%dma_start3A_362 : memref<1x50xf32, #tpu.memory_space<vmem>>) target_semaphore(%arg22 : memref<!tpu.dma_semaphore, #tpu.memory_space<semaphore_mem>>)
      %slice3A_365 = vector.extract_strided_slice %get3A_170 {offsets = [14], sizes = [1], strides = [1]} : vector<16xi32> to vector<1xi32>
      %squeeze3A_366 = vector.extract %slice3A_365[0] : i32 from vector<1xi32>
      %mul3A_367 = arith.constant 16 : i32
      %mul3A_368 = arith.muli %scan3A_166, %mul3A_367 : i32
      %add3A_369 = arith.constant 14 : i32
      %add3A_370 = arith.addi %mul3A_368, %add3A_369 : i32
      %dma_start3A_371 = arith.constant 0 : i32
      %dma_start3A_372 = tpu.memref_slice %arg19[%add3A_370, %dma_start3A_371] : memref<512x50xf32, #tpu.memory_space<vmem>> -> memref<1x50xf32, #tpu.memory_space<vmem>>
      %dma_start3A_373 = arith.constant 0 : i32
      %dma_start3A_374 = tpu.memref_slice %arg7[%squeeze3A_366, %dma_start3A_373] : memref<1000000x50xf32, #tpu.memory_space<hbm>> -> memref<1x50xf32, #tpu.memory_space<hbm>>
      %dma_start3A_375 = arith.constant 0 : i32
      %dma_start3A_376 = tpu.memref_slice %arg19[%add3A_370, %dma_start3A_375] : memref<512x50xf32, #tpu.memory_space<vmem>> -> memref<1x50xf32, #tpu.memory_space<vmem>>
      %dma_start3A_377 = arith.constant 0 : i32
      %dma_start3A_378 = tpu.memref_slice %arg7[%squeeze3A_366, %dma_start3A_377] : memref<1000000x50xf32, #tpu.memory_space<hbm>> -> memref<1x50xf32, #tpu.memory_space<hbm>>
      tpu.enqueue_dma source(%dma_start3A_378 : memref<1x50xf32, #tpu.memory_space<hbm>>) target(%dma_start3A_376 : memref<1x50xf32, #tpu.memory_space<vmem>>) target_semaphore(%arg22 : memref<!tpu.dma_semaphore, #tpu.memory_space<semaphore_mem>>)
      %slice3A_379 = vector.extract_strided_slice %get3A_170 {offsets = [15], sizes = [1], strides = [1]} : vector<16xi32> to vector<1xi32>
      %squeeze3A_380 = vector.extract %slice3A_379[0] : i32 from vector<1xi32>
      %mul3A_381 = arith.constant 16 : i32
      %mul3A_382 = arith.muli %scan3A_166, %mul3A_381 : i32
      %add3A_383 = arith.constant 15 : i32
      %add3A_384 = arith.addi %mul3A_382, %add3A_383 : i32
      %dma_start3A_385 = arith.constant 0 : i32
      %dma_start3A_386 = tpu.memref_slice %arg19[%add3A_384, %dma_start3A_385] : memref<512x50xf32, #tpu.memory_space<vmem>> -> memref<1x50xf32, #tpu.memory_space<vmem>>
      %dma_start3A_387 = arith.constant 0 : i32
      %dma_start3A_388 = tpu.memref_slice %arg7[%squeeze3A_380, %dma_start3A_387] : memref<1000000x50xf32, #tpu.memory_space<hbm>> -> memref<1x50xf32, #tpu.memory_space<hbm>>
      %dma_start3A_389 = arith.constant 0 : i32
      %dma_start3A_390 = tpu.memref_slice %arg19[%add3A_384, %dma_start3A_389] : memref<512x50xf32, #tpu.memory_space<vmem>> -> memref<1x50xf32, #tpu.memory_space<vmem>>
      %dma_start3A_391 = arith.constant 0 : i32
      %dma_start3A_392 = tpu.memref_slice %arg7[%squeeze3A_380, %dma_start3A_391] : memref<1000000x50xf32, #tpu.memory_space<hbm>> -> memref<1x50xf32, #tpu.memory_space<hbm>>
      tpu.enqueue_dma source(%dma_start3A_392 : memref<1x50xf32, #tpu.memory_space<hbm>>) target(%dma_start3A_390 : memref<1x50xf32, #tpu.memory_space<vmem>>) target_semaphore(%arg22 : memref<!tpu.dma_semaphore, #tpu.memory_space<semaphore_mem>>)
      %scan3A_393 = arith.constant 0 : i32
      scf.yield %scan3A_393 : i32
    }
    %scan3A_8 = arith.constant 32 : i32
    %scan3A_9 = arith.constant 0 : i32
    %scan3A_10 = arith.constant 0 : i32
    %scan3A_11 = arith.constant 512 : i32
    %scan3A_12 = arith.addi %scan3A_10, %scan3A_11 : i32
    %scan3A_13 = arith.constant 1 : i32
    %scan3A_14 = scf.for %scan3A_166 = %scan3A_10 to %scan3A_12 step %scan3A_13 iter_args(%scan3A_167 = %scan3A_9) -> (i32)  : i32 {
      %dma_wait3A_168 = arith.constant 0 : i32
      %dma_wait3A_169 = arith.constant 0 : i32
      %dma_wait3A_170 = tpu.memref_slice %arg19[%dma_wait3A_168, %dma_wait3A_169] : memref<512x50xf32, #tpu.memory_space<vmem>> -> memref<1x50xf32, #tpu.memory_space<vmem>>
      %dma_wait3A_171 = arith.constant 0 : i32
      %dma_wait3A_172 = arith.constant 0 : i32
      %dma_wait3A_173 = tpu.memref_slice %arg7[%dma_wait3A_171, %dma_wait3A_172] : memref<1000000x50xf32, #tpu.memory_space<hbm>> -> memref<1x50xf32, #tpu.memory_space<hbm>>
      %dma_wait3A_174 = arith.constant 0 : i32
      %dma_wait3A_175 = arith.constant 0 : i32
      %dma_wait3A_176 = tpu.memref_slice %arg19[%dma_wait3A_174, %dma_wait3A_175] : memref<512x50xf32, #tpu.memory_space<vmem>> -> memref<1x50xf32, #tpu.memory_space<vmem>>
      %dma_wait3A_177 = arith.constant 0 : i32
      %dma_wait3A_178 = arith.constant 0 : i32
      %dma_wait3A_179 = tpu.memref_slice %arg7[%dma_wait3A_177, %dma_wait3A_178] : memref<1000000x50xf32, #tpu.memory_space<hbm>> -> memref<1x50xf32, #tpu.memory_space<hbm>>
      tpu.wait_dma2 semaphore(%arg22 : memref<!tpu.dma_semaphore, #tpu.memory_space<semaphore_mem>>) src(%dma_wait3A_179 : memref<1x50xf32, #tpu.memory_space<hbm>>) dst(%dma_wait3A_176 : memref<1x50xf32, #tpu.memory_space<vmem>>)
      %scan3A_180 = arith.constant 0 : i32
      scf.yield %scan3A_180 : i32
    }
    %scan3A_15 = arith.constant 512 : i32
    "tpu.region"() ({
      %run_scoped3A = tpu.sem_alloc : memref<!tpu.dma_semaphore, #tpu.memory_space<semaphore_mem>>
      %dma_start3A_166 = arith.constant 0 : i32
      %dma_start3A_167 = tpu.memref_slice %arg13[%mul3A_2, %dma_start3A_166] : memref<16384x50xf32, #tpu.memory_space<hbm>> -> memref<512x50xf32, #tpu.memory_space<hbm>>
      %dma_start3A_168 = arith.constant 0 : i32
      %dma_start3A_169 = tpu.memref_slice %arg13[%mul3A_2, %dma_start3A_168] : memref<16384x50xf32, #tpu.memory_space<hbm>> -> memref<512x50xf32, #tpu.memory_space<hbm>>
      tpu.enqueue_dma source(%arg19 : memref<512x50xf32, #tpu.memory_space<vmem>>) target(%dma_start3A_169 : memref<512x50xf32, #tpu.memory_space<hbm>>) target_semaphore(%run_scoped3A : memref<!tpu.dma_semaphore, #tpu.memory_space<semaphore_mem>>)
      %dma_wait3A_170 = arith.constant 0 : i32
      %dma_wait3A_171 = tpu.memref_slice %arg13[%mul3A_2, %dma_wait3A_170] : memref<16384x50xf32, #tpu.memory_space<hbm>> -> memref<512x50xf32, #tpu.memory_space<hbm>>
      %dma_wait3A_172 = arith.constant 0 : i32
      %dma_wait3A_173 = tpu.memref_slice %arg13[%mul3A_2, %dma_wait3A_172] : memref<16384x50xf32, #tpu.memory_space<hbm>> -> memref<512x50xf32, #tpu.memory_space<hbm>>
      tpu.wait_dma2 semaphore(%run_scoped3A : memref<!tpu.dma_semaphore, #tpu.memory_space<semaphore_mem>>) src(%arg19 : memref<512x50xf32, #tpu.memory_space<vmem>>) dst(%dma_wait3A_173 : memref<512x50xf32, #tpu.memory_space<hbm>>)
      tpu.yield
    }) : () -> ()
    "tpu.region"() ({
      %run_scoped3A = tpu.sem_alloc : memref<!tpu.dma_semaphore, #tpu.memory_space<semaphore_mem>>
      %dma_start3A_166 = tpu.memref_slice %arg3[%mul3A_2] : memref<16384xi32, #tpu.memory_space<hbm>> -> memref<512xi32, #tpu.memory_space<hbm>>
      %dma_start3A_167 = tpu.memref_slice %arg3[%mul3A_2] : memref<16384xi32, #tpu.memory_space<hbm>> -> memref<512xi32, #tpu.memory_space<hbm>>
      tpu.enqueue_dma source(%dma_start3A_167 : memref<512xi32, #tpu.memory_space<hbm>>) target(%arg20 : memref<512xi32, #tpu.memory_space<vmem>>) target_semaphore(%run_scoped3A : memref<!tpu.dma_semaphore, #tpu.memory_space<semaphore_mem>>)
      %dma_wait3A_168 = tpu.memref_slice %arg3[%mul3A_2] : memref<16384xi32, #tpu.memory_space<hbm>> -> memref<512xi32, #tpu.memory_space<hbm>>
      %dma_wait3A_169 = tpu.memref_slice %arg3[%mul3A_2] : memref<16384xi32, #tpu.memory_space<hbm>> -> memref<512xi32, #tpu.memory_space<hbm>>
      tpu.wait_dma2 semaphore(%run_scoped3A : memref<!tpu.dma_semaphore, #tpu.memory_space<semaphore_mem>>) src(%dma_wait3A_169 : memref<512xi32, #tpu.memory_space<hbm>>) dst(%arg20 : memref<512xi32, #tpu.memory_space<vmem>>)
      tpu.yield
    }) : () -> ()
    %scan3A_16 = arith.constant 0 : i32
    %scan3A_17 = arith.constant 0 : i32
    %scan3A_18 = arith.constant 32 : i32
    %scan3A_19 = arith.addi %scan3A_17, %scan3A_18 : i32
    %scan3A_20 = arith.constant 1 : i32
    %scan3A_21 = scf.for %scan3A_166 = %scan3A_17 to %scan3A_19 step %scan3A_20 iter_args(%scan3A_167 = %scan3A_16) -> (i32)  : i32 {
      %mul3A_168 = arith.constant 16 : i32
      %mul3A_169 = arith.muli %scan3A_166, %mul3A_168 : i32
      %get3A = arith.index_cast %mul3A_169 : i32 to index
      %get3A_170 = tpu.vector_load %arg20[%get3A] {strides = array<i32>} : memref<512xi32, #tpu.memory_space<vmem>>, vector<16xi32>,
      %slice3A = vector.extract_strided_slice %get3A_170 {offsets = [0], sizes = [1], strides = [1]} : vector<16xi32> to vector<1xi32>
      %squeeze3A = vector.extract %slice3A[0] : i32 from vector<1xi32>
      %mul3A_171 = arith.constant 16 : i32
      %mul3A_172 = arith.muli %scan3A_166, %mul3A_171 : i32
      %add3A_173 = arith.constant 0 : i32
      %add3A_174 = arith.addi %mul3A_172, %add3A_173 : i32
      %dma_start3A_175 = arith.constant 0 : i32
      %dma_start3A_176 = tpu.memref_slice %arg19[%add3A_174, %dma_start3A_175] : memref<512x50xf32, #tpu.memory_space<vmem>> -> memref<1x50xf32, #tpu.memory_space<vmem>>
      %dma_start3A_177 = arith.constant 0 : i32
      %dma_start3A_178 = tpu.memref_slice %arg8[%squeeze3A, %dma_start3A_177] : memref<100000x50xf32, #tpu.memory_space<hbm>> -> memref<1x50xf32, #tpu.memory_space<hbm>>
      %dma_start3A_179 = arith.constant 0 : i32
      %dma_start3A_180 = tpu.memref_slice %arg19[%add3A_174, %dma_start3A_179] : memref<512x50xf32, #tpu.memory_space<vmem>> -> memref<1x50xf32, #tpu.memory_space<vmem>>
      %dma_start3A_181 = arith.constant 0 : i32
      %dma_start3A_182 = tpu.memref_slice %arg8[%squeeze3A, %dma_start3A_181] : memref<100000x50xf32, #tpu.memory_space<hbm>> -> memref<1x50xf32, #tpu.memory_space<hbm>>
      tpu.enqueue_dma source(%dma_start3A_182 : memref<1x50xf32, #tpu.memory_space<hbm>>) target(%dma_start3A_180 : memref<1x50xf32, #tpu.memory_space<vmem>>) target_semaphore(%arg22 : memref<!tpu.dma_semaphore, #tpu.memory_space<semaphore_mem>>)
      %slice3A_183 = vector.extract_strided_slice %get3A_170 {offsets = [1], sizes = [1], strides = [1]} : vector<16xi32> to vector<1xi32>
      %squeeze3A_184 = vector.extract %slice3A_183[0] : i32 from vector<1xi32>
      %mul3A_185 = arith.constant 16 : i32
      %mul3A_186 = arith.muli %scan3A_166, %mul3A_185 : i32
      %add3A_187 = arith.constant 1 : i32
      %add3A_188 = arith.addi %mul3A_186, %add3A_187 : i32
      %dma_start3A_189 = arith.constant 0 : i32
      %dma_start3A_190 = tpu.memref_slice %arg19[%add3A_188, %dma_start3A_189] : memref<512x50xf32, #tpu.memory_space<vmem>> -> memref<1x50xf32, #tpu.memory_space<vmem>>
      %dma_start3A_191 = arith.constant 0 : i32
      %dma_start3A_192 = tpu.memref_slice %arg8[%squeeze3A_184, %dma_start3A_191] : memref<100000x50xf32, #tpu.memory_space<hbm>> -> memref<1x50xf32, #tpu.memory_space<hbm>>
      %dma_start3A_193 = arith.constant 0 : i32
      %dma_start3A_194 = tpu.memref_slice %arg19[%add3A_188, %dma_start3A_193] : memref<512x50xf32, #tpu.memory_space<vmem>> -> memref<1x50xf32, #tpu.memory_space<vmem>>
      %dma_start3A_195 = arith.constant 0 : i32
      %dma_start3A_196 = tpu.memref_slice %arg8[%squeeze3A_184, %dma_start3A_195] : memref<100000x50xf32, #tpu.memory_space<hbm>> -> memref<1x50xf32, #tpu.memory_space<hbm>>
      tpu.enqueue_dma source(%dma_start3A_196 : memref<1x50xf32, #tpu.memory_space<hbm>>) target(%dma_start3A_194 : memref<1x50xf32, #tpu.memory_space<vmem>>) target_semaphore(%arg22 : memref<!tpu.dma_semaphore, #tpu.memory_space<semaphore_mem>>)
      %slice3A_197 = vector.extract_strided_slice %get3A_170 {offsets = [2], sizes = [1], strides = [1]} : vector<16xi32> to vector<1xi32>
      %squeeze3A_198 = vector.extract %slice3A_197[0] : i32 from vector<1xi32>
      %mul3A_199 = arith.constant 16 : i32
      %mul3A_200 = arith.muli %scan3A_166, %mul3A_199 : i32
      %add3A_201 = arith.constant 2 : i32
      %add3A_202 = arith.addi %mul3A_200, %add3A_201 : i32
      %dma_start3A_203 = arith.constant 0 : i32
      %dma_start3A_204 = tpu.memref_slice %arg19[%add3A_202, %dma_start3A_203] : memref<512x50xf32, #tpu.memory_space<vmem>> -> memref<1x50xf32, #tpu.memory_space<vmem>>
      %dma_start3A_205 = arith.constant 0 : i32
      %dma_start3A_206 = tpu.memref_slice %arg8[%squeeze3A_198, %dma_start3A_205] : memref<100000x50xf32, #tpu.memory_space<hbm>> -> memref<1x50xf32, #tpu.memory_space<hbm>>
      %dma_start3A_207 = arith.constant 0 : i32
      %dma_start3A_208 = tpu.memref_slice %arg19[%add3A_202, %dma_start3A_207] : memref<512x50xf32, #tpu.memory_space<vmem>> -> memref<1x50xf32, #tpu.memory_space<vmem>>
      %dma_start3A_209 = arith.constant 0 : i32
      %dma_start3A_210 = tpu.memref_slice %arg8[%squeeze3A_198, %dma_start3A_209] : memref<100000x50xf32, #tpu.memory_space<hbm>> -> memref<1x50xf32, #tpu.memory_space<hbm>>
      tpu.enqueue_dma source(%dma_start3A_210 : memref<1x50xf32, #tpu.memory_space<hbm>>) target(%dma_start3A_208 : memref<1x50xf32, #tpu.memory_space<vmem>>) target_semaphore(%arg22 : memref<!tpu.dma_semaphore, #tpu.memory_space<semaphore_mem>>)
      %slice3A_211 = vector.extract_strided_slice %get3A_170 {offsets = [3], sizes = [1], strides = [1]} : vector<16xi32> to vector<1xi32>
      %squeeze3A_212 = vector.extract %slice3A_211[0] : i32 from vector<1xi32>
      %mul3A_213 = arith.constant 16 : i32
      %mul3A_214 = arith.muli %scan3A_166, %mul3A_213 : i32
      %add3A_215 = arith.constant 3 : i32
      %add3A_216 = arith.addi %mul3A_214, %add3A_215 : i32
      %dma_start3A_217 = arith.constant 0 : i32
      %dma_start3A_218 = tpu.memref_slice %arg19[%add3A_216, %dma_start3A_217] : memref<512x50xf32, #tpu.memory_space<vmem>> -> memref<1x50xf32, #tpu.memory_space<vmem>>
      %dma_start3A_219 = arith.constant 0 : i32
      %dma_start3A_220 = tpu.memref_slice %arg8[%squeeze3A_212, %dma_start3A_219] : memref<100000x50xf32, #tpu.memory_space<hbm>> -> memref<1x50xf32, #tpu.memory_space<hbm>>
      %dma_start3A_221 = arith.constant 0 : i32
      %dma_start3A_222 = tpu.memref_slice %arg19[%add3A_216, %dma_start3A_221] : memref<512x50xf32, #tpu.memory_space<vmem>> -> memref<1x50xf32, #tpu.memory_space<vmem>>
      %dma_start3A_223 = arith.constant 0 : i32
      %dma_start3A_224 = tpu.memref_slice %arg8[%squeeze3A_212, %dma_start3A_223] : memref<100000x50xf32, #tpu.memory_space<hbm>> -> memref<1x50xf32, #tpu.memory_space<hbm>>
      tpu.enqueue_dma source(%dma_start3A_224 : memref<1x50xf32, #tpu.memory_space<hbm>>) target(%dma_start3A_222 : memref<1x50xf32, #tpu.memory_space<vmem>>) target_semaphore(%arg22 : memref<!tpu.dma_semaphore, #tpu.memory_space<semaphore_mem>>)
      %slice3A_225 = vector.extract_strided_slice %get3A_170 {offsets = [4], sizes = [1], strides = [1]} : vector<16xi32> to vector<1xi32>
      %squeeze3A_226 = vector.extract %slice3A_225[0] : i32 from vector<1xi32>
      %mul3A_227 = arith.constant 16 : i32
      %mul3A_228 = arith.muli %scan3A_166, %mul3A_227 : i32
      %add3A_229 = arith.constant 4 : i32
      %add3A_230 = arith.addi %mul3A_228, %add3A_229 : i32
      %dma_start3A_231 = arith.constant 0 : i32
      %dma_start3A_232 = tpu.memref_slice %arg19[%add3A_230, %dma_start3A_231] : memref<512x50xf32, #tpu.memory_space<vmem>> -> memref<1x50xf32, #tpu.memory_space<vmem>>
      %dma_start3A_233 = arith.constant 0 : i32
      %dma_start3A_234 = tpu.memref_slice %arg8[%squeeze3A_226, %dma_start3A_233] : memref<100000x50xf32, #tpu.memory_space<hbm>> -> memref<1x50xf32, #tpu.memory_space<hbm>>
      %dma_start3A_235 = arith.constant 0 : i32
      %dma_start3A_236 = tpu.memref_slice %arg19[%add3A_230, %dma_start3A_235] : memref<512x50xf32, #tpu.memory_space<vmem>> -> memref<1x50xf32, #tpu.memory_space<vmem>>
      %dma_start3A_237 = arith.constant 0 : i32
      %dma_start3A_238 = tpu.memref_slice %arg8[%squeeze3A_226, %dma_start3A_237] : memref<100000x50xf32, #tpu.memory_space<hbm>> -> memref<1x50xf32, #tpu.memory_space<hbm>>
      tpu.enqueue_dma source(%dma_start3A_238 : memref<1x50xf32, #tpu.memory_space<hbm>>) target(%dma_start3A_236 : memref<1x50xf32, #tpu.memory_space<vmem>>) target_semaphore(%arg22 : memref<!tpu.dma_semaphore, #tpu.memory_space<semaphore_mem>>)
      %slice3A_239 = vector.extract_strided_slice %get3A_170 {offsets = [5], sizes = [1], strides = [1]} : vector<16xi32> to vector<1xi32>
      %squeeze3A_240 = vector.extract %slice3A_239[0] : i32 from vector<1xi32>
      %mul3A_241 = arith.constant 16 : i32
      %mul3A_242 = arith.muli %scan3A_166, %mul3A_241 : i32
      %add3A_243 = arith.constant 5 : i32
      %add3A_244 = arith.addi %mul3A_242, %add3A_243 : i32
      %dma_start3A_245 = arith.constant 0 : i32
      %dma_start3A_246 = tpu.memref_slice %arg19[%add3A_244, %dma_start3A_245] : memref<512x50xf32, #tpu.memory_space<vmem>> -> memref<1x50xf32, #tpu.memory_space<vmem>>
      %dma_start3A_247 = arith.constant 0 : i32
      %dma_start3A_248 = tpu.memref_slice %arg8[%squeeze3A_240, %dma_start3A_247] : memref<100000x50xf32, #tpu.memory_space<hbm>> -> memref<1x50xf32, #tpu.memory_space<hbm>>
      %dma_start3A_249 = arith.constant 0 : i32
      %dma_start3A_250 = tpu.memref_slice %arg19[%add3A_244, %dma_start3A_249] : memref<512x50xf32, #tpu.memory_space<vmem>> -> memref<1x50xf32, #tpu.memory_space<vmem>>
      %dma_start3A_251 = arith.constant 0 : i32
      %dma_start3A_252 = tpu.memref_slice %arg8[%squeeze3A_240, %dma_start3A_251] : memref<100000x50xf32, #tpu.memory_space<hbm>> -> memref<1x50xf32, #tpu.memory_space<hbm>>
      tpu.enqueue_dma source(%dma_start3A_252 : memref<1x50xf32, #tpu.memory_space<hbm>>) target(%dma_start3A_250 : memref<1x50xf32, #tpu.memory_space<vmem>>) target_semaphore(%arg22 : memref<!tpu.dma_semaphore, #tpu.memory_space<semaphore_mem>>)
      %slice3A_253 = vector.extract_strided_slice %get3A_170 {offsets = [6], sizes = [1], strides = [1]} : vector<16xi32> to vector<1xi32>
      %squeeze3A_254 = vector.extract %slice3A_253[0] : i32 from vector<1xi32>
      %mul3A_255 = arith.constant 16 : i32
      %mul3A_256 = arith.muli %scan3A_166, %mul3A_255 : i32
      %add3A_257 = arith.constant 6 : i32
      %add3A_258 = arith.addi %mul3A_256, %add3A_257 : i32
      %dma_start3A_259 = arith.constant 0 : i32
      %dma_start3A_260 = tpu.memref_slice %arg19[%add3A_258, %dma_start3A_259] : memref<512x50xf32, #tpu.memory_space<vmem>> -> memref<1x50xf32, #tpu.memory_space<vmem>>
      %dma_start3A_261 = arith.constant 0 : i32
      %dma_start3A_262 = tpu.memref_slice %arg8[%squeeze3A_254, %dma_start3A_261] : memref<100000x50xf32, #tpu.memory_space<hbm>> -> memref<1x50xf32, #tpu.memory_space<hbm>>
      %dma_start3A_263 = arith.constant 0 : i32
      %dma_start3A_264 = tpu.memref_slice %arg19[%add3A_258, %dma_start3A_263] : memref<512x50xf32, #tpu.memory_space<vmem>> -> memref<1x50xf32, #tpu.memory_space<vmem>>
      %dma_start3A_265 = arith.constant 0 : i32
      %dma_start3A_266 = tpu.memref_slice %arg8[%squeeze3A_254, %dma_start3A_265] : memref<100000x50xf32, #tpu.memory_space<hbm>> -> memref<1x50xf32, #tpu.memory_space<hbm>>
      tpu.enqueue_dma source(%dma_start3A_266 : memref<1x50xf32, #tpu.memory_space<hbm>>) target(%dma_start3A_264 : memref<1x50xf32, #tpu.memory_space<vmem>>) target_semaphore(%arg22 : memref<!tpu.dma_semaphore, #tpu.memory_space<semaphore_mem>>)
      %slice3A_267 = vector.extract_strided_slice %get3A_170 {offsets = [7], sizes = [1], strides = [1]} : vector<16xi32> to vector<1xi32>
      %squeeze3A_268 = vector.extract %slice3A_267[0] : i32 from vector<1xi32>
      %mul3A_269 = arith.constant 16 : i32
      %mul3A_270 = arith.muli %scan3A_166, %mul3A_269 : i32
      %add3A_271 = arith.constant 7 : i32
      %add3A_272 = arith.addi %mul3A_270, %add3A_271 : i32
      %dma_start3A_273 = arith.constant 0 : i32
      %dma_start3A_274 = tpu.memref_slice %arg19[%add3A_272, %dma_start3A_273] : memref<512x50xf32, #tpu.memory_space<vmem>> -> memref<1x50xf32, #tpu.memory_space<vmem>>
      %dma_start3A_275 = arith.constant 0 : i32
      %dma_start3A_276 = tpu.memref_slice %arg8[%squeeze3A_268, %dma_start3A_275] : memref<100000x50xf32, #tpu.memory_space<hbm>> -> memref<1x50xf32, #tpu.memory_space<hbm>>
      %dma_start3A_277 = arith.constant 0 : i32
      %dma_start3A_278 = tpu.memref_slice %arg19[%add3A_272, %dma_start3A_277] : memref<512x50xf32, #tpu.memory_space<vmem>> -> memref<1x50xf32, #tpu.memory_space<vmem>>
      %dma_start3A_279 = arith.constant 0 : i32
      %dma_start3A_280 = tpu.memref_slice %arg8[%squeeze3A_268, %dma_start3A_279] : memref<100000x50xf32, #tpu.memory_space<hbm>> -> memref<1x50xf32, #tpu.memory_space<hbm>>
      tpu.enqueue_dma source(%dma_start3A_280 : memref<1x50xf32, #tpu.memory_space<hbm>>) target(%dma_start3A_278 : memref<1x50xf32, #tpu.memory_space<vmem>>) target_semaphore(%arg22 : memref<!tpu.dma_semaphore, #tpu.memory_space<semaphore_mem>>)
      %slice3A_281 = vector.extract_strided_slice %get3A_170 {offsets = [8], sizes = [1], strides = [1]} : vector<16xi32> to vector<1xi32>
      %squeeze3A_282 = vector.extract %slice3A_281[0] : i32 from vector<1xi32>
      %mul3A_283 = arith.constant 16 : i32
      %mul3A_284 = arith.muli %scan3A_166, %mul3A_283 : i32
      %add3A_285 = arith.constant 8 : i32
      %add3A_286 = arith.addi %mul3A_284, %add3A_285 : i32
      %dma_start3A_287 = arith.constant 0 : i32
      %dma_start3A_288 = tpu.memref_slice %arg19[%add3A_286, %dma_start3A_287] : memref<512x50xf32, #tpu.memory_space<vmem>> -> memref<1x50xf32, #tpu.memory_space<vmem>>
      %dma_start3A_289 = arith.constant 0 : i32
      %dma_start3A_290 = tpu.memref_slice %arg8[%squeeze3A_282, %dma_start3A_289] : memref<100000x50xf32, #tpu.memory_space<hbm>> -> memref<1x50xf32, #tpu.memory_space<hbm>>
      %dma_start3A_291 = arith.constant 0 : i32
      %dma_start3A_292 = tpu.memref_slice %arg19[%add3A_286, %dma_start3A_291] : memref<512x50xf32, #tpu.memory_space<vmem>> -> memref<1x50xf32, #tpu.memory_space<vmem>>
      %dma_start3A_293 = arith.constant 0 : i32
      %dma_start3A_294 = tpu.memref_slice %arg8[%squeeze3A_282, %dma_start3A_293] : memref<100000x50xf32, #tpu.memory_space<hbm>> -> memref<1x50xf32, #tpu.memory_space<hbm>>
      tpu.enqueue_dma source(%dma_start3A_294 : memref<1x50xf32, #tpu.memory_space<hbm>>) target(%dma_start3A_292 : memref<1x50xf32, #tpu.memory_space<vmem>>) target_semaphore(%arg22 : memref<!tpu.dma_semaphore, #tpu.memory_space<semaphore_mem>>)
      %slice3A_295 = vector.extract_strided_slice %get3A_170 {offsets = [9], sizes = [1], strides = [1]} : vector<16xi32> to vector<1xi32>
      %squeeze3A_296 = vector.extract %slice3A_295[0] : i32 from vector<1xi32>
      %mul3A_297 = arith.constant 16 : i32
      %mul3A_298 = arith.muli %scan3A_166, %mul3A_297 : i32
      %add3A_299 = arith.constant 9 : i32
      %add3A_300 = arith.addi %mul3A_298, %add3A_299 : i32
      %dma_start3A_301 = arith.constant 0 : i32
      %dma_start3A_302 = tpu.memref_slice %arg19[%add3A_300, %dma_start3A_301] : memref<512x50xf32, #tpu.memory_space<vmem>> -> memref<1x50xf32, #tpu.memory_space<vmem>>
      %dma_start3A_303 = arith.constant 0 : i32
      %dma_start3A_304 = tpu.memref_slice %arg8[%squeeze3A_296, %dma_start3A_303] : memref<100000x50xf32, #tpu.memory_space<hbm>> -> memref<1x50xf32, #tpu.memory_space<hbm>>
      %dma_start3A_305 = arith.constant 0 : i32
      %dma_start3A_306 = tpu.memref_slice %arg19[%add3A_300, %dma_start3A_305] : memref<512x50xf32, #tpu.memory_space<vmem>> -> memref<1x50xf32, #tpu.memory_space<vmem>>
      %dma_start3A_307 = arith.constant 0 : i32
      %dma_start3A_308 = tpu.memref_slice %arg8[%squeeze3A_296, %dma_start3A_307] : memref<100000x50xf32, #tpu.memory_space<hbm>> -> memref<1x50xf32, #tpu.memory_space<hbm>>
      tpu.enqueue_dma source(%dma_start3A_308 : memref<1x50xf32, #tpu.memory_space<hbm>>) target(%dma_start3A_306 : memref<1x50xf32, #tpu.memory_space<vmem>>) target_semaphore(%arg22 : memref<!tpu.dma_semaphore, #tpu.memory_space<semaphore_mem>>)
      %slice3A_309 = vector.extract_strided_slice %get3A_170 {offsets = [10], sizes = [1], strides = [1]} : vector<16xi32> to vector<1xi32>
      %squeeze3A_310 = vector.extract %slice3A_309[0] : i32 from vector<1xi32>
      %mul3A_311 = arith.constant 16 : i32
      %mul3A_312 = arith.muli %scan3A_166, %mul3A_311 : i32
      %add3A_313 = arith.constant 10 : i32
      %add3A_314 = arith.addi %mul3A_312, %add3A_313 : i32
      %dma_start3A_315 = arith.constant 0 : i32
      %dma_start3A_316 = tpu.memref_slice %arg19[%add3A_314, %dma_start3A_315] : memref<512x50xf32, #tpu.memory_space<vmem>> -> memref<1x50xf32, #tpu.memory_space<vmem>>
      %dma_start3A_317 = arith.constant 0 : i32
      %dma_start3A_318 = tpu.memref_slice %arg8[%squeeze3A_310, %dma_start3A_317] : memref<100000x50xf32, #tpu.memory_space<hbm>> -> memref<1x50xf32, #tpu.memory_space<hbm>>
      %dma_start3A_319 = arith.constant 0 : i32
      %dma_start3A_320 = tpu.memref_slice %arg19[%add3A_314, %dma_start3A_319] : memref<512x50xf32, #tpu.memory_space<vmem>> -> memref<1x50xf32, #tpu.memory_space<vmem>>
      %dma_start3A_321 = arith.constant 0 : i32
      %dma_start3A_322 = tpu.memref_slice %arg8[%squeeze3A_310, %dma_start3A_321] : memref<100000x50xf32, #tpu.memory_space<hbm>> -> memref<1x50xf32, #tpu.memory_space<hbm>>
      tpu.enqueue_dma source(%dma_start3A_322 : memref<1x50xf32, #tpu.memory_space<hbm>>) target(%dma_start3A_320 : memref<1x50xf32, #tpu.memory_space<vmem>>) target_semaphore(%arg22 : memref<!tpu.dma_semaphore, #tpu.memory_space<semaphore_mem>>)
      %slice3A_323 = vector.extract_strided_slice %get3A_170 {offsets = [11], sizes = [1], strides = [1]} : vector<16xi32> to vector<1xi32>
      %squeeze3A_324 = vector.extract %slice3A_323[0] : i32 from vector<1xi32>
      %mul3A_325 = arith.constant 16 : i32
      %mul3A_326 = arith.muli %scan3A_166, %mul3A_325 : i32
      %add3A_327 = arith.constant 11 : i32
      %add3A_328 = arith.addi %mul3A_326, %add3A_327 : i32
      %dma_start3A_329 = arith.constant 0 : i32
      %dma_start3A_330 = tpu.memref_slice %arg19[%add3A_328, %dma_start3A_329] : memref<512x50xf32, #tpu.memory_space<vmem>> -> memref<1x50xf32, #tpu.memory_space<vmem>>
      %dma_start3A_331 = arith.constant 0 : i32
      %dma_start3A_332 = tpu.memref_slice %arg8[%squeeze3A_324, %dma_start3A_331] : memref<100000x50xf32, #tpu.memory_space<hbm>> -> memref<1x50xf32, #tpu.memory_space<hbm>>
      %dma_start3A_333 = arith.constant 0 : i32
      %dma_start3A_334 = tpu.memref_slice %arg19[%add3A_328, %dma_start3A_333] : memref<512x50xf32, #tpu.memory_space<vmem>> -> memref<1x50xf32, #tpu.memory_space<vmem>>
      %dma_start3A_335 = arith.constant 0 : i32
      %dma_start3A_336 = tpu.memref_slice %arg8[%squeeze3A_324, %dma_start3A_335] : memref<100000x50xf32, #tpu.memory_space<hbm>> -> memref<1x50xf32, #tpu.memory_space<hbm>>
      tpu.enqueue_dma source(%dma_start3A_336 : memref<1x50xf32, #tpu.memory_space<hbm>>) target(%dma_start3A_334 : memref<1x50xf32, #tpu.memory_space<vmem>>) target_semaphore(%arg22 : memref<!tpu.dma_semaphore, #tpu.memory_space<semaphore_mem>>)
      %slice3A_337 = vector.extract_strided_slice %get3A_170 {offsets = [12], sizes = [1], strides = [1]} : vector<16xi32> to vector<1xi32>
      %squeeze3A_338 = vector.extract %slice3A_337[0] : i32 from vector<1xi32>
      %mul3A_339 = arith.constant 16 : i32
      %mul3A_340 = arith.muli %scan3A_166, %mul3A_339 : i32
      %add3A_341 = arith.constant 12 : i32
      %add3A_342 = arith.addi %mul3A_340, %add3A_341 : i32
      %dma_start3A_343 = arith.constant 0 : i32
      %dma_start3A_344 = tpu.memref_slice %arg19[%add3A_342, %dma_start3A_343] : memref<512x50xf32, #tpu.memory_space<vmem>> -> memref<1x50xf32, #tpu.memory_space<vmem>>
      %dma_start3A_345 = arith.constant 0 : i32
      %dma_start3A_346 = tpu.memref_slice %arg8[%squeeze3A_338, %dma_start3A_345] : memref<100000x50xf32, #tpu.memory_space<hbm>> -> memref<1x50xf32, #tpu.memory_space<hbm>>
      %dma_start3A_347 = arith.constant 0 : i32
      %dma_start3A_348 = tpu.memref_slice %arg19[%add3A_342, %dma_start3A_347] : memref<512x50xf32, #tpu.memory_space<vmem>> -> memref<1x50xf32, #tpu.memory_space<vmem>>
      %dma_start3A_349 = arith.constant 0 : i32
      %dma_start3A_350 = tpu.memref_slice %arg8[%squeeze3A_338, %dma_start3A_349] : memref<100000x50xf32, #tpu.memory_space<hbm>> -> memref<1x50xf32, #tpu.memory_space<hbm>>
      tpu.enqueue_dma source(%dma_start3A_350 : memref<1x50xf32, #tpu.memory_space<hbm>>) target(%dma_start3A_348 : memref<1x50xf32, #tpu.memory_space<vmem>>) target_semaphore(%arg22 : memref<!tpu.dma_semaphore, #tpu.memory_space<semaphore_mem>>)
      %slice3A_351 = vector.extract_strided_slice %get3A_170 {offsets = [13], sizes = [1], strides = [1]} : vector<16xi32> to vector<1xi32>
      %squeeze3A_352 = vector.extract %slice3A_351[0] : i32 from vector<1xi32>
      %mul3A_353 = arith.constant 16 : i32
      %mul3A_354 = arith.muli %scan3A_166, %mul3A_353 : i32
      %add3A_355 = arith.constant 13 : i32
      %add3A_356 = arith.addi %mul3A_354, %add3A_355 : i32
      %dma_start3A_357 = arith.constant 0 : i32
      %dma_start3A_358 = tpu.memref_slice %arg19[%add3A_356, %dma_start3A_357] : memref<512x50xf32, #tpu.memory_space<vmem>> -> memref<1x50xf32, #tpu.memory_space<vmem>>
      %dma_start3A_359 = arith.constant 0 : i32
      %dma_start3A_360 = tpu.memref_slice %arg8[%squeeze3A_352, %dma_start3A_359] : memref<100000x50xf32, #tpu.memory_space<hbm>> -> memref<1x50xf32, #tpu.memory_space<hbm>>
      %dma_start3A_361 = arith.constant 0 : i32
      %dma_start3A_362 = tpu.memref_slice %arg19[%add3A_356, %dma_start3A_361] : memref<512x50xf32, #tpu.memory_space<vmem>> -> memref<1x50xf32, #tpu.memory_space<vmem>>
      %dma_start3A_363 = arith.constant 0 : i32
      %dma_start3A_364 = tpu.memref_slice %arg8[%squeeze3A_352, %dma_start3A_363] : memref<100000x50xf32, #tpu.memory_space<hbm>> -> memref<1x50xf32, #tpu.memory_space<hbm>>
      tpu.enqueue_dma source(%dma_start3A_364 : memref<1x50xf32, #tpu.memory_space<hbm>>) target(%dma_start3A_362 : memref<1x50xf32, #tpu.memory_space<vmem>>) target_semaphore(%arg22 : memref<!tpu.dma_semaphore, #tpu.memory_space<semaphore_mem>>)
      %slice3A_365 = vector.extract_strided_slice %get3A_170 {offsets = [14], sizes = [1], strides = [1]} : vector<16xi32> to vector<1xi32>
      %squeeze3A_366 = vector.extract %slice3A_365[0] : i32 from vector<1xi32>
      %mul3A_367 = arith.constant 16 : i32
      %mul3A_368 = arith.muli %scan3A_166, %mul3A_367 : i32
      %add3A_369 = arith.constant 14 : i32
      %add3A_370 = arith.addi %mul3A_368, %add3A_369 : i32
      %dma_start3A_371 = arith.constant 0 : i32
      %dma_start3A_372 = tpu.memref_slice %arg19[%add3A_370, %dma_start3A_371] : memref<512x50xf32, #tpu.memory_space<vmem>> -> memref<1x50xf32, #tpu.memory_space<vmem>>
      %dma_start3A_373 = arith.constant 0 : i32
      %dma_start3A_374 = tpu.memref_slice %arg8[%squeeze3A_366, %dma_start3A_373] : memref<100000x50xf32, #tpu.memory_space<hbm>> -> memref<1x50xf32, #tpu.memory_space<hbm>>
      %dma_start3A_375 = arith.constant 0 : i32
      %dma_start3A_376 = tpu.memref_slice %arg19[%add3A_370, %dma_start3A_375] : memref<512x50xf32, #tpu.memory_space<vmem>> -> memref<1x50xf32, #tpu.memory_space<vmem>>
      %dma_start3A_377 = arith.constant 0 : i32
      %dma_start3A_378 = tpu.memref_slice %arg8[%squeeze3A_366, %dma_start3A_377] : memref<100000x50xf32, #tpu.memory_space<hbm>> -> memref<1x50xf32, #tpu.memory_space<hbm>>
      tpu.enqueue_dma source(%dma_start3A_378 : memref<1x50xf32, #tpu.memory_space<hbm>>) target(%dma_start3A_376 : memref<1x50xf32, #tpu.memory_space<vmem>>) target_semaphore(%arg22 : memref<!tpu.dma_semaphore, #tpu.memory_space<semaphore_mem>>)
      %slice3A_379 = vector.extract_strided_slice %get3A_170 {offsets = [15], sizes = [1], strides = [1]} : vector<16xi32> to vector<1xi32>
      %squeeze3A_380 = vector.extract %slice3A_379[0] : i32 from vector<1xi32>
      %mul3A_381 = arith.constant 16 : i32
      %mul3A_382 = arith.muli %scan3A_166, %mul3A_381 : i32
      %add3A_383 = arith.constant 15 : i32
      %add3A_384 = arith.addi %mul3A_382, %add3A_383 : i32
      %dma_start3A_385 = arith.constant 0 : i32
      %dma_start3A_386 = tpu.memref_slice %arg19[%add3A_384, %dma_start3A_385] : memref<512x50xf32, #tpu.memory_space<vmem>> -> memref<1x50xf32, #tpu.memory_space<vmem>>
      %dma_start3A_387 = arith.constant 0 : i32
      %dma_start3A_388 = tpu.memref_slice %arg8[%squeeze3A_380, %dma_start3A_387] : memref<100000x50xf32, #tpu.memory_space<hbm>> -> memref<1x50xf32, #tpu.memory_space<hbm>>
      %dma_start3A_389 = arith.constant 0 : i32
      %dma_start3A_390 = tpu.memref_slice %arg19[%add3A_384, %dma_start3A_389] : memref<512x50xf32, #tpu.memory_space<vmem>> -> memref<1x50xf32, #tpu.memory_space<vmem>>
      %dma_start3A_391 = arith.constant 0 : i32
      %dma_start3A_392 = tpu.memref_slice %arg8[%squeeze3A_380, %dma_start3A_391] : memref<100000x50xf32, #tpu.memory_space<hbm>> -> memref<1x50xf32, #tpu.memory_space<hbm>>
      tpu.enqueue_dma source(%dma_start3A_392 : memref<1x50xf32, #tpu.memory_space<hbm>>) target(%dma_start3A_390 : memref<1x50xf32, #tpu.memory_space<vmem>>) target_semaphore(%arg22 : memref<!tpu.dma_semaphore, #tpu.memory_space<semaphore_mem>>)
      %scan3A_393 = arith.constant 0 : i32
      scf.yield %scan3A_393 : i32
    }
    %scan3A_22 = arith.constant 32 : i32
    %scan3A_23 = arith.constant 0 : i32
    %scan3A_24 = arith.constant 0 : i32
    %scan3A_25 = arith.constant 512 : i32
    %scan3A_26 = arith.addi %scan3A_24, %scan3A_25 : i32
    %scan3A_27 = arith.constant 1 : i32
    %scan3A_28 = scf.for %scan3A_166 = %scan3A_24 to %scan3A_26 step %scan3A_27 iter_args(%scan3A_167 = %scan3A_23) -> (i32)  : i32 {
      %dma_wait3A_168 = arith.constant 0 : i32
      %dma_wait3A_169 = arith.constant 0 : i32
      %dma_wait3A_170 = tpu.memref_slice %arg19[%dma_wait3A_168, %dma_wait3A_169] : memref<512x50xf32, #tpu.memory_space<vmem>> -> memref<1x50xf32, #tpu.memory_space<vmem>>
      %dma_wait3A_171 = arith.constant 0 : i32
      %dma_wait3A_172 = arith.constant 0 : i32
      %dma_wait3A_173 = tpu.memref_slice %arg8[%dma_wait3A_171, %dma_wait3A_172] : memref<100000x50xf32, #tpu.memory_space<hbm>> -> memref<1x50xf32, #tpu.memory_space<hbm>>
      %dma_wait3A_174 = arith.constant 0 : i32
      %dma_wait3A_175 = arith.constant 0 : i32
      %dma_wait3A_176 = tpu.memref_slice %arg19[%dma_wait3A_174, %dma_wait3A_175] : memref<512x50xf32, #tpu.memory_space<vmem>> -> memref<1x50xf32, #tpu.memory_space<vmem>>
      %dma_wait3A_177 = arith.constant 0 : i32
      %dma_wait3A_178 = arith.constant 0 : i32
      %dma_wait3A_179 = tpu.memref_slice %arg8[%dma_wait3A_177, %dma_wait3A_178] : memref<100000x50xf32, #tpu.memory_space<hbm>> -> memref<1x50xf32, #tpu.memory_space<hbm>>
      tpu.wait_dma2 semaphore(%arg22 : memref<!tpu.dma_semaphore, #tpu.memory_space<semaphore_mem>>) src(%dma_wait3A_179 : memref<1x50xf32, #tpu.memory_space<hbm>>) dst(%dma_wait3A_176 : memref<1x50xf32, #tpu.memory_space<vmem>>)
      %scan3A_180 = arith.constant 0 : i32
      scf.yield %scan3A_180 : i32
    }
    %scan3A_29 = arith.constant 512 : i32
    "tpu.region"() ({
      %run_scoped3A = tpu.sem_alloc : memref<!tpu.dma_semaphore, #tpu.memory_space<semaphore_mem>>
      %dma_start3A_166 = arith.constant 0 : i32
      %dma_start3A_167 = tpu.memref_slice %arg14[%mul3A_2, %dma_start3A_166] : memref<16384x50xf32, #tpu.memory_space<hbm>> -> memref<512x50xf32, #tpu.memory_space<hbm>>
      %dma_start3A_168 = arith.constant 0 : i32
      %dma_start3A_169 = tpu.memref_slice %arg14[%mul3A_2, %dma_start3A_168] : memref<16384x50xf32, #tpu.memory_space<hbm>> -> memref<512x50xf32, #tpu.memory_space<hbm>>
      tpu.enqueue_dma source(%arg19 : memref<512x50xf32, #tpu.memory_space<vmem>>) target(%dma_start3A_169 : memref<512x50xf32, #tpu.memory_space<hbm>>) target_semaphore(%run_scoped3A : memref<!tpu.dma_semaphore, #tpu.memory_space<semaphore_mem>>)
      %dma_wait3A_170 = arith.constant 0 : i32
      %dma_wait3A_171 = tpu.memref_slice %arg14[%mul3A_2, %dma_wait3A_170] : memref<16384x50xf32, #tpu.memory_space<hbm>> -> memref<512x50xf32, #tpu.memory_space<hbm>>
      %dma_wait3A_172 = arith.constant 0 : i32
      %dma_wait3A_173 = tpu.memref_slice %arg14[%mul3A_2, %dma_wait3A_172] : memref<16384x50xf32, #tpu.memory_space<hbm>> -> memref<512x50xf32, #tpu.memory_space<hbm>>
      tpu.wait_dma2 semaphore(%run_scoped3A : memref<!tpu.dma_semaphore, #tpu.memory_space<semaphore_mem>>) src(%arg19 : memref<512x50xf32, #tpu.memory_space<vmem>>) dst(%dma_wait3A_173 : memref<512x50xf32, #tpu.memory_space<hbm>>)
      tpu.yield
    }) : () -> ()
    "tpu.region"() ({
      %run_scoped3A = tpu.sem_alloc : memref<!tpu.dma_semaphore, #tpu.memory_space<semaphore_mem>>
      %dma_start3A_166 = tpu.memref_slice %arg4[%mul3A_2] : memref<16384xi32, #tpu.memory_space<hbm>> -> memref<512xi32, #tpu.memory_space<hbm>>
      %dma_start3A_167 = tpu.memref_slice %arg4[%mul3A_2] : memref<16384xi32, #tpu.memory_space<hbm>> -> memref<512xi32, #tpu.memory_space<hbm>>
      tpu.enqueue_dma source(%dma_start3A_167 : memref<512xi32, #tpu.memory_space<hbm>>) target(%arg20 : memref<512xi32, #tpu.memory_space<vmem>>) target_semaphore(%run_scoped3A : memref<!tpu.dma_semaphore, #tpu.memory_space<semaphore_mem>>)
      %dma_wait3A_168 = tpu.memref_slice %arg4[%mul3A_2] : memref<16384xi32, #tpu.memory_space<hbm>> -> memref<512xi32, #tpu.memory_space<hbm>>
      %dma_wait3A_169 = tpu.memref_slice %arg4[%mul3A_2] : memref<16384xi32, #tpu.memory_space<hbm>> -> memref<512xi32, #tpu.memory_space<hbm>>
      tpu.wait_dma2 semaphore(%run_scoped3A : memref<!tpu.dma_semaphore, #tpu.memory_space<semaphore_mem>>) src(%dma_wait3A_169 : memref<512xi32, #tpu.memory_space<hbm>>) dst(%arg20 : memref<512xi32, #tpu.memory_space<vmem>>)
      tpu.yield
    }) : () -> ()
    %scan3A_30 = arith.constant 0 : i32
    %scan3A_31 = arith.constant 0 : i32
    %scan3A_32 = arith.constant 32 : i32
    %scan3A_33 = arith.addi %scan3A_31, %scan3A_32 : i32
    %scan3A_34 = arith.constant 1 : i32
    %scan3A_35 = scf.for %scan3A_166 = %scan3A_31 to %scan3A_33 step %scan3A_34 iter_args(%scan3A_167 = %scan3A_30) -> (i32)  : i32 {
      %mul3A_168 = arith.constant 16 : i32
      %mul3A_169 = arith.muli %scan3A_166, %mul3A_168 : i32
      %get3A = arith.index_cast %mul3A_169 : i32 to index
      %get3A_170 = tpu.vector_load %arg20[%get3A] {strides = array<i32>} : memref<512xi32, #tpu.memory_space<vmem>>, vector<16xi32>,
      %slice3A = vector.extract_strided_slice %get3A_170 {offsets = [0], sizes = [1], strides = [1]} : vector<16xi32> to vector<1xi32>
      %squeeze3A = vector.extract %slice3A[0] : i32 from vector<1xi32>
      %mul3A_171 = arith.constant 16 : i32
      %mul3A_172 = arith.muli %scan3A_166, %mul3A_171 : i32
      %add3A_173 = arith.constant 0 : i32
      %add3A_174 = arith.addi %mul3A_172, %add3A_173 : i32
      %dma_start3A_175 = arith.constant 0 : i32
      %dma_start3A_176 = tpu.memref_slice %arg19[%add3A_174, %dma_start3A_175] : memref<512x50xf32, #tpu.memory_space<vmem>> -> memref<1x50xf32, #tpu.memory_space<vmem>>
      %dma_start3A_177 = arith.constant 0 : i32
      %dma_start3A_178 = tpu.memref_slice %arg9[%squeeze3A, %dma_start3A_177] : memref<1000x50xf32, #tpu.memory_space<hbm>> -> memref<1x50xf32, #tpu.memory_space<hbm>>
      %dma_start3A_179 = arith.constant 0 : i32
      %dma_start3A_180 = tpu.memref_slice %arg19[%add3A_174, %dma_start3A_179] : memref<512x50xf32, #tpu.memory_space<vmem>> -> memref<1x50xf32, #tpu.memory_space<vmem>>
      %dma_start3A_181 = arith.constant 0 : i32
      %dma_start3A_182 = tpu.memref_slice %arg9[%squeeze3A, %dma_start3A_181] : memref<1000x50xf32, #tpu.memory_space<hbm>> -> memref<1x50xf32, #tpu.memory_space<hbm>>
      tpu.enqueue_dma source(%dma_start3A_182 : memref<1x50xf32, #tpu.memory_space<hbm>>) target(%dma_start3A_180 : memref<1x50xf32, #tpu.memory_space<vmem>>) target_semaphore(%arg22 : memref<!tpu.dma_semaphore, #tpu.memory_space<semaphore_mem>>)
      %slice3A_183 = vector.extract_strided_slice %get3A_170 {offsets = [1], sizes = [1], strides = [1]} : vector<16xi32> to vector<1xi32>
      %squeeze3A_184 = vector.extract %slice3A_183[0] : i32 from vector<1xi32>
      %mul3A_185 = arith.constant 16 : i32
      %mul3A_186 = arith.muli %scan3A_166, %mul3A_185 : i32
      %add3A_187 = arith.constant 1 : i32
      %add3A_188 = arith.addi %mul3A_186, %add3A_187 : i32
      %dma_start3A_189 = arith.constant 0 : i32
      %dma_start3A_190 = tpu.memref_slice %arg19[%add3A_188, %dma_start3A_189] : memref<512x50xf32, #tpu.memory_space<vmem>> -> memref<1x50xf32, #tpu.memory_space<vmem>>
      %dma_start3A_191 = arith.constant 0 : i32
      %dma_start3A_192 = tpu.memref_slice %arg9[%squeeze3A_184, %dma_start3A_191] : memref<1000x50xf32, #tpu.memory_space<hbm>> -> memref<1x50xf32, #tpu.memory_space<hbm>>
      %dma_start3A_193 = arith.constant 0 : i32
      %dma_start3A_194 = tpu.memref_slice %arg19[%add3A_188, %dma_start3A_193] : memref<512x50xf32, #tpu.memory_space<vmem>> -> memref<1x50xf32, #tpu.memory_space<vmem>>
      %dma_start3A_195 = arith.constant 0 : i32
      %dma_start3A_196 = tpu.memref_slice %arg9[%squeeze3A_184, %dma_start3A_195] : memref<1000x50xf32, #tpu.memory_space<hbm>> -> memref<1x50xf32, #tpu.memory_space<hbm>>
      tpu.enqueue_dma source(%dma_start3A_196 : memref<1x50xf32, #tpu.memory_space<hbm>>) target(%dma_start3A_194 : memref<1x50xf32, #tpu.memory_space<vmem>>) target_semaphore(%arg22 : memref<!tpu.dma_semaphore, #tpu.memory_space<semaphore_mem>>)
      %slice3A_197 = vector.extract_strided_slice %get3A_170 {offsets = [2], sizes = [1], strides = [1]} : vector<16xi32> to vector<1xi32>
      %squeeze3A_198 = vector.extract %slice3A_197[0] : i32 from vector<1xi32>
      %mul3A_199 = arith.constant 16 : i32
      %mul3A_200 = arith.muli %scan3A_166, %mul3A_199 : i32
      %add3A_201 = arith.constant 2 : i32
      %add3A_202 = arith.addi %mul3A_200, %add3A_201 : i32
      %dma_start3A_203 = arith.constant 0 : i32
      %dma_start3A_204 = tpu.memref_slice %arg19[%add3A_202, %dma_start3A_203] : memref<512x50xf32, #tpu.memory_space<vmem>> -> memref<1x50xf32, #tpu.memory_space<vmem>>
      %dma_start3A_205 = arith.constant 0 : i32
      %dma_start3A_206 = tpu.memref_slice %arg9[%squeeze3A_198, %dma_start3A_205] : memref<1000x50xf32, #tpu.memory_space<hbm>> -> memref<1x50xf32, #tpu.memory_space<hbm>>
      %dma_start3A_207 = arith.constant 0 : i32
      %dma_start3A_208 = tpu.memref_slice %arg19[%add3A_202, %dma_start3A_207] : memref<512x50xf32, #tpu.memory_space<vmem>> -> memref<1x50xf32, #tpu.memory_space<vmem>>
      %dma_start3A_209 = arith.constant 0 : i32
      %dma_start3A_210 = tpu.memref_slice %arg9[%squeeze3A_198, %dma_start3A_209] : memref<1000x50xf32, #tpu.memory_space<hbm>> -> memref<1x50xf32, #tpu.memory_space<hbm>>
      tpu.enqueue_dma source(%dma_start3A_210 : memref<1x50xf32, #tpu.memory_space<hbm>>) target(%dma_start3A_208 : memref<1x50xf32, #tpu.memory_space<vmem>>) target_semaphore(%arg22 : memref<!tpu.dma_semaphore, #tpu.memory_space<semaphore_mem>>)
      %slice3A_211 = vector.extract_strided_slice %get3A_170 {offsets = [3], sizes = [1], strides = [1]} : vector<16xi32> to vector<1xi32>
      %squeeze3A_212 = vector.extract %slice3A_211[0] : i32 from vector<1xi32>
      %mul3A_213 = arith.constant 16 : i32
      %mul3A_214 = arith.muli %scan3A_166, %mul3A_213 : i32
      %add3A_215 = arith.constant 3 : i32
      %add3A_216 = arith.addi %mul3A_214, %add3A_215 : i32
      %dma_start3A_217 = arith.constant 0 : i32
      %dma_start3A_218 = tpu.memref_slice %arg19[%add3A_216, %dma_start3A_217] : memref<512x50xf32, #tpu.memory_space<vmem>> -> memref<1x50xf32, #tpu.memory_space<vmem>>
      %dma_start3A_219 = arith.constant 0 : i32
      %dma_start3A_220 = tpu.memref_slice %arg9[%squeeze3A_212, %dma_start3A_219] : memref<1000x50xf32, #tpu.memory_space<hbm>> -> memref<1x50xf32, #tpu.memory_space<hbm>>
      %dma_start3A_221 = arith.constant 0 : i32
      %dma_start3A_222 = tpu.memref_slice %arg19[%add3A_216, %dma_start3A_221] : memref<512x50xf32, #tpu.memory_space<vmem>> -> memref<1x50xf32, #tpu.memory_space<vmem>>
      %dma_start3A_223 = arith.constant 0 : i32
      %dma_start3A_224 = tpu.memref_slice %arg9[%squeeze3A_212, %dma_start3A_223] : memref<1000x50xf32, #tpu.memory_space<hbm>> -> memref<1x50xf32, #tpu.memory_space<hbm>>
      tpu.enqueue_dma source(%dma_start3A_224 : memref<1x50xf32, #tpu.memory_space<hbm>>) target(%dma_start3A_222 : memref<1x50xf32, #tpu.memory_space<vmem>>) target_semaphore(%arg22 : memref<!tpu.dma_semaphore, #tpu.memory_space<semaphore_mem>>)
      %slice3A_225 = vector.extract_strided_slice %get3A_170 {offsets = [4], sizes = [1], strides = [1]} : vector<16xi32> to vector<1xi32>
      %squeeze3A_226 = vector.extract %slice3A_225[0] : i32 from vector<1xi32>
      %mul3A_227 = arith.constant 16 : i32
      %mul3A_228 = arith.muli %scan3A_166, %mul3A_227 : i32
      %add3A_229 = arith.constant 4 : i32
      %add3A_230 = arith.addi %mul3A_228, %add3A_229 : i32
      %dma_start3A_231 = arith.constant 0 : i32
      %dma_start3A_232 = tpu.memref_slice %arg19[%add3A_230, %dma_start3A_231] : memref<512x50xf32, #tpu.memory_space<vmem>> -> memref<1x50xf32, #tpu.memory_space<vmem>>
      %dma_start3A_233 = arith.constant 0 : i32
      %dma_start3A_234 = tpu.memref_slice %arg9[%squeeze3A_226, %dma_start3A_233] : memref<1000x50xf32, #tpu.memory_space<hbm>> -> memref<1x50xf32, #tpu.memory_space<hbm>>
      %dma_start3A_235 = arith.constant 0 : i32
      %dma_start3A_236 = tpu.memref_slice %arg19[%add3A_230, %dma_start3A_235] : memref<512x50xf32, #tpu.memory_space<vmem>> -> memref<1x50xf32, #tpu.memory_space<vmem>>
      %dma_start3A_237 = arith.constant 0 : i32
      %dma_start3A_238 = tpu.memref_slice %arg9[%squeeze3A_226, %dma_start3A_237] : memref<1000x50xf32, #tpu.memory_space<hbm>> -> memref<1x50xf32, #tpu.memory_space<hbm>>
      tpu.enqueue_dma source(%dma_start3A_238 : memref<1x50xf32, #tpu.memory_space<hbm>>) target(%dma_start3A_236 : memref<1x50xf32, #tpu.memory_space<vmem>>) target_semaphore(%arg22 : memref<!tpu.dma_semaphore, #tpu.memory_space<semaphore_mem>>)
      %slice3A_239 = vector.extract_strided_slice %get3A_170 {offsets = [5], sizes = [1], strides = [1]} : vector<16xi32> to vector<1xi32>
      %squeeze3A_240 = vector.extract %slice3A_239[0] : i32 from vector<1xi32>
      %mul3A_241 = arith.constant 16 : i32
      %mul3A_242 = arith.muli %scan3A_166, %mul3A_241 : i32
      %add3A_243 = arith.constant 5 : i32
      %add3A_244 = arith.addi %mul3A_242, %add3A_243 : i32
      %dma_start3A_245 = arith.constant 0 : i32
      %dma_start3A_246 = tpu.memref_slice %arg19[%add3A_244, %dma_start3A_245] : memref<512x50xf32, #tpu.memory_space<vmem>> -> memref<1x50xf32, #tpu.memory_space<vmem>>
      %dma_start3A_247 = arith.constant 0 : i32
      %dma_start3A_248 = tpu.memref_slice %arg9[%squeeze3A_240, %dma_start3A_247] : memref<1000x50xf32, #tpu.memory_space<hbm>> -> memref<1x50xf32, #tpu.memory_space<hbm>>
      %dma_start3A_249 = arith.constant 0 : i32
      %dma_start3A_250 = tpu.memref_slice %arg19[%add3A_244, %dma_start3A_249] : memref<512x50xf32, #tpu.memory_space<vmem>> -> memref<1x50xf32, #tpu.memory_space<vmem>>
      %dma_start3A_251 = arith.constant 0 : i32
      %dma_start3A_252 = tpu.memref_slice %arg9[%squeeze3A_240, %dma_start3A_251] : memref<1000x50xf32, #tpu.memory_space<hbm>> -> memref<1x50xf32, #tpu.memory_space<hbm>>
      tpu.enqueue_dma source(%dma_start3A_252 : memref<1x50xf32, #tpu.memory_space<hbm>>) target(%dma_start3A_250 : memref<1x50xf32, #tpu.memory_space<vmem>>) target_semaphore(%arg22 : memref<!tpu.dma_semaphore, #tpu.memory_space<semaphore_mem>>)
      %slice3A_253 = vector.extract_strided_slice %get3A_170 {offsets = [6], sizes = [1], strides = [1]} : vector<16xi32> to vector<1xi32>
      %squeeze3A_254 = vector.extract %slice3A_253[0] : i32 from vector<1xi32>
      %mul3A_255 = arith.constant 16 : i32
      %mul3A_256 = arith.muli %scan3A_166, %mul3A_255 : i32
      %add3A_257 = arith.constant 6 : i32
      %add3A_258 = arith.addi %mul3A_256, %add3A_257 : i32
      %dma_start3A_259 = arith.constant 0 : i32
      %dma_start3A_260 = tpu.memref_slice %arg19[%add3A_258, %dma_start3A_259] : memref<512x50xf32, #tpu.memory_space<vmem>> -> memref<1x50xf32, #tpu.memory_space<vmem>>
      %dma_start3A_261 = arith.constant 0 : i32
      %dma_start3A_262 = tpu.memref_slice %arg9[%squeeze3A_254, %dma_start3A_261] : memref<1000x50xf32, #tpu.memory_space<hbm>> -> memref<1x50xf32, #tpu.memory_space<hbm>>
      %dma_start3A_263 = arith.constant 0 : i32
      %dma_start3A_264 = tpu.memref_slice %arg19[%add3A_258, %dma_start3A_263] : memref<512x50xf32, #tpu.memory_space<vmem>> -> memref<1x50xf32, #tpu.memory_space<vmem>>
      %dma_start3A_265 = arith.constant 0 : i32
      %dma_start3A_266 = tpu.memref_slice %arg9[%squeeze3A_254, %dma_start3A_265] : memref<1000x50xf32, #tpu.memory_space<hbm>> -> memref<1x50xf32, #tpu.memory_space<hbm>>
      tpu.enqueue_dma source(%dma_start3A_266 : memref<1x50xf32, #tpu.memory_space<hbm>>) target(%dma_start3A_264 : memref<1x50xf32, #tpu.memory_space<vmem>>) target_semaphore(%arg22 : memref<!tpu.dma_semaphore, #tpu.memory_space<semaphore_mem>>)
      %slice3A_267 = vector.extract_strided_slice %get3A_170 {offsets = [7], sizes = [1], strides = [1]} : vector<16xi32> to vector<1xi32>
      %squeeze3A_268 = vector.extract %slice3A_267[0] : i32 from vector<1xi32>
      %mul3A_269 = arith.constant 16 : i32
      %mul3A_270 = arith.muli %scan3A_166, %mul3A_269 : i32
      %add3A_271 = arith.constant 7 : i32
      %add3A_272 = arith.addi %mul3A_270, %add3A_271 : i32
      %dma_start3A_273 = arith.constant 0 : i32
      %dma_start3A_274 = tpu.memref_slice %arg19[%add3A_272, %dma_start3A_273] : memref<512x50xf32, #tpu.memory_space<vmem>> -> memref<1x50xf32, #tpu.memory_space<vmem>>
      %dma_start3A_275 = arith.constant 0 : i32
      %dma_start3A_276 = tpu.memref_slice %arg9[%squeeze3A_268, %dma_start3A_275] : memref<1000x50xf32, #tpu.memory_space<hbm>> -> memref<1x50xf32, #tpu.memory_space<hbm>>
      %dma_start3A_277 = arith.constant 0 : i32
      %dma_start3A_278 = tpu.memref_slice %arg19[%add3A_272, %dma_start3A_277] : memref<512x50xf32, #tpu.memory_space<vmem>> -> memref<1x50xf32, #tpu.memory_space<vmem>>
      %dma_start3A_279 = arith.constant 0 : i32
      %dma_start3A_280 = tpu.memref_slice %arg9[%squeeze3A_268, %dma_start3A_279] : memref<1000x50xf32, #tpu.memory_space<hbm>> -> memref<1x50xf32, #tpu.memory_space<hbm>>
      tpu.enqueue_dma source(%dma_start3A_280 : memref<1x50xf32, #tpu.memory_space<hbm>>) target(%dma_start3A_278 : memref<1x50xf32, #tpu.memory_space<vmem>>) target_semaphore(%arg22 : memref<!tpu.dma_semaphore, #tpu.memory_space<semaphore_mem>>)
      %slice3A_281 = vector.extract_strided_slice %get3A_170 {offsets = [8], sizes = [1], strides = [1]} : vector<16xi32> to vector<1xi32>
      %squeeze3A_282 = vector.extract %slice3A_281[0] : i32 from vector<1xi32>
      %mul3A_283 = arith.constant 16 : i32
      %mul3A_284 = arith.muli %scan3A_166, %mul3A_283 : i32
      %add3A_285 = arith.constant 8 : i32
      %add3A_286 = arith.addi %mul3A_284, %add3A_285 : i32
      %dma_start3A_287 = arith.constant 0 : i32
      %dma_start3A_288 = tpu.memref_slice %arg19[%add3A_286, %dma_start3A_287] : memref<512x50xf32, #tpu.memory_space<vmem>> -> memref<1x50xf32, #tpu.memory_space<vmem>>
      %dma_start3A_289 = arith.constant 0 : i32
      %dma_start3A_290 = tpu.memref_slice %arg9[%squeeze3A_282, %dma_start3A_289] : memref<1000x50xf32, #tpu.memory_space<hbm>> -> memref<1x50xf32, #tpu.memory_space<hbm>>
      %dma_start3A_291 = arith.constant 0 : i32
      %dma_start3A_292 = tpu.memref_slice %arg19[%add3A_286, %dma_start3A_291] : memref<512x50xf32, #tpu.memory_space<vmem>> -> memref<1x50xf32, #tpu.memory_space<vmem>>
      %dma_start3A_293 = arith.constant 0 : i32
      %dma_start3A_294 = tpu.memref_slice %arg9[%squeeze3A_282, %dma_start3A_293] : memref<1000x50xf32, #tpu.memory_space<hbm>> -> memref<1x50xf32, #tpu.memory_space<hbm>>
      tpu.enqueue_dma source(%dma_start3A_294 : memref<1x50xf32, #tpu.memory_space<hbm>>) target(%dma_start3A_292 : memref<1x50xf32, #tpu.memory_space<vmem>>) target_semaphore(%arg22 : memref<!tpu.dma_semaphore, #tpu.memory_space<semaphore_mem>>)
      %slice3A_295 = vector.extract_strided_slice %get3A_170 {offsets = [9], sizes = [1], strides = [1]} : vector<16xi32> to vector<1xi32>
      %squeeze3A_296 = vector.extract %slice3A_295[0] : i32 from vector<1xi32>
      %mul3A_297 = arith.constant 16 : i32
      %mul3A_298 = arith.muli %scan3A_166, %mul3A_297 : i32
      %add3A_299 = arith.constant 9 : i32
      %add3A_300 = arith.addi %mul3A_298, %add3A_299 : i32
      %dma_start3A_301 = arith.constant 0 : i32
      %dma_start3A_302 = tpu.memref_slice %arg19[%add3A_300, %dma_start3A_301] : memref<512x50xf32, #tpu.memory_space<vmem>> -> memref<1x50xf32, #tpu.memory_space<vmem>>
      %dma_start3A_303 = arith.constant 0 : i32
      %dma_start3A_304 = tpu.memref_slice %arg9[%squeeze3A_296, %dma_start3A_303] : memref<1000x50xf32, #tpu.memory_space<hbm>> -> memref<1x50xf32, #tpu.memory_space<hbm>>
      %dma_start3A_305 = arith.constant 0 : i32
      %dma_start3A_306 = tpu.memref_slice %arg19[%add3A_300, %dma_start3A_305] : memref<512x50xf32, #tpu.memory_space<vmem>> -> memref<1x50xf32, #tpu.memory_space<vmem>>
      %dma_start3A_307 = arith.constant 0 : i32
      %dma_start3A_308 = tpu.memref_slice %arg9[%squeeze3A_296, %dma_start3A_307] : memref<1000x50xf32, #tpu.memory_space<hbm>> -> memref<1x50xf32, #tpu.memory_space<hbm>>
      tpu.enqueue_dma source(%dma_start3A_308 : memref<1x50xf32, #tpu.memory_space<hbm>>) target(%dma_start3A_306 : memref<1x50xf32, #tpu.memory_space<vmem>>) target_semaphore(%arg22 : memref<!tpu.dma_semaphore, #tpu.memory_space<semaphore_mem>>)
      %slice3A_309 = vector.extract_strided_slice %get3A_170 {offsets = [10], sizes = [1], strides = [1]} : vector<16xi32> to vector<1xi32>
      %squeeze3A_310 = vector.extract %slice3A_309[0] : i32 from vector<1xi32>
      %mul3A_311 = arith.constant 16 : i32
      %mul3A_312 = arith.muli %scan3A_166, %mul3A_311 : i32
      %add3A_313 = arith.constant 10 : i32
      %add3A_314 = arith.addi %mul3A_312, %add3A_313 : i32
      %dma_start3A_315 = arith.constant 0 : i32
      %dma_start3A_316 = tpu.memref_slice %arg19[%add3A_314, %dma_start3A_315] : memref<512x50xf32, #tpu.memory_space<vmem>> -> memref<1x50xf32, #tpu.memory_space<vmem>>
      %dma_start3A_317 = arith.constant 0 : i32
      %dma_start3A_318 = tpu.memref_slice %arg9[%squeeze3A_310, %dma_start3A_317] : memref<1000x50xf32, #tpu.memory_space<hbm>> -> memref<1x50xf32, #tpu.memory_space<hbm>>
      %dma_start3A_319 = arith.constant 0 : i32
      %dma_start3A_320 = tpu.memref_slice %arg19[%add3A_314, %dma_start3A_319] : memref<512x50xf32, #tpu.memory_space<vmem>> -> memref<1x50xf32, #tpu.memory_space<vmem>>
      %dma_start3A_321 = arith.constant 0 : i32
      %dma_start3A_322 = tpu.memref_slice %arg9[%squeeze3A_310, %dma_start3A_321] : memref<1000x50xf32, #tpu.memory_space<hbm>> -> memref<1x50xf32, #tpu.memory_space<hbm>>
      tpu.enqueue_dma source(%dma_start3A_322 : memref<1x50xf32, #tpu.memory_space<hbm>>) target(%dma_start3A_320 : memref<1x50xf32, #tpu.memory_space<vmem>>) target_semaphore(%arg22 : memref<!tpu.dma_semaphore, #tpu.memory_space<semaphore_mem>>)
      %slice3A_323 = vector.extract_strided_slice %get3A_170 {offsets = [11], sizes = [1], strides = [1]} : vector<16xi32> to vector<1xi32>
      %squeeze3A_324 = vector.extract %slice3A_323[0] : i32 from vector<1xi32>
      %mul3A_325 = arith.constant 16 : i32
      %mul3A_326 = arith.muli %scan3A_166, %mul3A_325 : i32
      %add3A_327 = arith.constant 11 : i32
      %add3A_328 = arith.addi %mul3A_326, %add3A_327 : i32
      %dma_start3A_329 = arith.constant 0 : i32
      %dma_start3A_330 = tpu.memref_slice %arg19[%add3A_328, %dma_start3A_329] : memref<512x50xf32, #tpu.memory_space<vmem>> -> memref<1x50xf32, #tpu.memory_space<vmem>>
      %dma_start3A_331 = arith.constant 0 : i32
      %dma_start3A_332 = tpu.memref_slice %arg9[%squeeze3A_324, %dma_start3A_331] : memref<1000x50xf32, #tpu.memory_space<hbm>> -> memref<1x50xf32, #tpu.memory_space<hbm>>
      %dma_start3A_333 = arith.constant 0 : i32
      %dma_start3A_334 = tpu.memref_slice %arg19[%add3A_328, %dma_start3A_333] : memref<512x50xf32, #tpu.memory_space<vmem>> -> memref<1x50xf32, #tpu.memory_space<vmem>>
      %dma_start3A_335 = arith.constant 0 : i32
      %dma_start3A_336 = tpu.memref_slice %arg9[%squeeze3A_324, %dma_start3A_335] : memref<1000x50xf32, #tpu.memory_space<hbm>> -> memref<1x50xf32, #tpu.memory_space<hbm>>
      tpu.enqueue_dma source(%dma_start3A_336 : memref<1x50xf32, #tpu.memory_space<hbm>>) target(%dma_start3A_334 : memref<1x50xf32, #tpu.memory_space<vmem>>) target_semaphore(%arg22 : memref<!tpu.dma_semaphore, #tpu.memory_space<semaphore_mem>>)
      %slice3A_337 = vector.extract_strided_slice %get3A_170 {offsets = [12], sizes = [1], strides = [1]} : vector<16xi32> to vector<1xi32>
      %squeeze3A_338 = vector.extract %slice3A_337[0] : i32 from vector<1xi32>
      %mul3A_339 = arith.constant 16 : i32
      %mul3A_340 = arith.muli %scan3A_166, %mul3A_339 : i32
      %add3A_341 = arith.constant 12 : i32
      %add3A_342 = arith.addi %mul3A_340, %add3A_341 : i32
      %dma_start3A_343 = arith.constant 0 : i32
      %dma_start3A_344 = tpu.memref_slice %arg19[%add3A_342, %dma_start3A_343] : memref<512x50xf32, #tpu.memory_space<vmem>> -> memref<1x50xf32, #tpu.memory_space<vmem>>
      %dma_start3A_345 = arith.constant 0 : i32
      %dma_start3A_346 = tpu.memref_slice %arg9[%squeeze3A_338, %dma_start3A_345] : memref<1000x50xf32, #tpu.memory_space<hbm>> -> memref<1x50xf32, #tpu.memory_space<hbm>>
      %dma_start3A_347 = arith.constant 0 : i32
      %dma_start3A_348 = tpu.memref_slice %arg19[%add3A_342, %dma_start3A_347] : memref<512x50xf32, #tpu.memory_space<vmem>> -> memref<1x50xf32, #tpu.memory_space<vmem>>
      %dma_start3A_349 = arith.constant 0 : i32
      %dma_start3A_350 = tpu.memref_slice %arg9[%squeeze3A_338, %dma_start3A_349] : memref<1000x50xf32, #tpu.memory_space<hbm>> -> memref<1x50xf32, #tpu.memory_space<hbm>>
      tpu.enqueue_dma source(%dma_start3A_350 : memref<1x50xf32, #tpu.memory_space<hbm>>) target(%dma_start3A_348 : memref<1x50xf32, #tpu.memory_space<vmem>>) target_semaphore(%arg22 : memref<!tpu.dma_semaphore, #tpu.memory_space<semaphore_mem>>)
      %slice3A_351 = vector.extract_strided_slice %get3A_170 {offsets = [13], sizes = [1], strides = [1]} : vector<16xi32> to vector<1xi32>
      %squeeze3A_352 = vector.extract %slice3A_351[0] : i32 from vector<1xi32>
      %mul3A_353 = arith.constant 16 : i32
      %mul3A_354 = arith.muli %scan3A_166, %mul3A_353 : i32
      %add3A_355 = arith.constant 13 : i32
      %add3A_356 = arith.addi %mul3A_354, %add3A_355 : i32
      %dma_start3A_357 = arith.constant 0 : i32
      %dma_start3A_358 = tpu.memref_slice %arg19[%add3A_356, %dma_start3A_357] : memref<512x50xf32, #tpu.memory_space<vmem>> -> memref<1x50xf32, #tpu.memory_space<vmem>>
      %dma_start3A_359 = arith.constant 0 : i32
      %dma_start3A_360 = tpu.memref_slice %arg9[%squeeze3A_352, %dma_start3A_359] : memref<1000x50xf32, #tpu.memory_space<hbm>> -> memref<1x50xf32, #tpu.memory_space<hbm>>
      %dma_start3A_361 = arith.constant 0 : i32
      %dma_start3A_362 = tpu.memref_slice %arg19[%add3A_356, %dma_start3A_361] : memref<512x50xf32, #tpu.memory_space<vmem>> -> memref<1x50xf32, #tpu.memory_space<vmem>>
      %dma_start3A_363 = arith.constant 0 : i32
      %dma_start3A_364 = tpu.memref_slice %arg9[%squeeze3A_352, %dma_start3A_363] : memref<1000x50xf32, #tpu.memory_space<hbm>> -> memref<1x50xf32, #tpu.memory_space<hbm>>
      tpu.enqueue_dma source(%dma_start3A_364 : memref<1x50xf32, #tpu.memory_space<hbm>>) target(%dma_start3A_362 : memref<1x50xf32, #tpu.memory_space<vmem>>) target_semaphore(%arg22 : memref<!tpu.dma_semaphore, #tpu.memory_space<semaphore_mem>>)
      %slice3A_365 = vector.extract_strided_slice %get3A_170 {offsets = [14], sizes = [1], strides = [1]} : vector<16xi32> to vector<1xi32>
      %squeeze3A_366 = vector.extract %slice3A_365[0] : i32 from vector<1xi32>
      %mul3A_367 = arith.constant 16 : i32
      %mul3A_368 = arith.muli %scan3A_166, %mul3A_367 : i32
      %add3A_369 = arith.constant 14 : i32
      %add3A_370 = arith.addi %mul3A_368, %add3A_369 : i32
      %dma_start3A_371 = arith.constant 0 : i32
      %dma_start3A_372 = tpu.memref_slice %arg19[%add3A_370, %dma_start3A_371] : memref<512x50xf32, #tpu.memory_space<vmem>> -> memref<1x50xf32, #tpu.memory_space<vmem>>
      %dma_start3A_373 = arith.constant 0 : i32
      %dma_start3A_374 = tpu.memref_slice %arg9[%squeeze3A_366, %dma_start3A_373] : memref<1000x50xf32, #tpu.memory_space<hbm>> -> memref<1x50xf32, #tpu.memory_space<hbm>>
      %dma_start3A_375 = arith.constant 0 : i32
      %dma_start3A_376 = tpu.memref_slice %arg19[%add3A_370, %dma_start3A_375] : memref<512x50xf32, #tpu.memory_space<vmem>> -> memref<1x50xf32, #tpu.memory_space<vmem>>
      %dma_start3A_377 = arith.constant 0 : i32
      %dma_start3A_378 = tpu.memref_slice %arg9[%squeeze3A_366, %dma_start3A_377] : memref<1000x50xf32, #tpu.memory_space<hbm>> -> memref<1x50xf32, #tpu.memory_space<hbm>>
      tpu.enqueue_dma source(%dma_start3A_378 : memref<1x50xf32, #tpu.memory_space<hbm>>) target(%dma_start3A_376 : memref<1x50xf32, #tpu.memory_space<vmem>>) target_semaphore(%arg22 : memref<!tpu.dma_semaphore, #tpu.memory_space<semaphore_mem>>)
      %slice3A_379 = vector.extract_strided_slice %get3A_170 {offsets = [15], sizes = [1], strides = [1]} : vector<16xi32> to vector<1xi32>
      %squeeze3A_380 = vector.extract %slice3A_379[0] : i32 from vector<1xi32>
      %mul3A_381 = arith.constant 16 : i32
      %mul3A_382 = arith.muli %scan3A_166, %mul3A_381 : i32
      %add3A_383 = arith.constant 15 : i32
      %add3A_384 = arith.addi %mul3A_382, %add3A_383 : i32
      %dma_start3A_385 = arith.constant 0 : i32
      %dma_start3A_386 = tpu.memref_slice %arg19[%add3A_384, %dma_start3A_385] : memref<512x50xf32, #tpu.memory_space<vmem>> -> memref<1x50xf32, #tpu.memory_space<vmem>>
      %dma_start3A_387 = arith.constant 0 : i32
      %dma_start3A_388 = tpu.memref_slice %arg9[%squeeze3A_380, %dma_start3A_387] : memref<1000x50xf32, #tpu.memory_space<hbm>> -> memref<1x50xf32, #tpu.memory_space<hbm>>
      %dma_start3A_389 = arith.constant 0 : i32
      %dma_start3A_390 = tpu.memref_slice %arg19[%add3A_384, %dma_start3A_389] : memref<512x50xf32, #tpu.memory_space<vmem>> -> memref<1x50xf32, #tpu.memory_space<vmem>>
      %dma_start3A_391 = arith.constant 0 : i32
      %dma_start3A_392 = tpu.memref_slice %arg9[%squeeze3A_380, %dma_start3A_391] : memref<1000x50xf32, #tpu.memory_space<hbm>> -> memref<1x50xf32, #tpu.memory_space<hbm>>
      tpu.enqueue_dma source(%dma_start3A_392 : memref<1x50xf32, #tpu.memory_space<hbm>>) target(%dma_start3A_390 : memref<1x50xf32, #tpu.memory_space<vmem>>) target_semaphore(%arg22 : memref<!tpu.dma_semaphore, #tpu.memory_space<semaphore_mem>>)
      %scan3A_393 = arith.constant 0 : i32
      scf.yield %scan3A_393 : i32
    }
    %scan3A_36 = arith.constant 32 : i32
    %scan3A_37 = arith.constant 0 : i32
    %scan3A_38 = arith.constant 0 : i32
    %scan3A_39 = arith.constant 512 : i32
    %scan3A_40 = arith.addi %scan3A_38, %scan3A_39 : i32
    %scan3A_41 = arith.constant 1 : i32
    %scan3A_42 = scf.for %scan3A_166 = %scan3A_38 to %scan3A_40 step %scan3A_41 iter_args(%scan3A_167 = %scan3A_37) -> (i32)  : i32 {
      %dma_wait3A_168 = arith.constant 0 : i32
      %dma_wait3A_169 = arith.constant 0 : i32
      %dma_wait3A_170 = tpu.memref_slice %arg19[%dma_wait3A_168, %dma_wait3A_169] : memref<512x50xf32, #tpu.memory_space<vmem>> -> memref<1x50xf32, #tpu.memory_space<vmem>>
      %dma_wait3A_171 = arith.constant 0 : i32
      %dma_wait3A_172 = arith.constant 0 : i32
      %dma_wait3A_173 = tpu.memref_slice %arg9[%dma_wait3A_171, %dma_wait3A_172] : memref<1000x50xf32, #tpu.memory_space<hbm>> -> memref<1x50xf32, #tpu.memory_space<hbm>>
      %dma_wait3A_174 = arith.constant 0 : i32
      %dma_wait3A_175 = arith.constant 0 : i32
      %dma_wait3A_176 = tpu.memref_slice %arg19[%dma_wait3A_174, %dma_wait3A_175] : memref<512x50xf32, #tpu.memory_space<vmem>> -> memref<1x50xf32, #tpu.memory_space<vmem>>
      %dma_wait3A_177 = arith.constant 0 : i32
      %dma_wait3A_178 = arith.constant 0 : i32
      %dma_wait3A_179 = tpu.memref_slice %arg9[%dma_wait3A_177, %dma_wait3A_178] : memref<1000x50xf32, #tpu.memory_space<hbm>> -> memref<1x50xf32, #tpu.memory_space<hbm>>
      tpu.wait_dma2 semaphore(%arg22 : memref<!tpu.dma_semaphore, #tpu.memory_space<semaphore_mem>>) src(%dma_wait3A_179 : memref<1x50xf32, #tpu.memory_space<hbm>>) dst(%dma_wait3A_176 : memref<1x50xf32, #tpu.memory_space<vmem>>)
      %scan3A_180 = arith.constant 0 : i32
      scf.yield %scan3A_180 : i32
    }
    %scan3A_43 = arith.constant 512 : i32
    "tpu.region"() ({
      %run_scoped3A = tpu.sem_alloc : memref<!tpu.dma_semaphore, #tpu.memory_space<semaphore_mem>>
      %dma_start3A_166 = arith.constant 0 : i32
      %dma_start3A_167 = tpu.memref_slice %arg15[%mul3A_2, %dma_start3A_166] : memref<16384x50xf32, #tpu.memory_space<hbm>> -> memref<512x50xf32, #tpu.memory_space<hbm>>
      %dma_start3A_168 = arith.constant 0 : i32
      %dma_start3A_169 = tpu.memref_slice %arg15[%mul3A_2, %dma_start3A_168] : memref<16384x50xf32, #tpu.memory_space<hbm>> -> memref<512x50xf32, #tpu.memory_space<hbm>>
      tpu.enqueue_dma source(%arg19 : memref<512x50xf32, #tpu.memory_space<vmem>>) target(%dma_start3A_169 : memref<512x50xf32, #tpu.memory_space<hbm>>) target_semaphore(%run_scoped3A : memref<!tpu.dma_semaphore, #tpu.memory_space<semaphore_mem>>)
      %dma_wait3A_170 = arith.constant 0 : i32
      %dma_wait3A_171 = tpu.memref_slice %arg15[%mul3A_2, %dma_wait3A_170] : memref<16384x50xf32, #tpu.memory_space<hbm>> -> memref<512x50xf32, #tpu.memory_space<hbm>>
      %dma_wait3A_172 = arith.constant 0 : i32
      %dma_wait3A_173 = tpu.memref_slice %arg15[%mul3A_2, %dma_wait3A_172] : memref<16384x50xf32, #tpu.memory_space<hbm>> -> memref<512x50xf32, #tpu.memory_space<hbm>>
      tpu.wait_dma2 semaphore(%run_scoped3A : memref<!tpu.dma_semaphore, #tpu.memory_space<semaphore_mem>>) src(%arg19 : memref<512x50xf32, #tpu.memory_space<vmem>>) dst(%dma_wait3A_173 : memref<512x50xf32, #tpu.memory_space<hbm>>)
      tpu.yield
    }) : () -> ()
    "tpu.region"() ({
      %run_scoped3A = tpu.sem_alloc : memref<!tpu.dma_semaphore, #tpu.memory_space<semaphore_mem>>
      %dma_start3A_166 = tpu.memref_slice %arg5[%mul3A_2] : memref<16384xi32, #tpu.memory_space<hbm>> -> memref<512xi32, #tpu.memory_space<hbm>>
      %dma_start3A_167 = tpu.memref_slice %arg5[%mul3A_2] : memref<16384xi32, #tpu.memory_space<hbm>> -> memref<512xi32, #tpu.memory_space<hbm>>
      tpu.enqueue_dma source(%dma_start3A_167 : memref<512xi32, #tpu.memory_space<hbm>>) target(%arg20 : memref<512xi32, #tpu.memory_space<vmem>>) target_semaphore(%run_scoped3A : memref<!tpu.dma_semaphore, #tpu.memory_space<semaphore_mem>>)
      %dma_wait3A_168 = tpu.memref_slice %arg5[%mul3A_2] : memref<16384xi32, #tpu.memory_space<hbm>> -> memref<512xi32, #tpu.memory_space<hbm>>
      %dma_wait3A_169 = tpu.memref_slice %arg5[%mul3A_2] : memref<16384xi32, #tpu.memory_space<hbm>> -> memref<512xi32, #tpu.memory_space<hbm>>
      tpu.wait_dma2 semaphore(%run_scoped3A : memref<!tpu.dma_semaphore, #tpu.memory_space<semaphore_mem>>) src(%dma_wait3A_169 : memref<512xi32, #tpu.memory_space<hbm>>) dst(%arg20 : memref<512xi32, #tpu.memory_space<vmem>>)
      tpu.yield
    }) : () -> ()
    %scan3A_44 = arith.constant 0 : i32
    %scan3A_45 = arith.constant 0 : i32
    %scan3A_46 = arith.constant 32 : i32
    %scan3A_47 = arith.addi %scan3A_45, %scan3A_46 : i32
    %scan3A_48 = arith.constant 1 : i32
    %scan3A_49 = scf.for %scan3A_166 = %scan3A_45 to %scan3A_47 step %scan3A_48 iter_args(%scan3A_167 = %scan3A_44) -> (i32)  : i32 {
      %mul3A_168 = arith.constant 16 : i32
      %mul3A_169 = arith.muli %scan3A_166, %mul3A_168 : i32
      %get3A = arith.index_cast %mul3A_169 : i32 to index
      %get3A_170 = tpu.vector_load %arg20[%get3A] {strides = array<i32>} : memref<512xi32, #tpu.memory_space<vmem>>, vector<16xi32>,
      %slice3A = vector.extract_strided_slice %get3A_170 {offsets = [0], sizes = [1], strides = [1]} : vector<16xi32> to vector<1xi32>
      %squeeze3A = vector.extract %slice3A[0] : i32 from vector<1xi32>
      %mul3A_171 = arith.constant 16 : i32
      %mul3A_172 = arith.muli %scan3A_166, %mul3A_171 : i32
      %add3A_173 = arith.constant 0 : i32
      %add3A_174 = arith.addi %mul3A_172, %add3A_173 : i32
      %dma_start3A_175 = arith.constant 0 : i32
      %dma_start3A_176 = tpu.memref_slice %arg19[%add3A_174, %dma_start3A_175] : memref<512x50xf32, #tpu.memory_space<vmem>> -> memref<1x50xf32, #tpu.memory_space<vmem>>
      %dma_start3A_177 = arith.constant 0 : i32
      %dma_start3A_178 = tpu.memref_slice %arg10[%squeeze3A, %dma_start3A_177] : memref<1000x50xf32, #tpu.memory_space<hbm>> -> memref<1x50xf32, #tpu.memory_space<hbm>>
      %dma_start3A_179 = arith.constant 0 : i32
      %dma_start3A_180 = tpu.memref_slice %arg19[%add3A_174, %dma_start3A_179] : memref<512x50xf32, #tpu.memory_space<vmem>> -> memref<1x50xf32, #tpu.memory_space<vmem>>
      %dma_start3A_181 = arith.constant 0 : i32
      %dma_start3A_182 = tpu.memref_slice %arg10[%squeeze3A, %dma_start3A_181] : memref<1000x50xf32, #tpu.memory_space<hbm>> -> memref<1x50xf32, #tpu.memory_space<hbm>>
      tpu.enqueue_dma source(%dma_start3A_182 : memref<1x50xf32, #tpu.memory_space<hbm>>) target(%dma_start3A_180 : memref<1x50xf32, #tpu.memory_space<vmem>>) target_semaphore(%arg22 : memref<!tpu.dma_semaphore, #tpu.memory_space<semaphore_mem>>)
      %slice3A_183 = vector.extract_strided_slice %get3A_170 {offsets = [1], sizes = [1], strides = [1]} : vector<16xi32> to vector<1xi32>
      %squeeze3A_184 = vector.extract %slice3A_183[0] : i32 from vector<1xi32>
      %mul3A_185 = arith.constant 16 : i32
      %mul3A_186 = arith.muli %scan3A_166, %mul3A_185 : i32
      %add3A_187 = arith.constant 1 : i32
      %add3A_188 = arith.addi %mul3A_186, %add3A_187 : i32
      %dma_start3A_189 = arith.constant 0 : i32
      %dma_start3A_190 = tpu.memref_slice %arg19[%add3A_188, %dma_start3A_189] : memref<512x50xf32, #tpu.memory_space<vmem>> -> memref<1x50xf32, #tpu.memory_space<vmem>>
      %dma_start3A_191 = arith.constant 0 : i32
      %dma_start3A_192 = tpu.memref_slice %arg10[%squeeze3A_184, %dma_start3A_191] : memref<1000x50xf32, #tpu.memory_space<hbm>> -> memref<1x50xf32, #tpu.memory_space<hbm>>
      %dma_start3A_193 = arith.constant 0 : i32
      %dma_start3A_194 = tpu.memref_slice %arg19[%add3A_188, %dma_start3A_193] : memref<512x50xf32, #tpu.memory_space<vmem>> -> memref<1x50xf32, #tpu.memory_space<vmem>>
      %dma_start3A_195 = arith.constant 0 : i32
      %dma_start3A_196 = tpu.memref_slice %arg10[%squeeze3A_184, %dma_start3A_195] : memref<1000x50xf32, #tpu.memory_space<hbm>> -> memref<1x50xf32, #tpu.memory_space<hbm>>
      tpu.enqueue_dma source(%dma_start3A_196 : memref<1x50xf32, #tpu.memory_space<hbm>>) target(%dma_start3A_194 : memref<1x50xf32, #tpu.memory_space<vmem>>) target_semaphore(%arg22 : memref<!tpu.dma_semaphore, #tpu.memory_space<semaphore_mem>>)
      %slice3A_197 = vector.extract_strided_slice %get3A_170 {offsets = [2], sizes = [1], strides = [1]} : vector<16xi32> to vector<1xi32>
      %squeeze3A_198 = vector.extract %slice3A_197[0] : i32 from vector<1xi32>
      %mul3A_199 = arith.constant 16 : i32
      %mul3A_200 = arith.muli %scan3A_166, %mul3A_199 : i32
      %add3A_201 = arith.constant 2 : i32
      %add3A_202 = arith.addi %mul3A_200, %add3A_201 : i32
      %dma_start3A_203 = arith.constant 0 : i32
      %dma_start3A_204 = tpu.memref_slice %arg19[%add3A_202, %dma_start3A_203] : memref<512x50xf32, #tpu.memory_space<vmem>> -> memref<1x50xf32, #tpu.memory_space<vmem>>
      %dma_start3A_205 = arith.constant 0 : i32
      %dma_start3A_206 = tpu.memref_slice %arg10[%squeeze3A_198, %dma_start3A_205] : memref<1000x50xf32, #tpu.memory_space<hbm>> -> memref<1x50xf32, #tpu.memory_space<hbm>>
      %dma_start3A_207 = arith.constant 0 : i32
      %dma_start3A_208 = tpu.memref_slice %arg19[%add3A_202, %dma_start3A_207] : memref<512x50xf32, #tpu.memory_space<vmem>> -> memref<1x50xf32, #tpu.memory_space<vmem>>
      %dma_start3A_209 = arith.constant 0 : i32
      %dma_start3A_210 = tpu.memref_slice %arg10[%squeeze3A_198, %dma_start3A_209] : memref<1000x50xf32, #tpu.memory_space<hbm>> -> memref<1x50xf32, #tpu.memory_space<hbm>>
      tpu.enqueue_dma source(%dma_start3A_210 : memref<1x50xf32, #tpu.memory_space<hbm>>) target(%dma_start3A_208 : memref<1x50xf32, #tpu.memory_space<vmem>>) target_semaphore(%arg22 : memref<!tpu.dma_semaphore, #tpu.memory_space<semaphore_mem>>)
      %slice3A_211 = vector.extract_strided_slice %get3A_170 {offsets = [3], sizes = [1], strides = [1]} : vector<16xi32> to vector<1xi32>
      %squeeze3A_212 = vector.extract %slice3A_211[0] : i32 from vector<1xi32>
      %mul3A_213 = arith.constant 16 : i32
      %mul3A_214 = arith.muli %scan3A_166, %mul3A_213 : i32
      %add3A_215 = arith.constant 3 : i32
      %add3A_216 = arith.addi %mul3A_214, %add3A_215 : i32
      %dma_start3A_217 = arith.constant 0 : i32
      %dma_start3A_218 = tpu.memref_slice %arg19[%add3A_216, %dma_start3A_217] : memref<512x50xf32, #tpu.memory_space<vmem>> -> memref<1x50xf32, #tpu.memory_space<vmem>>
      %dma_start3A_219 = arith.constant 0 : i32
      %dma_start3A_220 = tpu.memref_slice %arg10[%squeeze3A_212, %dma_start3A_219] : memref<1000x50xf32, #tpu.memory_space<hbm>> -> memref<1x50xf32, #tpu.memory_space<hbm>>
      %dma_start3A_221 = arith.constant 0 : i32
      %dma_start3A_222 = tpu.memref_slice %arg19[%add3A_216, %dma_start3A_221] : memref<512x50xf32, #tpu.memory_space<vmem>> -> memref<1x50xf32, #tpu.memory_space<vmem>>
      %dma_start3A_223 = arith.constant 0 : i32
      %dma_start3A_224 = tpu.memref_slice %arg10[%squeeze3A_212, %dma_start3A_223] : memref<1000x50xf32, #tpu.memory_space<hbm>> -> memref<1x50xf32, #tpu.memory_space<hbm>>
      tpu.enqueue_dma source(%dma_start3A_224 : memref<1x50xf32, #tpu.memory_space<hbm>>) target(%dma_start3A_222 : memref<1x50xf32, #tpu.memory_space<vmem>>) target_semaphore(%arg22 : memref<!tpu.dma_semaphore, #tpu.memory_space<semaphore_mem>>)
      %slice3A_225 = vector.extract_strided_slice %get3A_170 {offsets = [4], sizes = [1], strides = [1]} : vector<16xi32> to vector<1xi32>
      %squeeze3A_226 = vector.extract %slice3A_225[0] : i32 from vector<1xi32>
      %mul3A_227 = arith.constant 16 : i32
      %mul3A_228 = arith.muli %scan3A_166, %mul3A_227 : i32
      %add3A_229 = arith.constant 4 : i32
      %add3A_230 = arith.addi %mul3A_228, %add3A_229 : i32
      %dma_start3A_231 = arith.constant 0 : i32
      %dma_start3A_232 = tpu.memref_slice %arg19[%add3A_230, %dma_start3A_231] : memref<512x50xf32, #tpu.memory_space<vmem>> -> memref<1x50xf32, #tpu.memory_space<vmem>>
      %dma_start3A_233 = arith.constant 0 : i32
      %dma_start3A_234 = tpu.memref_slice %arg10[%squeeze3A_226, %dma_start3A_233] : memref<1000x50xf32, #tpu.memory_space<hbm>> -> memref<1x50xf32, #tpu.memory_space<hbm>>
      %dma_start3A_235 = arith.constant 0 : i32
      %dma_start3A_236 = tpu.memref_slice %arg19[%add3A_230, %dma_start3A_235] : memref<512x50xf32, #tpu.memory_space<vmem>> -> memref<1x50xf32, #tpu.memory_space<vmem>>
      %dma_start3A_237 = arith.constant 0 : i32
      %dma_start3A_238 = tpu.memref_slice %arg10[%squeeze3A_226, %dma_start3A_237] : memref<1000x50xf32, #tpu.memory_space<hbm>> -> memref<1x50xf32, #tpu.memory_space<hbm>>
      tpu.enqueue_dma source(%dma_start3A_238 : memref<1x50xf32, #tpu.memory_space<hbm>>) target(%dma_start3A_236 : memref<1x50xf32, #tpu.memory_space<vmem>>) target_semaphore(%arg22 : memref<!tpu.dma_semaphore, #tpu.memory_space<semaphore_mem>>)
      %slice3A_239 = vector.extract_strided_slice %get3A_170 {offsets = [5], sizes = [1], strides = [1]} : vector<16xi32> to vector<1xi32>
      %squeeze3A_240 = vector.extract %slice3A_239[0] : i32 from vector<1xi32>
      %mul3A_241 = arith.constant 16 : i32
      %mul3A_242 = arith.muli %scan3A_166, %mul3A_241 : i32
      %add3A_243 = arith.constant 5 : i32
      %add3A_244 = arith.addi %mul3A_242, %add3A_243 : i32
      %dma_start3A_245 = arith.constant 0 : i32
      %dma_start3A_246 = tpu.memref_slice %arg19[%add3A_244, %dma_start3A_245] : memref<512x50xf32, #tpu.memory_space<vmem>> -> memref<1x50xf32, #tpu.memory_space<vmem>>
      %dma_start3A_247 = arith.constant 0 : i32
      %dma_start3A_248 = tpu.memref_slice %arg10[%squeeze3A_240, %dma_start3A_247] : memref<1000x50xf32, #tpu.memory_space<hbm>> -> memref<1x50xf32, #tpu.memory_space<hbm>>
      %dma_start3A_249 = arith.constant 0 : i32
      %dma_start3A_250 = tpu.memref_slice %arg19[%add3A_244, %dma_start3A_249] : memref<512x50xf32, #tpu.memory_space<vmem>> -> memref<1x50xf32, #tpu.memory_space<vmem>>
      %dma_start3A_251 = arith.constant 0 : i32
      %dma_start3A_252 = tpu.memref_slice %arg10[%squeeze3A_240, %dma_start3A_251] : memref<1000x50xf32, #tpu.memory_space<hbm>> -> memref<1x50xf32, #tpu.memory_space<hbm>>
      tpu.enqueue_dma source(%dma_start3A_252 : memref<1x50xf32, #tpu.memory_space<hbm>>) target(%dma_start3A_250 : memref<1x50xf32, #tpu.memory_space<vmem>>) target_semaphore(%arg22 : memref<!tpu.dma_semaphore, #tpu.memory_space<semaphore_mem>>)
      %slice3A_253 = vector.extract_strided_slice %get3A_170 {offsets = [6], sizes = [1], strides = [1]} : vector<16xi32> to vector<1xi32>
      %squeeze3A_254 = vector.extract %slice3A_253[0] : i32 from vector<1xi32>
      %mul3A_255 = arith.constant 16 : i32
      %mul3A_256 = arith.muli %scan3A_166, %mul3A_255 : i32
      %add3A_257 = arith.constant 6 : i32
      %add3A_258 = arith.addi %mul3A_256, %add3A_257 : i32
      %dma_start3A_259 = arith.constant 0 : i32
      %dma_start3A_260 = tpu.memref_slice %arg19[%add3A_258, %dma_start3A_259] : memref<512x50xf32, #tpu.memory_space<vmem>> -> memref<1x50xf32, #tpu.memory_space<vmem>>
      %dma_start3A_261 = arith.constant 0 : i32
      %dma_start3A_262 = tpu.memref_slice %arg10[%squeeze3A_254, %dma_start3A_261] : memref<1000x50xf32, #tpu.memory_space<hbm>> -> memref<1x50xf32, #tpu.memory_space<hbm>>
      %dma_start3A_263 = arith.constant 0 : i32
      %dma_start3A_264 = tpu.memref_slice %arg19[%add3A_258, %dma_start3A_263] : memref<512x50xf32, #tpu.memory_space<vmem>> -> memref<1x50xf32, #tpu.memory_space<vmem>>
      %dma_start3A_265 = arith.constant 0 : i32
      %dma_start3A_266 = tpu.memref_slice %arg10[%squeeze3A_254, %dma_start3A_265] : memref<1000x50xf32, #tpu.memory_space<hbm>> -> memref<1x50xf32, #tpu.memory_space<hbm>>
      tpu.enqueue_dma source(%dma_start3A_266 : memref<1x50xf32, #tpu.memory_space<hbm>>) target(%dma_start3A_264 : memref<1x50xf32, #tpu.memory_space<vmem>>) target_semaphore(%arg22 : memref<!tpu.dma_semaphore, #tpu.memory_space<semaphore_mem>>)
      %slice3A_267 = vector.extract_strided_slice %get3A_170 {offsets = [7], sizes = [1], strides = [1]} : vector<16xi32> to vector<1xi32>
      %squeeze3A_268 = vector.extract %slice3A_267[0] : i32 from vector<1xi32>
      %mul3A_269 = arith.constant 16 : i32
      %mul3A_270 = arith.muli %scan3A_166, %mul3A_269 : i32
      %add3A_271 = arith.constant 7 : i32
      %add3A_272 = arith.addi %mul3A_270, %add3A_271 : i32
      %dma_start3A_273 = arith.constant 0 : i32
      %dma_start3A_274 = tpu.memref_slice %arg19[%add3A_272, %dma_start3A_273] : memref<512x50xf32, #tpu.memory_space<vmem>> -> memref<1x50xf32, #tpu.memory_space<vmem>>
      %dma_start3A_275 = arith.constant 0 : i32
      %dma_start3A_276 = tpu.memref_slice %arg10[%squeeze3A_268, %dma_start3A_275] : memref<1000x50xf32, #tpu.memory_space<hbm>> -> memref<1x50xf32, #tpu.memory_space<hbm>>
      %dma_start3A_277 = arith.constant 0 : i32
      %dma_start3A_278 = tpu.memref_slice %arg19[%add3A_272, %dma_start3A_277] : memref<512x50xf32, #tpu.memory_space<vmem>> -> memref<1x50xf32, #tpu.memory_space<vmem>>
      %dma_start3A_279 = arith.constant 0 : i32
      %dma_start3A_280 = tpu.memref_slice %arg10[%squeeze3A_268, %dma_start3A_279] : memref<1000x50xf32, #tpu.memory_space<hbm>> -> memref<1x50xf32, #tpu.memory_space<hbm>>
      tpu.enqueue_dma source(%dma_start3A_280 : memref<1x50xf32, #tpu.memory_space<hbm>>) target(%dma_start3A_278 : memref<1x50xf32, #tpu.memory_space<vmem>>) target_semaphore(%arg22 : memref<!tpu.dma_semaphore, #tpu.memory_space<semaphore_mem>>)
      %slice3A_281 = vector.extract_strided_slice %get3A_170 {offsets = [8], sizes = [1], strides = [1]} : vector<16xi32> to vector<1xi32>
      %squeeze3A_282 = vector.extract %slice3A_281[0] : i32 from vector<1xi32>
      %mul3A_283 = arith.constant 16 : i32
      %mul3A_284 = arith.muli %scan3A_166, %mul3A_283 : i32
      %add3A_285 = arith.constant 8 : i32
      %add3A_286 = arith.addi %mul3A_284, %add3A_285 : i32
      %dma_start3A_287 = arith.constant 0 : i32
      %dma_start3A_288 = tpu.memref_slice %arg19[%add3A_286, %dma_start3A_287] : memref<512x50xf32, #tpu.memory_space<vmem>> -> memref<1x50xf32, #tpu.memory_space<vmem>>
      %dma_start3A_289 = arith.constant 0 : i32
      %dma_start3A_290 = tpu.memref_slice %arg10[%squeeze3A_282, %dma_start3A_289] : memref<1000x50xf32, #tpu.memory_space<hbm>> -> memref<1x50xf32, #tpu.memory_space<hbm>>
      %dma_start3A_291 = arith.constant 0 : i32
      %dma_start3A_292 = tpu.memref_slice %arg19[%add3A_286, %dma_start3A_291] : memref<512x50xf32, #tpu.memory_space<vmem>> -> memref<1x50xf32, #tpu.memory_space<vmem>>
      %dma_start3A_293 = arith.constant 0 : i32
      %dma_start3A_294 = tpu.memref_slice %arg10[%squeeze3A_282, %dma_start3A_293] : memref<1000x50xf32, #tpu.memory_space<hbm>> -> memref<1x50xf32, #tpu.memory_space<hbm>>
      tpu.enqueue_dma source(%dma_start3A_294 : memref<1x50xf32, #tpu.memory_space<hbm>>) target(%dma_start3A_292 : memref<1x50xf32, #tpu.memory_space<vmem>>) target_semaphore(%arg22 : memref<!tpu.dma_semaphore, #tpu.memory_space<semaphore_mem>>)
      %slice3A_295 = vector.extract_strided_slice %get3A_170 {offsets = [9], sizes = [1], strides = [1]} : vector<16xi32> to vector<1xi32>
      %squeeze3A_296 = vector.extract %slice3A_295[0] : i32 from vector<1xi32>
      %mul3A_297 = arith.constant 16 : i32
      %mul3A_298 = arith.muli %scan3A_166, %mul3A_297 : i32
      %add3A_299 = arith.constant 9 : i32
      %add3A_300 = arith.addi %mul3A_298, %add3A_299 : i32
      %dma_start3A_301 = arith.constant 0 : i32
      %dma_start3A_302 = tpu.memref_slice %arg19[%add3A_300, %dma_start3A_301] : memref<512x50xf32, #tpu.memory_space<vmem>> -> memref<1x50xf32, #tpu.memory_space<vmem>>
      %dma_start3A_303 = arith.constant 0 : i32
      %dma_start3A_304 = tpu.memref_slice %arg10[%squeeze3A_296, %dma_start3A_303] : memref<1000x50xf32, #tpu.memory_space<hbm>> -> memref<1x50xf32, #tpu.memory_space<hbm>>
      %dma_start3A_305 = arith.constant 0 : i32
      %dma_start3A_306 = tpu.memref_slice %arg19[%add3A_300, %dma_start3A_305] : memref<512x50xf32, #tpu.memory_space<vmem>> -> memref<1x50xf32, #tpu.memory_space<vmem>>
      %dma_start3A_307 = arith.constant 0 : i32
      %dma_start3A_308 = tpu.memref_slice %arg10[%squeeze3A_296, %dma_start3A_307] : memref<1000x50xf32, #tpu.memory_space<hbm>> -> memref<1x50xf32, #tpu.memory_space<hbm>>
      tpu.enqueue_dma source(%dma_start3A_308 : memref<1x50xf32, #tpu.memory_space<hbm>>) target(%dma_start3A_306 : memref<1x50xf32, #tpu.memory_space<vmem>>) target_semaphore(%arg22 : memref<!tpu.dma_semaphore, #tpu.memory_space<semaphore_mem>>)
      %slice3A_309 = vector.extract_strided_slice %get3A_170 {offsets = [10], sizes = [1], strides = [1]} : vector<16xi32> to vector<1xi32>
      %squeeze3A_310 = vector.extract %slice3A_309[0] : i32 from vector<1xi32>
      %mul3A_311 = arith.constant 16 : i32
      %mul3A_312 = arith.muli %scan3A_166, %mul3A_311 : i32
      %add3A_313 = arith.constant 10 : i32
      %add3A_314 = arith.addi %mul3A_312, %add3A_313 : i32
      %dma_start3A_315 = arith.constant 0 : i32
      %dma_start3A_316 = tpu.memref_slice %arg19[%add3A_314, %dma_start3A_315] : memref<512x50xf32, #tpu.memory_space<vmem>> -> memref<1x50xf32, #tpu.memory_space<vmem>>
      %dma_start3A_317 = arith.constant 0 : i32
      %dma_start3A_318 = tpu.memref_slice %arg10[%squeeze3A_310, %dma_start3A_317] : memref<1000x50xf32, #tpu.memory_space<hbm>> -> memref<1x50xf32, #tpu.memory_space<hbm>>
      %dma_start3A_319 = arith.constant 0 : i32
      %dma_start3A_320 = tpu.memref_slice %arg19[%add3A_314, %dma_start3A_319] : memref<512x50xf32, #tpu.memory_space<vmem>> -> memref<1x50xf32, #tpu.memory_space<vmem>>
      %dma_start3A_321 = arith.constant 0 : i32
      %dma_start3A_322 = tpu.memref_slice %arg10[%squeeze3A_310, %dma_start3A_321] : memref<1000x50xf32, #tpu.memory_space<hbm>> -> memref<1x50xf32, #tpu.memory_space<hbm>>
      tpu.enqueue_dma source(%dma_start3A_322 : memref<1x50xf32, #tpu.memory_space<hbm>>) target(%dma_start3A_320 : memref<1x50xf32, #tpu.memory_space<vmem>>) target_semaphore(%arg22 : memref<!tpu.dma_semaphore, #tpu.memory_space<semaphore_mem>>)
      %slice3A_323 = vector.extract_strided_slice %get3A_170 {offsets = [11], sizes = [1], strides = [1]} : vector<16xi32> to vector<1xi32>
      %squeeze3A_324 = vector.extract %slice3A_323[0] : i32 from vector<1xi32>
      %mul3A_325 = arith.constant 16 : i32
      %mul3A_326 = arith.muli %scan3A_166, %mul3A_325 : i32
      %add3A_327 = arith.constant 11 : i32
      %add3A_328 = arith.addi %mul3A_326, %add3A_327 : i32
      %dma_start3A_329 = arith.constant 0 : i32
      %dma_start3A_330 = tpu.memref_slice %arg19[%add3A_328, %dma_start3A_329] : memref<512x50xf32, #tpu.memory_space<vmem>> -> memref<1x50xf32, #tpu.memory_space<vmem>>
      %dma_start3A_331 = arith.constant 0 : i32
      %dma_start3A_332 = tpu.memref_slice %arg10[%squeeze3A_324, %dma_start3A_331] : memref<1000x50xf32, #tpu.memory_space<hbm>> -> memref<1x50xf32, #tpu.memory_space<hbm>>
      %dma_start3A_333 = arith.constant 0 : i32
      %dma_start3A_334 = tpu.memref_slice %arg19[%add3A_328, %dma_start3A_333] : memref<512x50xf32, #tpu.memory_space<vmem>> -> memref<1x50xf32, #tpu.memory_space<vmem>>
      %dma_start3A_335 = arith.constant 0 : i32
      %dma_start3A_336 = tpu.memref_slice %arg10[%squeeze3A_324, %dma_start3A_335] : memref<1000x50xf32, #tpu.memory_space<hbm>> -> memref<1x50xf32, #tpu.memory_space<hbm>>
      tpu.enqueue_dma source(%dma_start3A_336 : memref<1x50xf32, #tpu.memory_space<hbm>>) target(%dma_start3A_334 : memref<1x50xf32, #tpu.memory_space<vmem>>) target_semaphore(%arg22 : memref<!tpu.dma_semaphore, #tpu.memory_space<semaphore_mem>>)
      %slice3A_337 = vector.extract_strided_slice %get3A_170 {offsets = [12], sizes = [1], strides = [1]} : vector<16xi32> to vector<1xi32>
      %squeeze3A_338 = vector.extract %slice3A_337[0] : i32 from vector<1xi32>
      %mul3A_339 = arith.constant 16 : i32
      %mul3A_340 = arith.muli %scan3A_166, %mul3A_339 : i32
      %add3A_341 = arith.constant 12 : i32
      %add3A_342 = arith.addi %mul3A_340, %add3A_341 : i32
      %dma_start3A_343 = arith.constant 0 : i32
      %dma_start3A_344 = tpu.memref_slice %arg19[%add3A_342, %dma_start3A_343] : memref<512x50xf32, #tpu.memory_space<vmem>> -> memref<1x50xf32, #tpu.memory_space<vmem>>
      %dma_start3A_345 = arith.constant 0 : i32
      %dma_start3A_346 = tpu.memref_slice %arg10[%squeeze3A_338, %dma_start3A_345] : memref<1000x50xf32, #tpu.memory_space<hbm>> -> memref<1x50xf32, #tpu.memory_space<hbm>>
      %dma_start3A_347 = arith.constant 0 : i32
      %dma_start3A_348 = tpu.memref_slice %arg19[%add3A_342, %dma_start3A_347] : memref<512x50xf32, #tpu.memory_space<vmem>> -> memref<1x50xf32, #tpu.memory_space<vmem>>
      %dma_start3A_349 = arith.constant 0 : i32
      %dma_start3A_350 = tpu.memref_slice %arg10[%squeeze3A_338, %dma_start3A_349] : memref<1000x50xf32, #tpu.memory_space<hbm>> -> memref<1x50xf32, #tpu.memory_space<hbm>>
      tpu.enqueue_dma source(%dma_start3A_350 : memref<1x50xf32, #tpu.memory_space<hbm>>) target(%dma_start3A_348 : memref<1x50xf32, #tpu.memory_space<vmem>>) target_semaphore(%arg22 : memref<!tpu.dma_semaphore, #tpu.memory_space<semaphore_mem>>)
      %slice3A_351 = vector.extract_strided_slice %get3A_170 {offsets = [13], sizes = [1], strides = [1]} : vector<16xi32> to vector<1xi32>
      %squeeze3A_352 = vector.extract %slice3A_351[0] : i32 from vector<1xi32>
      %mul3A_353 = arith.constant 16 : i32
      %mul3A_354 = arith.muli %scan3A_166, %mul3A_353 : i32
      %add3A_355 = arith.constant 13 : i32
      %add3A_356 = arith.addi %mul3A_354, %add3A_355 : i32
      %dma_start3A_357 = arith.constant 0 : i32
      %dma_start3A_358 = tpu.memref_slice %arg19[%add3A_356, %dma_start3A_357] : memref<512x50xf32, #tpu.memory_space<vmem>> -> memref<1x50xf32, #tpu.memory_space<vmem>>
      %dma_start3A_359 = arith.constant 0 : i32
      %dma_start3A_360 = tpu.memref_slice %arg10[%squeeze3A_352, %dma_start3A_359] : memref<1000x50xf32, #tpu.memory_space<hbm>> -> memref<1x50xf32, #tpu.memory_space<hbm>>
      %dma_start3A_361 = arith.constant 0 : i32
      %dma_start3A_362 = tpu.memref_slice %arg19[%add3A_356, %dma_start3A_361] : memref<512x50xf32, #tpu.memory_space<vmem>> -> memref<1x50xf32, #tpu.memory_space<vmem>>
      %dma_start3A_363 = arith.constant 0 : i32
      %dma_start3A_364 = tpu.memref_slice %arg10[%squeeze3A_352, %dma_start3A_363] : memref<1000x50xf32, #tpu.memory_space<hbm>> -> memref<1x50xf32, #tpu.memory_space<hbm>>
      tpu.enqueue_dma source(%dma_start3A_364 : memref<1x50xf32, #tpu.memory_space<hbm>>) target(%dma_start3A_362 : memref<1x50xf32, #tpu.memory_space<vmem>>) target_semaphore(%arg22 : memref<!tpu.dma_semaphore, #tpu.memory_space<semaphore_mem>>)
      %slice3A_365 = vector.extract_strided_slice %get3A_170 {offsets = [14], sizes = [1], strides = [1]} : vector<16xi32> to vector<1xi32>
      %squeeze3A_366 = vector.extract %slice3A_365[0] : i32 from vector<1xi32>
      %mul3A_367 = arith.constant 16 : i32
      %mul3A_368 = arith.muli %scan3A_166, %mul3A_367 : i32
      %add3A_369 = arith.constant 14 : i32
      %add3A_370 = arith.addi %mul3A_368, %add3A_369 : i32
      %dma_start3A_371 = arith.constant 0 : i32
      %dma_start3A_372 = tpu.memref_slice %arg19[%add3A_370, %dma_start3A_371] : memref<512x50xf32, #tpu.memory_space<vmem>> -> memref<1x50xf32, #tpu.memory_space<vmem>>
      %dma_start3A_373 = arith.constant 0 : i32
      %dma_start3A_374 = tpu.memref_slice %arg10[%squeeze3A_366, %dma_start3A_373] : memref<1000x50xf32, #tpu.memory_space<hbm>> -> memref<1x50xf32, #tpu.memory_space<hbm>>
      %dma_start3A_375 = arith.constant 0 : i32
      %dma_start3A_376 = tpu.memref_slice %arg19[%add3A_370, %dma_start3A_375] : memref<512x50xf32, #tpu.memory_space<vmem>> -> memref<1x50xf32, #tpu.memory_space<vmem>>
      %dma_start3A_377 = arith.constant 0 : i32
      %dma_start3A_378 = tpu.memref_slice %arg10[%squeeze3A_366, %dma_start3A_377] : memref<1000x50xf32, #tpu.memory_space<hbm>> -> memref<1x50xf32, #tpu.memory_space<hbm>>
      tpu.enqueue_dma source(%dma_start3A_378 : memref<1x50xf32, #tpu.memory_space<hbm>>) target(%dma_start3A_376 : memref<1x50xf32, #tpu.memory_space<vmem>>) target_semaphore(%arg22 : memref<!tpu.dma_semaphore, #tpu.memory_space<semaphore_mem>>)
      %slice3A_379 = vector.extract_strided_slice %get3A_170 {offsets = [15], sizes = [1], strides = [1]} : vector<16xi32> to vector<1xi32>
      %squeeze3A_380 = vector.extract %slice3A_379[0] : i32 from vector<1xi32>
      %mul3A_381 = arith.constant 16 : i32
      %mul3A_382 = arith.muli %scan3A_166, %mul3A_381 : i32
      %add3A_383 = arith.constant 15 : i32
      %add3A_384 = arith.addi %mul3A_382, %add3A_383 : i32
      %dma_start3A_385 = arith.constant 0 : i32
      %dma_start3A_386 = tpu.memref_slice %arg19[%add3A_384, %dma_start3A_385] : memref<512x50xf32, #tpu.memory_space<vmem>> -> memref<1x50xf32, #tpu.memory_space<vmem>>
      %dma_start3A_387 = arith.constant 0 : i32
      %dma_start3A_388 = tpu.memref_slice %arg10[%squeeze3A_380, %dma_start3A_387] : memref<1000x50xf32, #tpu.memory_space<hbm>> -> memref<1x50xf32, #tpu.memory_space<hbm>>
      %dma_start3A_389 = arith.constant 0 : i32
      %dma_start3A_390 = tpu.memref_slice %arg19[%add3A_384, %dma_start3A_389] : memref<512x50xf32, #tpu.memory_space<vmem>> -> memref<1x50xf32, #tpu.memory_space<vmem>>
      %dma_start3A_391 = arith.constant 0 : i32
      %dma_start3A_392 = tpu.memref_slice %arg10[%squeeze3A_380, %dma_start3A_391] : memref<1000x50xf32, #tpu.memory_space<hbm>> -> memref<1x50xf32, #tpu.memory_space<hbm>>
      tpu.enqueue_dma source(%dma_start3A_392 : memref<1x50xf32, #tpu.memory_space<hbm>>) target(%dma_start3A_390 : memref<1x50xf32, #tpu.memory_space<vmem>>) target_semaphore(%arg22 : memref<!tpu.dma_semaphore, #tpu.memory_space<semaphore_mem>>)
      %scan3A_393 = arith.constant 0 : i32
      scf.yield %scan3A_393 : i32
    }
    %scan3A_50 = arith.constant 32 : i32
    %scan3A_51 = arith.constant 0 : i32
    %scan3A_52 = arith.constant 0 : i32
    %scan3A_53 = arith.constant 512 : i32
    %scan3A_54 = arith.addi %scan3A_52, %scan3A_53 : i32
    %scan3A_55 = arith.constant 1 : i32
    %scan3A_56 = scf.for %scan3A_166 = %scan3A_52 to %scan3A_54 step %scan3A_55 iter_args(%scan3A_167 = %scan3A_51) -> (i32)  : i32 {
      %dma_wait3A_168 = arith.constant 0 : i32
      %dma_wait3A_169 = arith.constant 0 : i32
      %dma_wait3A_170 = tpu.memref_slice %arg19[%dma_wait3A_168, %dma_wait3A_169] : memref<512x50xf32, #tpu.memory_space<vmem>> -> memref<1x50xf32, #tpu.memory_space<vmem>>
      %dma_wait3A_171 = arith.constant 0 : i32
      %dma_wait3A_172 = arith.constant 0 : i32
      %dma_wait3A_173 = tpu.memref_slice %arg10[%dma_wait3A_171, %dma_wait3A_172] : memref<1000x50xf32, #tpu.memory_space<hbm>> -> memref<1x50xf32, #tpu.memory_space<hbm>>
      %dma_wait3A_174 = arith.constant 0 : i32
      %dma_wait3A_175 = arith.constant 0 : i32
      %dma_wait3A_176 = tpu.memref_slice %arg19[%dma_wait3A_174, %dma_wait3A_175] : memref<512x50xf32, #tpu.memory_space<vmem>> -> memref<1x50xf32, #tpu.memory_space<vmem>>
      %dma_wait3A_177 = arith.constant 0 : i32
      %dma_wait3A_178 = arith.constant 0 : i32
      %dma_wait3A_179 = tpu.memref_slice %arg10[%dma_wait3A_177, %dma_wait3A_178] : memref<1000x50xf32, #tpu.memory_space<hbm>> -> memref<1x50xf32, #tpu.memory_space<hbm>>
      tpu.wait_dma2 semaphore(%arg22 : memref<!tpu.dma_semaphore, #tpu.memory_space<semaphore_mem>>) src(%dma_wait3A_179 : memref<1x50xf32, #tpu.memory_space<hbm>>) dst(%dma_wait3A_176 : memref<1x50xf32, #tpu.memory_space<vmem>>)
      %scan3A_180 = arith.constant 0 : i32
      scf.yield %scan3A_180 : i32
    }
    %scan3A_57 = arith.constant 512 : i32
    "tpu.region"() ({
      %run_scoped3A = tpu.sem_alloc : memref<!tpu.dma_semaphore, #tpu.memory_space<semaphore_mem>>
      %dma_start3A_166 = arith.constant 0 : i32
      %dma_start3A_167 = tpu.memref_slice %arg16[%mul3A_2, %dma_start3A_166] : memref<16384x50xf32, #tpu.memory_space<hbm>> -> memref<512x50xf32, #tpu.memory_space<hbm>>
      %dma_start3A_168 = arith.constant 0 : i32
      %dma_start3A_169 = tpu.memref_slice %arg16[%mul3A_2, %dma_start3A_168] : memref<16384x50xf32, #tpu.memory_space<hbm>> -> memref<512x50xf32, #tpu.memory_space<hbm>>
      tpu.enqueue_dma source(%arg19 : memref<512x50xf32, #tpu.memory_space<vmem>>) target(%dma_start3A_169 : memref<512x50xf32, #tpu.memory_space<hbm>>) target_semaphore(%run_scoped3A : memref<!tpu.dma_semaphore, #tpu.memory_space<semaphore_mem>>)
      %dma_wait3A_170 = arith.constant 0 : i32
      %dma_wait3A_171 = tpu.memref_slice %arg16[%mul3A_2, %dma_wait3A_170] : memref<16384x50xf32, #tpu.memory_space<hbm>> -> memref<512x50xf32, #tpu.memory_space<hbm>>
      %dma_wait3A_172 = arith.constant 0 : i32
      %dma_wait3A_173 = tpu.memref_slice %arg16[%mul3A_2, %dma_wait3A_172] : memref<16384x50xf32, #tpu.memory_space<hbm>> -> memref<512x50xf32, #tpu.memory_space<hbm>>
      tpu.wait_dma2 semaphore(%run_scoped3A : memref<!tpu.dma_semaphore, #tpu.memory_space<semaphore_mem>>) src(%arg19 : memref<512x50xf32, #tpu.memory_space<vmem>>) dst(%dma_wait3A_173 : memref<512x50xf32, #tpu.memory_space<hbm>>)
      tpu.yield
    }) : () -> ()
    "tpu.region"() ({
      %run_scoped3A = tpu.sem_alloc : memref<!tpu.dma_semaphore, #tpu.memory_space<semaphore_mem>>
      %dma_start3A_166 = tpu.memref_slice %arg6[%mul3A_2] : memref<16384xi32, #tpu.memory_space<hbm>> -> memref<512xi32, #tpu.memory_space<hbm>>
      %dma_start3A_167 = tpu.memref_slice %arg6[%mul3A_2] : memref<16384xi32, #tpu.memory_space<hbm>> -> memref<512xi32, #tpu.memory_space<hbm>>
      tpu.enqueue_dma source(%dma_start3A_167 : memref<512xi32, #tpu.memory_space<hbm>>) target(%arg20 : memref<512xi32, #tpu.memory_space<vmem>>) target_semaphore(%run_scoped3A : memref<!tpu.dma_semaphore, #tpu.memory_space<semaphore_mem>>)
      %dma_wait3A_168 = tpu.memref_slice %arg6[%mul3A_2] : memref<16384xi32, #tpu.memory_space<hbm>> -> memref<512xi32, #tpu.memory_space<hbm>>
      %dma_wait3A_169 = tpu.memref_slice %arg6[%mul3A_2] : memref<16384xi32, #tpu.memory_space<hbm>> -> memref<512xi32, #tpu.memory_space<hbm>>
      tpu.wait_dma2 semaphore(%run_scoped3A : memref<!tpu.dma_semaphore, #tpu.memory_space<semaphore_mem>>) src(%dma_wait3A_169 : memref<512xi32, #tpu.memory_space<hbm>>) dst(%arg20 : memref<512xi32, #tpu.memory_space<vmem>>)
      tpu.yield
    }) : () -> ()
    %scan3A_58 = arith.constant 0 : i32
    %scan3A_59 = arith.constant 0 : i32
    %scan3A_60 = arith.constant 32 : i32
    %scan3A_61 = arith.addi %scan3A_59, %scan3A_60 : i32
    %scan3A_62 = arith.constant 1 : i32
    %scan3A_63 = scf.for %scan3A_166 = %scan3A_59 to %scan3A_61 step %scan3A_62 iter_args(%scan3A_167 = %scan3A_58) -> (i32)  : i32 {
      %mul3A_168 = arith.constant 16 : i32
      %mul3A_169 = arith.muli %scan3A_166, %mul3A_168 : i32
      %get3A = arith.index_cast %mul3A_169 : i32 to index
      %get3A_170 = tpu.vector_load %arg20[%get3A] {strides = array<i32>} : memref<512xi32, #tpu.memory_space<vmem>>, vector<16xi32>,
      %slice3A = vector.extract_strided_slice %get3A_170 {offsets = [0], sizes = [1], strides = [1]} : vector<16xi32> to vector<1xi32>
      %squeeze3A = vector.extract %slice3A[0] : i32 from vector<1xi32>
      %mul3A_171 = arith.constant 16 : i32
      %mul3A_172 = arith.muli %scan3A_166, %mul3A_171 : i32
      %add3A_173 = arith.constant 0 : i32
      %add3A_174 = arith.addi %mul3A_172, %add3A_173 : i32
      %dma_start3A_175 = arith.constant 0 : i32
      %dma_start3A_176 = tpu.memref_slice %arg19[%add3A_174, %dma_start3A_175] : memref<512x50xf32, #tpu.memory_space<vmem>> -> memref<1x50xf32, #tpu.memory_space<vmem>>
      %dma_start3A_177 = arith.constant 0 : i32
      %dma_start3A_178 = tpu.memref_slice %arg11[%squeeze3A, %dma_start3A_177] : memref<100000x50xf32, #tpu.memory_space<hbm>> -> memref<1x50xf32, #tpu.memory_space<hbm>>
      %dma_start3A_179 = arith.constant 0 : i32
      %dma_start3A_180 = tpu.memref_slice %arg19[%add3A_174, %dma_start3A_179] : memref<512x50xf32, #tpu.memory_space<vmem>> -> memref<1x50xf32, #tpu.memory_space<vmem>>
      %dma_start3A_181 = arith.constant 0 : i32
      %dma_start3A_182 = tpu.memref_slice %arg11[%squeeze3A, %dma_start3A_181] : memref<100000x50xf32, #tpu.memory_space<hbm>> -> memref<1x50xf32, #tpu.memory_space<hbm>>
      tpu.enqueue_dma source(%dma_start3A_182 : memref<1x50xf32, #tpu.memory_space<hbm>>) target(%dma_start3A_180 : memref<1x50xf32, #tpu.memory_space<vmem>>) target_semaphore(%arg22 : memref<!tpu.dma_semaphore, #tpu.memory_space<semaphore_mem>>)
      %slice3A_183 = vector.extract_strided_slice %get3A_170 {offsets = [1], sizes = [1], strides = [1]} : vector<16xi32> to vector<1xi32>
      %squeeze3A_184 = vector.extract %slice3A_183[0] : i32 from vector<1xi32>
      %mul3A_185 = arith.constant 16 : i32
      %mul3A_186 = arith.muli %scan3A_166, %mul3A_185 : i32
      %add3A_187 = arith.constant 1 : i32
      %add3A_188 = arith.addi %mul3A_186, %add3A_187 : i32
      %dma_start3A_189 = arith.constant 0 : i32
      %dma_start3A_190 = tpu.memref_slice %arg19[%add3A_188, %dma_start3A_189] : memref<512x50xf32, #tpu.memory_space<vmem>> -> memref<1x50xf32, #tpu.memory_space<vmem>>
      %dma_start3A_191 = arith.constant 0 : i32
      %dma_start3A_192 = tpu.memref_slice %arg11[%squeeze3A_184, %dma_start3A_191] : memref<100000x50xf32, #tpu.memory_space<hbm>> -> memref<1x50xf32, #tpu.memory_space<hbm>>
      %dma_start3A_193 = arith.constant 0 : i32
      %dma_start3A_194 = tpu.memref_slice %arg19[%add3A_188, %dma_start3A_193] : memref<512x50xf32, #tpu.memory_space<vmem>> -> memref<1x50xf32, #tpu.memory_space<vmem>>
      %dma_start3A_195 = arith.constant 0 : i32
      %dma_start3A_196 = tpu.memref_slice %arg11[%squeeze3A_184, %dma_start3A_195] : memref<100000x50xf32, #tpu.memory_space<hbm>> -> memref<1x50xf32, #tpu.memory_space<hbm>>
      tpu.enqueue_dma source(%dma_start3A_196 : memref<1x50xf32, #tpu.memory_space<hbm>>) target(%dma_start3A_194 : memref<1x50xf32, #tpu.memory_space<vmem>>) target_semaphore(%arg22 : memref<!tpu.dma_semaphore, #tpu.memory_space<semaphore_mem>>)
      %slice3A_197 = vector.extract_strided_slice %get3A_170 {offsets = [2], sizes = [1], strides = [1]} : vector<16xi32> to vector<1xi32>
      %squeeze3A_198 = vector.extract %slice3A_197[0] : i32 from vector<1xi32>
      %mul3A_199 = arith.constant 16 : i32
      %mul3A_200 = arith.muli %scan3A_166, %mul3A_199 : i32
      %add3A_201 = arith.constant 2 : i32
      %add3A_202 = arith.addi %mul3A_200, %add3A_201 : i32
      %dma_start3A_203 = arith.constant 0 : i32
      %dma_start3A_204 = tpu.memref_slice %arg19[%add3A_202, %dma_start3A_203] : memref<512x50xf32, #tpu.memory_space<vmem>> -> memref<1x50xf32, #tpu.memory_space<vmem>>
      %dma_start3A_205 = arith.constant 0 : i32
      %dma_start3A_206 = tpu.memref_slice %arg11[%squeeze3A_198, %dma_start3A_205] : memref<100000x50xf32, #tpu.memory_space<hbm>> -> memref<1x50xf32, #tpu.memory_space<hbm>>
      %dma_start3A_207 = arith.constant 0 : i32
      %dma_start3A_208 = tpu.memref_slice %arg19[%add3A_202, %dma_start3A_207] : memref<512x50xf32, #tpu.memory_space<vmem>> -> memref<1x50xf32, #tpu.memory_space<vmem>>
      %dma_start3A_209 = arith.constant 0 : i32
      %dma_start3A_210 = tpu.memref_slice %arg11[%squeeze3A_198, %dma_start3A_209] : memref<100000x50xf32, #tpu.memory_space<hbm>> -> memref<1x50xf32, #tpu.memory_space<hbm>>
      tpu.enqueue_dma source(%dma_start3A_210 : memref<1x50xf32, #tpu.memory_space<hbm>>) target(%dma_start3A_208 : memref<1x50xf32, #tpu.memory_space<vmem>>) target_semaphore(%arg22 : memref<!tpu.dma_semaphore, #tpu.memory_space<semaphore_mem>>)
      %slice3A_211 = vector.extract_strided_slice %get3A_170 {offsets = [3], sizes = [1], strides = [1]} : vector<16xi32> to vector<1xi32>
      %squeeze3A_212 = vector.extract %slice3A_211[0] : i32 from vector<1xi32>
      %mul3A_213 = arith.constant 16 : i32
      %mul3A_214 = arith.muli %scan3A_166, %mul3A_213 : i32
      %add3A_215 = arith.constant 3 : i32
      %add3A_216 = arith.addi %mul3A_214, %add3A_215 : i32
      %dma_start3A_217 = arith.constant 0 : i32
      %dma_start3A_218 = tpu.memref_slice %arg19[%add3A_216, %dma_start3A_217] : memref<512x50xf32, #tpu.memory_space<vmem>> -> memref<1x50xf32, #tpu.memory_space<vmem>>
      %dma_start3A_219 = arith.constant 0 : i32
      %dma_start3A_220 = tpu.memref_slice %arg11[%squeeze3A_212, %dma_start3A_219] : memref<100000x50xf32, #tpu.memory_space<hbm>> -> memref<1x50xf32, #tpu.memory_space<hbm>>
      %dma_start3A_221 = arith.constant 0 : i32
      %dma_start3A_222 = tpu.memref_slice %arg19[%add3A_216, %dma_start3A_221] : memref<512x50xf32, #tpu.memory_space<vmem>> -> memref<1x50xf32, #tpu.memory_space<vmem>>
      %dma_start3A_223 = arith.constant 0 : i32
      %dma_start3A_224 = tpu.memref_slice %arg11[%squeeze3A_212, %dma_start3A_223] : memref<100000x50xf32, #tpu.memory_space<hbm>> -> memref<1x50xf32, #tpu.memory_space<hbm>>
      tpu.enqueue_dma source(%dma_start3A_224 : memref<1x50xf32, #tpu.memory_space<hbm>>) target(%dma_start3A_222 : memref<1x50xf32, #tpu.memory_space<vmem>>) target_semaphore(%arg22 : memref<!tpu.dma_semaphore, #tpu.memory_space<semaphore_mem>>)
      %slice3A_225 = vector.extract_strided_slice %get3A_170 {offsets = [4], sizes = [1], strides = [1]} : vector<16xi32> to vector<1xi32>
      %squeeze3A_226 = vector.extract %slice3A_225[0] : i32 from vector<1xi32>
      %mul3A_227 = arith.constant 16 : i32
      %mul3A_228 = arith.muli %scan3A_166, %mul3A_227 : i32
      %add3A_229 = arith.constant 4 : i32
      %add3A_230 = arith.addi %mul3A_228, %add3A_229 : i32
      %dma_start3A_231 = arith.constant 0 : i32
      %dma_start3A_232 = tpu.memref_slice %arg19[%add3A_230, %dma_start3A_231] : memref<512x50xf32, #tpu.memory_space<vmem>> -> memref<1x50xf32, #tpu.memory_space<vmem>>
      %dma_start3A_233 = arith.constant 0 : i32
      %dma_start3A_234 = tpu.memref_slice %arg11[%squeeze3A_226, %dma_start3A_233] : memref<100000x50xf32, #tpu.memory_space<hbm>> -> memref<1x50xf32, #tpu.memory_space<hbm>>
      %dma_start3A_235 = arith.constant 0 : i32
      %dma_start3A_236 = tpu.memref_slice %arg19[%add3A_230, %dma_start3A_235] : memref<512x50xf32, #tpu.memory_space<vmem>> -> memref<1x50xf32, #tpu.memory_space<vmem>>
      %dma_start3A_237 = arith.constant 0 : i32
      %dma_start3A_238 = tpu.memref_slice %arg11[%squeeze3A_226, %dma_start3A_237] : memref<100000x50xf32, #tpu.memory_space<hbm>> -> memref<1x50xf32, #tpu.memory_space<hbm>>
      tpu.enqueue_dma source(%dma_start3A_238 : memref<1x50xf32, #tpu.memory_space<hbm>>) target(%dma_start3A_236 : memref<1x50xf32, #tpu.memory_space<vmem>>) target_semaphore(%arg22 : memref<!tpu.dma_semaphore, #tpu.memory_space<semaphore_mem>>)
      %slice3A_239 = vector.extract_strided_slice %get3A_170 {offsets = [5], sizes = [1], strides = [1]} : vector<16xi32> to vector<1xi32>
      %squeeze3A_240 = vector.extract %slice3A_239[0] : i32 from vector<1xi32>
      %mul3A_241 = arith.constant 16 : i32
      %mul3A_242 = arith.muli %scan3A_166, %mul3A_241 : i32
      %add3A_243 = arith.constant 5 : i32
      %add3A_244 = arith.addi %mul3A_242, %add3A_243 : i32
      %dma_start3A_245 = arith.constant 0 : i32
      %dma_start3A_246 = tpu.memref_slice %arg19[%add3A_244, %dma_start3A_245] : memref<512x50xf32, #tpu.memory_space<vmem>> -> memref<1x50xf32, #tpu.memory_space<vmem>>
      %dma_start3A_247 = arith.constant 0 : i32
      %dma_start3A_248 = tpu.memref_slice %arg11[%squeeze3A_240, %dma_start3A_247] : memref<100000x50xf32, #tpu.memory_space<hbm>> -> memref<1x50xf32, #tpu.memory_space<hbm>>
      %dma_start3A_249 = arith.constant 0 : i32
      %dma_start3A_250 = tpu.memref_slice %arg19[%add3A_244, %dma_start3A_249] : memref<512x50xf32, #tpu.memory_space<vmem>> -> memref<1x50xf32, #tpu.memory_space<vmem>>
      %dma_start3A_251 = arith.constant 0 : i32
      %dma_start3A_252 = tpu.memref_slice %arg11[%squeeze3A_240, %dma_start3A_251] : memref<100000x50xf32, #tpu.memory_space<hbm>> -> memref<1x50xf32, #tpu.memory_space<hbm>>
      tpu.enqueue_dma source(%dma_start3A_252 : memref<1x50xf32, #tpu.memory_space<hbm>>) target(%dma_start3A_250 : memref<1x50xf32, #tpu.memory_space<vmem>>) target_semaphore(%arg22 : memref<!tpu.dma_semaphore, #tpu.memory_space<semaphore_mem>>)
      %slice3A_253 = vector.extract_strided_slice %get3A_170 {offsets = [6], sizes = [1], strides = [1]} : vector<16xi32> to vector<1xi32>
      %squeeze3A_254 = vector.extract %slice3A_253[0] : i32 from vector<1xi32>
      %mul3A_255 = arith.constant 16 : i32
      %mul3A_256 = arith.muli %scan3A_166, %mul3A_255 : i32
      %add3A_257 = arith.constant 6 : i32
      %add3A_258 = arith.addi %mul3A_256, %add3A_257 : i32
      %dma_start3A_259 = arith.constant 0 : i32
      %dma_start3A_260 = tpu.memref_slice %arg19[%add3A_258, %dma_start3A_259] : memref<512x50xf32, #tpu.memory_space<vmem>> -> memref<1x50xf32, #tpu.memory_space<vmem>>
      %dma_start3A_261 = arith.constant 0 : i32
      %dma_start3A_262 = tpu.memref_slice %arg11[%squeeze3A_254, %dma_start3A_261] : memref<100000x50xf32, #tpu.memory_space<hbm>> -> memref<1x50xf32, #tpu.memory_space<hbm>>
      %dma_start3A_263 = arith.constant 0 : i32
      %dma_start3A_264 = tpu.memref_slice %arg19[%add3A_258, %dma_start3A_263] : memref<512x50xf32, #tpu.memory_space<vmem>> -> memref<1x50xf32, #tpu.memory_space<vmem>>
      %dma_start3A_265 = arith.constant 0 : i32
      %dma_start3A_266 = tpu.memref_slice %arg11[%squeeze3A_254, %dma_start3A_265] : memref<100000x50xf32, #tpu.memory_space<hbm>> -> memref<1x50xf32, #tpu.memory_space<hbm>>
      tpu.enqueue_dma source(%dma_start3A_266 : memref<1x50xf32, #tpu.memory_space<hbm>>) target(%dma_start3A_264 : memref<1x50xf32, #tpu.memory_space<vmem>>) target_semaphore(%arg22 : memref<!tpu.dma_semaphore, #tpu.memory_space<semaphore_mem>>)
      %slice3A_267 = vector.extract_strided_slice %get3A_170 {offsets = [7], sizes = [1], strides = [1]} : vector<16xi32> to vector<1xi32>
      %squeeze3A_268 = vector.extract %slice3A_267[0] : i32 from vector<1xi32>
      %mul3A_269 = arith.constant 16 : i32
      %mul3A_270 = arith.muli %scan3A_166, %mul3A_269 : i32
      %add3A_271 = arith.constant 7 : i32
      %add3A_272 = arith.addi %mul3A_270, %add3A_271 : i32
      %dma_start3A_273 = arith.constant 0 : i32
      %dma_start3A_274 = tpu.memref_slice %arg19[%add3A_272, %dma_start3A_273] : memref<512x50xf32, #tpu.memory_space<vmem>> -> memref<1x50xf32, #tpu.memory_space<vmem>>
      %dma_start3A_275 = arith.constant 0 : i32
      %dma_start3A_276 = tpu.memref_slice %arg11[%squeeze3A_268, %dma_start3A_275] : memref<100000x50xf32, #tpu.memory_space<hbm>> -> memref<1x50xf32, #tpu.memory_space<hbm>>
      %dma_start3A_277 = arith.constant 0 : i32
      %dma_start3A_278 = tpu.memref_slice %arg19[%add3A_272, %dma_start3A_277] : memref<512x50xf32, #tpu.memory_space<vmem>> -> memref<1x50xf32, #tpu.memory_space<vmem>>
      %dma_start3A_279 = arith.constant 0 : i32
      %dma_start3A_280 = tpu.memref_slice %arg11[%squeeze3A_268, %dma_start3A_279] : memref<100000x50xf32, #tpu.memory_space<hbm>> -> memref<1x50xf32, #tpu.memory_space<hbm>>
      tpu.enqueue_dma source(%dma_start3A_280 : memref<1x50xf32, #tpu.memory_space<hbm>>) target(%dma_start3A_278 : memref<1x50xf32, #tpu.memory_space<vmem>>) target_semaphore(%arg22 : memref<!tpu.dma_semaphore, #tpu.memory_space<semaphore_mem>>)
      %slice3A_281 = vector.extract_strided_slice %get3A_170 {offsets = [8], sizes = [1], strides = [1]} : vector<16xi32> to vector<1xi32>
      %squeeze3A_282 = vector.extract %slice3A_281[0] : i32 from vector<1xi32>
      %mul3A_283 = arith.constant 16 : i32
      %mul3A_284 = arith.muli %scan3A_166, %mul3A_283 : i32
      %add3A_285 = arith.constant 8 : i32
      %add3A_286 = arith.addi %mul3A_284, %add3A_285 : i32
      %dma_start3A_287 = arith.constant 0 : i32
      %dma_start3A_288 = tpu.memref_slice %arg19[%add3A_286, %dma_start3A_287] : memref<512x50xf32, #tpu.memory_space<vmem>> -> memref<1x50xf32, #tpu.memory_space<vmem>>
      %dma_start3A_289 = arith.constant 0 : i32
      %dma_start3A_290 = tpu.memref_slice %arg11[%squeeze3A_282, %dma_start3A_289] : memref<100000x50xf32, #tpu.memory_space<hbm>> -> memref<1x50xf32, #tpu.memory_space<hbm>>
      %dma_start3A_291 = arith.constant 0 : i32
      %dma_start3A_292 = tpu.memref_slice %arg19[%add3A_286, %dma_start3A_291] : memref<512x50xf32, #tpu.memory_space<vmem>> -> memref<1x50xf32, #tpu.memory_space<vmem>>
      %dma_start3A_293 = arith.constant 0 : i32
      %dma_start3A_294 = tpu.memref_slice %arg11[%squeeze3A_282, %dma_start3A_293] : memref<100000x50xf32, #tpu.memory_space<hbm>> -> memref<1x50xf32, #tpu.memory_space<hbm>>
      tpu.enqueue_dma source(%dma_start3A_294 : memref<1x50xf32, #tpu.memory_space<hbm>>) target(%dma_start3A_292 : memref<1x50xf32, #tpu.memory_space<vmem>>) target_semaphore(%arg22 : memref<!tpu.dma_semaphore, #tpu.memory_space<semaphore_mem>>)
      %slice3A_295 = vector.extract_strided_slice %get3A_170 {offsets = [9], sizes = [1], strides = [1]} : vector<16xi32> to vector<1xi32>
      %squeeze3A_296 = vector.extract %slice3A_295[0] : i32 from vector<1xi32>
      %mul3A_297 = arith.constant 16 : i32
      %mul3A_298 = arith.muli %scan3A_166, %mul3A_297 : i32
      %add3A_299 = arith.constant 9 : i32
      %add3A_300 = arith.addi %mul3A_298, %add3A_299 : i32
      %dma_start3A_301 = arith.constant 0 : i32
      %dma_start3A_302 = tpu.memref_slice %arg19[%add3A_300, %dma_start3A_301] : memref<512x50xf32, #tpu.memory_space<vmem>> -> memref<1x50xf32, #tpu.memory_space<vmem>>
      %dma_start3A_303 = arith.constant 0 : i32
      %dma_start3A_304 = tpu.memref_slice %arg11[%squeeze3A_296, %dma_start3A_303] : memref<100000x50xf32, #tpu.memory_space<hbm>> -> memref<1x50xf32, #tpu.memory_space<hbm>>
      %dma_start3A_305 = arith.constant 0 : i32
      %dma_start3A_306 = tpu.memref_slice %arg19[%add3A_300, %dma_start3A_305] : memref<512x50xf32, #tpu.memory_space<vmem>> -> memref<1x50xf32, #tpu.memory_space<vmem>>
      %dma_start3A_307 = arith.constant 0 : i32
      %dma_start3A_308 = tpu.memref_slice %arg11[%squeeze3A_296, %dma_start3A_307] : memref<100000x50xf32, #tpu.memory_space<hbm>> -> memref<1x50xf32, #tpu.memory_space<hbm>>
      tpu.enqueue_dma source(%dma_start3A_308 : memref<1x50xf32, #tpu.memory_space<hbm>>) target(%dma_start3A_306 : memref<1x50xf32, #tpu.memory_space<vmem>>) target_semaphore(%arg22 : memref<!tpu.dma_semaphore, #tpu.memory_space<semaphore_mem>>)
      %slice3A_309 = vector.extract_strided_slice %get3A_170 {offsets = [10], sizes = [1], strides = [1]} : vector<16xi32> to vector<1xi32>
      %squeeze3A_310 = vector.extract %slice3A_309[0] : i32 from vector<1xi32>
      %mul3A_311 = arith.constant 16 : i32
      %mul3A_312 = arith.muli %scan3A_166, %mul3A_311 : i32
      %add3A_313 = arith.constant 10 : i32
      %add3A_314 = arith.addi %mul3A_312, %add3A_313 : i32
      %dma_start3A_315 = arith.constant 0 : i32
      %dma_start3A_316 = tpu.memref_slice %arg19[%add3A_314, %dma_start3A_315] : memref<512x50xf32, #tpu.memory_space<vmem>> -> memref<1x50xf32, #tpu.memory_space<vmem>>
      %dma_start3A_317 = arith.constant 0 : i32
      %dma_start3A_318 = tpu.memref_slice %arg11[%squeeze3A_310, %dma_start3A_317] : memref<100000x50xf32, #tpu.memory_space<hbm>> -> memref<1x50xf32, #tpu.memory_space<hbm>>
      %dma_start3A_319 = arith.constant 0 : i32
      %dma_start3A_320 = tpu.memref_slice %arg19[%add3A_314, %dma_start3A_319] : memref<512x50xf32, #tpu.memory_space<vmem>> -> memref<1x50xf32, #tpu.memory_space<vmem>>
      %dma_start3A_321 = arith.constant 0 : i32
      %dma_start3A_322 = tpu.memref_slice %arg11[%squeeze3A_310, %dma_start3A_321] : memref<100000x50xf32, #tpu.memory_space<hbm>> -> memref<1x50xf32, #tpu.memory_space<hbm>>
      tpu.enqueue_dma source(%dma_start3A_322 : memref<1x50xf32, #tpu.memory_space<hbm>>) target(%dma_start3A_320 : memref<1x50xf32, #tpu.memory_space<vmem>>) target_semaphore(%arg22 : memref<!tpu.dma_semaphore, #tpu.memory_space<semaphore_mem>>)
      %slice3A_323 = vector.extract_strided_slice %get3A_170 {offsets = [11], sizes = [1], strides = [1]} : vector<16xi32> to vector<1xi32>
      %squeeze3A_324 = vector.extract %slice3A_323[0] : i32 from vector<1xi32>
      %mul3A_325 = arith.constant 16 : i32
      %mul3A_326 = arith.muli %scan3A_166, %mul3A_325 : i32
      %add3A_327 = arith.constant 11 : i32
      %add3A_328 = arith.addi %mul3A_326, %add3A_327 : i32
      %dma_start3A_329 = arith.constant 0 : i32
      %dma_start3A_330 = tpu.memref_slice %arg19[%add3A_328, %dma_start3A_329] : memref<512x50xf32, #tpu.memory_space<vmem>> -> memref<1x50xf32, #tpu.memory_space<vmem>>
      %dma_start3A_331 = arith.constant 0 : i32
      %dma_start3A_332 = tpu.memref_slice %arg11[%squeeze3A_324, %dma_start3A_331] : memref<100000x50xf32, #tpu.memory_space<hbm>> -> memref<1x50xf32, #tpu.memory_space<hbm>>
      %dma_start3A_333 = arith.constant 0 : i32
      %dma_start3A_334 = tpu.memref_slice %arg19[%add3A_328, %dma_start3A_333] : memref<512x50xf32, #tpu.memory_space<vmem>> -> memref<1x50xf32, #tpu.memory_space<vmem>>
      %dma_start3A_335 = arith.constant 0 : i32
      %dma_start3A_336 = tpu.memref_slice %arg11[%squeeze3A_324, %dma_start3A_335] : memref<100000x50xf32, #tpu.memory_space<hbm>> -> memref<1x50xf32, #tpu.memory_space<hbm>>
      tpu.enqueue_dma source(%dma_start3A_336 : memref<1x50xf32, #tpu.memory_space<hbm>>) target(%dma_start3A_334 : memref<1x50xf32, #tpu.memory_space<vmem>>) target_semaphore(%arg22 : memref<!tpu.dma_semaphore, #tpu.memory_space<semaphore_mem>>)
      %slice3A_337 = vector.extract_strided_slice %get3A_170 {offsets = [12], sizes = [1], strides = [1]} : vector<16xi32> to vector<1xi32>
      %squeeze3A_338 = vector.extract %slice3A_337[0] : i32 from vector<1xi32>
      %mul3A_339 = arith.constant 16 : i32
      %mul3A_340 = arith.muli %scan3A_166, %mul3A_339 : i32
      %add3A_341 = arith.constant 12 : i32
      %add3A_342 = arith.addi %mul3A_340, %add3A_341 : i32
      %dma_start3A_343 = arith.constant 0 : i32
      %dma_start3A_344 = tpu.memref_slice %arg19[%add3A_342, %dma_start3A_343] : memref<512x50xf32, #tpu.memory_space<vmem>> -> memref<1x50xf32, #tpu.memory_space<vmem>>
      %dma_start3A_345 = arith.constant 0 : i32
      %dma_start3A_346 = tpu.memref_slice %arg11[%squeeze3A_338, %dma_start3A_345] : memref<100000x50xf32, #tpu.memory_space<hbm>> -> memref<1x50xf32, #tpu.memory_space<hbm>>
      %dma_start3A_347 = arith.constant 0 : i32
      %dma_start3A_348 = tpu.memref_slice %arg19[%add3A_342, %dma_start3A_347] : memref<512x50xf32, #tpu.memory_space<vmem>> -> memref<1x50xf32, #tpu.memory_space<vmem>>
      %dma_start3A_349 = arith.constant 0 : i32
      %dma_start3A_350 = tpu.memref_slice %arg11[%squeeze3A_338, %dma_start3A_349] : memref<100000x50xf32, #tpu.memory_space<hbm>> -> memref<1x50xf32, #tpu.memory_space<hbm>>
      tpu.enqueue_dma source(%dma_start3A_350 : memref<1x50xf32, #tpu.memory_space<hbm>>) target(%dma_start3A_348 : memref<1x50xf32, #tpu.memory_space<vmem>>) target_semaphore(%arg22 : memref<!tpu.dma_semaphore, #tpu.memory_space<semaphore_mem>>)
      %slice3A_351 = vector.extract_strided_slice %get3A_170 {offsets = [13], sizes = [1], strides = [1]} : vector<16xi32> to vector<1xi32>
      %squeeze3A_352 = vector.extract %slice3A_351[0] : i32 from vector<1xi32>
      %mul3A_353 = arith.constant 16 : i32
      %mul3A_354 = arith.muli %scan3A_166, %mul3A_353 : i32
      %add3A_355 = arith.constant 13 : i32
      %add3A_356 = arith.addi %mul3A_354, %add3A_355 : i32
      %dma_start3A_357 = arith.constant 0 : i32
      %dma_start3A_358 = tpu.memref_slice %arg19[%add3A_356, %dma_start3A_357] : memref<512x50xf32, #tpu.memory_space<vmem>> -> memref<1x50xf32, #tpu.memory_space<vmem>>
      %dma_start3A_359 = arith.constant 0 : i32
      %dma_start3A_360 = tpu.memref_slice %arg11[%squeeze3A_352, %dma_start3A_359] : memref<100000x50xf32, #tpu.memory_space<hbm>> -> memref<1x50xf32, #tpu.memory_space<hbm>>
      %dma_start3A_361 = arith.constant 0 : i32
      %dma_start3A_362 = tpu.memref_slice %arg19[%add3A_356, %dma_start3A_361] : memref<512x50xf32, #tpu.memory_space<vmem>> -> memref<1x50xf32, #tpu.memory_space<vmem>>
      %dma_start3A_363 = arith.constant 0 : i32
      %dma_start3A_364 = tpu.memref_slice %arg11[%squeeze3A_352, %dma_start3A_363] : memref<100000x50xf32, #tpu.memory_space<hbm>> -> memref<1x50xf32, #tpu.memory_space<hbm>>
      tpu.enqueue_dma source(%dma_start3A_364 : memref<1x50xf32, #tpu.memory_space<hbm>>) target(%dma_start3A_362 : memref<1x50xf32, #tpu.memory_space<vmem>>) target_semaphore(%arg22 : memref<!tpu.dma_semaphore, #tpu.memory_space<semaphore_mem>>)
      %slice3A_365 = vector.extract_strided_slice %get3A_170 {offsets = [14], sizes = [1], strides = [1]} : vector<16xi32> to vector<1xi32>
      %squeeze3A_366 = vector.extract %slice3A_365[0] : i32 from vector<1xi32>
      %mul3A_367 = arith.constant 16 : i32
      %mul3A_368 = arith.muli %scan3A_166, %mul3A_367 : i32
      %add3A_369 = arith.constant 14 : i32
      %add3A_370 = arith.addi %mul3A_368, %add3A_369 : i32
      %dma_start3A_371 = arith.constant 0 : i32
      %dma_start3A_372 = tpu.memref_slice %arg19[%add3A_370, %dma_start3A_371] : memref<512x50xf32, #tpu.memory_space<vmem>> -> memref<1x50xf32, #tpu.memory_space<vmem>>
      %dma_start3A_373 = arith.constant 0 : i32
      %dma_start3A_374 = tpu.memref_slice %arg11[%squeeze3A_366, %dma_start3A_373] : memref<100000x50xf32, #tpu.memory_space<hbm>> -> memref<1x50xf32, #tpu.memory_space<hbm>>
      %dma_start3A_375 = arith.constant 0 : i32
      %dma_start3A_376 = tpu.memref_slice %arg19[%add3A_370, %dma_start3A_375] : memref<512x50xf32, #tpu.memory_space<vmem>> -> memref<1x50xf32, #tpu.memory_space<vmem>>
      %dma_start3A_377 = arith.constant 0 : i32
      %dma_start3A_378 = tpu.memref_slice %arg11[%squeeze3A_366, %dma_start3A_377] : memref<100000x50xf32, #tpu.memory_space<hbm>> -> memref<1x50xf32, #tpu.memory_space<hbm>>
      tpu.enqueue_dma source(%dma_start3A_378 : memref<1x50xf32, #tpu.memory_space<hbm>>) target(%dma_start3A_376 : memref<1x50xf32, #tpu.memory_space<vmem>>) target_semaphore(%arg22 : memref<!tpu.dma_semaphore, #tpu.memory_space<semaphore_mem>>)
      %slice3A_379 = vector.extract_strided_slice %get3A_170 {offsets = [15], sizes = [1], strides = [1]} : vector<16xi32> to vector<1xi32>
      %squeeze3A_380 = vector.extract %slice3A_379[0] : i32 from vector<1xi32>
      %mul3A_381 = arith.constant 16 : i32
      %mul3A_382 = arith.muli %scan3A_166, %mul3A_381 : i32
      %add3A_383 = arith.constant 15 : i32
      %add3A_384 = arith.addi %mul3A_382, %add3A_383 : i32
      %dma_start3A_385 = arith.constant 0 : i32
      %dma_start3A_386 = tpu.memref_slice %arg19[%add3A_384, %dma_start3A_385] : memref<512x50xf32, #tpu.memory_space<vmem>> -> memref<1x50xf32, #tpu.memory_space<vmem>>
      %dma_start3A_387 = arith.constant 0 : i32
      %dma_start3A_388 = tpu.memref_slice %arg11[%squeeze3A_380, %dma_start3A_387] : memref<100000x50xf32, #tpu.memory_space<hbm>> -> memref<1x50xf32, #tpu.memory_space<hbm>>
      %dma_start3A_389 = arith.constant 0 : i32
      %dma_start3A_390 = tpu.memref_slice %arg19[%add3A_384, %dma_start3A_389] : memref<512x50xf32, #tpu.memory_space<vmem>> -> memref<1x50xf32, #tpu.memory_space<vmem>>
      %dma_start3A_391 = arith.constant 0 : i32
      %dma_start3A_392 = tpu.memref_slice %arg11[%squeeze3A_380, %dma_start3A_391] : memref<100000x50xf32, #tpu.memory_space<hbm>> -> memref<1x50xf32, #tpu.memory_space<hbm>>
      tpu.enqueue_dma source(%dma_start3A_392 : memref<1x50xf32, #tpu.memory_space<hbm>>) target(%dma_start3A_390 : memref<1x50xf32, #tpu.memory_space<vmem>>) target_semaphore(%arg22 : memref<!tpu.dma_semaphore, #tpu.memory_space<semaphore_mem>>)
      %scan3A_393 = arith.constant 0 : i32
      scf.yield %scan3A_393 : i32
    }
    %scan3A_64 = arith.constant 32 : i32
    %scan3A_65 = arith.constant 0 : i32
    %scan3A_66 = arith.constant 0 : i32
    %scan3A_67 = arith.constant 512 : i32
    %scan3A_68 = arith.addi %scan3A_66, %scan3A_67 : i32
    %scan3A_69 = arith.constant 1 : i32
    %scan3A_70 = scf.for %scan3A_166 = %scan3A_66 to %scan3A_68 step %scan3A_69 iter_args(%scan3A_167 = %scan3A_65) -> (i32)  : i32 {
      %dma_wait3A_168 = arith.constant 0 : i32
      %dma_wait3A_169 = arith.constant 0 : i32
      %dma_wait3A_170 = tpu.memref_slice %arg19[%dma_wait3A_168, %dma_wait3A_169] : memref<512x50xf32, #tpu.memory_space<vmem>> -> memref<1x50xf32, #tpu.memory_space<vmem>>
      %dma_wait3A_171 = arith.constant 0 : i32
      %dma_wait3A_172 = arith.constant 0 : i32
      %dma_wait3A_173 = tpu.memref_slice %arg11[%dma_wait3A_171, %dma_wait3A_172] : memref<100000x50xf32, #tpu.memory_space<hbm>> -> memref<1x50xf32, #tpu.memory_space<hbm>>
      %dma_wait3A_174 = arith.constant 0 : i32
      %dma_wait3A_175 = arith.constant 0 : i32
      %dma_wait3A_176 = tpu.memref_slice %arg19[%dma_wait3A_174, %dma_wait3A_175] : memref<512x50xf32, #tpu.memory_space<vmem>> -> memref<1x50xf32, #tpu.memory_space<vmem>>
      %dma_wait3A_177 = arith.constant 0 : i32
      %dma_wait3A_178 = arith.constant 0 : i32
      %dma_wait3A_179 = tpu.memref_slice %arg11[%dma_wait3A_177, %dma_wait3A_178] : memref<100000x50xf32, #tpu.memory_space<hbm>> -> memref<1x50xf32, #tpu.memory_space<hbm>>
      tpu.wait_dma2 semaphore(%arg22 : memref<!tpu.dma_semaphore, #tpu.memory_space<semaphore_mem>>) src(%dma_wait3A_179 : memref<1x50xf32, #tpu.memory_space<hbm>>) dst(%dma_wait3A_176 : memref<1x50xf32, #tpu.memory_space<vmem>>)
      %scan3A_180 = arith.constant 0 : i32
      scf.yield %scan3A_180 : i32
    }
    %scan3A_71 = arith.constant 512 : i32
    "tpu.region"() ({
      %run_scoped3A = tpu.sem_alloc : memref<!tpu.dma_semaphore, #tpu.memory_space<semaphore_mem>>
      %dma_start3A_166 = arith.constant 0 : i32
      %dma_start3A_167 = tpu.memref_slice %arg17[%mul3A_2, %dma_start3A_166] : memref<16384x50xf32, #tpu.memory_space<hbm>> -> memref<512x50xf32, #tpu.memory_space<hbm>>
      %dma_start3A_168 = arith.constant 0 : i32
      %dma_start3A_169 = tpu.memref_slice %arg17[%mul3A_2, %dma_start3A_168] : memref<16384x50xf32, #tpu.memory_space<hbm>> -> memref<512x50xf32, #tpu.memory_space<hbm>>
      tpu.enqueue_dma source(%arg19 : memref<512x50xf32, #tpu.memory_space<vmem>>) target(%dma_start3A_169 : memref<512x50xf32, #tpu.memory_space<hbm>>) target_semaphore(%run_scoped3A : memref<!tpu.dma_semaphore, #tpu.memory_space<semaphore_mem>>)
      %dma_wait3A_170 = arith.constant 0 : i32
      %dma_wait3A_171 = tpu.memref_slice %arg17[%mul3A_2, %dma_wait3A_170] : memref<16384x50xf32, #tpu.memory_space<hbm>> -> memref<512x50xf32, #tpu.memory_space<hbm>>
      %dma_wait3A_172 = arith.constant 0 : i32
      %dma_wait3A_173 = tpu.memref_slice %arg17[%mul3A_2, %dma_wait3A_172] : memref<16384x50xf32, #tpu.memory_space<hbm>> -> memref<512x50xf32, #tpu.memory_space<hbm>>
      tpu.wait_dma2 semaphore(%run_scoped3A : memref<!tpu.dma_semaphore, #tpu.memory_space<semaphore_mem>>) src(%arg19 : memref<512x50xf32, #tpu.memory_space<vmem>>) dst(%dma_wait3A_173 : memref<512x50xf32, #tpu.memory_space<hbm>>)
      tpu.yield
    }) : () -> ()
    "tpu.region"() ({
      %run_scoped3A = tpu.sem_alloc : memref<!tpu.dma_semaphore, #tpu.memory_space<semaphore_mem>>
      %dma_start3A_166 = tpu.memref_slice %arg3[%mul3A_2] : memref<16384xi32, #tpu.memory_space<hbm>> -> memref<512xi32, #tpu.memory_space<hbm>>
      %dma_start3A_167 = tpu.memref_slice %arg3[%mul3A_2] : memref<16384xi32, #tpu.memory_space<hbm>> -> memref<512xi32, #tpu.memory_space<hbm>>
      tpu.enqueue_dma source(%dma_start3A_167 : memref<512xi32, #tpu.memory_space<hbm>>) target(%arg20 : memref<512xi32, #tpu.memory_space<vmem>>) target_semaphore(%run_scoped3A : memref<!tpu.dma_semaphore, #tpu.memory_space<semaphore_mem>>)
      %dma_wait3A_168 = tpu.memref_slice %arg3[%mul3A_2] : memref<16384xi32, #tpu.memory_space<hbm>> -> memref<512xi32, #tpu.memory_space<hbm>>
      %dma_wait3A_169 = tpu.memref_slice %arg3[%mul3A_2] : memref<16384xi32, #tpu.memory_space<hbm>> -> memref<512xi32, #tpu.memory_space<hbm>>
      tpu.wait_dma2 semaphore(%run_scoped3A : memref<!tpu.dma_semaphore, #tpu.memory_space<semaphore_mem>>) src(%dma_wait3A_169 : memref<512xi32, #tpu.memory_space<hbm>>) dst(%arg20 : memref<512xi32, #tpu.memory_space<vmem>>)
      tpu.yield
    }) : () -> ()
    %dma_start3A = arith.constant 0 : i32
    %dma_start3A_72 = tpu.memref_slice %arg20[%dma_start3A] : memref<512xi32, #tpu.memory_space<vmem>> -> memref<64xi32, #tpu.memory_space<vmem>>
    %dma_start3A_73 = arith.constant 0 : i32
    %dma_start3A_74 = arith.constant 0 : i32
    %dma_start3A_75 = tpu.memref_slice %arg12[%dma_start3A_73, %dma_start3A_74] : memref<100000x768xf32, #tpu.memory_space<hbm>> -> memref<100000x768xf32, #tpu.memory_space<hbm>>
    tpu.enqueue_indirect_dma source(%dma_start3A_75 : memref<100000x768xf32, #tpu.memory_space<hbm>>) target(%arg21 : memref<64x768xf32, #tpu.memory_space<vmem>>) offsets(%dma_start3A_72 : memref<64xi32, #tpu.memory_space<vmem>>) semaphore(%arg23 : memref<!tpu.dma_semaphore, #tpu.memory_space<semaphore_mem>>)
    %dma_wait3A = arith.constant 0 : i32
    %dma_wait3A_76 = tpu.memref_slice %arg20[%dma_wait3A] : memref<512xi32, #tpu.memory_space<vmem>> -> memref<64xi32, #tpu.memory_space<vmem>>
    %dma_wait3A_77 = arith.constant 0 : i32
    %dma_wait3A_78 = arith.constant 0 : i32
    %dma_wait3A_79 = tpu.memref_slice %arg12[%dma_wait3A_77, %dma_wait3A_78] : memref<100000x768xf32, #tpu.memory_space<hbm>> -> memref<100000x768xf32, #tpu.memory_space<hbm>>
    tpu.wait_indirect_dma semaphore(%arg23 : memref<!tpu.dma_semaphore, #tpu.memory_space<semaphore_mem>>) src(%dma_wait3A_79 : memref<100000x768xf32, #tpu.memory_space<hbm>>) dst(%arg21 : memref<64x768xf32, #tpu.memory_space<vmem>>)
    %add3A_80 = arith.constant 0 : i32
    %add3A_81 = arith.addi %mul3A_2, %add3A_80 : i32
    "tpu.region"() ({
      %run_scoped3A = tpu.sem_alloc : memref<!tpu.dma_semaphore, #tpu.memory_space<semaphore_mem>>
      %dma_start3A_166 = arith.constant 0 : i32
      %dma_start3A_167 = tpu.memref_slice %arg18[%add3A_81, %dma_start3A_166] : memref<16384x768xf32, #tpu.memory_space<hbm>> -> memref<64x768xf32, #tpu.memory_space<hbm>>
      %dma_start3A_168 = arith.constant 0 : i32
      %dma_start3A_169 = tpu.memref_slice %arg18[%add3A_81, %dma_start3A_168] : memref<16384x768xf32, #tpu.memory_space<hbm>> -> memref<64x768xf32, #tpu.memory_space<hbm>>
      tpu.enqueue_dma source(%arg21 : memref<64x768xf32, #tpu.memory_space<vmem>>) target(%dma_start3A_169 : memref<64x768xf32, #tpu.memory_space<hbm>>) target_semaphore(%run_scoped3A : memref<!tpu.dma_semaphore, #tpu.memory_space<semaphore_mem>>)
      %dma_wait3A_170 = arith.constant 0 : i32
      %dma_wait3A_171 = tpu.memref_slice %arg18[%add3A_81, %dma_wait3A_170] : memref<16384x768xf32, #tpu.memory_space<hbm>> -> memref<64x768xf32, #tpu.memory_space<hbm>>
      %dma_wait3A_172 = arith.constant 0 : i32
      %dma_wait3A_173 = tpu.memref_slice %arg18[%add3A_81, %dma_wait3A_172] : memref<16384x768xf32, #tpu.memory_space<hbm>> -> memref<64x768xf32, #tpu.memory_space<hbm>>
      tpu.wait_dma2 semaphore(%run_scoped3A : memref<!tpu.dma_semaphore, #tpu.memory_space<semaphore_mem>>) src(%arg21 : memref<64x768xf32, #tpu.memory_space<vmem>>) dst(%dma_wait3A_173 : memref<64x768xf32, #tpu.memory_space<hbm>>)
      tpu.yield
    }) : () -> ()
    %dma_start3A_82 = arith.constant 64 : i32
    %dma_start3A_83 = tpu.memref_slice %arg20[%dma_start3A_82] : memref<512xi32, #tpu.memory_space<vmem>> -> memref<64xi32, #tpu.memory_space<vmem>>
    %dma_start3A_84 = arith.constant 0 : i32
    %dma_start3A_85 = arith.constant 0 : i32
    %dma_start3A_86 = tpu.memref_slice %arg12[%dma_start3A_84, %dma_start3A_85] : memref<100000x768xf32, #tpu.memory_space<hbm>> -> memref<100000x768xf32, #tpu.memory_space<hbm>>
    tpu.enqueue_indirect_dma source(%dma_start3A_86 : memref<100000x768xf32, #tpu.memory_space<hbm>>) target(%arg21 : memref<64x768xf32, #tpu.memory_space<vmem>>) offsets(%dma_start3A_83 : memref<64xi32, #tpu.memory_space<vmem>>) semaphore(%arg23 : memref<!tpu.dma_semaphore, #tpu.memory_space<semaphore_mem>>)
    %dma_wait3A_87 = arith.constant 64 : i32
    %dma_wait3A_88 = tpu.memref_slice %arg20[%dma_wait3A_87] : memref<512xi32, #tpu.memory_space<vmem>> -> memref<64xi32, #tpu.memory_space<vmem>>
    %dma_wait3A_89 = arith.constant 0 : i32
    %dma_wait3A_90 = arith.constant 0 : i32
    %dma_wait3A_91 = tpu.memref_slice %arg12[%dma_wait3A_89, %dma_wait3A_90] : memref<100000x768xf32, #tpu.memory_space<hbm>> -> memref<100000x768xf32, #tpu.memory_space<hbm>>
    tpu.wait_indirect_dma semaphore(%arg23 : memref<!tpu.dma_semaphore, #tpu.memory_space<semaphore_mem>>) src(%dma_wait3A_91 : memref<100000x768xf32, #tpu.memory_space<hbm>>) dst(%arg21 : memref<64x768xf32, #tpu.memory_space<vmem>>)
    %add3A_92 = arith.constant 64 : i32
    %add3A_93 = arith.addi %mul3A_2, %add3A_92 : i32
    "tpu.region"() ({
      %run_scoped3A = tpu.sem_alloc : memref<!tpu.dma_semaphore, #tpu.memory_space<semaphore_mem>>
      %dma_start3A_166 = arith.constant 0 : i32
      %dma_start3A_167 = tpu.memref_slice %arg18[%add3A_93, %dma_start3A_166] : memref<16384x768xf32, #tpu.memory_space<hbm>> -> memref<64x768xf32, #tpu.memory_space<hbm>>
      %dma_start3A_168 = arith.constant 0 : i32
      %dma_start3A_169 = tpu.memref_slice %arg18[%add3A_93, %dma_start3A_168] : memref<16384x768xf32, #tpu.memory_space<hbm>> -> memref<64x768xf32, #tpu.memory_space<hbm>>
      tpu.enqueue_dma source(%arg21 : memref<64x768xf32, #tpu.memory_space<vmem>>) target(%dma_start3A_169 : memref<64x768xf32, #tpu.memory_space<hbm>>) target_semaphore(%run_scoped3A : memref<!tpu.dma_semaphore, #tpu.memory_space<semaphore_mem>>)
      %dma_wait3A_170 = arith.constant 0 : i32
      %dma_wait3A_171 = tpu.memref_slice %arg18[%add3A_93, %dma_wait3A_170] : memref<16384x768xf32, #tpu.memory_space<hbm>> -> memref<64x768xf32, #tpu.memory_space<hbm>>
      %dma_wait3A_172 = arith.constant 0 : i32
      %dma_wait3A_173 = tpu.memref_slice %arg18[%add3A_93, %dma_wait3A_172] : memref<16384x768xf32, #tpu.memory_space<hbm>> -> memref<64x768xf32, #tpu.memory_space<hbm>>
      tpu.wait_dma2 semaphore(%run_scoped3A : memref<!tpu.dma_semaphore, #tpu.memory_space<semaphore_mem>>) src(%arg21 : memref<64x768xf32, #tpu.memory_space<vmem>>) dst(%dma_wait3A_173 : memref<64x768xf32, #tpu.memory_space<hbm>>)
      tpu.yield
    }) : () -> ()
    %dma_start3A_94 = arith.constant 128 : i32
    %dma_start3A_95 = tpu.memref_slice %arg20[%dma_start3A_94] : memref<512xi32, #tpu.memory_space<vmem>> -> memref<64xi32, #tpu.memory_space<vmem>>
    %dma_start3A_96 = arith.constant 0 : i32
    %dma_start3A_97 = arith.constant 0 : i32
    %dma_start3A_98 = tpu.memref_slice %arg12[%dma_start3A_96, %dma_start3A_97] : memref<100000x768xf32, #tpu.memory_space<hbm>> -> memref<100000x768xf32, #tpu.memory_space<hbm>>
    tpu.enqueue_indirect_dma source(%dma_start3A_98 : memref<100000x768xf32, #tpu.memory_space<hbm>>) target(%arg21 : memref<64x768xf32, #tpu.memory_space<vmem>>) offsets(%dma_start3A_95 : memref<64xi32, #tpu.memory_space<vmem>>) semaphore(%arg23 : memref<!tpu.dma_semaphore, #tpu.memory_space<semaphore_mem>>)
    %dma_wait3A_99 = arith.constant 128 : i32
    %dma_wait3A_100 = tpu.memref_slice %arg20[%dma_wait3A_99] : memref<512xi32, #tpu.memory_space<vmem>> -> memref<64xi32, #tpu.memory_space<vmem>>
    %dma_wait3A_101 = arith.constant 0 : i32
    %dma_wait3A_102 = arith.constant 0 : i32
    %dma_wait3A_103 = tpu.memref_slice %arg12[%dma_wait3A_101, %dma_wait3A_102] : memref<100000x768xf32, #tpu.memory_space<hbm>> -> memref<100000x768xf32, #tpu.memory_space<hbm>>
    tpu.wait_indirect_dma semaphore(%arg23 : memref<!tpu.dma_semaphore, #tpu.memory_space<semaphore_mem>>) src(%dma_wait3A_103 : memref<100000x768xf32, #tpu.memory_space<hbm>>) dst(%arg21 : memref<64x768xf32, #tpu.memory_space<vmem>>)
    %add3A_104 = arith.constant 128 : i32
    %add3A_105 = arith.addi %mul3A_2, %add3A_104 : i32
    "tpu.region"() ({
      %run_scoped3A = tpu.sem_alloc : memref<!tpu.dma_semaphore, #tpu.memory_space<semaphore_mem>>
      %dma_start3A_166 = arith.constant 0 : i32
      %dma_start3A_167 = tpu.memref_slice %arg18[%add3A_105, %dma_start3A_166] : memref<16384x768xf32, #tpu.memory_space<hbm>> -> memref<64x768xf32, #tpu.memory_space<hbm>>
      %dma_start3A_168 = arith.constant 0 : i32
      %dma_start3A_169 = tpu.memref_slice %arg18[%add3A_105, %dma_start3A_168] : memref<16384x768xf32, #tpu.memory_space<hbm>> -> memref<64x768xf32, #tpu.memory_space<hbm>>
      tpu.enqueue_dma source(%arg21 : memref<64x768xf32, #tpu.memory_space<vmem>>) target(%dma_start3A_169 : memref<64x768xf32, #tpu.memory_space<hbm>>) target_semaphore(%run_scoped3A : memref<!tpu.dma_semaphore, #tpu.memory_space<semaphore_mem>>)
      %dma_wait3A_170 = arith.constant 0 : i32
      %dma_wait3A_171 = tpu.memref_slice %arg18[%add3A_105, %dma_wait3A_170] : memref<16384x768xf32, #tpu.memory_space<hbm>> -> memref<64x768xf32, #tpu.memory_space<hbm>>
      %dma_wait3A_172 = arith.constant 0 : i32
      %dma_wait3A_173 = tpu.memref_slice %arg18[%add3A_105, %dma_wait3A_172] : memref<16384x768xf32, #tpu.memory_space<hbm>> -> memref<64x768xf32, #tpu.memory_space<hbm>>
      tpu.wait_dma2 semaphore(%run_scoped3A : memref<!tpu.dma_semaphore, #tpu.memory_space<semaphore_mem>>) src(%arg21 : memref<64x768xf32, #tpu.memory_space<vmem>>) dst(%dma_wait3A_173 : memref<64x768xf32, #tpu.memory_space<hbm>>)
      tpu.yield
    }) : () -> ()
    %dma_start3A_106 = arith.constant 192 : i32
    %dma_start3A_107 = tpu.memref_slice %arg20[%dma_start3A_106] : memref<512xi32, #tpu.memory_space<vmem>> -> memref<64xi32, #tpu.memory_space<vmem>>
    %dma_start3A_108 = arith.constant 0 : i32
    %dma_start3A_109 = arith.constant 0 : i32
    %dma_start3A_110 = tpu.memref_slice %arg12[%dma_start3A_108, %dma_start3A_109] : memref<100000x768xf32, #tpu.memory_space<hbm>> -> memref<100000x768xf32, #tpu.memory_space<hbm>>
    tpu.enqueue_indirect_dma source(%dma_start3A_110 : memref<100000x768xf32, #tpu.memory_space<hbm>>) target(%arg21 : memref<64x768xf32, #tpu.memory_space<vmem>>) offsets(%dma_start3A_107 : memref<64xi32, #tpu.memory_space<vmem>>) semaphore(%arg23 : memref<!tpu.dma_semaphore, #tpu.memory_space<semaphore_mem>>)
    %dma_wait3A_111 = arith.constant 192 : i32
    %dma_wait3A_112 = tpu.memref_slice %arg20[%dma_wait3A_111] : memref<512xi32, #tpu.memory_space<vmem>> -> memref<64xi32, #tpu.memory_space<vmem>>
    %dma_wait3A_113 = arith.constant 0 : i32
    %dma_wait3A_114 = arith.constant 0 : i32
    %dma_wait3A_115 = tpu.memref_slice %arg12[%dma_wait3A_113, %dma_wait3A_114] : memref<100000x768xf32, #tpu.memory_space<hbm>> -> memref<100000x768xf32, #tpu.memory_space<hbm>>
    tpu.wait_indirect_dma semaphore(%arg23 : memref<!tpu.dma_semaphore, #tpu.memory_space<semaphore_mem>>) src(%dma_wait3A_115 : memref<100000x768xf32, #tpu.memory_space<hbm>>) dst(%arg21 : memref<64x768xf32, #tpu.memory_space<vmem>>)
    %add3A_116 = arith.constant 192 : i32
    %add3A_117 = arith.addi %mul3A_2, %add3A_116 : i32
    "tpu.region"() ({
      %run_scoped3A = tpu.sem_alloc : memref<!tpu.dma_semaphore, #tpu.memory_space<semaphore_mem>>
      %dma_start3A_166 = arith.constant 0 : i32
      %dma_start3A_167 = tpu.memref_slice %arg18[%add3A_117, %dma_start3A_166] : memref<16384x768xf32, #tpu.memory_space<hbm>> -> memref<64x768xf32, #tpu.memory_space<hbm>>
      %dma_start3A_168 = arith.constant 0 : i32
      %dma_start3A_169 = tpu.memref_slice %arg18[%add3A_117, %dma_start3A_168] : memref<16384x768xf32, #tpu.memory_space<hbm>> -> memref<64x768xf32, #tpu.memory_space<hbm>>
      tpu.enqueue_dma source(%arg21 : memref<64x768xf32, #tpu.memory_space<vmem>>) target(%dma_start3A_169 : memref<64x768xf32, #tpu.memory_space<hbm>>) target_semaphore(%run_scoped3A : memref<!tpu.dma_semaphore, #tpu.memory_space<semaphore_mem>>)
      %dma_wait3A_170 = arith.constant 0 : i32
      %dma_wait3A_171 = tpu.memref_slice %arg18[%add3A_117, %dma_wait3A_170] : memref<16384x768xf32, #tpu.memory_space<hbm>> -> memref<64x768xf32, #tpu.memory_space<hbm>>
      %dma_wait3A_172 = arith.constant 0 : i32
      %dma_wait3A_173 = tpu.memref_slice %arg18[%add3A_117, %dma_wait3A_172] : memref<16384x768xf32, #tpu.memory_space<hbm>> -> memref<64x768xf32, #tpu.memory_space<hbm>>
      tpu.wait_dma2 semaphore(%run_scoped3A : memref<!tpu.dma_semaphore, #tpu.memory_space<semaphore_mem>>) src(%arg21 : memref<64x768xf32, #tpu.memory_space<vmem>>) dst(%dma_wait3A_173 : memref<64x768xf32, #tpu.memory_space<hbm>>)
      tpu.yield
    }) : () -> ()
    %dma_start3A_118 = arith.constant 256 : i32
    %dma_start3A_119 = tpu.memref_slice %arg20[%dma_start3A_118] : memref<512xi32, #tpu.memory_space<vmem>> -> memref<64xi32, #tpu.memory_space<vmem>>
    %dma_start3A_120 = arith.constant 0 : i32
    %dma_start3A_121 = arith.constant 0 : i32
    %dma_start3A_122 = tpu.memref_slice %arg12[%dma_start3A_120, %dma_start3A_121] : memref<100000x768xf32, #tpu.memory_space<hbm>> -> memref<100000x768xf32, #tpu.memory_space<hbm>>
    tpu.enqueue_indirect_dma source(%dma_start3A_122 : memref<100000x768xf32, #tpu.memory_space<hbm>>) target(%arg21 : memref<64x768xf32, #tpu.memory_space<vmem>>) offsets(%dma_start3A_119 : memref<64xi32, #tpu.memory_space<vmem>>) semaphore(%arg23 : memref<!tpu.dma_semaphore, #tpu.memory_space<semaphore_mem>>)
    %dma_wait3A_123 = arith.constant 256 : i32
    %dma_wait3A_124 = tpu.memref_slice %arg20[%dma_wait3A_123] : memref<512xi32, #tpu.memory_space<vmem>> -> memref<64xi32, #tpu.memory_space<vmem>>
    %dma_wait3A_125 = arith.constant 0 : i32
    %dma_wait3A_126 = arith.constant 0 : i32
    %dma_wait3A_127 = tpu.memref_slice %arg12[%dma_wait3A_125, %dma_wait3A_126] : memref<100000x768xf32, #tpu.memory_space<hbm>> -> memref<100000x768xf32, #tpu.memory_space<hbm>>
    tpu.wait_indirect_dma semaphore(%arg23 : memref<!tpu.dma_semaphore, #tpu.memory_space<semaphore_mem>>) src(%dma_wait3A_127 : memref<100000x768xf32, #tpu.memory_space<hbm>>) dst(%arg21 : memref<64x768xf32, #tpu.memory_space<vmem>>)
    %add3A_128 = arith.constant 256 : i32
    %add3A_129 = arith.addi %mul3A_2, %add3A_128 : i32
    "tpu.region"() ({
      %run_scoped3A = tpu.sem_alloc : memref<!tpu.dma_semaphore, #tpu.memory_space<semaphore_mem>>
      %dma_start3A_166 = arith.constant 0 : i32
      %dma_start3A_167 = tpu.memref_slice %arg18[%add3A_129, %dma_start3A_166] : memref<16384x768xf32, #tpu.memory_space<hbm>> -> memref<64x768xf32, #tpu.memory_space<hbm>>
      %dma_start3A_168 = arith.constant 0 : i32
      %dma_start3A_169 = tpu.memref_slice %arg18[%add3A_129, %dma_start3A_168] : memref<16384x768xf32, #tpu.memory_space<hbm>> -> memref<64x768xf32, #tpu.memory_space<hbm>>
      tpu.enqueue_dma source(%arg21 : memref<64x768xf32, #tpu.memory_space<vmem>>) target(%dma_start3A_169 : memref<64x768xf32, #tpu.memory_space<hbm>>) target_semaphore(%run_scoped3A : memref<!tpu.dma_semaphore, #tpu.memory_space<semaphore_mem>>)
      %dma_wait3A_170 = arith.constant 0 : i32
      %dma_wait3A_171 = tpu.memref_slice %arg18[%add3A_129, %dma_wait3A_170] : memref<16384x768xf32, #tpu.memory_space<hbm>> -> memref<64x768xf32, #tpu.memory_space<hbm>>
      %dma_wait3A_172 = arith.constant 0 : i32
      %dma_wait3A_173 = tpu.memref_slice %arg18[%add3A_129, %dma_wait3A_172] : memref<16384x768xf32, #tpu.memory_space<hbm>> -> memref<64x768xf32, #tpu.memory_space<hbm>>
      tpu.wait_dma2 semaphore(%run_scoped3A : memref<!tpu.dma_semaphore, #tpu.memory_space<semaphore_mem>>) src(%arg21 : memref<64x768xf32, #tpu.memory_space<vmem>>) dst(%dma_wait3A_173 : memref<64x768xf32, #tpu.memory_space<hbm>>)
      tpu.yield
    }) : () -> ()
    %dma_start3A_130 = arith.constant 320 : i32
    %dma_start3A_131 = tpu.memref_slice %arg20[%dma_start3A_130] : memref<512xi32, #tpu.memory_space<vmem>> -> memref<64xi32, #tpu.memory_space<vmem>>
    %dma_start3A_132 = arith.constant 0 : i32
    %dma_start3A_133 = arith.constant 0 : i32
    %dma_start3A_134 = tpu.memref_slice %arg12[%dma_start3A_132, %dma_start3A_133] : memref<100000x768xf32, #tpu.memory_space<hbm>> -> memref<100000x768xf32, #tpu.memory_space<hbm>>
    tpu.enqueue_indirect_dma source(%dma_start3A_134 : memref<100000x768xf32, #tpu.memory_space<hbm>>) target(%arg21 : memref<64x768xf32, #tpu.memory_space<vmem>>) offsets(%dma_start3A_131 : memref<64xi32, #tpu.memory_space<vmem>>) semaphore(%arg23 : memref<!tpu.dma_semaphore, #tpu.memory_space<semaphore_mem>>)
    %dma_wait3A_135 = arith.constant 320 : i32
    %dma_wait3A_136 = tpu.memref_slice %arg20[%dma_wait3A_135] : memref<512xi32, #tpu.memory_space<vmem>> -> memref<64xi32, #tpu.memory_space<vmem>>
    %dma_wait3A_137 = arith.constant 0 : i32
    %dma_wait3A_138 = arith.constant 0 : i32
    %dma_wait3A_139 = tpu.memref_slice %arg12[%dma_wait3A_137, %dma_wait3A_138] : memref<100000x768xf32, #tpu.memory_space<hbm>> -> memref<100000x768xf32, #tpu.memory_space<hbm>>
    tpu.wait_indirect_dma semaphore(%arg23 : memref<!tpu.dma_semaphore, #tpu.memory_space<semaphore_mem>>) src(%dma_wait3A_139 : memref<100000x768xf32, #tpu.memory_space<hbm>>) dst(%arg21 : memref<64x768xf32, #tpu.memory_space<vmem>>)
    %add3A_140 = arith.constant 320 : i32
    %add3A_141 = arith.addi %mul3A_2, %add3A_140 : i32
    "tpu.region"() ({
      %run_scoped3A = tpu.sem_alloc : memref<!tpu.dma_semaphore, #tpu.memory_space<semaphore_mem>>
      %dma_start3A_166 = arith.constant 0 : i32
      %dma_start3A_167 = tpu.memref_slice %arg18[%add3A_141, %dma_start3A_166] : memref<16384x768xf32, #tpu.memory_space<hbm>> -> memref<64x768xf32, #tpu.memory_space<hbm>>
      %dma_start3A_168 = arith.constant 0 : i32
      %dma_start3A_169 = tpu.memref_slice %arg18[%add3A_141, %dma_start3A_168] : memref<16384x768xf32, #tpu.memory_space<hbm>> -> memref<64x768xf32, #tpu.memory_space<hbm>>
      tpu.enqueue_dma source(%arg21 : memref<64x768xf32, #tpu.memory_space<vmem>>) target(%dma_start3A_169 : memref<64x768xf32, #tpu.memory_space<hbm>>) target_semaphore(%run_scoped3A : memref<!tpu.dma_semaphore, #tpu.memory_space<semaphore_mem>>)
      %dma_wait3A_170 = arith.constant 0 : i32
      %dma_wait3A_171 = tpu.memref_slice %arg18[%add3A_141, %dma_wait3A_170] : memref<16384x768xf32, #tpu.memory_space<hbm>> -> memref<64x768xf32, #tpu.memory_space<hbm>>
      %dma_wait3A_172 = arith.constant 0 : i32
      %dma_wait3A_173 = tpu.memref_slice %arg18[%add3A_141, %dma_wait3A_172] : memref<16384x768xf32, #tpu.memory_space<hbm>> -> memref<64x768xf32, #tpu.memory_space<hbm>>
      tpu.wait_dma2 semaphore(%run_scoped3A : memref<!tpu.dma_semaphore, #tpu.memory_space<semaphore_mem>>) src(%arg21 : memref<64x768xf32, #tpu.memory_space<vmem>>) dst(%dma_wait3A_173 : memref<64x768xf32, #tpu.memory_space<hbm>>)
      tpu.yield
    }) : () -> ()
    %dma_start3A_142 = arith.constant 384 : i32
    %dma_start3A_143 = tpu.memref_slice %arg20[%dma_start3A_142] : memref<512xi32, #tpu.memory_space<vmem>> -> memref<64xi32, #tpu.memory_space<vmem>>
    %dma_start3A_144 = arith.constant 0 : i32
    %dma_start3A_145 = arith.constant 0 : i32
    %dma_start3A_146 = tpu.memref_slice %arg12[%dma_start3A_144, %dma_start3A_145] : memref<100000x768xf32, #tpu.memory_space<hbm>> -> memref<100000x768xf32, #tpu.memory_space<hbm>>
    tpu.enqueue_indirect_dma source(%dma_start3A_146 : memref<100000x768xf32, #tpu.memory_space<hbm>>) target(%arg21 : memref<64x768xf32, #tpu.memory_space<vmem>>) offsets(%dma_start3A_143 : memref<64xi32, #tpu.memory_space<vmem>>) semaphore(%arg23 : memref<!tpu.dma_semaphore, #tpu.memory_space<semaphore_mem>>)
    %dma_wait3A_147 = arith.constant 384 : i32
    %dma_wait3A_148 = tpu.memref_slice %arg20[%dma_wait3A_147] : memref<512xi32, #tpu.memory_space<vmem>> -> memref<64xi32, #tpu.memory_space<vmem>>
    %dma_wait3A_149 = arith.constant 0 : i32
    %dma_wait3A_150 = arith.constant 0 : i32
    %dma_wait3A_151 = tpu.memref_slice %arg12[%dma_wait3A_149, %dma_wait3A_150] : memref<100000x768xf32, #tpu.memory_space<hbm>> -> memref<100000x768xf32, #tpu.memory_space<hbm>>
    tpu.wait_indirect_dma semaphore(%arg23 : memref<!tpu.dma_semaphore, #tpu.memory_space<semaphore_mem>>) src(%dma_wait3A_151 : memref<100000x768xf32, #tpu.memory_space<hbm>>) dst(%arg21 : memref<64x768xf32, #tpu.memory_space<vmem>>)
    %add3A_152 = arith.constant 384 : i32
    %add3A_153 = arith.addi %mul3A_2, %add3A_152 : i32
    "tpu.region"() ({
      %run_scoped3A = tpu.sem_alloc : memref<!tpu.dma_semaphore, #tpu.memory_space<semaphore_mem>>
      %dma_start3A_166 = arith.constant 0 : i32
      %dma_start3A_167 = tpu.memref_slice %arg18[%add3A_153, %dma_start3A_166] : memref<16384x768xf32, #tpu.memory_space<hbm>> -> memref<64x768xf32, #tpu.memory_space<hbm>>
      %dma_start3A_168 = arith.constant 0 : i32
      %dma_start3A_169 = tpu.memref_slice %arg18[%add3A_153, %dma_start3A_168] : memref<16384x768xf32, #tpu.memory_space<hbm>> -> memref<64x768xf32, #tpu.memory_space<hbm>>
      tpu.enqueue_dma source(%arg21 : memref<64x768xf32, #tpu.memory_space<vmem>>) target(%dma_start3A_169 : memref<64x768xf32, #tpu.memory_space<hbm>>) target_semaphore(%run_scoped3A : memref<!tpu.dma_semaphore, #tpu.memory_space<semaphore_mem>>)
      %dma_wait3A_170 = arith.constant 0 : i32
      %dma_wait3A_171 = tpu.memref_slice %arg18[%add3A_153, %dma_wait3A_170] : memref<16384x768xf32, #tpu.memory_space<hbm>> -> memref<64x768xf32, #tpu.memory_space<hbm>>
      %dma_wait3A_172 = arith.constant 0 : i32
      %dma_wait3A_173 = tpu.memref_slice %arg18[%add3A_153, %dma_wait3A_172] : memref<16384x768xf32, #tpu.memory_space<hbm>> -> memref<64x768xf32, #tpu.memory_space<hbm>>
      tpu.wait_dma2 semaphore(%run_scoped3A : memref<!tpu.dma_semaphore, #tpu.memory_space<semaphore_mem>>) src(%arg21 : memref<64x768xf32, #tpu.memory_space<vmem>>) dst(%dma_wait3A_173 : memref<64x768xf32, #tpu.memory_space<hbm>>)
      tpu.yield
    }) : () -> ()
    %dma_start3A_154 = arith.constant 448 : i32
    %dma_start3A_155 = tpu.memref_slice %arg20[%dma_start3A_154] : memref<512xi32, #tpu.memory_space<vmem>> -> memref<64xi32, #tpu.memory_space<vmem>>
    %dma_start3A_156 = arith.constant 0 : i32
    %dma_start3A_157 = arith.constant 0 : i32
    %dma_start3A_158 = tpu.memref_slice %arg12[%dma_start3A_156, %dma_start3A_157] : memref<100000x768xf32, #tpu.memory_space<hbm>> -> memref<100000x768xf32, #tpu.memory_space<hbm>>
    tpu.enqueue_indirect_dma source(%dma_start3A_158 : memref<100000x768xf32, #tpu.memory_space<hbm>>) target(%arg21 : memref<64x768xf32, #tpu.memory_space<vmem>>) offsets(%dma_start3A_155 : memref<64xi32, #tpu.memory_space<vmem>>) semaphore(%arg23 : memref<!tpu.dma_semaphore, #tpu.memory_space<semaphore_mem>>)
    %dma_wait3A_159 = arith.constant 448 : i32
    %dma_wait3A_160 = tpu.memref_slice %arg20[%dma_wait3A_159] : memref<512xi32, #tpu.memory_space<vmem>> -> memref<64xi32, #tpu.memory_space<vmem>>
    %dma_wait3A_161 = arith.constant 0 : i32
    %dma_wait3A_162 = arith.constant 0 : i32
    %dma_wait3A_163 = tpu.memref_slice %arg12[%dma_wait3A_161, %dma_wait3A_162] : memref<100000x768xf32, #tpu.memory_space<hbm>> -> memref<100000x768xf32, #tpu.memory_space<hbm>>
    tpu.wait_indirect_dma semaphore(%arg23 : memref<!tpu.dma_semaphore, #tpu.memory_space<semaphore_mem>>) src(%dma_wait3A_163 : memref<100000x768xf32, #tpu.memory_space<hbm>>) dst(%arg21 : memref<64x768xf32, #tpu.memory_space<vmem>>)
    %add3A_164 = arith.constant 448 : i32
    %add3A_165 = arith.addi %mul3A_2, %add3A_164 : i32
    "tpu.region"() ({
      %run_scoped3A = tpu.sem_alloc : memref<!tpu.dma_semaphore, #tpu.memory_space<semaphore_mem>>
      %dma_start3A_166 = arith.constant 0 : i32
      %dma_start3A_167 = tpu.memref_slice %arg18[%add3A_165, %dma_start3A_166] : memref<16384x768xf32, #tpu.memory_space<hbm>> -> memref<64x768xf32, #tpu.memory_space<hbm>>
      %dma_start3A_168 = arith.constant 0 : i32
      %dma_start3A_169 = tpu.memref_slice %arg18[%add3A_165, %dma_start3A_168] : memref<16384x768xf32, #tpu.memory_space<hbm>> -> memref<64x768xf32, #tpu.memory_space<hbm>>
      tpu.enqueue_dma source(%arg21 : memref<64x768xf32, #tpu.memory_space<vmem>>) target(%dma_start3A_169 : memref<64x768xf32, #tpu.memory_space<hbm>>) target_semaphore(%run_scoped3A : memref<!tpu.dma_semaphore, #tpu.memory_space<semaphore_mem>>)
      %dma_wait3A_170 = arith.constant 0 : i32
      %dma_wait3A_171 = tpu.memref_slice %arg18[%add3A_165, %dma_wait3A_170] : memref<16384x768xf32, #tpu.memory_space<hbm>> -> memref<64x768xf32, #tpu.memory_space<hbm>>
      %dma_wait3A_172 = arith.constant 0 : i32
      %dma_wait3A_173 = tpu.memref_slice %arg18[%add3A_165, %dma_wait3A_172] : memref<16384x768xf32, #tpu.memory_space<hbm>> -> memref<64x768xf32, #tpu.memory_space<hbm>>
      tpu.wait_dma2 semaphore(%run_scoped3A : memref<!tpu.dma_semaphore, #tpu.memory_space<semaphore_mem>>) src(%arg21 : memref<64x768xf32, #tpu.memory_space<vmem>>) dst(%dma_wait3A_173 : memref<64x768xf32, #tpu.memory_space<hbm>>)
      tpu.yield
    }) : () -> ()
    return
  }
}

module attributes {stable_mosaic.version = 14 : i64} {
  func.func @_tc_body(%arg0: i32, %arg1: memref<512x50xf32, #tpu.memory_space<vmem>>, %arg2: memref<512x50xf32, #tpu.memory_space<vmem>>, %arg3: memref<512x50xf32, #tpu.memory_space<vmem>>, %arg4: memref<512x50xf32, #tpu.memory_space<vmem>>, %arg5: memref<512x50xf32, #tpu.memory_space<vmem>>, %arg6: memref<512x768xf32, #tpu.memory_space<vmem>>, %arg7: memref<768x50xf32, #tpu.memory_space<vmem>>, %arg8: memref<50xf32, #tpu.memory_space<vmem>>, %arg9: memref<250x50xf32, #tpu.memory_space<vmem>>, %arg10: memref<50xf32, #tpu.memory_space<vmem>>, %arg11: memref<512xf32, #tpu.memory_space<vmem>>) attributes {dimension_semantics = [#tpu.dimension_semantics<arbitrary>], iteration_bounds = array<i64: 32>, scalar_prefetch = 0 : i64, scratch_operands = 0 : i64, tpu.core_type = #tpu.core_type<tc>, window_params = [{transform_indices = @transform_0, window_bounds = array<i64: 512, 50>}, {transform_indices = @transform_1, window_bounds = array<i64: 512, 50>}, {transform_indices = @transform_2, window_bounds = array<i64: 512, 50>}, {transform_indices = @transform_3, window_bounds = array<i64: 512, 50>}, {transform_indices = @transform_4, window_bounds = array<i64: 512, 50>}, {transform_indices = @transform_5, window_bounds = array<i64: 512, 768>}, {pipeline_mode = #tpu.pipeline_mode<synchronous>, transform_indices = @transform_6, window_bounds = array<i64: 768, 50>}, {pipeline_mode = #tpu.pipeline_mode<synchronous>, transform_indices = @transform_7, window_bounds = array<i64: 50>}, {pipeline_mode = #tpu.pipeline_mode<synchronous>, transform_indices = @transform_8, window_bounds = array<i64: 250, 50>}, {pipeline_mode = #tpu.pipeline_mode<synchronous>, transform_indices = @transform_9, window_bounds = array<i64: 50>}, {transform_indices = @transform_10, window_bounds = array<i64: 512>}]} {
    %get3A = arith.constant 0 : index
    %get3A_0 = arith.constant 0 : index
    %get3A_1 = vector.load %arg6[%get3A, %get3A_0] : memref<512x768xf32, #tpu.memory_space<vmem>>, vector<512x768xf32>
    %get3A_2 = arith.constant 0 : index
    %get3A_3 = arith.constant 0 : index
    %get3A_4 = vector.load %arg7[%get3A_2, %get3A_3] : memref<768x50xf32, #tpu.memory_space<vmem>>, vector<768x50xf32>
    %dot_general3A = arith.constant dense<0.000000e+00> : vector<512x50xf32>
    %dot_general3A_5 = tpu.matmul %get3A_1, %get3A_4, %dot_general3A {dimension_numbers = #tpu.dot_dimension_numbers<[1], [0], [0], [1], [0, 0, 1, 1], [], []>, transpose_lhs_hint = false} : vector<512x768xf32>, vector<768x50xf32>, vector<512x50xf32> -> vector<512x50xf32>
    %get3A_6 = arith.constant 0 : index
    %get3A_7 = vector.load %arg8[%get3A_6] : memref<50xf32, #tpu.memory_space<vmem>>, vector<50xf32>
    %broadcast_in_dim3A = vector.shape_cast %get3A_7 : vector<50xf32> to vector<1x50xf32>
    %add3A = vector.broadcast %broadcast_in_dim3A : vector<1x50xf32> to vector<512x50xf32>
    %add3A_8 = arith.addf %dot_general3A_5, %add3A : vector<512x50xf32>
    %logistic3A = arith.negf %add3A_8 : vector<512x50xf32>
    %logistic3A_9 = math.exp %logistic3A : vector<512x50xf32>
    %logistic3A_10 = arith.constant 1.000000e+00 : f32
    %logistic3A_11 = vector.broadcast %logistic3A_10 : f32 to vector<512x50xf32>
    %logistic3A_12 = arith.addf %logistic3A_11, %logistic3A_9 : vector<512x50xf32>
    %logistic3A_13 = arith.divf %logistic3A_11, %logistic3A_12 : vector<512x50xf32>
    %get3A_14 = arith.constant 0 : index
    %get3A_15 = arith.constant 0 : index
    %get3A_16 = vector.load %arg9[%get3A_14, %get3A_15] : memref<250x50xf32, #tpu.memory_space<vmem>>, vector<250x50xf32>
    %get3A_17 = arith.constant 0 : index
    %get3A_18 = arith.constant 0 : index
    %get3A_19 = vector.load %arg2[%get3A_17, %get3A_18] : memref<512x50xf32, #tpu.memory_space<vmem>>, vector<512x50xf32>
    %slice3A = vector.extract_strided_slice %get3A_16 {offsets = [0, 0], sizes = [50, 50], strides = [1, 1]} : vector<250x50xf32> to vector<50x50xf32>
    %dot_general3A_20 = arith.constant dense<0.000000e+00> : vector<512x50xf32>
    %dot_general3A_21 = tpu.matmul %get3A_19, %slice3A, %dot_general3A_20 {dimension_numbers = #tpu.dot_dimension_numbers<[1], [0], [0], [1], [0, 0, 1, 1], [], []>, transpose_lhs_hint = false} : vector<512x50xf32>, vector<50x50xf32>, vector<512x50xf32> -> vector<512x50xf32>
    %slice3A_22 = vector.extract_strided_slice %get3A_16 {offsets = [50, 0], sizes = [50, 50], strides = [1, 1]} : vector<250x50xf32> to vector<50x50xf32>
    %dot_general3A_23 = arith.constant dense<0.000000e+00> : vector<512x50xf32>
    %dot_general3A_24 = tpu.matmul %logistic3A_13, %slice3A_22, %dot_general3A_23 {dimension_numbers = #tpu.dot_dimension_numbers<[1], [0], [0], [1], [0, 0, 1, 1], [], []>, transpose_lhs_hint = false} : vector<512x50xf32>, vector<50x50xf32>, vector<512x50xf32> -> vector<512x50xf32>
    %add3A_25 = arith.addf %dot_general3A_21, %dot_general3A_24 : vector<512x50xf32>
    %get3A_26 = arith.constant 0 : index
    %get3A_27 = arith.constant 0 : index
    %get3A_28 = vector.load %arg3[%get3A_26, %get3A_27] : memref<512x50xf32, #tpu.memory_space<vmem>>, vector<512x50xf32>
    %slice3A_29 = vector.extract_strided_slice %get3A_16 {offsets = [100, 0], sizes = [50, 50], strides = [1, 1]} : vector<250x50xf32> to vector<50x50xf32>
    %dot_general3A_30 = arith.constant dense<0.000000e+00> : vector<512x50xf32>
    %dot_general3A_31 = tpu.matmul %get3A_28, %slice3A_29, %dot_general3A_30 {dimension_numbers = #tpu.dot_dimension_numbers<[1], [0], [0], [1], [0, 0, 1, 1], [], []>, transpose_lhs_hint = false} : vector<512x50xf32>, vector<50x50xf32>, vector<512x50xf32> -> vector<512x50xf32>
    %add3A_32 = arith.addf %add3A_25, %dot_general3A_31 : vector<512x50xf32>
    %get3A_33 = arith.constant 0 : index
    %get3A_34 = arith.constant 0 : index
    %get3A_35 = vector.load %arg4[%get3A_33, %get3A_34] : memref<512x50xf32, #tpu.memory_space<vmem>>, vector<512x50xf32>
    %slice3A_36 = vector.extract_strided_slice %get3A_16 {offsets = [150, 0], sizes = [50, 50], strides = [1, 1]} : vector<250x50xf32> to vector<50x50xf32>
    %dot_general3A_37 = arith.constant dense<0.000000e+00> : vector<512x50xf32>
    %dot_general3A_38 = tpu.matmul %get3A_35, %slice3A_36, %dot_general3A_37 {dimension_numbers = #tpu.dot_dimension_numbers<[1], [0], [0], [1], [0, 0, 1, 1], [], []>, transpose_lhs_hint = false} : vector<512x50xf32>, vector<50x50xf32>, vector<512x50xf32> -> vector<512x50xf32>
    %add3A_39 = arith.addf %add3A_32, %dot_general3A_38 : vector<512x50xf32>
    %get3A_40 = arith.constant 0 : index
    %get3A_41 = arith.constant 0 : index
    %get3A_42 = vector.load %arg5[%get3A_40, %get3A_41] : memref<512x50xf32, #tpu.memory_space<vmem>>, vector<512x50xf32>
    %slice3A_43 = vector.extract_strided_slice %get3A_16 {offsets = [200, 0], sizes = [50, 50], strides = [1, 1]} : vector<250x50xf32> to vector<50x50xf32>
    %dot_general3A_44 = arith.constant dense<0.000000e+00> : vector<512x50xf32>
    %dot_general3A_45 = tpu.matmul %get3A_42, %slice3A_43, %dot_general3A_44 {dimension_numbers = #tpu.dot_dimension_numbers<[1], [0], [0], [1], [0, 0, 1, 1], [], []>, transpose_lhs_hint = false} : vector<512x50xf32>, vector<50x50xf32>, vector<512x50xf32> -> vector<512x50xf32>
    %add3A_46 = arith.addf %add3A_39, %dot_general3A_45 : vector<512x50xf32>
    %get3A_47 = arith.constant 0 : index
    %get3A_48 = vector.load %arg10[%get3A_47] : memref<50xf32, #tpu.memory_space<vmem>>, vector<50xf32>
    %broadcast_in_dim3A_49 = vector.shape_cast %get3A_48 : vector<50xf32> to vector<1x50xf32>
    %add3A_50 = vector.broadcast %broadcast_in_dim3A_49 : vector<1x50xf32> to vector<512x50xf32>
    %add3A_51 = arith.addf %add3A_46, %add3A_50 : vector<512x50xf32>
    %logistic3A_52 = arith.negf %add3A_51 : vector<512x50xf32>
    %logistic3A_53 = math.exp %logistic3A_52 : vector<512x50xf32>
    %logistic3A_54 = arith.constant 1.000000e+00 : f32
    %logistic3A_55 = vector.broadcast %logistic3A_54 : f32 to vector<512x50xf32>
    %logistic3A_56 = arith.addf %logistic3A_55, %logistic3A_53 : vector<512x50xf32>
    %logistic3A_57 = arith.divf %logistic3A_55, %logistic3A_56 : vector<512x50xf32>
    %get3A_58 = arith.constant 0 : index
    %get3A_59 = arith.constant 0 : index
    %get3A_60 = vector.load %arg1[%get3A_58, %get3A_59] : memref<512x50xf32, #tpu.memory_space<vmem>>, vector<512x50xf32>
    %mul3A = arith.mulf %get3A_60, %logistic3A_57 : vector<512x50xf32>
    %reduce_sum3A = arith.constant dense<0.000000e+00> : vector<512xf32>
    %reduce_sum3A_61 = vector.multi_reduction <add>, %mul3A, %reduce_sum3A [1] : vector<512x50xf32> to vector<512xf32>
    %logistic3A_62 = arith.negf %reduce_sum3A_61 : vector<512xf32>
    %logistic3A_63 = math.exp %logistic3A_62 : vector<512xf32>
    %logistic3A_64 = arith.constant 1.000000e+00 : f32
    %logistic3A_65 = vector.broadcast %logistic3A_64 : f32 to vector<512xf32>
    %logistic3A_66 = arith.addf %logistic3A_65, %logistic3A_63 : vector<512xf32>
    %logistic3A_67 = arith.divf %logistic3A_65, %logistic3A_66 : vector<512xf32>
    %swap3A = arith.constant 0 : index
    %swap3A_68 = vector.load %arg11[%swap3A] : memref<512xf32, #tpu.memory_space<vmem>>, vector<512xf32>
    tpu.vector_store %arg11[%swap3A], %logistic3A_67 {strides = array<i32>} : memref<512xf32, #tpu.memory_space<vmem>>, vector<512xf32>,
    return
  }
  func.func @transform_0(%arg0: i32) -> (i32, i32) {
    %c0_i32 = arith.constant 0 : i32
    %c0_i32_0 = arith.constant 0 : i32
    return %arg0, %c0_i32 : i32, i32
  }
  func.func @transform_1(%arg0: i32) -> (i32, i32) {
    %c0_i32 = arith.constant 0 : i32
    %c0_i32_0 = arith.constant 0 : i32
    return %arg0, %c0_i32 : i32, i32
  }
  func.func @transform_2(%arg0: i32) -> (i32, i32) {
    %c0_i32 = arith.constant 0 : i32
    %c0_i32_0 = arith.constant 0 : i32
    return %arg0, %c0_i32 : i32, i32
  }
  func.func @transform_3(%arg0: i32) -> (i32, i32) {
    %c0_i32 = arith.constant 0 : i32
    %c0_i32_0 = arith.constant 0 : i32
    return %arg0, %c0_i32 : i32, i32
  }
  func.func @transform_4(%arg0: i32) -> (i32, i32) {
    %c0_i32 = arith.constant 0 : i32
    %c0_i32_0 = arith.constant 0 : i32
    return %arg0, %c0_i32 : i32, i32
  }
  func.func @transform_5(%arg0: i32) -> (i32, i32) {
    %c0_i32 = arith.constant 0 : i32
    %c0_i32_0 = arith.constant 0 : i32
    return %arg0, %c0_i32 : i32, i32
  }
  func.func @transform_6(%arg0: i32) -> (i32, i32) {
    %c0_i32 = arith.constant 0 : i32
    %c0_i32_0 = arith.constant 0 : i32
    %c0_i32_1 = arith.constant 0 : i32
    return %c0_i32, %c0_i32_0 : i32, i32
  }
  func.func @transform_7(%arg0: i32) -> i32 {
    %c0_i32 = arith.constant 0 : i32
    %c0_i32_0 = arith.constant 0 : i32
    return %c0_i32 : i32
  }
  func.func @transform_8(%arg0: i32) -> (i32, i32) {
    %c0_i32 = arith.constant 0 : i32
    %c0_i32_0 = arith.constant 0 : i32
    %c0_i32_1 = arith.constant 0 : i32
    return %c0_i32, %c0_i32_0 : i32, i32
  }
  func.func @transform_9(%arg0: i32) -> i32 {
    %c0_i32 = arith.constant 0 : i32
    %c0_i32_0 = arith.constant 0 : i32
    return %c0_i32 : i32
  }
  func.func @transform_10(%arg0: i32) -> i32 {
    %c0_i32 = arith.constant 0 : i32
    return %arg0 : i32
  }
}

</mosaic_0001>

<sc_bundles>
// kernel: kernel.4.cloned.1.call-start
scs
__scs_entry_jumppad:
0x0: {  	(pc) =	sbr.rel $0x88, $3  }
0x1: {  	(tag) =	ssettag $0x0;
	lr =	simm.s32 $0x1  }
0x2: {  	[smem:$0x3F92] =	sst lr;
	_ =	strace $0xD0000000  }
0x3: {  	_ = 	snop  }
0x4: {  	_ = 	snop  }
0x5: {  	_ = 	snop  }
0x6: {  	_ = 	snop  }
0x7: {  	_ = 	snop  }
__scs_overlays_trampoline_lowered:
0x8: {  	[smem:$0x3FA1] =	sst s0  }
0x9: {  	[smem:$0x3FA2] =	sst s1  }
0xa: {  	[smem:$0x3FA3] =	sst s2  }
0xb: {  	[smem:$0x3FA4] =	sst s3  }
0xc: {  	[smem:$0x3FA5] =	sst s4  }
0xd: {  	[smem:$0x3FA6] =	sst s5  }
0xe: {  	[smem:$0x3FA7] =	sst s6  }
0xf: {  	[smem:$0x3FA8] =	sst s7  }
0x10: {  	[smem:$0x3FA9] =	sst s8  }
0x11: {  	[smem:$0x3FAA] =	sst s9;
	s0 =	simm.s32 @!p0 $0x0  }
0x12: {  	s1 =	sld [smem:$0x3F90];
	s0 =	simm.s32 @p0 $0x1  }
0x13: {  	[smem:$0x3FAB] =	sst s0;
	s0 =	simm.s32 @!p1 $0x0  }
0x14: {  	s2 =	sld [smem:$0x3F8F];
	s0 =	simm.s32 @p1 $0x1  }
0x15: {  	[smem:$0x3FAC] =	sst s0;
	s0 =	simm.s32 @!p2 $0x0  }
0x16: {  	s3 =	sld [smem:$0x3FDB];
	s0 =	simm.s32 @p2 $0x1  }
0x17: {  	s4 =	simm.s32 $0x1BF5;
	[smem:$0x3FAE] =	sst s0  }
0x18: {  	s0 =	sld [smem:$0x3F91];
	_ =	swait.ge [sflag:s4], $0x0  }
0x19: {  	s7 =	sld [smem:$0x3F92]  }
0x1a: {  	s8 =	sadd.s32 $0xFFFFE003, lr  }
0x1b: {  	s9 =	sadd.s32 $0xFFFFFEF7, lr;
	s5 =	simm.s32 $0xFFFFFFFF;
	p2 =	slt.u32 s8, $0xFFFFF086  }
0x1c: {  	p1 =	slt.u32 s9, $0xF7A;
	s5 =	simm.s32 @!p2 $0x0  }
0x1d: {  	s5 =	simm.s32 @p1 $0x1;
	p0 =	seq.s32 s7, s2  }
0x1e: {  	s7 =	smul.u32 @!p0 $0xF7A, s2;
	p2 =	seq.s32 @!p0 s5, $0x0  }
0x1f: {  	s9 =	smul.u32 $0xF7A, s1;
	s8 =	simm.s32 @!p0 $0x1BF5;
	p2 =	por !p2, p0  }
0x20: {  	[sflag:s8] =	ssyncset.s32 @!p0 $0xFFFFF086;
	s6 =	sadd.s32 @!p0 s3, s7;
	s7 =	simm.s32 @!p0 $0x108  }
0x21: {  	s3 =	sadd.s32 s3, s9;
	s6 =	sadd.s32 @!p0 $0x88, s6;
	s7 =	simm.s32 @p2 $0x1082  }
0x22: {  	[simem:s7], [sflag:s8] =	dma.local @!p0 [hbm:s6], $0xF7A  }
0x23: {  	s9 =	sor.u32 $0xD0000000, s2;
	s6 =	simm.s32 $0x108;
	_ =	swait.ge @!p0 [sflag:s8], $0x0  }
0x24: {  	s3 =	sadd.s32 $0x88, s3;
	s6 =	simm.s32 @!p1 $0x1082;
	[sflag:s4] =	ssyncset.s32 $0xFFFFF086  }
0x25: {  	[simem:s6], [sflag:s4] =	dma.local [hbm:s3], $0xF7A  }
0x26: {  	[smem:$0x3F92] =	sst s1;
	(tag) =	ssettag s2;
	_ =	strace s9  }
0x27: {  	s1 =	sld [smem:$0x3FA2]  }
0x28: {  	s2 =	sld [smem:$0x3FA3]  }
0x29: {  	s4 =	sld [smem:$0x3FA5]  }
0x2a: {  	p0 =	seq.s32 s5, $0x0;
	s5 =	sld [smem:$0x3FA6]  }
0x2b: {  	s6 =	sld [smem:$0x3FA7]  }
0x2c: {  	s7 =	sld [smem:$0x3FA8]  }
0x2d: {  	s3 =	simm.s32 $0x108;
	s8 =	sld [smem:$0x3FA9]  }
0x2e: {  	s3 =	simm.s32 @!p0 $0x1082;
	s9 =	sld [smem:$0x3FAA]  }
0x2f: {  	lr =	sadd.s32 s0, s3;
	s0 =	sld [smem:$0x3FA1]  }
0x30: {  	s3 =	sld [smem:$0x3FA4]  }
0x31: {  	[smem:$0x3FAD] =	sst s10  }
0x32: {  	s10 =	sld [smem:$0x3FAB];
	_ =	sdelay $0x3  }
0x33: {  	p0 =	seq.s32 s10, $0x1;
	s10 =	sld [smem:$0x3FAD];
	_ =	sdelay $0x3  }
0x34: {  	[smem:$0x3FAD] =	sst s10  }
0x35: {  	s10 =	sld [smem:$0x3FAC];
	_ =	sdelay $0x3  }
0x36: {  	p1 =	seq.s32 s10, $0x1;
	s10 =	sld [smem:$0x3FAD];
	_ =	sdelay $0x3  }
0x37: {  	[smem:$0x3FAD] =	sst s10  }
0x38: {  	s10 =	sld [smem:$0x3FAE]  }
0x39: {  	_ = 	snop;
	(pc) =	sbr.ind lr, $3  }
0x3a: {  	_ = 	snop  }
0x3b: {  	_ = 	snop  }
0x3c: {  	p2 =	seq.s32 s10, $0x1;
	s10 =	sld [smem:$0x3FAD]  }
0x3d: {  	_ =	shalt  }
0x3e: {  	_ =	shalt  }
0x3f: {  	_ =	shalt  }
0x40: {  	_ =	shalt  }
0x41: {  	_ =	shalt  }
0x42: {  	_ =	shalt  }
0x43: {  	_ =	shalt  }
0x44: {  	_ =	shalt  }
0x45: {  	_ =	shalt  }
0x46: {  	_ =	shalt  }
0x47: {  	_ =	shalt  }
0x48: {  	_ =	shalt  }
0x49: {  	_ =	shalt  }
0x4a: {  	_ =	shalt  }
0x4b: {  	_ =	shalt  }
0x4c: {  	_ =	shalt  }
0x4d: {  	_ =	shalt  }
0x4e: {  	_ =	shalt  }
0x4f: {  	_ =	shalt  }
0x50: {  	_ =	shalt  }
0x51: {  	_ =	shalt  }
0x52: {  	_ =	shalt  }
0x53: {  	_ =	shalt  }
0x54: {  	_ =	shalt  }
0x55: {  	_ =	shalt  }
0x56: {  	_ =	shalt  }
0x57: {  	_ =	shalt  }
0x58: {  	_ =	shalt  }
0x59: {  	_ =	shalt  }
0x5a: {  	_ =	shalt  }
0x5b: {  	_ =	shalt  }
0x5c: {  	_ =	shalt  }
0x5d: {  	_ =	shalt  }
0x5e: {  	_ =	shalt  }
0x5f: {  	_ =	shalt  }
0x60: {  	_ =	shalt  }
0x61: {  	_ =	shalt  }
0x62: {  	_ =	shalt  }
0x63: {  	_ =	shalt  }
0x64: {  	_ =	shalt  }
0x65: {  	_ =	shalt  }
0x66: {  	_ =	shalt  }
0x67: {  	_ =	shalt  }
0x68: {  	_ =	shalt  }
0x69: {  	_ =	shalt  }
0x6a: {  	_ =	shalt  }
0x6b: {  	_ =	shalt  }
0x6c: {  	_ =	shalt  }
0x6d: {  	_ =	shalt  }
0x6e: {  	_ =	shalt  }
0x6f: {  	_ =	shalt  }
0x70: {  	_ =	shalt  }
0x71: {  	_ =	shalt  }
0x72: {  	_ =	shalt  }
0x73: {  	_ =	shalt  }
0x74: {  	_ =	shalt  }
0x75: {  	_ =	shalt  }
0x76: {  	_ =	shalt  }
0x77: {  	_ =	shalt  }
0x78: {  	_ =	shalt  }
0x79: {  	_ =	shalt  }
0x7a: {  	_ =	shalt  }
0x7b: {  	_ =	shalt  }
0x7c: {  	_ =	shalt  }
0x7d: {  	_ =	shalt  }
0x7e: {  	_ =	shalt  }
0x7f: {  	_ =	shalt  }
0x80: {  	_ =	shalt  }
0x81: {  	_ =	shalt  }
0x82: {  	_ =	shalt  }
0x83: {  	_ =	shalt  }
0x84: {  	_ =	shalt  }
0x85: {  	_ =	shalt  }
0x86: {  	_ =	shalt  }
0x87: {  	_ =	shalt  }
.Lfunc_end0:
.L_simem_size_0:
called_computation_lowered:
.L_overlay_start_0:
0x88: {  	s2 =	sld [smem:$0x3FD9]  }
0x89: {  	s3 =	sld [smem:$0x3FFE];
	_ =	sdelay $0x1  }
0x8a: {  	s1 =	srdreg.scid  }
0x8b: {  	s0 =	sand.u32 $0x1, s1  }
0x8c: {  	s17 =	sshll.u32 s0, $0xA;
	s2 =	sadd.s32 s3, s2  }
0x8d: {  	s2 =	sadd.s32 s2, s17  }
0x8e: {  	[smem:$0x3FB9] =	sst s2  }
0x8f: {  	_ = 	snop  }
0x90: {  	s2 =	sld [smem:$0x3FC9]  }
0x91: {  	s18 =	sld [smem:$0x3FC8]  }
0x92: {  	s4 =	sld [smem:$0x3FC7]  }
0x93: {  	s5 =	sld [smem:$0x3FC6]  }
0x94: {  	s6 =	sld [smem:$0x3FBF]  }
0x95: {  	s7 =	sld [smem:$0x3FD0];
	(tm) =	ssettm $0x1  }
0x96: {  	s8 =	sld [smem:$0x3FFB];
	_ =	sdelay $0x3  }
0x97: {  	_ =	strace s8  }
0x98: {  	s8 =	sld [smem:$0x3FFC];
	_ =	sdelay $0x3  }
0x99: {  	_ =	strace s8  }
0x9a: {  	s8 =	sld [smem:$0x3FFD];
	_ =	sdelay $0x3  }
0x9b: {  	_ =	strace s8  }
0x9c: {  	_ =	strace $0x8FFFFFFF  }
0x9d: {  	s19 =	sld [smem:$0x3FDB];
	_ =	sdelay $0x1  }
0x9e: {  	s9 =	simm.s32 $_scs_section_size  }
0x9f: {  	s10 =	simm.s32 $_size__tile_overlayer_lowered;
	s11 =	simm.s32 $_tile_overlayer_lowered  }
0xa0: {  	s22 =	simm.s32 $0x1BFF;
	s21 =	sshll.u32 s11, $0x1;
	s8 =	sadd.s32 s9, s19  }
0xa1: {  	s12 =	simm.s32 $0x0;
	s20 =	sshll.u32 s10, $0x1;
	s10 =	sadd.s32 s21, s8  }
0xa2: {  	[timem:s12], [sflag:s22] =	dma.local [hbm:s10], s20  }
0xa3: {  	_ =	swait.ge [sflag:s22], s20  }
0xa4: {  	s9 =	ssub.s32 $0x0, s20;
	[sflag:s22] =	ssyncset.done $0x0  }
0xa5: {  	[sflag:s22] =	ssyncadd.s32 s9;
	_ =	sdelay $0x1  }
0xa6: {  	s23 =	simm.s32 $0x1B8B  }
0xa7: {  	_ =	swait.ge [sflag:s23], $0x1  }
0xa8: {  	[sflag:s23] =	ssyncset.done $0x0  }
0xa9: {  	s25 =	simm.s32 $0x1B8E;
	s24 =	sld [smem:$0x3FFE];
	[sflag:s23] =	ssyncadd.s32 $0xFFFFFFFF  }
0xaa: {  	s26 =	simm.s32 $execute0_lowered;
	[smem:$0x3FD2] =	sst s25  }
0xab: {  	s10 =	sshll.u32 s26, $0x1;
	_ =	strace $0x80000046;
	[dreg:$0x1] =	wrdreg $0xFFFFFFFF  }
0xac: {  	s28 =	simm.s32 $_size_execute0_lowered;
	s8 =	sadd.s32 s8, s10;
	[dreg:$0x0] =	wrdreg $0x0  }
0xad: {  	s10 =	sshll.u32 s28, $0x1;
	[dreg:$0x2] =	wrdreg s8  }
0xae: {  	[dreg:$0x3] =	wrdreg s10  }
0xaf: {  	[dreg:$0x4] =	wrdreg $0xC0  }
0xb0: {  	_ =	task [dreg:s12], $0x5FFFF  }
0xb1: {  	[dreg:$0x1] =	wrdreg $0xFFFFFFFF  }
0xb2: {  	[dreg:$0x0] =	wrdreg $0x60  }
0xb3: {  	[dreg:$0x2] =	wrdreg s2  }
0xb4: {  	[dreg:$0x3] =	wrdreg s18  }
0xb5: {  	[dreg:$0x4] =	wrdreg s4  }
0xb6: {  	[dreg:$0x5] =	wrdreg s5  }
0xb7: {  	[dreg:$0x6] =	wrdreg s7  }
0xb8: {  	[dreg:$0x7] =	wrdreg s24  }
0xb9: {  	[dreg:$0x8] =	wrdreg s6  }
0xba: {  	[dreg:$0x9] =	wrdreg $0x9  }
0xbb: {  	_ =	task.clear_ibuf [dreg:s12], $0xAFFFF;
	_ =	strace $0x90000046  }
0xbc: {  	s29 =	simm.s32 $0x9;
	_ =	strace $0x80000048  }
0xbd: {  	_ =	swait.ge [sflag:s29], $0x1  }
0xbe: {  	[sflag:s29] =	ssyncadd.s32 $0xFFFFFFFF  }
0xbf: {  	_ =	strace $0x90000048  }
0xc0: {  	_ =	sfence  }
0xc1: {  	s30 =	sld [smem:$0x0];
	_ =	sdelay $0x2  }
0xc2: {  	s31 =	sshll.u32 s1, $0xD;
	s1 =	sshrl.u32 s1, $0x2  }
0xc3: {  	s3 =	sand.u32 $0x4000, s31;
	s1 =	sadd.s32 s1, s30  }
0xc4: {  	s0 =	sor.u32 s3, s0;
	s1 =	sshll.u32 s1, $0x11  }
0xc5: {  	s0 =	sor.u32 s1, s0  }
0xc6: {  	s0 =	sadd.s32 $0x8F2B, s0  }
0xc7: {  	[sflag:s0] =	ssyncadd.remote.s32 $0x1  }
0xc8: {  	_ =	sfence.sel $0xFFFF  }
0xc9: {  	[dreg:$0x0] =	wrdreg $0xFFFFFFFF;
	(pc) =	sbr.abs _section_cstart, $3  }
0xca: {  	[dreg:$0x1] =	wrdreg $0xFFFFFFFF  }
0xcb: {  	_ =	task.clear_ibuf [dreg:s12], $0x2FFFF;
	_ =	strace $0x9FFFFFFF  }
0xcc: {  	(tm) =	ssettm $0x7FFFFFFF  }
0xcd: {  	_ =	shalt  }
tec
execute0_lowered:
.L_overlay_start_1:
0x0: {  	(tag) =	ssettag $0x1  }
0x1: {  	s0 =	rddreg [dreg:$0x0]  }
0x2: {  	s2 =	rddreg [dreg:$0x1]  }
0x3: {  	s9 =	rddreg [dreg:$0x2]  }
0x4: {  	s10 =	rddreg [dreg:$0x3]  }
0x5: {  	s11 =	rddreg [dreg:$0x4]  }
0x6: {  	s12 =	rddreg [dreg:$0x5];
	s4 =	srdreg.scid  }
0x7: {  	s1 =	rddreg [dreg:$0x6];
	s5 =	stileid.u32;
	s8 =	sand.u32 $0x1, s4  }
0x8: {  	s3 =	simm.s32 $0x0;
	s7 =	sshll.u32 s5, $0xA;
	s13 =	sshll.u32 s8, $0x9  }
0x9: {  	[smem:$0x7FF] =	sst s3;
	s13 =	sor.u32 s13, s7  }
0xa: {  	s4 =	sadd.s32 $0x1C00, s12;
	s14 =	sshll.u32 s13, $0x4;
	s13 =	sshrl.u32 s13, $0x3  }
0xb: {  	s5 =	sadd.s32 $0xF44000, s12;
	s6 =	sadd.s32 $0x1251400, s12;
	s0 =	sadd.s32 s0, s13  }
0xc: {  	_ =	strace $0x80000047;
	s25 =	sadd.s32 s2, s13;
	[dreg:$0x8] =	wrdreg s0  }
0xd: {  	s15 =	ssub.s32 $0x2, s8;
	s29 =	sadd.s32 s9, s13;
	[dreg:$0xa] =	wrdreg s25  }
0xe: {  	s8 =	sadd.s32 $0x10CAA00, s12;
	s17 =	sadd.s32 s10, s13;
	[dreg:$0xc] =	wrdreg s29  }
0xf: {  	s14 =	sadd.s32 s14, s12;
	s20 =	sadd.s32 s11, s13;
	[dreg:$0xe] =	wrdreg s17  }
0x10: {  	s7 =	sadd.s32 $0x1255400, s12;
	s24 =	sadd.s32 $0x1259400, s14;
	[dreg:$0x10] =	wrdreg s20  }
0x11: {  	s16 =	sshrl.u32 s15, $0x1;
	s26 =	sadd.s32 $0x1299400, s14;
	[dreg:$0x9] =	wrdreg s24  }
0x12: {  	s15 =	ssub.s32 s15, s16;
	s16 =	sadd.s32 $0x12D9400, s14;
	[dreg:$0xb] =	wrdreg s26  }
0x13: {  	s12 =	sadd.s32 $0x1399400, s12;
	s19 =	sadd.s32 $0x1319400, s14;
	[dreg:$0xd] =	wrdreg s16  }
0x14: {  	s18 =	smul.u32 $0x300, s13;
	s21 =	sadd.s32 $0x1359400, s14;
	[dreg:$0xf] =	wrdreg s19  }
0x15: {  	s30 =	smul.u32 $0x1800, s13;
	[dreg:$0x11] =	wrdreg s21;
	s26 =	smax.u32 s15, $0x1  }
0x16: {  	s2 =	sadd.s32 s12, s18;
	[dreg:$0x18] =	wrdreg s26  }
0x17: {  	s0 =	sshrl.u32 s30, $0x3;
	s29 =	sadd.s32 $0x1800, s2;
	[dreg:$0x12] =	wrdreg s2  }
0x18: {  	s0 =	sadd.s32 s12, s0;
	s30 =	sadd.s32 $0x3000, s2;
	[dreg:$0x19] =	wrdreg s29  }
0x19: {  	s31 =	simm.s32 $0x3;
	s22 =	sadd.s32 $0x4800, s0;
	[dreg:$0x1a] =	wrdreg s30  }
0x1a: {  	s28 =	sadd.s32 $0x200, s1;
	s23 =	sadd.s32 $0x6000, s0;
	[dreg:$0x13] =	wrdreg s22  }
0x1b: {  	s9 =	simm.s32 $0x10000;
	s24 =	sadd.s32 $0x7800, s0;
	[dreg:$0x14] =	wrdreg s23  }
0x1c: {  	v2 =	vlaneseq.u32;
	s10 =	simm.s32 $0x0;
	s25 =	sadd.s32 $0x9000, s0;
	[dreg:$0x15] =	wrdreg s24  }
0x1d: {  	vm0 =	vmmov $0xffff;
	v1 =	vshrl.u32 v2, $0x3;
	s15 =	simm.s32 $0x10200;
	s0 =	sadd.s32 $0xA800, s0;
	[dreg:$0x16] =	wrdreg s25  }
0x1e: {  	v0 =	vand.u32 $0x7, v2;
	v2 =	vor.u32 $0x8, v2;
	v1 =	vmul.u32 $0x8, v1;
	s26 =	sadd.s32 $0x100, s1;
	[dreg:$0x17] =	wrdreg s0;
	s0 =	simm.s32 $0x1  }
.LBB2_1:
0x1f: {  	[dreg:$0x1b] =	wrdreg s10  }
0x20: {  	s2 =	rddreg [dreg:$0x8]  }
0x21: {  	[tilespmem:s9], [sflag:$0x3] =	stream.linear.gather [hbm4b:s2+s3], $0x200, $0x38;
	[tilespmem:$0x1C200] =	vst v63  }
0x22: {  	_ =	swait.ge [sflag:s31], $0x200  }
0x23: {  	[sflag:s31] =	ssyncset.done $0x0  }
0x24: {  	[sflag:s31] =	ssyncadd.s32 $0xFFFFFE00  }
0x25: {  	v3 =	vld [tilespmem:s9+$0x0];
	_ =	sdelay $0x4  }
0x26: {  	v3 =	vshll.u32 v3, $0x4  }
0x27: {  	(v2sf) =	vpush v3, $0x0  }
0x28: {  	(v2sf) =	vpush v3, $0x1  }
0x29: {  	(v2sf) =	vpush v3, $0x3;
	_ =	sdelay $0x1  }
0x2a: {  	(v2sf) =	vpush v3, $0x2;
	_ =	sdelay $0x1  }
0x2b: {  	(v2sf) =	vpush v3, $0x4;
	_ =	sdelay $0x2  }
0x2c: {  	(v2sf) =	vpush v3, $0x5  }
0x2d: {  	s18 =	simm.s32 $0x2000;
	s17 =	simm.s32 $0x0;
	s20 =	simm.s32 $0x10010;
	(v2sf) =	vpush v3, $0x6  }
.LBB2_2:
0x2e: {  	p0 =	sne.s32 s18, $0x3E000  }
0x2f: {  	s11 =	sadd.s32 $0x180, s17;
	s19 =	sadd.s32 $0x280, s17;
	s21 =	smov.u32 s18  }
0x30: {  	s18 =	sadd.s32 $0x2000, s18;
	s30 =	sadd.s32 $0x380, s17;
	s29 =	sadd.s32 $0x400, s17;
	(v2sf) =	vpush v3, $0x7  }
0x31: {  	s2 =	sadd.s32 $0x300, s17;
	s25 =	sadd.s32 $0x480, s17;
	s22 =	sadd.s32 $0x680, s17  }
0x32: {  	s10 =	sadd.s32 $0x80, s17;
	s24 =	sadd.s32 $0x500, s17;
	s23 =	spop (v2sf);
	(v2sf) =	vpush v3, $0x8  }
0x33: {  	s12 =	sand.u32 $0x1FFFFFF0, s23;
	s23 =	sadd.s32 $0x600, s17;
	s13 =	spop (v2sf)  }
0x34: {  	s12 =	sadd.s32 s4, s12;
	s13 =	sand.u32 $0x1FFFFFF0, s13;
	s14 =	spop (v2sf);
	(v2sf) =	vpush v3, $0x9  }
0x35: {  	[tilespmem:s17], [sflag:$0x1] =	stream.linear.gather [hbm4b:s12+s3], $0x80, $0x38;
	[tilespmem:$0x1C200] =	vst v63  }
0x36: {  	s12 =	sadd.s32 s4, s13;
	s13 =	sand.u32 $0x1FFFFFF0, s14;
	s14 =	spop (v2sf);
	(v2sf) =	vpush v3, $0xA  }
0x37: {  	[tilespmem:s10], [sflag:$0x1] =	stream.linear.gather [hbm4b:s12+s3], $0x80, $0x38;
	[tilespmem:$0x1C200] =	vst v63  }
0x38: {  	s10 =	sand.u32 $0x1FFFFFF0, s14;
	s12 =	sadd.s32 $0x200, s17;
	s14 =	spop (v2sf);
	(v2sf) =	vpush v3, $0xB  }
0x39: {  	s16 =	sadd.s32 $0x100, s17;
	s10 =	sadd.s32 s4, s10;
	s14 =	sand.u32 $0x1FFFFFF0, s14  }
0x3a: {  	[tilespmem:s16], [sflag:$0x1] =	stream.linear.gather [hbm4b:s10+s3], $0x80, $0x38;
	(v2sf) =	vpush v3, $0xC;
	[tilespmem:$0x1C200] =	vst v63  }
0x3b: {  	s10 =	sadd.s32 s4, s13;
	s13 =	sadd.s32 $0x580, s17;
	s16 =	spop (v2sf)  }
0x3c: {  	[tilespmem:s11], [sflag:$0x1] =	stream.linear.gather [hbm4b:s10+s3], $0x80, $0x38;
	(v2sf) =	vpush v3, $0xD;
	[tilespmem:$0x1C200] =	vst v63  }
0x3d: {  	s10 =	sadd.s32 s4, s14;
	s11 =	sand.u32 $0x1FFFFFF0, s16;
	s14 =	spop (v2sf)  }
0x3e: {  	[tilespmem:s12], [sflag:$0x1] =	stream.linear.gather [hbm4b:s10+s3], $0x80, $0x38;
	(v2sf) =	vpush v3, $0xE;
	[tilespmem:$0x1C200] =	vst v63  }
0x3f: {  	s10 =	sadd.s32 s4, s11;
	s11 =	sand.u32 $0x1FFFFFF0, s14;
	s12 =	spop (v2sf)  }
0x40: {  	[tilespmem:s19], [sflag:$0x1] =	stream.linear.gather [hbm4b:s10+s3], $0x80, $0x38;
	(v2sf) =	vpush v3, $0xF;
	[tilespmem:$0x1C200] =	vst v63  }
0x41: {  	s10 =	sadd.s32 s4, s11;
	s11 =	sand.u32 $0x1FFFFFF0, s12;
	s12 =	spop (v2sf)  }
0x42: {  	[tilespmem:s2], [sflag:$0x1] =	stream.linear.gather [hbm4b:s10+s3], $0x80, $0x38;
	[tilespmem:$0x1C200] =	vst v63  }
0x43: {  	s2 =	sadd.s32 s4, s11;
	s10 =	sand.u32 $0x1FFFFFF0, s12;
	s11 =	spop (v2sf)  }
0x44: {  	[tilespmem:s30], [sflag:$0x1] =	stream.linear.gather [hbm4b:s2+s3], $0x80, $0x38;
	[tilespmem:$0x1C200] =	vst v63  }
0x45: {  	s2 =	sadd.s32 s4, s10;
	s10 =	sand.u32 $0x1FFFFFF0, s11;
	s11 =	spop (v2sf)  }
0x46: {  	[tilespmem:s29], [sflag:$0x1] =	stream.linear.gather [hbm4b:s2+s3], $0x80, $0x38;
	[tilespmem:$0x1C200] =	vst v63  }
0x47: {  	s2 =	sadd.s32 s4, s10;
	s10 =	sand.u32 $0x1FFFFFF0, s11;
	s11 =	spop (v2sf)  }
0x48: {  	[tilespmem:s25], [sflag:$0x1] =	stream.linear.gather [hbm4b:s2+s3], $0x80, $0x38;
	[tilespmem:$0x1C200] =	vst v63  }
0x49: {  	s2 =	sadd.s32 s4, s10;
	s10 =	sand.u32 $0x1FFFFFF0, s11;
	s11 =	spop (v2sf)  }
0x4a: {  	[tilespmem:s24], [sflag:$0x1] =	stream.linear.gather [hbm4b:s2+s3], $0x80, $0x38;
	[tilespmem:$0x1C200] =	vst v63  }
0x4b: {  	s2 =	sadd.s32 s4, s10;
	s10 =	sand.u32 $0x1FFFFFF0, s11;
	s11 =	spop (v2sf)  }
0x4c: {  	[tilespmem:s13], [sflag:$0x1] =	stream.linear.gather [hbm4b:s2+s3], $0x80, $0x38;
	[tilespmem:$0x1C200] =	vst v63  }
0x4d: {  	s2 =	sadd.s32 s4, s10;
	s10 =	sand.u32 $0x1FFFFFF0, s11;
	s11 =	spop (v2sf)  }
0x4e: {  	[tilespmem:s23], [sflag:$0x1] =	stream.linear.gather [hbm4b:s2+s3], $0x80, $0x38;
	[tilespmem:$0x1C200] =	vst v63  }
0x4f: {  	s2 =	sadd.s32 s4, s10;
	s10 =	sand.u32 $0x1FFFFFF0, s11;
	s11 =	spop (v2sf)  }
0x50: {  	[tilespmem:s22], [sflag:$0x1] =	stream.linear.gather [hbm4b:s2+s3], $0x80, $0x38;
	[tilespmem:$0x1C200] =	vst v63  }
0x51: {  	s10 =	sadd.s32 s4, s10;
	s2 =	sadd.s32 $0x700, s17;
	s11 =	sand.u32 $0x1FFFFFF0, s11  }
0x52: {  	[tilespmem:s2], [sflag:$0x1] =	stream.linear.gather [hbm4b:s10+s3], $0x80, $0x38;
	[tilespmem:$0x1C200] =	vst v63  }
0x53: {  	s2 =	sadd.s32 $0x780, s17;
	s10 =	sadd.s32 s4, s11  }
0x54: {  	[tilespmem:s2], [sflag:$0x1] =	stream.linear.gather [hbm4b:s10+s3], $0x80, $0x38;
	[tilespmem:$0x1C200] =	vst v63  }
0x55: {  	v3 =	vld [tilespmem:s20+$0x0];
	_ =	sdelay $0x4  }
0x56: {  	v3 =	vshll.u32 v3, $0x4  }
0x57: {  	(v2sf) =	vpush v3, $0x0  }
0x58: {  	(v2sf) =	vpush v3, $0x1  }
0x59: {  	(v2sf) =	vpush v3, $0x3;
	_ =	sdelay $0x1  }
0x5a: {  	(v2sf) =	vpush v3, $0x2;
	_ =	sdelay $0x1  }
0x5b: {  	(v2sf) =	vpush v3, $0x4  }
.Ltmp0:
0x5c: {  	(pc) =	sbr.rel @p0 .LBB2_2-.Ltmp0, $3  }
0x5d: {  	_ = 	snop  }
0x5e: {  	(v2sf) =	vpush v3, $0x5;
	_ =	sdelay $0x1  }
0x5f: {  	s17 =	sshra.s32 s21, $0x2;
	s20 =	sadd.s32 $0x10, s20;
	(v2sf) =	vpush v3, $0x6  }
0x60: {  	s10 =	sadd.s32 $0x180, s17  }
0x61: {  	s11 =	sadd.s32 $0x280, s17;
	s12 =	sadd.s32 $0x380, s17;
	s13 =	sadd.s32 $0x400, s17;
	(v2sf) =	vpush v3, $0x7  }
0x62: {  	s14 =	sadd.s32 $0x300, s17;
	s16 =	sadd.s32 $0x480, s17;
	s18 =	sadd.s32 $0x680, s17  }
0x63: {  	s19 =	sadd.s32 $0x80, s17;
	s20 =	sadd.s32 $0x500, s17;
	s2 =	spop (v2sf);
	(v2sf) =	vpush v3, $0x8  }
0x64: {  	s21 =	sand.u32 $0x1FFFFFF0, s2;
	s2 =	sadd.s32 $0x600, s17;
	s22 =	spop (v2sf)  }
0x65: {  	s21 =	sadd.s32 s4, s21;
	s22 =	sand.u32 $0x1FFFFFF0, s22;
	s23 =	spop (v2sf);
	(v2sf) =	vpush v3, $0x9  }
0x66: {  	[tilespmem:s17], [sflag:$0x1] =	stream.linear.gather [hbm4b:s21+s3], $0x80, $0x38;
	[tilespmem:$0x1C200] =	vst v63  }
0x67: {  	s30 =	sadd.s32 s4, s22;
	s9 =	sand.u32 $0x1FFFFFF0, s23;
	s24 =	spop (v2sf);
	(v2sf) =	vpush v3, $0xA  }
0x68: {  	[tilespmem:s19], [sflag:$0x1] =	stream.linear.gather [hbm4b:s30+s3], $0x80, $0x38;
	[tilespmem:$0x1C200] =	vst v63  }
0x69: {  	s21 =	sadd.s32 $0x200, s17;
	s25 =	sand.u32 $0x1FFFFFF0, s24;
	s29 =	spop (v2sf);
	(v2sf) =	vpush v3, $0xB  }
0x6a: {  	s22 =	sadd.s32 $0x580, s17;
	s24 =	sadd.s32 $0x100, s17;
	s19 =	sadd.s32 s4, s25  }
0x6b: {  	[tilespmem:s24], [sflag:$0x1] =	stream.linear.gather [hbm4b:s19+s3], $0x80, $0x38;
	(v2sf) =	vpush v3, $0xC;
	[tilespmem:$0x1C200] =	vst v63  }
0x6c: {  	s30 =	sadd.s32 s4, s9;
	s23 =	sand.u32 $0x1FFFFFF0, s29;
	s9 =	spop (v2sf)  }
0x6d: {  	[tilespmem:s10], [sflag:$0x1] =	stream.linear.gather [hbm4b:s30+s3], $0x80, $0x38;
	(v2sf) =	vpush v3, $0xD;
	[tilespmem:$0x1C200] =	vst v63  }
0x6e: {  	s23 =	sadd.s32 s4, s23;
	s24 =	sand.u32 $0x1FFFFFF0, s9;
	s25 =	spop (v2sf)  }
0x6f: {  	[tilespmem:s21], [sflag:$0x1] =	stream.linear.gather [hbm4b:s23+s3], $0x80, $0x38;
	(v2sf) =	vpush v3, $0xE;
	[tilespmem:$0x1C200] =	vst v63  }
0x70: {  	s29 =	sadd.s32 s4, s24;
	s30 =	sand.u32 $0x1FFFFFF0, s25;
	s9 =	spop (v2sf)  }
0x71: {  	(v2sf) =	vpush v3, $0xF;
	[tilespmem:s11], [sflag:$0x1] =	stream.linear.gather [hbm4b:s29+s3], $0x80, $0x38;
	[tilespmem:$0x1C200] =	vst v63  }
0x72: {  	s23 =	sadd.s32 s4, s30;
	s24 =	sand.u32 $0x1FFFFFF0, s9;
	s25 =	spop (v2sf)  }
0x73: {  	[tilespmem:s14], [sflag:$0x1] =	stream.linear.gather [hbm4b:s23+s3], $0x80, $0x38;
	[tilespmem:$0x1C200] =	vst v63  }
0x74: {  	s29 =	sadd.s32 s4, s24;
	s30 =	sand.u32 $0x1FFFFFF0, s25;
	s9 =	spop (v2sf)  }
0x75: {  	[tilespmem:s12], [sflag:$0x1] =	stream.linear.gather [hbm4b:s29+s3], $0x80, $0x38;
	[tilespmem:$0x1C200] =	vst v63  }
0x76: {  	s12 =	sadd.s32 s4, s30;
	s19 =	sand.u32 $0x1FFFFFF0, s9;
	s21 =	spop (v2sf)  }
0x77: {  	[tilespmem:s13], [sflag:$0x1] =	stream.linear.gather [hbm4b:s12+s3], $0x80, $0x38;
	[tilespmem:$0x1C200] =	vst v63  }
0x78: {  	s23 =	sadd.s32 s4, s19;
	s24 =	sand.u32 $0x1FFFFFF0, s21;
	s25 =	spop (v2sf)  }
0x79: {  	[tilespmem:s16], [sflag:$0x1] =	stream.linear.gather [hbm4b:s23+s3], $0x80, $0x38;
	[tilespmem:$0x1C200] =	vst v63  }
0x7a: {  	s29 =	sadd.s32 s4, s24;
	s30 =	sand.u32 $0x1FFFFFF0, s25;
	s9 =	spop (v2sf)  }
0x7b: {  	[tilespmem:s20], [sflag:$0x1] =	stream.linear.gather [hbm4b:s29+s3], $0x80, $0x38;
	[tilespmem:$0x1C200] =	vst v63  }
0x7c: {  	s13 =	sadd.s32 s4, s30;
	s14 =	sand.u32 $0x1FFFFFF0, s9;
	s16 =	spop (v2sf)  }
0x7d: {  	[tilespmem:s22], [sflag:$0x1] =	stream.linear.gather [hbm4b:s13+s3], $0x80, $0x38;
	[tilespmem:$0x1C200] =	vst v63  }
0x7e: {  	s19 =	sadd.s32 s4, s14;
	s20 =	sand.u32 $0x1FFFFFF0, s16;
	s21 =	spop (v2sf)  }
0x7f: {  	[tilespmem:s2], [sflag:$0x1] =	stream.linear.gather [hbm4b:s19+s3], $0x80, $0x38;
	[tilespmem:$0x1C200] =	vst v63  }
0x80: {  	s22 =	sadd.s32 s4, s20;
	s23 =	sand.u32 $0x1FFFFFF0, s21;
	s24 =	spop (v2sf)  }
0x81: {  	[tilespmem:s18], [sflag:$0x1] =	stream.linear.gather [hbm4b:s22+s3], $0x80, $0x38;
	[tilespmem:$0x1C200] =	vst v63  }
0x82: {  	s25 =	sadd.s32 $0x700, s17;
	s10 =	sadd.s32 s4, s23;
	s11 =	sand.u32 $0x1FFFFFF0, s24  }
0x83: {  	[tilespmem:s25], [sflag:$0x1] =	stream.linear.gather [hbm4b:s10+s3], $0x80, $0x38;
	[tilespmem:$0x1C200] =	vst v63  }
0x84: {  	s29 =	sadd.s32 $0x780, s17;
	s30 =	sadd.s32 s4, s11  }
0x85: {  	[tilespmem:s29], [sflag:$0x1] =	stream.linear.gather [hbm4b:s30+s3], $0x80, $0x38;
	[tilespmem:$0x1C200] =	vst v63  }
0x86: {  	_ =	swait.ge [sflag:s0], $0x80  }
0x87: {  	s2 =	simm.s32 $0x1FF;
	[sflag:s0] =	ssyncset.done $0x0  }
.LBB2_4:
0x88: {  	p0 =	sne.s32 s2, $0x1;
	s2 =	sadd.s32 $0xFFFFFFFF, s2;
	[sflag:s0] =	ssyncadd.s32 $0xFFFFFF80  }
.Ltmp1:
0x89: {  	(pc) =	sbr.rel @p0 .LBB2_4-.Ltmp1, $3  }
0x8a: {  	_ =	sdelay $0x1  }
0x8b: {  	_ =	swait.ge [sflag:s0], $0x80  }
0x8c: {  	[sflag:s0] =	ssyncset.done $0x0  }
0x8d: {  	[sflag:s0] =	ssyncadd.s32 $0xFFFFFF80;
	s2 =	simm.s32 $0x0;
	s10 =	rddreg [dreg:$0x9]  }
0x8e: {  	[hbm4b:s10+s2] =	stream.linear.scatter [tilespmem:s2], [sflag:$0x3], $0x10000, $0x38;
	[tilespmem:$0x1C200] =	vst v63  }
0x8f: {  	_ =	swait.ge [sflag:s31], $0x10000  }
0x90: {  	[sflag:s31] =	ssyncset.done $0x0  }
0x91: {  	s30 =	simm.s32 $0x10000;
	s11 =	rddreg [dreg:$0xa];
	[sflag:s31] =	ssyncadd.s32 $0xFFFF0000  }
0x92: {  	[tilespmem:s30], [sflag:$0x3] =	stream.linear.gather [hbm4b:s11+s2], $0x200, $0x38;
	[tilespmem:$0x1C200] =	vst v63  }
0x93: {  	_ =	swait.ge [sflag:s31], $0x200  }
0x94: {  	[sflag:s31] =	ssyncset.done $0x0  }
0x95: {  	[sflag:s31] =	ssyncadd.s32 $0xFFFFFE00  }
0x96: {  	v3 =	vld [tilespmem:s30+$0x0];
	_ =	sdelay $0x4  }
0x97: {  	v3 =	vshll.u32 v3, $0x4  }
0x98: {  	(v2sf) =	vpush v3, $0x0  }
0x99: {  	(v2sf) =	vpush v3, $0x1  }
0x9a: {  	(v2sf) =	vpush v3, $0x3;
	_ =	sdelay $0x1  }
0x9b: {  	(v2sf) =	vpush v3, $0x2;
	_ =	sdelay $0x1  }
0x9c: {  	(v2sf) =	vpush v3, $0x4;
	_ =	sdelay $0x2  }
0x9d: {  	(v2sf) =	vpush v3, $0x5  }
0x9e: {  	s18 =	simm.s32 $0x2000;
	s17 =	simm.s32 $0x0;
	s20 =	simm.s32 $0x10010;
	(v2sf) =	vpush v3, $0x6  }
.LBB2_6:
0x9f: {  	p0 =	sne.s32 s18, $0x3E000  }
0xa0: {  	s10 =	sadd.s32 $0x180, s17;
	s19 =	sadd.s32 $0x280, s17;
	s21 =	smov.u32 s18  }
0xa1: {  	s18 =	sadd.s32 $0x2000, s18;
	s30 =	sadd.s32 $0x380, s17;
	s29 =	sadd.s32 $0x400, s17;
	(v2sf) =	vpush v3, $0x7  }
0xa2: {  	s2 =	sadd.s32 $0x300, s17;
	s25 =	sadd.s32 $0x480, s17;
	s22 =	sadd.s32 $0x680, s17  }
0xa3: {  	s11 =	sadd.s32 $0x80, s17;
	s24 =	sadd.s32 $0x500, s17;
	s12 =	spop (v2sf);
	(v2sf) =	vpush v3, $0x8  }
0xa4: {  	s23 =	sadd.s32 $0x600, s17;
	s12 =	sand.u32 $0x1FFFFFF0, s12;
	s13 =	spop (v2sf)  }
0xa5: {  	s12 =	sadd.s32 s5, s12;
	s13 =	sand.u32 $0x1FFFFFF0, s13;
	s14 =	spop (v2sf);
	(v2sf) =	vpush v3, $0x9  }
0xa6: {  	[tilespmem:s17], [sflag:$0x1] =	stream.linear.gather [hbm4b:s12+s3], $0x80, $0x38;
	[tilespmem:$0x1C200] =	vst v63  }
0xa7: {  	s12 =	sadd.s32 s5, s13;
	s13 =	sand.u32 $0x1FFFFFF0, s14;
	s14 =	spop (v2sf);
	(v2sf) =	vpush v3, $0xA  }
0xa8: {  	[tilespmem:s11], [sflag:$0x1] =	stream.linear.gather [hbm4b:s12+s3], $0x80, $0x38;
	[tilespmem:$0x1C200] =	vst v63  }
0xa9: {  	s11 =	sand.u32 $0x1FFFFFF0, s14;
	s12 =	sadd.s32 $0x200, s17;
	s14 =	spop (v2sf);
	(v2sf) =	vpush v3, $0xB  }
0xaa: {  	s16 =	sadd.s32 $0x100, s17;
	s11 =	sadd.s32 s5, s11;
	s14 =	sand.u32 $0x1FFFFFF0, s14  }
0xab: {  	[tilespmem:s16], [sflag:$0x1] =	stream.linear.gather [hbm4b:s11+s3], $0x80, $0x38;
	(v2sf) =	vpush v3, $0xC;
	[tilespmem:$0x1C200] =	vst v63  }
0xac: {  	s11 =	sadd.s32 s5, s13;
	s13 =	sadd.s32 $0x580, s17;
	s16 =	spop (v2sf)  }
0xad: {  	[tilespmem:s10], [sflag:$0x1] =	stream.linear.gather [hbm4b:s11+s3], $0x80, $0x38;
	(v2sf) =	vpush v3, $0xD;
	[tilespmem:$0x1C200] =	vst v63  }
0xae: {  	s10 =	sadd.s32 s5, s14;
	s11 =	sand.u32 $0x1FFFFFF0, s16;
	s14 =	spop (v2sf)  }
0xaf: {  	[tilespmem:s12], [sflag:$0x1] =	stream.linear.gather [hbm4b:s10+s3], $0x80, $0x38;
	(v2sf) =	vpush v3, $0xE;
	[tilespmem:$0x1C200] =	vst v63  }
0xb0: {  	s10 =	sadd.s32 s5, s11;
	s11 =	sand.u32 $0x1FFFFFF0, s14;
	s12 =	spop (v2sf)  }
0xb1: {  	[tilespmem:s19], [sflag:$0x1] =	stream.linear.gather [hbm4b:s10+s3], $0x80, $0x38;
	(v2sf) =	vpush v3, $0xF;
	[tilespmem:$0x1C200] =	vst v63  }
0xb2: {  	s10 =	sadd.s32 s5, s11;
	s11 =	sand.u32 $0x1FFFFFF0, s12;
	s12 =	spop (v2sf)  }
0xb3: {  	[tilespmem:s2], [sflag:$0x1] =	stream.linear.gather [hbm4b:s10+s3], $0x80, $0x38;
	[tilespmem:$0x1C200] =	vst v63  }
0xb4: {  	s2 =	sadd.s32 s5, s11;
	s10 =	sand.u32 $0x1FFFFFF0, s12;
	s11 =	spop (v2sf)  }
0xb5: {  	[tilespmem:s30], [sflag:$0x1] =	stream.linear.gather [hbm4b:s2+s3], $0x80, $0x38;
	[tilespmem:$0x1C200] =	vst v63  }
0xb6: {  	s2 =	sadd.s32 s5, s10;
	s10 =	sand.u32 $0x1FFFFFF0, s11;
	s11 =	spop (v2sf)  }
0xb7: {  	[tilespmem:s29], [sflag:$0x1] =	stream.linear.gather [hbm4b:s2+s3], $0x80, $0x38;
	[tilespmem:$0x1C200] =	vst v63  }
0xb8: {  	s2 =	sadd.s32 s5, s10;
	s10 =	sand.u32 $0x1FFFFFF0, s11;
	s11 =	spop (v2sf)  }
0xb9: {  	[tilespmem:s25], [sflag:$0x1] =	stream.linear.gather [hbm4b:s2+s3], $0x80, $0x38;
	[tilespmem:$0x1C200] =	vst v63  }
0xba: {  	s2 =	sadd.s32 s5, s10;
	s10 =	sand.u32 $0x1FFFFFF0, s11;
	s11 =	spop (v2sf)  }
0xbb: {  	[tilespmem:s24], [sflag:$0x1] =	stream.linear.gather [hbm4b:s2+s3], $0x80, $0x38;
	[tilespmem:$0x1C200] =	vst v63  }
0xbc: {  	s2 =	sadd.s32 s5, s10;
	s10 =	sand.u32 $0x1FFFFFF0, s11;
	s11 =	spop (v2sf)  }
0xbd: {  	[tilespmem:s13], [sflag:$0x1] =	stream.linear.gather [hbm4b:s2+s3], $0x80, $0x38;
	[tilespmem:$0x1C200] =	vst v63  }
0xbe: {  	s2 =	sadd.s32 s5, s10;
	s10 =	sand.u32 $0x1FFFFFF0, s11;
	s11 =	spop (v2sf)  }
0xbf: {  	[tilespmem:s23], [sflag:$0x1] =	stream.linear.gather [hbm4b:s2+s3], $0x80, $0x38;
	[tilespmem:$0x1C200] =	vst v63  }
0xc0: {  	s2 =	sadd.s32 s5, s10;
	s10 =	sand.u32 $0x1FFFFFF0, s11;
	s11 =	spop (v2sf)  }
0xc1: {  	[tilespmem:s22], [sflag:$0x1] =	stream.linear.gather [hbm4b:s2+s3], $0x80, $0x38;
	[tilespmem:$0x1C200] =	vst v63  }
0xc2: {  	s10 =	sadd.s32 s5, s10;
	s2 =	sadd.s32 $0x700, s17;
	s11 =	sand.u32 $0x1FFFFFF0, s11  }
0xc3: {  	[tilespmem:s2], [sflag:$0x1] =	stream.linear.gather [hbm4b:s10+s3], $0x80, $0x38;
	[tilespmem:$0x1C200] =	vst v63  }
0xc4: {  	s2 =	sadd.s32 $0x780, s17;
	s10 =	sadd.s32 s5, s11  }
0xc5: {  	[tilespmem:s2], [sflag:$0x1] =	stream.linear.gather [hbm4b:s10+s3], $0x80, $0x38;
	[tilespmem:$0x1C200] =	vst v63  }
0xc6: {  	v3 =	vld [tilespmem:s20+$0x0];
	_ =	sdelay $0x4  }
0xc7: {  	v3 =	vshll.u32 v3, $0x4  }
0xc8: {  	(v2sf) =	vpush v3, $0x0  }
0xc9: {  	(v2sf) =	vpush v3, $0x1  }
0xca: {  	(v2sf) =	vpush v3, $0x3;
	_ =	sdelay $0x1  }
0xcb: {  	(v2sf) =	vpush v3, $0x2;
	_ =	sdelay $0x1  }
0xcc: {  	(v2sf) =	vpush v3, $0x4  }
.Ltmp2:
0xcd: {  	(pc) =	sbr.rel @p0 .LBB2_6-.Ltmp2, $3  }
0xce: {  	_ = 	snop  }
0xcf: {  	(v2sf) =	vpush v3, $0x5;
	_ =	sdelay $0x1  }
0xd0: {  	s17 =	sshra.s32 s21, $0x2;
	s20 =	sadd.s32 $0x10, s20;
	(v2sf) =	vpush v3, $0x6  }
0xd1: {  	s10 =	sadd.s32 $0x180, s17  }
0xd2: {  	s11 =	sadd.s32 $0x280, s17;
	s12 =	sadd.s32 $0x380, s17;
	s13 =	sadd.s32 $0x400, s17;
	(v2sf) =	vpush v3, $0x7  }
0xd3: {  	s14 =	sadd.s32 $0x300, s17;
	s16 =	sadd.s32 $0x480, s17;
	s18 =	sadd.s32 $0x680, s17  }
0xd4: {  	s19 =	sadd.s32 $0x80, s17;
	s20 =	sadd.s32 $0x500, s17;
	s2 =	spop (v2sf);
	(v2sf) =	vpush v3, $0x8  }
0xd5: {  	s21 =	sand.u32 $0x1FFFFFF0, s2;
	s2 =	sadd.s32 $0x600, s17;
	s22 =	spop (v2sf)  }
0xd6: {  	s21 =	sadd.s32 s5, s21;
	s22 =	sand.u32 $0x1FFFFFF0, s22;
	s23 =	spop (v2sf);
	(v2sf) =	vpush v3, $0x9  }
0xd7: {  	[tilespmem:s17], [sflag:$0x1] =	stream.linear.gather [hbm4b:s21+s3], $0x80, $0x38;
	[tilespmem:$0x1C200] =	vst v63  }
0xd8: {  	s30 =	sadd.s32 s5, s22;
	s9 =	sand.u32 $0x1FFFFFF0, s23;
	s24 =	spop (v2sf);
	(v2sf) =	vpush v3, $0xA  }
0xd9: {  	[tilespmem:s19], [sflag:$0x1] =	stream.linear.gather [hbm4b:s30+s3], $0x80, $0x38;
	[tilespmem:$0x1C200] =	vst v63  }
0xda: {  	s21 =	sadd.s32 $0x200, s17;
	s25 =	sand.u32 $0x1FFFFFF0, s24;
	s29 =	spop (v2sf);
	(v2sf) =	vpush v3, $0xB  }
0xdb: {  	s22 =	sadd.s32 $0x580, s17;
	s24 =	sadd.s32 $0x100, s17;
	s19 =	sadd.s32 s5, s25  }
0xdc: {  	[tilespmem:s24], [sflag:$0x1] =	stream.linear.gather [hbm4b:s19+s3], $0x80, $0x38;
	(v2sf) =	vpush v3, $0xC;
	[tilespmem:$0x1C200] =	vst v63  }
0xdd: {  	s30 =	sadd.s32 s5, s9;
	s23 =	sand.u32 $0x1FFFFFF0, s29;
	s9 =	spop (v2sf)  }
0xde: {  	[tilespmem:s10], [sflag:$0x1] =	stream.linear.gather [hbm4b:s30+s3], $0x80, $0x38;
	(v2sf) =	vpush v3, $0xD;
	[tilespmem:$0x1C200] =	vst v63  }
0xdf: {  	s23 =	sadd.s32 s5, s23;
	s24 =	sand.u32 $0x1FFFFFF0, s9;
	s25 =	spop (v2sf)  }
0xe0: {  	[tilespmem:s21], [sflag:$0x1] =	stream.linear.gather [hbm4b:s23+s3], $0x80, $0x38;
	(v2sf) =	vpush v3, $0xE;
	[tilespmem:$0x1C200] =	vst v63  }
0xe1: {  	s29 =	sadd.s32 s5, s24;
	s30 =	sand.u32 $0x1FFFFFF0, s25;
	s9 =	spop (v2sf)  }
0xe2: {  	(v2sf) =	vpush v3, $0xF;
	[tilespmem:s11], [sflag:$0x1] =	stream.linear.gather [hbm4b:s29+s3], $0x80, $0x38;
	[tilespmem:$0x1C200] =	vst v63  }
0xe3: {  	s23 =	sadd.s32 s5, s30;
	s24 =	sand.u32 $0x1FFFFFF0, s9;
	s25 =	spop (v2sf)  }
0xe4: {  	[tilespmem:s14], [sflag:$0x1] =	stream.linear.gather [hbm4b:s23+s3], $0x80, $0x38;
	[tilespmem:$0x1C200] =	vst v63  }
0xe5: {  	s29 =	sadd.s32 s5, s24;
	s30 =	sand.u32 $0x1FFFFFF0, s25;
	s9 =	spop (v2sf)  }
0xe6: {  	[tilespmem:s12], [sflag:$0x1] =	stream.linear.gather [hbm4b:s29+s3], $0x80, $0x38;
	[tilespmem:$0x1C200] =	vst v63  }
0xe7: {  	s12 =	sadd.s32 s5, s30;
	s19 =	sand.u32 $0x1FFFFFF0, s9;
	s21 =	spop (v2sf)  }
0xe8: {  	[tilespmem:s13], [sflag:$0x1] =	stream.linear.gather [hbm4b:s12+s3], $0x80, $0x38;
	[tilespmem:$0x1C200] =	vst v63  }
0xe9: {  	s23 =	sadd.s32 s5, s19;
	s24 =	sand.u32 $0x1FFFFFF0, s21;
	s25 =	spop (v2sf)  }
0xea: {  	[tilespmem:s16], [sflag:$0x1] =	stream.linear.gather [hbm4b:s23+s3], $0x80, $0x38;
	[tilespmem:$0x1C200] =	vst v63  }
0xeb: {  	s29 =	sadd.s32 s5, s24;
	s30 =	sand.u32 $0x1FFFFFF0, s25;
	s9 =	spop (v2sf)  }
0xec: {  	[tilespmem:s20], [sflag:$0x1] =	stream.linear.gather [hbm4b:s29+s3], $0x80, $0x38;
	[tilespmem:$0x1C200] =	vst v63  }
0xed: {  	s13 =	sadd.s32 s5, s30;
	s14 =	sand.u32 $0x1FFFFFF0, s9;
	s16 =	spop (v2sf)  }
0xee: {  	[tilespmem:s22], [sflag:$0x1] =	stream.linear.gather [hbm4b:s13+s3], $0x80, $0x38;
	[tilespmem:$0x1C200] =	vst v63  }
0xef: {  	s19 =	sadd.s32 s5, s14;
	s20 =	sand.u32 $0x1FFFFFF0, s16;
	s21 =	spop (v2sf)  }
0xf0: {  	[tilespmem:s2], [sflag:$0x1] =	stream.linear.gather [hbm4b:s19+s3], $0x80, $0x38;
	[tilespmem:$0x1C200] =	vst v63  }
0xf1: {  	s22 =	sadd.s32 s5, s20;
	s23 =	sand.u32 $0x1FFFFFF0, s21;
	s24 =	spop (v2sf)  }
0xf2: {  	[tilespmem:s18], [sflag:$0x1] =	stream.linear.gather [hbm4b:s22+s3], $0x80, $0x38;
	[tilespmem:$0x1C200] =	vst v63  }
0xf3: {  	s25 =	sadd.s32 $0x700, s17;
	s10 =	sadd.s32 s5, s23;
	s11 =	sand.u32 $0x1FFFFFF0, s24  }
0xf4: {  	[tilespmem:s25], [sflag:$0x1] =	stream.linear.gather [hbm4b:s10+s3], $0x80, $0x38;
	[tilespmem:$0x1C200] =	vst v63  }
0xf5: {  	s29 =	sadd.s32 $0x780, s17;
	s30 =	sadd.s32 s5, s11  }
0xf6: {  	[tilespmem:s29], [sflag:$0x1] =	stream.linear.gather [hbm4b:s30+s3], $0x80, $0x38;
	[tilespmem:$0x1C200] =	vst v63  }
0xf7: {  	_ =	swait.ge [sflag:s0], $0x80  }
0xf8: {  	s2 =	simm.s32 $0x1FF;
	[sflag:s0] =	ssyncset.done $0x0  }
.LBB2_8:
0xf9: {  	p0 =	sne.s32 s2, $0x1;
	s2 =	sadd.s32 $0xFFFFFFFF, s2;
	[sflag:s0] =	ssyncadd.s32 $0xFFFFFF80  }
.Ltmp3:
0xfa: {  	(pc) =	sbr.rel @p0 .LBB2_8-.Ltmp3, $3  }
0xfb: {  	_ =	sdelay $0x1  }
0xfc: {  	_ =	swait.ge [sflag:s0], $0x80  }
0xfd: {  	[sflag:s0] =	ssyncset.done $0x0  }
0xfe: {  	[sflag:s0] =	ssyncadd.s32 $0xFFFFFF80;
	s2 =	simm.s32 $0x0;
	s10 =	rddreg [dreg:$0xb]  }
0xff: {  	[hbm4b:s10+s2] =	stream.linear.scatter [tilespmem:s2], [sflag:$0x3], $0x10000, $0x38;
	[tilespmem:$0x1C200] =	vst v63  }
0x100: {  	_ =	swait.ge [sflag:s31], $0x10000  }
0x101: {  	[sflag:s31] =	ssyncset.done $0x0  }
0x102: {  	s30 =	simm.s32 $0x10000;
	s11 =	rddreg [dreg:$0xc];
	[sflag:s31] =	ssyncadd.s32 $0xFFFF0000  }
0x103: {  	[tilespmem:s30], [sflag:$0x3] =	stream.linear.gather [hbm4b:s11+s2], $0x200, $0x38;
	[tilespmem:$0x1C200] =	vst v63  }
0x104: {  	_ =	swait.ge [sflag:s31], $0x200  }
0x105: {  	[sflag:s31] =	ssyncset.done $0x0  }
0x106: {  	[sflag:s31] =	ssyncadd.s32 $0xFFFFFE00  }
0x107: {  	v3 =	vld [tilespmem:s30+$0x0];
	_ =	sdelay $0x4  }
0x108: {  	v3 =	vshll.u32 v3, $0x4  }
0x109: {  	(v2sf) =	vpush v3, $0x0  }
0x10a: {  	(v2sf) =	vpush v3, $0x1  }
0x10b: {  	(v2sf) =	vpush v3, $0x3;
	_ =	sdelay $0x1  }
0x10c: {  	(v2sf) =	vpush v3, $0x2;
	_ =	sdelay $0x1  }
0x10d: {  	(v2sf) =	vpush v3, $0x4;
	_ =	sdelay $0x2  }
0x10e: {  	(v2sf) =	vpush v3, $0x5  }
0x10f: {  	s18 =	simm.s32 $0x2000;
	s17 =	simm.s32 $0x0;
	s20 =	simm.s32 $0x10010;
	(v2sf) =	vpush v3, $0x6  }
.LBB2_10:
0x110: {  	p0 =	sne.s32 s18, $0x3E000  }
0x111: {  	s10 =	sadd.s32 $0x180, s17;
	s19 =	sadd.s32 $0x280, s17;
	s21 =	smov.u32 s18  }
0x112: {  	s18 =	sadd.s32 $0x2000, s18;
	s30 =	sadd.s32 $0x380, s17;
	s29 =	sadd.s32 $0x400, s17;
	(v2sf) =	vpush v3, $0x7  }
0x113: {  	s2 =	sadd.s32 $0x300, s17;
	s25 =	sadd.s32 $0x480, s17;
	s22 =	sadd.s32 $0x680, s17  }
0x114: {  	s11 =	sadd.s32 $0x80, s17;
	s24 =	sadd.s32 $0x500, s17;
	s12 =	spop (v2sf);
	(v2sf) =	vpush v3, $0x8  }
0x115: {  	s23 =	sadd.s32 $0x600, s17;
	s12 =	sand.u32 $0x1FFFFFF0, s12;
	s13 =	spop (v2sf)  }
0x116: {  	s12 =	sadd.s32 s6, s12;
	s13 =	sand.u32 $0x1FFFFFF0, s13;
	s14 =	spop (v2sf);
	(v2sf) =	vpush v3, $0x9  }
0x117: {  	[tilespmem:s17], [sflag:$0x1] =	stream.linear.gather [hbm4b:s12+s3], $0x80, $0x38;
	[tilespmem:$0x1C200] =	vst v63  }
0x118: {  	s12 =	sadd.s32 s6, s13;
	s13 =	sand.u32 $0x1FFFFFF0, s14;
	s14 =	spop (v2sf);
	(v2sf) =	vpush v3, $0xA  }
0x119: {  	[tilespmem:s11], [sflag:$0x1] =	stream.linear.gather [hbm4b:s12+s3], $0x80, $0x38;
	[tilespmem:$0x1C200] =	vst v63  }
0x11a: {  	s11 =	sand.u32 $0x1FFFFFF0, s14;
	s12 =	sadd.s32 $0x200, s17;
	s14 =	spop (v2sf);
	(v2sf) =	vpush v3, $0xB  }
0x11b: {  	s16 =	sadd.s32 $0x100, s17;
	s11 =	sadd.s32 s6, s11;
	s14 =	sand.u32 $0x1FFFFFF0, s14  }
0x11c: {  	[tilespmem:s16], [sflag:$0x1] =	stream.linear.gather [hbm4b:s11+s3], $0x80, $0x38;
	(v2sf) =	vpush v3, $0xC;
	[tilespmem:$0x1C200] =	vst v63  }
0x11d: {  	s11 =	sadd.s32 s6, s13;
	s13 =	sadd.s32 $0x580, s17;
	s16 =	spop (v2sf)  }
0x11e: {  	[tilespmem:s10], [sflag:$0x1] =	stream.linear.gather [hbm4b:s11+s3], $0x80, $0x38;
	(v2sf) =	vpush v3, $0xD;
	[tilespmem:$0x1C200] =	vst v63  }
0x11f: {  	s10 =	sadd.s32 s6, s14;
	s11 =	sand.u32 $0x1FFFFFF0, s16;
	s14 =	spop (v2sf)  }
0x120: {  	[tilespmem:s12], [sflag:$0x1] =	stream.linear.gather [hbm4b:s10+s3], $0x80, $0x38;
	(v2sf) =	vpush v3, $0xE;
	[tilespmem:$0x1C200] =	vst v63  }
0x121: {  	s10 =	sadd.s32 s6, s11;
	s11 =	sand.u32 $0x1FFFFFF0, s14;
	s12 =	spop (v2sf)  }
0x122: {  	[tilespmem:s19], [sflag:$0x1] =	stream.linear.gather [hbm4b:s10+s3], $0x80, $0x38;
	(v2sf) =	vpush v3, $0xF;
	[tilespmem:$0x1C200] =	vst v63  }
0x123: {  	s10 =	sadd.s32 s6, s11;
	s11 =	sand.u32 $0x1FFFFFF0, s12;
	s12 =	spop (v2sf)  }
0x124: {  	[tilespmem:s2], [sflag:$0x1] =	stream.linear.gather [hbm4b:s10+s3], $0x80, $0x38;
	[tilespmem:$0x1C200] =	vst v63  }
0x125: {  	s2 =	sadd.s32 s6, s11;
	s10 =	sand.u32 $0x1FFFFFF0, s12;
	s11 =	spop (v2sf)  }
0x126: {  	[tilespmem:s30], [sflag:$0x1] =	stream.linear.gather [hbm4b:s2+s3], $0x80, $0x38;
	[tilespmem:$0x1C200] =	vst v63  }
0x127: {  	s2 =	sadd.s32 s6, s10;
	s10 =	sand.u32 $0x1FFFFFF0, s11;
	s11 =	spop (v2sf)  }
0x128: {  	[tilespmem:s29], [sflag:$0x1] =	stream.linear.gather [hbm4b:s2+s3], $0x80, $0x38;
	[tilespmem:$0x1C200] =	vst v63  }
0x129: {  	s2 =	sadd.s32 s6, s10;
	s10 =	sand.u32 $0x1FFFFFF0, s11;
	s11 =	spop (v2sf)  }
0x12a: {  	[tilespmem:s25], [sflag:$0x1] =	stream.linear.gather [hbm4b:s2+s3], $0x80, $0x38;
	[tilespmem:$0x1C200] =	vst v63  }
0x12b: {  	s2 =	sadd.s32 s6, s10;
	s10 =	sand.u32 $0x1FFFFFF0, s11;
	s11 =	spop (v2sf)  }
0x12c: {  	[tilespmem:s24], [sflag:$0x1] =	stream.linear.gather [hbm4b:s2+s3], $0x80, $0x38;
	[tilespmem:$0x1C200] =	vst v63  }
0x12d: {  	s2 =	sadd.s32 s6, s10;
	s10 =	sand.u32 $0x1FFFFFF0, s11;
	s11 =	spop (v2sf)  }
0x12e: {  	[tilespmem:s13], [sflag:$0x1] =	stream.linear.gather [hbm4b:s2+s3], $0x80, $0x38;
	[tilespmem:$0x1C200] =	vst v63  }
0x12f: {  	s2 =	sadd.s32 s6, s10;
	s10 =	sand.u32 $0x1FFFFFF0, s11;
	s11 =	spop (v2sf)  }
0x130: {  	[tilespmem:s23], [sflag:$0x1] =	stream.linear.gather [hbm4b:s2+s3], $0x80, $0x38;
	[tilespmem:$0x1C200] =	vst v63  }
0x131: {  	s2 =	sadd.s32 s6, s10;
	s10 =	sand.u32 $0x1FFFFFF0, s11;
	s11 =	spop (v2sf)  }
0x132: {  	[tilespmem:s22], [sflag:$0x1] =	stream.linear.gather [hbm4b:s2+s3], $0x80, $0x38;
	[tilespmem:$0x1C200] =	vst v63  }
0x133: {  	s10 =	sadd.s32 s6, s10;
	s2 =	sadd.s32 $0x700, s17;
	s11 =	sand.u32 $0x1FFFFFF0, s11  }
0x134: {  	[tilespmem:s2], [sflag:$0x1] =	stream.linear.gather [hbm4b:s10+s3], $0x80, $0x38;
	[tilespmem:$0x1C200] =	vst v63  }
0x135: {  	s2 =	sadd.s32 $0x780, s17;
	s10 =	sadd.s32 s6, s11  }
0x136: {  	[tilespmem:s2], [sflag:$0x1] =	stream.linear.gather [hbm4b:s10+s3], $0x80, $0x38;
	[tilespmem:$0x1C200] =	vst v63  }
0x137: {  	v3 =	vld [tilespmem:s20+$0x0];
	_ =	sdelay $0x4  }
0x138: {  	v3 =	vshll.u32 v3, $0x4  }
0x139: {  	(v2sf) =	vpush v3, $0x0  }
0x13a: {  	(v2sf) =	vpush v3, $0x1  }
0x13b: {  	(v2sf) =	vpush v3, $0x3;
	_ =	sdelay $0x1  }
0x13c: {  	(v2sf) =	vpush v3, $0x2;
	_ =	sdelay $0x1  }
0x13d: {  	(v2sf) =	vpush v3, $0x4  }
.Ltmp4:
0x13e: {  	(pc) =	sbr.rel @p0 .LBB2_10-.Ltmp4, $3  }
0x13f: {  	_ = 	snop  }
0x140: {  	(v2sf) =	vpush v3, $0x5;
	_ =	sdelay $0x1  }
0x141: {  	s17 =	sshra.s32 s21, $0x2;
	s20 =	sadd.s32 $0x10, s20;
	(v2sf) =	vpush v3, $0x6  }
0x142: {  	s10 =	sadd.s32 $0x180, s17  }
0x143: {  	s11 =	sadd.s32 $0x280, s17;
	s12 =	sadd.s32 $0x380, s17;
	s13 =	sadd.s32 $0x400, s17;
	(v2sf) =	vpush v3, $0x7  }
0x144: {  	s14 =	sadd.s32 $0x300, s17;
	s16 =	sadd.s32 $0x480, s17;
	s18 =	sadd.s32 $0x680, s17  }
0x145: {  	s19 =	sadd.s32 $0x80, s17;
	s20 =	sadd.s32 $0x500, s17;
	s2 =	spop (v2sf);
	(v2sf) =	vpush v3, $0x8  }
0x146: {  	s21 =	sand.u32 $0x1FFFFFF0, s2;
	s2 =	sadd.s32 $0x600, s17;
	s22 =	spop (v2sf)  }
0x147: {  	s21 =	sadd.s32 s6, s21;
	s22 =	sand.u32 $0x1FFFFFF0, s22;
	s23 =	spop (v2sf);
	(v2sf) =	vpush v3, $0x9  }
0x148: {  	[tilespmem:s17], [sflag:$0x1] =	stream.linear.gather [hbm4b:s21+s3], $0x80, $0x38;
	[tilespmem:$0x1C200] =	vst v63  }
0x149: {  	s30 =	sadd.s32 s6, s22;
	s9 =	sand.u32 $0x1FFFFFF0, s23;
	s24 =	spop (v2sf);
	(v2sf) =	vpush v3, $0xA  }
0x14a: {  	[tilespmem:s19], [sflag:$0x1] =	stream.linear.gather [hbm4b:s30+s3], $0x80, $0x38;
	[tilespmem:$0x1C200] =	vst v63  }
0x14b: {  	s21 =	sadd.s32 $0x200, s17;
	s25 =	sand.u32 $0x1FFFFFF0, s24;
	s29 =	spop (v2sf);
	(v2sf) =	vpush v3, $0xB  }
0x14c: {  	s22 =	sadd.s32 $0x580, s17;
	s24 =	sadd.s32 $0x100, s17;
	s19 =	sadd.s32 s6, s25  }
0x14d: {  	[tilespmem:s24], [sflag:$0x1] =	stream.linear.gather [hbm4b:s19+s3], $0x80, $0x38;
	(v2sf) =	vpush v3, $0xC;
	[tilespmem:$0x1C200] =	vst v63  }
0x14e: {  	s30 =	sadd.s32 s6, s9;
	s23 =	sand.u32 $0x1FFFFFF0, s29;
	s9 =	spop (v2sf)  }
0x14f: {  	[tilespmem:s10], [sflag:$0x1] =	stream.linear.gather [hbm4b:s30+s3], $0x80, $0x38;
	(v2sf) =	vpush v3, $0xD;
	[tilespmem:$0x1C200] =	vst v63  }
0x150: {  	s23 =	sadd.s32 s6, s23;
	s24 =	sand.u32 $0x1FFFFFF0, s9;
	s25 =	spop (v2sf)  }
0x151: {  	[tilespmem:s21], [sflag:$0x1] =	stream.linear.gather [hbm4b:s23+s3], $0x80, $0x38;
	(v2sf) =	vpush v3, $0xE;
	[tilespmem:$0x1C200] =	vst v63  }
0x152: {  	s29 =	sadd.s32 s6, s24;
	s30 =	sand.u32 $0x1FFFFFF0, s25;
	s9 =	spop (v2sf)  }
0x153: {  	(v2sf) =	vpush v3, $0xF;
	[tilespmem:s11], [sflag:$0x1] =	stream.linear.gather [hbm4b:s29+s3], $0x80, $0x38;
	[tilespmem:$0x1C200] =	vst v63  }
0x154: {  	s23 =	sadd.s32 s6, s30;
	s24 =	sand.u32 $0x1FFFFFF0, s9;
	s25 =	spop (v2sf)  }
0x155: {  	[tilespmem:s14], [sflag:$0x1] =	stream.linear.gather [hbm4b:s23+s3], $0x80, $0x38;
	[tilespmem:$0x1C200] =	vst v63  }
0x156: {  	s29 =	sadd.s32 s6, s24;
	s30 =	sand.u32 $0x1FFFFFF0, s25;
	s9 =	spop (v2sf)  }
0x157: {  	[tilespmem:s12], [sflag:$0x1] =	stream.linear.gather [hbm4b:s29+s3], $0x80, $0x38;
	[tilespmem:$0x1C200] =	vst v63  }
0x158: {  	s12 =	sadd.s32 s6, s30;
	s19 =	sand.u32 $0x1FFFFFF0, s9;
	s21 =	spop (v2sf)  }
0x159: {  	[tilespmem:s13], [sflag:$0x1] =	stream.linear.gather [hbm4b:s12+s3], $0x80, $0x38;
	[tilespmem:$0x1C200] =	vst v63  }
0x15a: {  	s23 =	sadd.s32 s6, s19;
	s24 =	sand.u32 $0x1FFFFFF0, s21;
	s25 =	spop (v2sf)  }
0x15b: {  	[tilespmem:s16], [sflag:$0x1] =	stream.linear.gather [hbm4b:s23+s3], $0x80, $0x38;
	[tilespmem:$0x1C200] =	vst v63  }
0x15c: {  	s29 =	sadd.s32 s6, s24;
	s30 =	sand.u32 $0x1FFFFFF0, s25;
	s9 =	spop (v2sf)  }
0x15d: {  	[tilespmem:s20], [sflag:$0x1] =	stream.linear.gather [hbm4b:s29+s3], $0x80, $0x38;
	[tilespmem:$0x1C200] =	vst v63  }
0x15e: {  	s13 =	sadd.s32 s6, s30;
	s14 =	sand.u32 $0x1FFFFFF0, s9;
	s16 =	spop (v2sf)  }
0x15f: {  	[tilespmem:s22], [sflag:$0x1] =	stream.linear.gather [hbm4b:s13+s3], $0x80, $0x38;
	[tilespmem:$0x1C200] =	vst v63  }
0x160: {  	s19 =	sadd.s32 s6, s14;
	s20 =	sand.u32 $0x1FFFFFF0, s16;
	s21 =	spop (v2sf)  }
0x161: {  	[tilespmem:s2], [sflag:$0x1] =	stream.linear.gather [hbm4b:s19+s3], $0x80, $0x38;
	[tilespmem:$0x1C200] =	vst v63  }
0x162: {  	s22 =	sadd.s32 s6, s20;
	s23 =	sand.u32 $0x1FFFFFF0, s21;
	s24 =	spop (v2sf)  }
0x163: {  	[tilespmem:s18], [sflag:$0x1] =	stream.linear.gather [hbm4b:s22+s3], $0x80, $0x38;
	[tilespmem:$0x1C200] =	vst v63  }
0x164: {  	s25 =	sadd.s32 $0x700, s17;
	s10 =	sadd.s32 s6, s23;
	s11 =	sand.u32 $0x1FFFFFF0, s24  }
0x165: {  	[tilespmem:s25], [sflag:$0x1] =	stream.linear.gather [hbm4b:s10+s3], $0x80, $0x38;
	[tilespmem:$0x1C200] =	vst v63  }
0x166: {  	s29 =	sadd.s32 $0x780, s17;
	s30 =	sadd.s32 s6, s11  }
0x167: {  	[tilespmem:s29], [sflag:$0x1] =	stream.linear.gather [hbm4b:s30+s3], $0x80, $0x38;
	[tilespmem:$0x1C200] =	vst v63  }
0x168: {  	_ =	swait.ge [sflag:s0], $0x80  }
0x169: {  	s2 =	simm.s32 $0x1FF;
	[sflag:s0] =	ssyncset.done $0x0  }
.LBB2_12:
0x16a: {  	p0 =	sne.s32 s2, $0x1;
	s2 =	sadd.s32 $0xFFFFFFFF, s2;
	[sflag:s0] =	ssyncadd.s32 $0xFFFFFF80  }
.Ltmp5:
0x16b: {  	(pc) =	sbr.rel @p0 .LBB2_12-.Ltmp5, $3  }
0x16c: {  	_ =	sdelay $0x1  }
0x16d: {  	_ =	swait.ge [sflag:s0], $0x80  }
0x16e: {  	[sflag:s0] =	ssyncset.done $0x0  }
0x16f: {  	[sflag:s0] =	ssyncadd.s32 $0xFFFFFF80;
	s2 =	simm.s32 $0x0;
	s10 =	rddreg [dreg:$0xd]  }
0x170: {  	[hbm4b:s10+s2] =	stream.linear.scatter [tilespmem:s2], [sflag:$0x3], $0x10000, $0x38;
	[tilespmem:$0x1C200] =	vst v63  }
0x171: {  	_ =	swait.ge [sflag:s31], $0x10000  }
0x172: {  	[sflag:s31] =	ssyncset.done $0x0  }
0x173: {  	s30 =	simm.s32 $0x10000;
	s11 =	rddreg [dreg:$0xe];
	[sflag:s31] =	ssyncadd.s32 $0xFFFF0000  }
0x174: {  	[tilespmem:s30], [sflag:$0x3] =	stream.linear.gather [hbm4b:s11+s2], $0x200, $0x38;
	[tilespmem:$0x1C200] =	vst v63  }
0x175: {  	_ =	swait.ge [sflag:s31], $0x200  }
0x176: {  	[sflag:s31] =	ssyncset.done $0x0  }
0x177: {  	[sflag:s31] =	ssyncadd.s32 $0xFFFFFE00  }
0x178: {  	v3 =	vld [tilespmem:s30+$0x0];
	_ =	sdelay $0x4  }
0x179: {  	v3 =	vshll.u32 v3, $0x4  }
0x17a: {  	(v2sf) =	vpush v3, $0x0  }
0x17b: {  	(v2sf) =	vpush v3, $0x1  }
0x17c: {  	(v2sf) =	vpush v3, $0x3;
	_ =	sdelay $0x1  }
0x17d: {  	(v2sf) =	vpush v3, $0x2;
	_ =	sdelay $0x1  }
0x17e: {  	(v2sf) =	vpush v3, $0x4;
	_ =	sdelay $0x2  }
0x17f: {  	(v2sf) =	vpush v3, $0x5  }
0x180: {  	s18 =	simm.s32 $0x2000;
	s17 =	simm.s32 $0x0;
	s20 =	simm.s32 $0x10010;
	(v2sf) =	vpush v3, $0x6  }
.LBB2_14:
0x181: {  	p0 =	sne.s32 s18, $0x3E000  }
0x182: {  	s10 =	sadd.s32 $0x180, s17;
	s19 =	sadd.s32 $0x280, s17;
	s21 =	smov.u32 s18  }
0x183: {  	s18 =	sadd.s32 $0x2000, s18;
	s30 =	sadd.s32 $0x380, s17;
	s29 =	sadd.s32 $0x400, s17;
	(v2sf) =	vpush v3, $0x7  }
0x184: {  	s2 =	sadd.s32 $0x300, s17;
	s25 =	sadd.s32 $0x480, s17;
	s22 =	sadd.s32 $0x680, s17  }
0x185: {  	s11 =	sadd.s32 $0x80, s17;
	s24 =	sadd.s32 $0x500, s17;
	s12 =	spop (v2sf);
	(v2sf) =	vpush v3, $0x8  }
0x186: {  	s23 =	sadd.s32 $0x600, s17;
	s12 =	sand.u32 $0x1FFFFFF0, s12;
	s13 =	spop (v2sf)  }
0x187: {  	s12 =	sadd.s32 s7, s12;
	s13 =	sand.u32 $0x1FFFFFF0, s13;
	s14 =	spop (v2sf);
	(v2sf) =	vpush v3, $0x9  }
0x188: {  	[tilespmem:s17], [sflag:$0x1] =	stream.linear.gather [hbm4b:s12+s3], $0x80, $0x38;
	[tilespmem:$0x1C200] =	vst v63  }
0x189: {  	s12 =	sadd.s32 s7, s13;
	s13 =	sand.u32 $0x1FFFFFF0, s14;
	s14 =	spop (v2sf);
	(v2sf) =	vpush v3, $0xA  }
0x18a: {  	[tilespmem:s11], [sflag:$0x1] =	stream.linear.gather [hbm4b:s12+s3], $0x80, $0x38;
	[tilespmem:$0x1C200] =	vst v63  }
0x18b: {  	s11 =	sand.u32 $0x1FFFFFF0, s14;
	s12 =	sadd.s32 $0x200, s17;
	s14 =	spop (v2sf);
	(v2sf) =	vpush v3, $0xB  }
0x18c: {  	s16 =	sadd.s32 $0x100, s17;
	s11 =	sadd.s32 s7, s11;
	s14 =	sand.u32 $0x1FFFFFF0, s14  }
0x18d: {  	[tilespmem:s16], [sflag:$0x1] =	stream.linear.gather [hbm4b:s11+s3], $0x80, $0x38;
	(v2sf) =	vpush v3, $0xC;
	[tilespmem:$0x1C200] =	vst v63  }
0x18e: {  	s11 =	sadd.s32 s7, s13;
	s13 =	sadd.s32 $0x580, s17;
	s16 =	spop (v2sf)  }
0x18f: {  	[tilespmem:s10], [sflag:$0x1] =	stream.linear.gather [hbm4b:s11+s3], $0x80, $0x38;
	(v2sf) =	vpush v3, $0xD;
	[tilespmem:$0x1C200] =	vst v63  }
0x190: {  	s10 =	sadd.s32 s7, s14;
	s11 =	sand.u32 $0x1FFFFFF0, s16;
	s14 =	spop (v2sf)  }
0x191: {  	[tilespmem:s12], [sflag:$0x1] =	stream.linear.gather [hbm4b:s10+s3], $0x80, $0x38;
	(v2sf) =	vpush v3, $0xE;
	[tilespmem:$0x1C200] =	vst v63  }
0x192: {  	s10 =	sadd.s32 s7, s11;
	s11 =	sand.u32 $0x1FFFFFF0, s14;
	s12 =	spop (v2sf)  }
0x193: {  	[tilespmem:s19], [sflag:$0x1] =	stream.linear.gather [hbm4b:s10+s3], $0x80, $0x38;
	(v2sf) =	vpush v3, $0xF;
	[tilespmem:$0x1C200] =	vst v63  }
0x194: {  	s10 =	sadd.s32 s7, s11;
	s11 =	sand.u32 $0x1FFFFFF0, s12;
	s12 =	spop (v2sf)  }
0x195: {  	[tilespmem:s2], [sflag:$0x1] =	stream.linear.gather [hbm4b:s10+s3], $0x80, $0x38;
	[tilespmem:$0x1C200] =	vst v63  }
0x196: {  	s2 =	sadd.s32 s7, s11;
	s10 =	sand.u32 $0x1FFFFFF0, s12;
	s11 =	spop (v2sf)  }
0x197: {  	[tilespmem:s30], [sflag:$0x1] =	stream.linear.gather [hbm4b:s2+s3], $0x80, $0x38;
	[tilespmem:$0x1C200] =	vst v63  }
0x198: {  	s2 =	sadd.s32 s7, s10;
	s10 =	sand.u32 $0x1FFFFFF0, s11;
	s11 =	spop (v2sf)  }
0x199: {  	[tilespmem:s29], [sflag:$0x1] =	stream.linear.gather [hbm4b:s2+s3], $0x80, $0x38;
	[tilespmem:$0x1C200] =	vst v63  }
0x19a: {  	s2 =	sadd.s32 s7, s10;
	s10 =	sand.u32 $0x1FFFFFF0, s11;
	s11 =	spop (v2sf)  }
0x19b: {  	[tilespmem:s25], [sflag:$0x1] =	stream.linear.gather [hbm4b:s2+s3], $0x80, $0x38;
	[tilespmem:$0x1C200] =	vst v63  }
0x19c: {  	s2 =	sadd.s32 s7, s10;
	s10 =	sand.u32 $0x1FFFFFF0, s11;
	s11 =	spop (v2sf)  }
0x19d: {  	[tilespmem:s24], [sflag:$0x1] =	stream.linear.gather [hbm4b:s2+s3], $0x80, $0x38;
	[tilespmem:$0x1C200] =	vst v63  }
0x19e: {  	s2 =	sadd.s32 s7, s10;
	s10 =	sand.u32 $0x1FFFFFF0, s11;
	s11 =	spop (v2sf)  }
0x19f: {  	[tilespmem:s13], [sflag:$0x1] =	stream.linear.gather [hbm4b:s2+s3], $0x80, $0x38;
	[tilespmem:$0x1C200] =	vst v63  }
0x1a0: {  	s2 =	sadd.s32 s7, s10;
	s10 =	sand.u32 $0x1FFFFFF0, s11;
	s11 =	spop (v2sf)  }
0x1a1: {  	[tilespmem:s23], [sflag:$0x1] =	stream.linear.gather [hbm4b:s2+s3], $0x80, $0x38;
	[tilespmem:$0x1C200] =	vst v63  }
0x1a2: {  	s2 =	sadd.s32 s7, s10;
	s10 =	sand.u32 $0x1FFFFFF0, s11;
	s11 =	spop (v2sf)  }
0x1a3: {  	[tilespmem:s22], [sflag:$0x1] =	stream.linear.gather [hbm4b:s2+s3], $0x80, $0x38;
	[tilespmem:$0x1C200] =	vst v63  }
0x1a4: {  	s10 =	sadd.s32 s7, s10;
	s2 =	sadd.s32 $0x700, s17;
	s11 =	sand.u32 $0x1FFFFFF0, s11  }
0x1a5: {  	[tilespmem:s2], [sflag:$0x1] =	stream.linear.gather [hbm4b:s10+s3], $0x80, $0x38;
	[tilespmem:$0x1C200] =	vst v63  }
0x1a6: {  	s2 =	sadd.s32 $0x780, s17;
	s10 =	sadd.s32 s7, s11  }
0x1a7: {  	[tilespmem:s2], [sflag:$0x1] =	stream.linear.gather [hbm4b:s10+s3], $0x80, $0x38;
	[tilespmem:$0x1C200] =	vst v63  }
0x1a8: {  	v3 =	vld [tilespmem:s20+$0x0];
	_ =	sdelay $0x4  }
0x1a9: {  	v3 =	vshll.u32 v3, $0x4  }
0x1aa: {  	(v2sf) =	vpush v3, $0x0  }
0x1ab: {  	(v2sf) =	vpush v3, $0x1  }
0x1ac: {  	(v2sf) =	vpush v3, $0x3;
	_ =	sdelay $0x1  }
0x1ad: {  	(v2sf) =	vpush v3, $0x2;
	_ =	sdelay $0x1  }
0x1ae: {  	(v2sf) =	vpush v3, $0x4  }
.Ltmp6:
0x1af: {  	(pc) =	sbr.rel @p0 .LBB2_14-.Ltmp6, $3  }
0x1b0: {  	_ = 	snop  }
0x1b1: {  	(v2sf) =	vpush v3, $0x5;
	_ =	sdelay $0x1  }
0x1b2: {  	s17 =	sshra.s32 s21, $0x2;
	s20 =	sadd.s32 $0x10, s20;
	(v2sf) =	vpush v3, $0x6  }
0x1b3: {  	s10 =	sadd.s32 $0x180, s17  }
0x1b4: {  	s11 =	sadd.s32 $0x280, s17;
	s12 =	sadd.s32 $0x380, s17;
	s13 =	sadd.s32 $0x400, s17;
	(v2sf) =	vpush v3, $0x7  }
0x1b5: {  	s14 =	sadd.s32 $0x300, s17;
	s16 =	sadd.s32 $0x480, s17;
	s18 =	sadd.s32 $0x680, s17  }
0x1b6: {  	s19 =	sadd.s32 $0x80, s17;
	s20 =	sadd.s32 $0x500, s17;
	s2 =	spop (v2sf);
	(v2sf) =	vpush v3, $0x8  }
0x1b7: {  	s21 =	sand.u32 $0x1FFFFFF0, s2;
	s2 =	sadd.s32 $0x600, s17;
	s22 =	spop (v2sf)  }
0x1b8: {  	s21 =	sadd.s32 s7, s21;
	s22 =	sand.u32 $0x1FFFFFF0, s22;
	s23 =	spop (v2sf);
	(v2sf) =	vpush v3, $0x9  }
0x1b9: {  	[tilespmem:s17], [sflag:$0x1] =	stream.linear.gather [hbm4b:s21+s3], $0x80, $0x38;
	[tilespmem:$0x1C200] =	vst v63  }
0x1ba: {  	s30 =	sadd.s32 s7, s22;
	s9 =	sand.u32 $0x1FFFFFF0, s23;
	s24 =	spop (v2sf);
	(v2sf) =	vpush v3, $0xA  }
0x1bb: {  	[tilespmem:s19], [sflag:$0x1] =	stream.linear.gather [hbm4b:s30+s3], $0x80, $0x38;
	[tilespmem:$0x1C200] =	vst v63  }
0x1bc: {  	s21 =	sadd.s32 $0x200, s17;
	s25 =	sand.u32 $0x1FFFFFF0, s24;
	s29 =	spop (v2sf);
	(v2sf) =	vpush v3, $0xB  }
0x1bd: {  	s22 =	sadd.s32 $0x580, s17;
	s24 =	sadd.s32 $0x100, s17;
	s19 =	sadd.s32 s7, s25  }
0x1be: {  	[tilespmem:s24], [sflag:$0x1] =	stream.linear.gather [hbm4b:s19+s3], $0x80, $0x38;
	(v2sf) =	vpush v3, $0xC;
	[tilespmem:$0x1C200] =	vst v63  }
0x1bf: {  	s30 =	sadd.s32 s7, s9;
	s23 =	sand.u32 $0x1FFFFFF0, s29;
	s9 =	spop (v2sf)  }
0x1c0: {  	[tilespmem:s10], [sflag:$0x1] =	stream.linear.gather [hbm4b:s30+s3], $0x80, $0x38;
	(v2sf) =	vpush v3, $0xD;
	[tilespmem:$0x1C200] =	vst v63  }
0x1c1: {  	s23 =	sadd.s32 s7, s23;
	s24 =	sand.u32 $0x1FFFFFF0, s9;
	s25 =	spop (v2sf)  }
0x1c2: {  	[tilespmem:s21], [sflag:$0x1] =	stream.linear.gather [hbm4b:s23+s3], $0x80, $0x38;
	(v2sf) =	vpush v3, $0xE;
	[tilespmem:$0x1C200] =	vst v63  }
0x1c3: {  	s29 =	sadd.s32 s7, s24;
	s30 =	sand.u32 $0x1FFFFFF0, s25;
	s9 =	spop (v2sf)  }
0x1c4: {  	(v2sf) =	vpush v3, $0xF;
	[tilespmem:s11], [sflag:$0x1] =	stream.linear.gather [hbm4b:s29+s3], $0x80, $0x38;
	[tilespmem:$0x1C200] =	vst v63  }
0x1c5: {  	s23 =	sadd.s32 s7, s30;
	s24 =	sand.u32 $0x1FFFFFF0, s9;
	s25 =	spop (v2sf)  }
0x1c6: {  	[tilespmem:s14], [sflag:$0x1] =	stream.linear.gather [hbm4b:s23+s3], $0x80, $0x38;
	[tilespmem:$0x1C200] =	vst v63  }
0x1c7: {  	s29 =	sadd.s32 s7, s24;
	s30 =	sand.u32 $0x1FFFFFF0, s25;
	s9 =	spop (v2sf)  }
0x1c8: {  	[tilespmem:s12], [sflag:$0x1] =	stream.linear.gather [hbm4b:s29+s3], $0x80, $0x38;
	[tilespmem:$0x1C200] =	vst v63  }
0x1c9: {  	s12 =	sadd.s32 s7, s30;
	s19 =	sand.u32 $0x1FFFFFF0, s9;
	s21 =	spop (v2sf)  }
0x1ca: {  	[tilespmem:s13], [sflag:$0x1] =	stream.linear.gather [hbm4b:s12+s3], $0x80, $0x38;
	[tilespmem:$0x1C200] =	vst v63  }
0x1cb: {  	s23 =	sadd.s32 s7, s19;
	s24 =	sand.u32 $0x1FFFFFF0, s21;
	s25 =	spop (v2sf)  }
0x1cc: {  	[tilespmem:s16], [sflag:$0x1] =	stream.linear.gather [hbm4b:s23+s3], $0x80, $0x38;
	[tilespmem:$0x1C200] =	vst v63  }
0x1cd: {  	s29 =	sadd.s32 s7, s24;
	s30 =	sand.u32 $0x1FFFFFF0, s25;
	s9 =	spop (v2sf)  }
0x1ce: {  	[tilespmem:s20], [sflag:$0x1] =	stream.linear.gather [hbm4b:s29+s3], $0x80, $0x38;
	[tilespmem:$0x1C200] =	vst v63  }
0x1cf: {  	s13 =	sadd.s32 s7, s30;
	s14 =	sand.u32 $0x1FFFFFF0, s9;
	s16 =	spop (v2sf)  }
0x1d0: {  	[tilespmem:s22], [sflag:$0x1] =	stream.linear.gather [hbm4b:s13+s3], $0x80, $0x38;
	[tilespmem:$0x1C200] =	vst v63  }
0x1d1: {  	s19 =	sadd.s32 s7, s14;
	s20 =	sand.u32 $0x1FFFFFF0, s16;
	s21 =	spop (v2sf)  }
0x1d2: {  	[tilespmem:s2], [sflag:$0x1] =	stream.linear.gather [hbm4b:s19+s3], $0x80, $0x38;
	[tilespmem:$0x1C200] =	vst v63  }
0x1d3: {  	s22 =	sadd.s32 s7, s20;
	s23 =	sand.u32 $0x1FFFFFF0, s21;
	s24 =	spop (v2sf)  }
0x1d4: {  	[tilespmem:s18], [sflag:$0x1] =	stream.linear.gather [hbm4b:s22+s3], $0x80, $0x38;
	[tilespmem:$0x1C200] =	vst v63  }
0x1d5: {  	s25 =	sadd.s32 $0x700, s17;
	s10 =	sadd.s32 s7, s23;
	s11 =	sand.u32 $0x1FFFFFF0, s24  }
0x1d6: {  	[tilespmem:s25], [sflag:$0x1] =	stream.linear.gather [hbm4b:s10+s3], $0x80, $0x38;
	[tilespmem:$0x1C200] =	vst v63  }
0x1d7: {  	s29 =	sadd.s32 $0x780, s17;
	s30 =	sadd.s32 s7, s11  }
0x1d8: {  	[tilespmem:s29], [sflag:$0x1] =	stream.linear.gather [hbm4b:s30+s3], $0x80, $0x38;
	[tilespmem:$0x1C200] =	vst v63  }
0x1d9: {  	_ =	swait.ge [sflag:s0], $0x80  }
0x1da: {  	s2 =	simm.s32 $0x1FF;
	[sflag:s0] =	ssyncset.done $0x0  }
.LBB2_16:
0x1db: {  	p0 =	sne.s32 s2, $0x1;
	s2 =	sadd.s32 $0xFFFFFFFF, s2;
	[sflag:s0] =	ssyncadd.s32 $0xFFFFFF80  }
.Ltmp7:
0x1dc: {  	(pc) =	sbr.rel @p0 .LBB2_16-.Ltmp7, $3  }
0x1dd: {  	_ =	sdelay $0x1  }
0x1de: {  	_ =	swait.ge [sflag:s0], $0x80  }
0x1df: {  	[sflag:s0] =	ssyncset.done $0x0  }
0x1e0: {  	[sflag:s0] =	ssyncadd.s32 $0xFFFFFF80;
	s2 =	simm.s32 $0x0;
	s10 =	rddreg [dreg:$0xf]  }
0x1e1: {  	[hbm4b:s10+s2] =	stream.linear.scatter [tilespmem:s2], [sflag:$0x3], $0x10000, $0x38;
	[tilespmem:$0x1C200] =	vst v63  }
0x1e2: {  	_ =	swait.ge [sflag:s31], $0x10000  }
0x1e3: {  	[sflag:s31] =	ssyncset.done $0x0  }
0x1e4: {  	s30 =	simm.s32 $0x10000;
	s11 =	rddreg [dreg:$0x10];
	[sflag:s31] =	ssyncadd.s32 $0xFFFF0000  }
0x1e5: {  	[tilespmem:s30], [sflag:$0x3] =	stream.linear.gather [hbm4b:s11+s2], $0x200, $0x38;
	[tilespmem:$0x1C200] =	vst v63  }
0x1e6: {  	_ =	swait.ge [sflag:s31], $0x200  }
0x1e7: {  	[sflag:s31] =	ssyncset.done $0x0  }
0x1e8: {  	[sflag:s31] =	ssyncadd.s32 $0xFFFFFE00  }
0x1e9: {  	v3 =	vld [tilespmem:s30+$0x0];
	_ =	sdelay $0x4  }
0x1ea: {  	v3 =	vshll.u32 v3, $0x4  }
0x1eb: {  	(v2sf) =	vpush v3, $0x0  }
0x1ec: {  	(v2sf) =	vpush v3, $0x1  }
0x1ed: {  	(v2sf) =	vpush v3, $0x3;
	_ =	sdelay $0x1  }
0x1ee: {  	(v2sf) =	vpush v3, $0x2;
	_ =	sdelay $0x1  }
0x1ef: {  	(v2sf) =	vpush v3, $0x4;
	_ =	sdelay $0x2  }
0x1f0: {  	(v2sf) =	vpush v3, $0x5  }
0x1f1: {  	s18 =	simm.s32 $0x2000;
	s17 =	simm.s32 $0x0;
	s20 =	simm.s32 $0x10010;
	(v2sf) =	vpush v3, $0x6  }
.LBB2_18:
0x1f2: {  	p0 =	sne.s32 s18, $0x3E000  }
0x1f3: {  	s10 =	sadd.s32 $0x180, s17;
	s19 =	sadd.s32 $0x280, s17;
	s21 =	smov.u32 s18  }
0x1f4: {  	s18 =	sadd.s32 $0x2000, s18;
	s30 =	sadd.s32 $0x380, s17;
	s29 =	sadd.s32 $0x400, s17;
	(v2sf) =	vpush v3, $0x7  }
0x1f5: {  	s2 =	sadd.s32 $0x300, s17;
	s25 =	sadd.s32 $0x480, s17;
	s22 =	sadd.s32 $0x680, s17  }
0x1f6: {  	s11 =	sadd.s32 $0x80, s17;
	s24 =	sadd.s32 $0x500, s17;
	s12 =	spop (v2sf);
	(v2sf) =	vpush v3, $0x8  }
0x1f7: {  	s23 =	sadd.s32 $0x600, s17;
	s12 =	sand.u32 $0x1FFFFFF0, s12;
	s13 =	spop (v2sf)  }
0x1f8: {  	s12 =	sadd.s32 s8, s12;
	s13 =	sand.u32 $0x1FFFFFF0, s13;
	s14 =	spop (v2sf);
	(v2sf) =	vpush v3, $0x9  }
0x1f9: {  	[tilespmem:s17], [sflag:$0x1] =	stream.linear.gather [hbm4b:s12+s3], $0x80, $0x38;
	[tilespmem:$0x1C200] =	vst v63  }
0x1fa: {  	s12 =	sadd.s32 s8, s13;
	s13 =	sand.u32 $0x1FFFFFF0, s14;
	s14 =	spop (v2sf);
	(v2sf) =	vpush v3, $0xA  }
0x1fb: {  	[tilespmem:s11], [sflag:$0x1] =	stream.linear.gather [hbm4b:s12+s3], $0x80, $0x38;
	[tilespmem:$0x1C200] =	vst v63  }
0x1fc: {  	s11 =	sand.u32 $0x1FFFFFF0, s14;
	s12 =	sadd.s32 $0x200, s17;
	s14 =	spop (v2sf);
	(v2sf) =	vpush v3, $0xB  }
0x1fd: {  	s16 =	sadd.s32 $0x100, s17;
	s11 =	sadd.s32 s8, s11;
	s14 =	sand.u32 $0x1FFFFFF0, s14  }
0x1fe: {  	[tilespmem:s16], [sflag:$0x1] =	stream.linear.gather [hbm4b:s11+s3], $0x80, $0x38;
	(v2sf) =	vpush v3, $0xC;
	[tilespmem:$0x1C200] =	vst v63  }
0x1ff: {  	s11 =	sadd.s32 s8, s13;
	s13 =	sadd.s32 $0x580, s17;
	s16 =	spop (v2sf)  }
0x200: {  	[tilespmem:s10], [sflag:$0x1] =	stream.linear.gather [hbm4b:s11+s3], $0x80, $0x38;
	(v2sf) =	vpush v3, $0xD;
	[tilespmem:$0x1C200] =	vst v63  }
0x201: {  	s10 =	sadd.s32 s8, s14;
	s11 =	sand.u32 $0x1FFFFFF0, s16;
	s14 =	spop (v2sf)  }
0x202: {  	[tilespmem:s12], [sflag:$0x1] =	stream.linear.gather [hbm4b:s10+s3], $0x80, $0x38;
	(v2sf) =	vpush v3, $0xE;
	[tilespmem:$0x1C200] =	vst v63  }
0x203: {  	s10 =	sadd.s32 s8, s11;
	s11 =	sand.u32 $0x1FFFFFF0, s14;
	s12 =	spop (v2sf)  }
0x204: {  	[tilespmem:s19], [sflag:$0x1] =	stream.linear.gather [hbm4b:s10+s3], $0x80, $0x38;
	(v2sf) =	vpush v3, $0xF;
	[tilespmem:$0x1C200] =	vst v63  }
0x205: {  	s10 =	sadd.s32 s8, s11;
	s11 =	sand.u32 $0x1FFFFFF0, s12;
	s12 =	spop (v2sf)  }
0x206: {  	[tilespmem:s2], [sflag:$0x1] =	stream.linear.gather [hbm4b:s10+s3], $0x80, $0x38;
	[tilespmem:$0x1C200] =	vst v63  }
0x207: {  	s2 =	sadd.s32 s8, s11;
	s10 =	sand.u32 $0x1FFFFFF0, s12;
	s11 =	spop (v2sf)  }
0x208: {  	[tilespmem:s30], [sflag:$0x1] =	stream.linear.gather [hbm4b:s2+s3], $0x80, $0x38;
	[tilespmem:$0x1C200] =	vst v63  }
0x209: {  	s2 =	sadd.s32 s8, s10;
	s10 =	sand.u32 $0x1FFFFFF0, s11;
	s11 =	spop (v2sf)  }
0x20a: {  	[tilespmem:s29], [sflag:$0x1] =	stream.linear.gather [hbm4b:s2+s3], $0x80, $0x38;
	[tilespmem:$0x1C200] =	vst v63  }
0x20b: {  	s2 =	sadd.s32 s8, s10;
	s10 =	sand.u32 $0x1FFFFFF0, s11;
	s11 =	spop (v2sf)  }
0x20c: {  	[tilespmem:s25], [sflag:$0x1] =	stream.linear.gather [hbm4b:s2+s3], $0x80, $0x38;
	[tilespmem:$0x1C200] =	vst v63  }
0x20d: {  	s2 =	sadd.s32 s8, s10;
	s10 =	sand.u32 $0x1FFFFFF0, s11;
	s11 =	spop (v2sf)  }
0x20e: {  	[tilespmem:s24], [sflag:$0x1] =	stream.linear.gather [hbm4b:s2+s3], $0x80, $0x38;
	[tilespmem:$0x1C200] =	vst v63  }
0x20f: {  	s2 =	sadd.s32 s8, s10;
	s10 =	sand.u32 $0x1FFFFFF0, s11;
	s11 =	spop (v2sf)  }
0x210: {  	[tilespmem:s13], [sflag:$0x1] =	stream.linear.gather [hbm4b:s2+s3], $0x80, $0x38;
	[tilespmem:$0x1C200] =	vst v63  }
0x211: {  	s2 =	sadd.s32 s8, s10;
	s10 =	sand.u32 $0x1FFFFFF0, s11;
	s11 =	spop (v2sf)  }
0x212: {  	[tilespmem:s23], [sflag:$0x1] =	stream.linear.gather [hbm4b:s2+s3], $0x80, $0x38;
	[tilespmem:$0x1C200] =	vst v63  }
0x213: {  	s2 =	sadd.s32 s8, s10;
	s10 =	sand.u32 $0x1FFFFFF0, s11;
	s11 =	spop (v2sf)  }
0x214: {  	[tilespmem:s22], [sflag:$0x1] =	stream.linear.gather [hbm4b:s2+s3], $0x80, $0x38;
	[tilespmem:$0x1C200] =	vst v63  }
0x215: {  	s10 =	sadd.s32 s8, s10;
	s2 =	sadd.s32 $0x700, s17;
	s11 =	sand.u32 $0x1FFFFFF0, s11  }
0x216: {  	[tilespmem:s2], [sflag:$0x1] =	stream.linear.gather [hbm4b:s10+s3], $0x80, $0x38;
	[tilespmem:$0x1C200] =	vst v63  }
0x217: {  	s2 =	sadd.s32 $0x780, s17;
	s10 =	sadd.s32 s8, s11  }
0x218: {  	[tilespmem:s2], [sflag:$0x1] =	stream.linear.gather [hbm4b:s10+s3], $0x80, $0x38;
	[tilespmem:$0x1C200] =	vst v63  }
0x219: {  	v3 =	vld [tilespmem:s20+$0x0];
	_ =	sdelay $0x4  }
0x21a: {  	v3 =	vshll.u32 v3, $0x4  }
0x21b: {  	(v2sf) =	vpush v3, $0x0  }
0x21c: {  	(v2sf) =	vpush v3, $0x1  }
0x21d: {  	(v2sf) =	vpush v3, $0x3;
	_ =	sdelay $0x1  }
0x21e: {  	(v2sf) =	vpush v3, $0x2;
	_ =	sdelay $0x1  }
0x21f: {  	(v2sf) =	vpush v3, $0x4  }
.Ltmp8:
0x220: {  	(pc) =	sbr.rel @p0 .LBB2_18-.Ltmp8, $3  }
0x221: {  	_ = 	snop  }
0x222: {  	(v2sf) =	vpush v3, $0x5;
	_ =	sdelay $0x1  }
0x223: {  	s17 =	sshra.s32 s21, $0x2;
	s20 =	sadd.s32 $0x10, s20;
	(v2sf) =	vpush v3, $0x6  }
0x224: {  	s10 =	sadd.s32 $0x180, s17  }
0x225: {  	s11 =	sadd.s32 $0x280, s17;
	s12 =	sadd.s32 $0x380, s17;
	s13 =	sadd.s32 $0x400, s17;
	(v2sf) =	vpush v3, $0x7  }
0x226: {  	s14 =	sadd.s32 $0x300, s17;
	s16 =	sadd.s32 $0x480, s17;
	s18 =	sadd.s32 $0x680, s17  }
0x227: {  	s19 =	sadd.s32 $0x80, s17;
	s20 =	sadd.s32 $0x500, s17;
	s2 =	spop (v2sf);
	(v2sf) =	vpush v3, $0x8  }
0x228: {  	s21 =	sand.u32 $0x1FFFFFF0, s2;
	s2 =	sadd.s32 $0x600, s17;
	s22 =	spop (v2sf)  }
0x229: {  	s21 =	sadd.s32 s8, s21;
	s22 =	sand.u32 $0x1FFFFFF0, s22;
	s23 =	spop (v2sf);
	(v2sf) =	vpush v3, $0x9  }
0x22a: {  	[tilespmem:s17], [sflag:$0x1] =	stream.linear.gather [hbm4b:s21+s3], $0x80, $0x38;
	[tilespmem:$0x1C200] =	vst v63  }
0x22b: {  	s30 =	sadd.s32 s8, s22;
	s9 =	sand.u32 $0x1FFFFFF0, s23;
	s24 =	spop (v2sf);
	(v2sf) =	vpush v3, $0xA  }
0x22c: {  	[tilespmem:s19], [sflag:$0x1] =	stream.linear.gather [hbm4b:s30+s3], $0x80, $0x38;
	[tilespmem:$0x1C200] =	vst v63  }
0x22d: {  	s21 =	sadd.s32 $0x200, s17;
	s25 =	sand.u32 $0x1FFFFFF0, s24;
	s29 =	spop (v2sf);
	(v2sf) =	vpush v3, $0xB  }
0x22e: {  	s22 =	sadd.s32 $0x580, s17;
	s24 =	sadd.s32 $0x100, s17;
	s19 =	sadd.s32 s8, s25  }
0x22f: {  	[tilespmem:s24], [sflag:$0x1] =	stream.linear.gather [hbm4b:s19+s3], $0x80, $0x38;
	(v2sf) =	vpush v3, $0xC;
	[tilespmem:$0x1C200] =	vst v63  }
0x230: {  	s30 =	sadd.s32 s8, s9;
	s23 =	sand.u32 $0x1FFFFFF0, s29;
	s9 =	spop (v2sf)  }
0x231: {  	[tilespmem:s10], [sflag:$0x1] =	stream.linear.gather [hbm4b:s30+s3], $0x80, $0x38;
	(v2sf) =	vpush v3, $0xD;
	[tilespmem:$0x1C200] =	vst v63  }
0x232: {  	s23 =	sadd.s32 s8, s23;
	s24 =	sand.u32 $0x1FFFFFF0, s9;
	s25 =	spop (v2sf)  }
0x233: {  	[tilespmem:s21], [sflag:$0x1] =	stream.linear.gather [hbm4b:s23+s3], $0x80, $0x38;
	(v2sf) =	vpush v3, $0xE;
	[tilespmem:$0x1C200] =	vst v63  }
0x234: {  	s29 =	sadd.s32 s8, s24;
	s30 =	sand.u32 $0x1FFFFFF0, s25;
	s9 =	spop (v2sf)  }
0x235: {  	(v2sf) =	vpush v3, $0xF;
	[tilespmem:s11], [sflag:$0x1] =	stream.linear.gather [hbm4b:s29+s3], $0x80, $0x38;
	[tilespmem:$0x1C200] =	vst v63  }
0x236: {  	s23 =	sadd.s32 s8, s30;
	s24 =	sand.u32 $0x1FFFFFF0, s9;
	s25 =	spop (v2sf)  }
0x237: {  	[tilespmem:s14], [sflag:$0x1] =	stream.linear.gather [hbm4b:s23+s3], $0x80, $0x38;
	[tilespmem:$0x1C200] =	vst v63  }
0x238: {  	s29 =	sadd.s32 s8, s24;
	s30 =	sand.u32 $0x1FFFFFF0, s25;
	s9 =	spop (v2sf)  }
0x239: {  	[tilespmem:s12], [sflag:$0x1] =	stream.linear.gather [hbm4b:s29+s3], $0x80, $0x38;
	[tilespmem:$0x1C200] =	vst v63  }
0x23a: {  	s12 =	sadd.s32 s8, s30;
	s19 =	sand.u32 $0x1FFFFFF0, s9;
	s21 =	spop (v2sf)  }
0x23b: {  	[tilespmem:s13], [sflag:$0x1] =	stream.linear.gather [hbm4b:s12+s3], $0x80, $0x38;
	[tilespmem:$0x1C200] =	vst v63  }
0x23c: {  	s23 =	sadd.s32 s8, s19;
	s24 =	sand.u32 $0x1FFFFFF0, s21;
	s25 =	spop (v2sf)  }
0x23d: {  	[tilespmem:s16], [sflag:$0x1] =	stream.linear.gather [hbm4b:s23+s3], $0x80, $0x38;
	[tilespmem:$0x1C200] =	vst v63  }
0x23e: {  	s29 =	sadd.s32 s8, s24;
	s30 =	sand.u32 $0x1FFFFFF0, s25;
	s9 =	spop (v2sf)  }
0x23f: {  	[tilespmem:s20], [sflag:$0x1] =	stream.linear.gather [hbm4b:s29+s3], $0x80, $0x38;
	[tilespmem:$0x1C200] =	vst v63  }
0x240: {  	s13 =	sadd.s32 s8, s30;
	s14 =	sand.u32 $0x1FFFFFF0, s9;
	s16 =	spop (v2sf)  }
0x241: {  	[tilespmem:s22], [sflag:$0x1] =	stream.linear.gather [hbm4b:s13+s3], $0x80, $0x38;
	[tilespmem:$0x1C200] =	vst v63  }
0x242: {  	s19 =	sadd.s32 s8, s14;
	s20 =	sand.u32 $0x1FFFFFF0, s16;
	s21 =	spop (v2sf)  }
0x243: {  	[tilespmem:s2], [sflag:$0x1] =	stream.linear.gather [hbm4b:s19+s3], $0x80, $0x38;
	[tilespmem:$0x1C200] =	vst v63  }
0x244: {  	s22 =	sadd.s32 s8, s20;
	s23 =	sand.u32 $0x1FFFFFF0, s21;
	s24 =	spop (v2sf)  }
0x245: {  	[tilespmem:s18], [sflag:$0x1] =	stream.linear.gather [hbm4b:s22+s3], $0x80, $0x38;
	[tilespmem:$0x1C200] =	vst v63  }
0x246: {  	s25 =	sadd.s32 $0x700, s17;
	s10 =	sadd.s32 s8, s23;
	s11 =	sand.u32 $0x1FFFFFF0, s24  }
0x247: {  	[tilespmem:s25], [sflag:$0x1] =	stream.linear.gather [hbm4b:s10+s3], $0x80, $0x38;
	[tilespmem:$0x1C200] =	vst v63  }
0x248: {  	s29 =	sadd.s32 $0x780, s17;
	s30 =	sadd.s32 s8, s11  }
0x249: {  	[tilespmem:s29], [sflag:$0x1] =	stream.linear.gather [hbm4b:s30+s3], $0x80, $0x38;
	[tilespmem:$0x1C200] =	vst v63  }
0x24a: {  	_ =	swait.ge [sflag:s0], $0x80  }
0x24b: {  	s2 =	simm.s32 $0x1FF;
	[sflag:s0] =	ssyncset.done $0x0  }
.LBB2_20:
0x24c: {  	p0 =	sne.s32 s2, $0x1;
	s2 =	sadd.s32 $0xFFFFFFFF, s2;
	[sflag:s0] =	ssyncadd.s32 $0xFFFFFF80  }
.Ltmp9:
0x24d: {  	(pc) =	sbr.rel @p0 .LBB2_20-.Ltmp9, $3  }
0x24e: {  	_ =	sdelay $0x1  }
0x24f: {  	_ =	swait.ge [sflag:s0], $0x80  }
0x250: {  	[sflag:s0] =	ssyncset.done $0x0  }
0x251: {  	[sflag:s0] =	ssyncadd.s32 $0xFFFFFF80;
	s2 =	rddreg [dreg:$0x11]  }
0x252: {  	[hbm4b:s2+s3] =	stream.linear.scatter [tilespmem:s3], [sflag:$0x3], $0x10000, $0x38;
	[tilespmem:$0x1C200] =	vst v63  }
0x253: {  	_ =	swait.ge [sflag:s31], $0x10000  }
0x254: {  	[sflag:s31] =	ssyncset.done $0x0  }
0x255: {  	s9 =	simm.s32 $0x10000;
	s20 =	rddreg [dreg:$0xa];
	[sflag:s31] =	ssyncadd.s32 $0xFFFF0000  }
0x256: {  	[tilespmem:s9], [sflag:$0x3] =	stream.linear.gather [hbm4b:s20+s3], $0x200, $0x38;
	[tilespmem:$0x1C200] =	vst v63  }
0x257: {  	_ =	swait.ge [sflag:s31], $0x200  }
0x258: {  	[sflag:s31] =	ssyncset.done $0x0  }
0x259: {  	[sflag:s31] =	ssyncadd.s32 $0xFFFFFE00  }
0x25a: {  	v3 =	vld [tilespmem:$0x10000];
	_ =	sdelay $0x4  }
0x25b: {  	v4 =	vshrl.u32 v3, $0x3  }
0x25c: {  	v4 =	vmul.u32 $0x30, v4  }
0x25d: {  	v3 =	vand.u32 $0x7, v3  }
0x25e: {  	v3 =	vor.u32 v3, v4  }
0x25f: {  	v4 =	vperm.xlane v3, v0;
	_ =	sdelay $0x1  }
0x260: {  	v4 =	vadd.s32 v1, v4;
	_ =	sdelay $0x3  }
0x261: {  	v3 =	vperm.xlane v3, v2  }
0x262: {  	[tilespmem:s15], [sflag:$0x2] =	stream.indirect_vreg.gather [hbm4b:s1+s3], $0x80, v4, vm0, $0xb8;
	[tilespmem:$0x1C200] =	vst v63  }
0x263: {  	s21 =	simm.s32 $0x10A00;
	v3 =	vadd.s32 v1, v3  }
0x264: {  	[tilespmem:s21], [sflag:$0x2] =	stream.indirect_vreg.gather [hbm4b:s26+s3], $0x80, v4, vm0, $0xb8;
	[tilespmem:$0x1C200] =	vst v63  }
0x265: {  	s22 =	simm.s32 $0x11200  }
0x266: {  	[tilespmem:s22], [sflag:$0x2] =	stream.indirect_vreg.gather [hbm4b:s28+s3], $0x80, v4, vm0, $0xb8;
	[tilespmem:$0x1C200] =	vst v63  }
0x267: {  	s23 =	simm.s32 $0x11A00  }
0x268: {  	[tilespmem:s23], [sflag:$0x2] =	stream.indirect_vreg.gather [hbm4b:s1+s3], $0x80, v3, vm0, $0xb8;
	[tilespmem:$0x1C200] =	vst v63  }
0x269: {  	s24 =	simm.s32 $0x12200  }
0x26a: {  	[tilespmem:s24], [sflag:$0x2] =	stream.indirect_vreg.gather [hbm4b:s26+s3], $0x80, v3, vm0, $0xb8;
	[tilespmem:$0x1C200] =	vst v63  }
0x26b: {  	s25 =	simm.s32 $0x12A00  }
0x26c: {  	[tilespmem:s25], [sflag:$0x2] =	stream.indirect_vreg.gather [hbm4b:s28+s3], $0x80, v3, vm0, $0xb8;
	[tilespmem:$0x1C200] =	vst v63  }
0x26d: {  	v3 =	vld [tilespmem:$0x10010];
	_ =	sdelay $0x4  }
0x26e: {  	v33 =	vshrl.u32 v3, $0x3  }
0x26f: {  	v4 =	vmul.u32 $0x30, v33  }
0x270: {  	v3 =	vand.u32 $0x7, v3  }
0x271: {  	v3 =	vor.u32 v3, v4  }
0x272: {  	v4 =	vperm.xlane v3, v0;
	_ =	sdelay $0x1  }
0x273: {  	v4 =	vadd.s32 v1, v4;
	_ =	sdelay $0x3  }
0x274: {  	s29 =	simm.s32 $0x13200;
	v3 =	vperm.xlane v3, v2  }
0x275: {  	[tilespmem:s29], [sflag:$0x2] =	stream.indirect_vreg.gather [hbm4b:s1+s3], $0x80, v4, vm0, $0xb8;
	[tilespmem:$0x1C200] =	vst v63  }
0x276: {  	s30 =	simm.s32 $0x13A00;
	v3 =	vadd.s32 v1, v3  }
0x277: {  	[tilespmem:s30], [sflag:$0x2] =	stream.indirect_vreg.gather [hbm4b:s26+s3], $0x80, v4, vm0, $0xb8;
	[tilespmem:$0x1C200] =	vst v63  }
0x278: {  	s9 =	simm.s32 $0x14200  }
0x279: {  	[tilespmem:s9], [sflag:$0x2] =	stream.indirect_vreg.gather [hbm4b:s28+s3], $0x80, v4, vm0, $0xb8;
	[tilespmem:$0x1C200] =	vst v63  }
0x27a: {  	s10 =	simm.s32 $0x14A00  }
0x27b: {  	[tilespmem:s10], [sflag:$0x2] =	stream.indirect_vreg.gather [hbm4b:s1+s3], $0x80, v3, vm0, $0xb8;
	[tilespmem:$0x1C200] =	vst v63  }
0x27c: {  	s11 =	simm.s32 $0x15200  }
0x27d: {  	[tilespmem:s11], [sflag:$0x2] =	stream.indirect_vreg.gather [hbm4b:s26+s3], $0x80, v3, vm0, $0xb8;
	[tilespmem:$0x1C200] =	vst v63  }
0x27e: {  	s14 =	simm.s32 $0x15A00  }
0x27f: {  	[tilespmem:s14], [sflag:$0x2] =	stream.indirect_vreg.gather [hbm4b:s28+s3], $0x80, v3, vm0, $0xb8;
	[tilespmem:$0x1C200] =	vst v63  }
0x280: {  	v3 =	vld [tilespmem:$0x10020];
	_ =	sdelay $0x4  }
0x281: {  	v34 =	vshrl.u32 v3, $0x3  }
0x282: {  	v4 =	vmul.u32 $0x30, v34  }
0x283: {  	v3 =	vand.u32 $0x7, v3  }
0x284: {  	v3 =	vor.u32 v3, v4  }
0x285: {  	v4 =	vperm.xlane v3, v0;
	_ =	sdelay $0x1  }
0x286: {  	v4 =	vadd.s32 v1, v4;
	_ =	sdelay $0x3  }
0x287: {  	s16 =	simm.s32 $0x16200;
	v3 =	vperm.xlane v3, v2  }
0x288: {  	[tilespmem:s16], [sflag:$0x2] =	stream.indirect_vreg.gather [hbm4b:s1+s3], $0x80, v4, vm0, $0xb8;
	[tilespmem:$0x1C200] =	vst v63  }
0x289: {  	s25 =	simm.s32 $0x16A00;
	v3 =	vadd.s32 v1, v3  }
0x28a: {  	[tilespmem:s25], [sflag:$0x2] =	stream.indirect_vreg.gather [hbm4b:s26+s3], $0x80, v4, vm0, $0xb8;
	[tilespmem:$0x1C200] =	vst v63  }
0x28b: {  	s29 =	simm.s32 $0x17200  }
0x28c: {  	[tilespmem:s29], [sflag:$0x2] =	stream.indirect_vreg.gather [hbm4b:s28+s3], $0x80, v4, vm0, $0xb8;
	[tilespmem:$0x1C200] =	vst v63  }
0x28d: {  	s30 =	simm.s32 $0x17A00  }
0x28e: {  	[tilespmem:s30], [sflag:$0x2] =	stream.indirect_vreg.gather [hbm4b:s1+s3], $0x80, v3, vm0, $0xb8;
	[tilespmem:$0x1C200] =	vst v63  }
0x28f: {  	s9 =	simm.s32 $0x18200  }
0x290: {  	[tilespmem:s9], [sflag:$0x2] =	stream.indirect_vreg.gather [hbm4b:s26+s3], $0x80, v3, vm0, $0xb8;
	[tilespmem:$0x1C200] =	vst v63  }
0x291: {  	s10 =	simm.s32 $0x18A00  }
0x292: {  	[tilespmem:s10], [sflag:$0x2] =	stream.indirect_vreg.gather [hbm4b:s28+s3], $0x80, v3, vm0, $0xb8;
	[tilespmem:$0x1C200] =	vst v63  }
0x293: {  	v3 =	vld [tilespmem:$0x10030];
	_ =	sdelay $0x4  }
0x294: {  	v35 =	vshrl.u32 v3, $0x3  }
0x295: {  	v4 =	vmul.u32 $0x30, v35  }
0x296: {  	v3 =	vand.u32 $0x7, v3  }
0x297: {  	v3 =	vor.u32 v3, v4  }
0x298: {  	v4 =	vperm.xlane v3, v0;
	_ =	sdelay $0x1  }
0x299: {  	v4 =	vadd.s32 v1, v4;
	_ =	sdelay $0x3  }
0x29a: {  	s11 =	simm.s32 $0x19200;
	v3 =	vperm.xlane v3, v2  }
0x29b: {  	[tilespmem:s11], [sflag:$0x2] =	stream.indirect_vreg.gather [hbm4b:s1+s3], $0x80, v4, vm0, $0xb8;
	[tilespmem:$0x1C200] =	vst v63  }
0x29c: {  	s10 =	simm.s32 $0x19A00;
	v3 =	vadd.s32 v1, v3  }
0x29d: {  	[tilespmem:s10], [sflag:$0x2] =	stream.indirect_vreg.gather [hbm4b:s26+s3], $0x80, v4, vm0, $0xb8;
	[tilespmem:$0x1C200] =	vst v63  }
0x29e: {  	s10 =	simm.s32 $0x1A200  }
0x29f: {  	[tilespmem:s10], [sflag:$0x2] =	stream.indirect_vreg.gather [hbm4b:s28+s3], $0x80, v4, vm0, $0xb8;
	[tilespmem:$0x1C200] =	vst v63  }
0x2a0: {  	s10 =	simm.s32 $0x1AA00  }
0x2a1: {  	[tilespmem:s10], [sflag:$0x2] =	stream.indirect_vreg.gather [hbm4b:s1+s3], $0x80, v3, vm0, $0xb8;
	[tilespmem:$0x1C200] =	vst v63  }
0x2a2: {  	s10 =	simm.s32 $0x1B200  }
0x2a3: {  	[tilespmem:s10], [sflag:$0x2] =	stream.indirect_vreg.gather [hbm4b:s26+s3], $0x80, v3, vm0, $0xb8;
	[tilespmem:$0x1C200] =	vst v63  }
0x2a4: {  	s10 =	simm.s32 $0x1BA00  }
0x2a5: {  	[tilespmem:s10], [sflag:$0x2] =	stream.indirect_vreg.gather [hbm4b:s28+s3], $0x80, v3, vm0, $0xb8;
	[tilespmem:$0x1C200] =	vst v63  }
0x2a6: {  	s10 =	simm.s32 $0x2  }
0x2a7: {  	_ =	swait.ge [sflag:s10], $0xC000  }
0x2a8: {  	[sflag:s10] =	ssyncset.done $0x0  }
0x2a9: {  	s2 =	rddreg [dreg:$0x12];
	[sflag:s10] =	ssyncadd.s32 $0xFFFF4000  }
0x2aa: {  	[hbm4b:s2+s3] =	stream.linear.scatter [tilespmem:s15], [sflag:$0x3], $0xC000, $0x38;
	[tilespmem:$0x1C200] =	vst v63  }
0x2ab: {  	_ =	swait.ge [sflag:s31], $0xC000  }
0x2ac: {  	[sflag:s31] =	ssyncset.done $0x0  }
0x2ad: {  	[sflag:s31] =	ssyncadd.s32 $0xFFFF4000  }
0x2ae: {  	v3 =	vld [tilespmem:$0x10040];
	_ =	sdelay $0x4  }
0x2af: {  	v36 =	vshrl.u32 v3, $0x3  }
0x2b0: {  	v4 =	vmul.u32 $0x30, v36  }
0x2b1: {  	v3 =	vand.u32 $0x7, v3  }
0x2b2: {  	v3 =	vor.u32 v3, v4  }
0x2b3: {  	v4 =	vperm.xlane v3, v0;
	_ =	sdelay $0x1  }
0x2b4: {  	v4 =	vadd.s32 v1, v4;
	_ =	sdelay $0x3  }
0x2b5: {  	v3 =	vperm.xlane v3, v2  }
0x2b6: {  	[tilespmem:s15], [sflag:$0x2] =	stream.indirect_vreg.gather [hbm4b:s1+s3], $0x80, v4, vm0, $0xb8;
	[tilespmem:$0x1C200] =	vst v63  }
0x2b7: {  	s17 =	simm.s32 $0x10A00;
	v3 =	vadd.s32 v1, v3  }
0x2b8: {  	[tilespmem:s17], [sflag:$0x2] =	stream.indirect_vreg.gather [hbm4b:s26+s3], $0x80, v4, vm0, $0xb8;
	[tilespmem:$0x1C200] =	vst v63  }
0x2b9: {  	s18 =	simm.s32 $0x11200  }
0x2ba: {  	[tilespmem:s18], [sflag:$0x2] =	stream.indirect_vreg.gather [hbm4b:s28+s3], $0x80, v4, vm0, $0xb8;
	[tilespmem:$0x1C200] =	vst v63  }
0x2bb: {  	s19 =	simm.s32 $0x11A00  }
0x2bc: {  	[tilespmem:s19], [sflag:$0x2] =	stream.indirect_vreg.gather [hbm4b:s1+s3], $0x80, v3, vm0, $0xb8;
	[tilespmem:$0x1C200] =	vst v63  }
0x2bd: {  	s20 =	simm.s32 $0x12200  }
0x2be: {  	[tilespmem:s20], [sflag:$0x2] =	stream.indirect_vreg.gather [hbm4b:s26+s3], $0x80, v3, vm0, $0xb8;
	[tilespmem:$0x1C200] =	vst v63  }
0x2bf: {  	s12 =	simm.s32 $0x12A00  }
0x2c0: {  	[tilespmem:s12], [sflag:$0x2] =	stream.indirect_vreg.gather [hbm4b:s28+s3], $0x80, v3, vm0, $0xb8;
	[tilespmem:$0x1C200] =	vst v63  }
0x2c1: {  	v3 =	vld [tilespmem:$0x10050];
	_ =	sdelay $0x4  }
0x2c2: {  	v37 =	vshrl.u32 v3, $0x3  }
0x2c3: {  	v4 =	vmul.u32 $0x30, v37  }
0x2c4: {  	v3 =	vand.u32 $0x7, v3  }
0x2c5: {  	v3 =	vor.u32 v3, v4  }
0x2c6: {  	v4 =	vperm.xlane v3, v0;
	_ =	sdelay $0x1  }
0x2c7: {  	v4 =	vadd.s32 v1, v4;
	_ =	sdelay $0x3  }
0x2c8: {  	s13 =	simm.s32 $0x13200;
	v3 =	vperm.xlane v3, v2  }
0x2c9: {  	[tilespmem:s13], [sflag:$0x2] =	stream.indirect_vreg.gather [hbm4b:s1+s3], $0x80, v4, vm0, $0xb8;
	[tilespmem:$0x1C200] =	vst v63  }
0x2ca: {  	s21 =	simm.s32 $0x13A00;
	v3 =	vadd.s32 v1, v3  }
0x2cb: {  	[tilespmem:s21], [sflag:$0x2] =	stream.indirect_vreg.gather [hbm4b:s26+s3], $0x80, v4, vm0, $0xb8;
	[tilespmem:$0x1C200] =	vst v63  }
0x2cc: {  	s22 =	simm.s32 $0x14200  }
0x2cd: {  	[tilespmem:s22], [sflag:$0x2] =	stream.indirect_vreg.gather [hbm4b:s28+s3], $0x80, v4, vm0, $0xb8;
	[tilespmem:$0x1C200] =	vst v63  }
0x2ce: {  	s23 =	simm.s32 $0x14A00  }
0x2cf: {  	[tilespmem:s23], [sflag:$0x2] =	stream.indirect_vreg.gather [hbm4b:s1+s3], $0x80, v3, vm0, $0xb8;
	[tilespmem:$0x1C200] =	vst v63  }
0x2d0: {  	s24 =	simm.s32 $0x15200  }
0x2d1: {  	[tilespmem:s24], [sflag:$0x2] =	stream.indirect_vreg.gather [hbm4b:s26+s3], $0x80, v3, vm0, $0xb8;
	[tilespmem:$0x1C200] =	vst v63  }
0x2d2: {  	s14 =	simm.s32 $0x15A00  }
0x2d3: {  	[tilespmem:s14], [sflag:$0x2] =	stream.indirect_vreg.gather [hbm4b:s28+s3], $0x80, v3, vm0, $0xb8;
	[tilespmem:$0x1C200] =	vst v63  }
0x2d4: {  	v3 =	vld [tilespmem:$0x10060];
	_ =	sdelay $0x4  }
0x2d5: {  	v38 =	vshrl.u32 v3, $0x3  }
0x2d6: {  	v4 =	vmul.u32 $0x30, v38  }
0x2d7: {  	v3 =	vand.u32 $0x7, v3  }
0x2d8: {  	v3 =	vor.u32 v3, v4  }
0x2d9: {  	v4 =	vperm.xlane v3, v0;
	_ =	sdelay $0x1  }
0x2da: {  	v4 =	vadd.s32 v1, v4;
	_ =	sdelay $0x3  }
0x2db: {  	s16 =	simm.s32 $0x16200;
	v3 =	vperm.xlane v3, v2  }
0x2dc: {  	[tilespmem:s16], [sflag:$0x2] =	stream.indirect_vreg.gather [hbm4b:s1+s3], $0x80, v4, vm0, $0xb8;
	[tilespmem:$0x1C200] =	vst v63  }
0x2dd: {  	s13 =	simm.s32 $0x16A00;
	v3 =	vadd.s32 v1, v3  }
0x2de: {  	[tilespmem:s13], [sflag:$0x2] =	stream.indirect_vreg.gather [hbm4b:s26+s3], $0x80, v4, vm0, $0xb8;
	[tilespmem:$0x1C200] =	vst v63  }
0x2df: {  	s25 =	simm.s32 $0x17200  }
0x2e0: {  	[tilespmem:s25], [sflag:$0x2] =	stream.indirect_vreg.gather [hbm4b:s28+s3], $0x80, v4, vm0, $0xb8;
	[tilespmem:$0x1C200] =	vst v63  }
0x2e1: {  	s29 =	simm.s32 $0x17A00  }
0x2e2: {  	[tilespmem:s29], [sflag:$0x2] =	stream.indirect_vreg.gather [hbm4b:s1+s3], $0x80, v3, vm0, $0xb8;
	[tilespmem:$0x1C200] =	vst v63  }
0x2e3: {  	s30 =	simm.s32 $0x18200  }
0x2e4: {  	[tilespmem:s30], [sflag:$0x2] =	stream.indirect_vreg.gather [hbm4b:s26+s3], $0x80, v3, vm0, $0xb8;
	[tilespmem:$0x1C200] =	vst v63  }
0x2e5: {  	s9 =	simm.s32 $0x18A00  }
0x2e6: {  	[tilespmem:s9], [sflag:$0x2] =	stream.indirect_vreg.gather [hbm4b:s28+s3], $0x80, v3, vm0, $0xb8;
	[tilespmem:$0x1C200] =	vst v63  }
0x2e7: {  	v3 =	vld [tilespmem:$0x10070];
	_ =	sdelay $0x4  }
0x2e8: {  	v39 =	vshrl.u32 v3, $0x3  }
0x2e9: {  	v4 =	vmul.u32 $0x30, v39  }
0x2ea: {  	v3 =	vand.u32 $0x7, v3  }
0x2eb: {  	v3 =	vor.u32 v3, v4  }
0x2ec: {  	v4 =	vperm.xlane v3, v0;
	_ =	sdelay $0x1  }
0x2ed: {  	v4 =	vadd.s32 v1, v4;
	_ =	sdelay $0x3  }
0x2ee: {  	s11 =	simm.s32 $0x19200;
	v3 =	vperm.xlane v3, v2  }
0x2ef: {  	[tilespmem:s11], [sflag:$0x2] =	stream.indirect_vreg.gather [hbm4b:s1+s3], $0x80, v4, vm0, $0xb8;
	[tilespmem:$0x1C200] =	vst v63  }
0x2f0: {  	s14 =	simm.s32 $0x19A00;
	v3 =	vadd.s32 v1, v3  }
0x2f1: {  	[tilespmem:s14], [sflag:$0x2] =	stream.indirect_vreg.gather [hbm4b:s26+s3], $0x80, v4, vm0, $0xb8;
	[tilespmem:$0x1C200] =	vst v63  }
0x2f2: {  	s9 =	simm.s32 $0x1A200  }
0x2f3: {  	[tilespmem:s9], [sflag:$0x2] =	stream.indirect_vreg.gather [hbm4b:s28+s3], $0x80, v4, vm0, $0xb8;
	[tilespmem:$0x1C200] =	vst v63  }
0x2f4: {  	s12 =	simm.s32 $0x1AA00  }
0x2f5: {  	[tilespmem:s12], [sflag:$0x2] =	stream.indirect_vreg.gather [hbm4b:s1+s3], $0x80, v3, vm0, $0xb8;
	[tilespmem:$0x1C200] =	vst v63  }
0x2f6: {  	s13 =	simm.s32 $0x1B200  }
0x2f7: {  	[tilespmem:s13], [sflag:$0x2] =	stream.indirect_vreg.gather [hbm4b:s26+s3], $0x80, v3, vm0, $0xb8;
	[tilespmem:$0x1C200] =	vst v63  }
0x2f8: {  	s14 =	simm.s32 $0x1BA00  }
0x2f9: {  	[tilespmem:s14], [sflag:$0x2] =	stream.indirect_vreg.gather [hbm4b:s28+s3], $0x80, v3, vm0, $0xb8;
	[tilespmem:$0x1C200] =	vst v63  }
0x2fa: {  	_ =	swait.ge [sflag:s10], $0xC000  }
0x2fb: {  	[sflag:s10] =	ssyncset.done $0x0  }
0x2fc: {  	s2 =	rddreg [dreg:$0x19];
	[sflag:s10] =	ssyncadd.s32 $0xFFFF4000  }
0x2fd: {  	[hbm4b:s2+s3] =	stream.linear.scatter [tilespmem:s15], [sflag:$0x3], $0xC000, $0x38;
	[tilespmem:$0x1C200] =	vst v63  }
0x2fe: {  	_ =	swait.ge [sflag:s31], $0xC000  }
0x2ff: {  	[sflag:s31] =	ssyncset.done $0x0  }
0x300: {  	[sflag:s31] =	ssyncadd.s32 $0xFFFF4000  }
0x301: {  	v3 =	vld [tilespmem:$0x10080];
	_ =	sdelay $0x4  }
0x302: {  	v40 =	vshrl.u32 v3, $0x3  }
0x303: {  	v4 =	vmul.u32 $0x30, v40  }
0x304: {  	v3 =	vand.u32 $0x7, v3  }
0x305: {  	v3 =	vor.u32 v3, v4  }
0x306: {  	v4 =	vperm.xlane v3, v0;
	_ =	sdelay $0x1  }
0x307: {  	v4 =	vadd.s32 v1, v4;
	_ =	sdelay $0x3  }
0x308: {  	v3 =	vperm.xlane v3, v2  }
0x309: {  	[tilespmem:s15], [sflag:$0x2] =	stream.indirect_vreg.gather [hbm4b:s1+s3], $0x80, v4, vm0, $0xb8;
	[tilespmem:$0x1C200] =	vst v63  }
0x30a: {  	s17 =	simm.s32 $0x10A00;
	v3 =	vadd.s32 v1, v3  }
0x30b: {  	[tilespmem:s17], [sflag:$0x2] =	stream.indirect_vreg.gather [hbm4b:s26+s3], $0x80, v4, vm0, $0xb8;
	[tilespmem:$0x1C200] =	vst v63  }
0x30c: {  	s18 =	simm.s32 $0x11200  }
0x30d: {  	[tilespmem:s18], [sflag:$0x2] =	stream.indirect_vreg.gather [hbm4b:s28+s3], $0x80, v4, vm0, $0xb8;
	[tilespmem:$0x1C200] =	vst v63  }
0x30e: {  	s19 =	simm.s32 $0x11A00  }
0x30f: {  	[tilespmem:s19], [sflag:$0x2] =	stream.indirect_vreg.gather [hbm4b:s1+s3], $0x80, v3, vm0, $0xb8;
	[tilespmem:$0x1C200] =	vst v63  }
0x310: {  	s20 =	simm.s32 $0x12200  }
0x311: {  	[tilespmem:s20], [sflag:$0x2] =	stream.indirect_vreg.gather [hbm4b:s26+s3], $0x80, v3, vm0, $0xb8;
	[tilespmem:$0x1C200] =	vst v63  }
0x312: {  	s2 =	simm.s32 $0x12A00  }
0x313: {  	[tilespmem:s2], [sflag:$0x2] =	stream.indirect_vreg.gather [hbm4b:s28+s3], $0x80, v3, vm0, $0xb8;
	[tilespmem:$0x1C200] =	vst v63  }
0x314: {  	v3 =	vld [tilespmem:$0x10090];
	_ =	sdelay $0x4  }
0x315: {  	v41 =	vshrl.u32 v3, $0x3  }
0x316: {  	v4 =	vmul.u32 $0x30, v41  }
0x317: {  	v3 =	vand.u32 $0x7, v3  }
0x318: {  	v3 =	vor.u32 v3, v4  }
0x319: {  	v4 =	vperm.xlane v3, v0;
	_ =	sdelay $0x1  }
0x31a: {  	v4 =	vadd.s32 v1, v4;
	_ =	sdelay $0x3  }
0x31b: {  	s2 =	simm.s32 $0x13200;
	v3 =	vperm.xlane v3, v2  }
0x31c: {  	[tilespmem:s2], [sflag:$0x2] =	stream.indirect_vreg.gather [hbm4b:s1+s3], $0x80, v4, vm0, $0xb8;
	[tilespmem:$0x1C200] =	vst v63  }
0x31d: {  	s21 =	simm.s32 $0x13A00;
	v3 =	vadd.s32 v1, v3  }
0x31e: {  	[tilespmem:s21], [sflag:$0x2] =	stream.indirect_vreg.gather [hbm4b:s26+s3], $0x80, v4, vm0, $0xb8;
	[tilespmem:$0x1C200] =	vst v63  }
0x31f: {  	s22 =	simm.s32 $0x14200  }
0x320: {  	[tilespmem:s22], [sflag:$0x2] =	stream.indirect_vreg.gather [hbm4b:s28+s3], $0x80, v4, vm0, $0xb8;
	[tilespmem:$0x1C200] =	vst v63  }
0x321: {  	s23 =	simm.s32 $0x14A00  }
0x322: {  	[tilespmem:s23], [sflag:$0x2] =	stream.indirect_vreg.gather [hbm4b:s1+s3], $0x80, v3, vm0, $0xb8;
	[tilespmem:$0x1C200] =	vst v63  }
0x323: {  	s24 =	simm.s32 $0x15200  }
0x324: {  	[tilespmem:s24], [sflag:$0x2] =	stream.indirect_vreg.gather [hbm4b:s26+s3], $0x80, v3, vm0, $0xb8;
	[tilespmem:$0x1C200] =	vst v63  }
0x325: {  	s2 =	simm.s32 $0x15A00  }
0x326: {  	[tilespmem:s2], [sflag:$0x2] =	stream.indirect_vreg.gather [hbm4b:s28+s3], $0x80, v3, vm0, $0xb8;
	[tilespmem:$0x1C200] =	vst v63  }
0x327: {  	v3 =	vld [tilespmem:$0x100A0];
	_ =	sdelay $0x4  }
0x328: {  	v42 =	vshrl.u32 v3, $0x3  }
0x329: {  	v4 =	vmul.u32 $0x30, v42  }
0x32a: {  	v3 =	vand.u32 $0x7, v3  }
0x32b: {  	v3 =	vor.u32 v3, v4  }
0x32c: {  	v4 =	vperm.xlane v3, v0;
	_ =	sdelay $0x1  }
0x32d: {  	v4 =	vadd.s32 v1, v4;
	_ =	sdelay $0x3  }
0x32e: {  	s2 =	simm.s32 $0x16200;
	v3 =	vperm.xlane v3, v2  }
0x32f: {  	[tilespmem:s2], [sflag:$0x2] =	stream.indirect_vreg.gather [hbm4b:s1+s3], $0x80, v4, vm0, $0xb8;
	[tilespmem:$0x1C200] =	vst v63  }
0x330: {  	s16 =	simm.s32 $0x16A00;
	v3 =	vadd.s32 v1, v3  }
0x331: {  	[tilespmem:s16], [sflag:$0x2] =	stream.indirect_vreg.gather [hbm4b:s26+s3], $0x80, v4, vm0, $0xb8;
	[tilespmem:$0x1C200] =	vst v63  }
0x332: {  	s25 =	simm.s32 $0x17200  }
0x333: {  	[tilespmem:s25], [sflag:$0x2] =	stream.indirect_vreg.gather [hbm4b:s28+s3], $0x80, v4, vm0, $0xb8;
	[tilespmem:$0x1C200] =	vst v63  }
0x334: {  	s29 =	simm.s32 $0x17A00  }
0x335: {  	[tilespmem:s29], [sflag:$0x2] =	stream.indirect_vreg.gather [hbm4b:s1+s3], $0x80, v3, vm0, $0xb8;
	[tilespmem:$0x1C200] =	vst v63  }
0x336: {  	s30 =	simm.s32 $0x18200  }
0x337: {  	[tilespmem:s30], [sflag:$0x2] =	stream.indirect_vreg.gather [hbm4b:s26+s3], $0x80, v3, vm0, $0xb8;
	[tilespmem:$0x1C200] =	vst v63  }
0x338: {  	s2 =	simm.s32 $0x18A00  }
0x339: {  	[tilespmem:s2], [sflag:$0x2] =	stream.indirect_vreg.gather [hbm4b:s28+s3], $0x80, v3, vm0, $0xb8;
	[tilespmem:$0x1C200] =	vst v63  }
0x33a: {  	v3 =	vld [tilespmem:$0x100B0];
	_ =	sdelay $0x4  }
0x33b: {  	v43 =	vshrl.u32 v3, $0x3  }
0x33c: {  	v4 =	vmul.u32 $0x30, v43  }
0x33d: {  	v3 =	vand.u32 $0x7, v3  }
0x33e: {  	v3 =	vor.u32 v3, v4  }
0x33f: {  	v4 =	vperm.xlane v3, v0;
	_ =	sdelay $0x1  }
0x340: {  	v4 =	vadd.s32 v1, v4;
	_ =	sdelay $0x3  }
0x341: {  	s2 =	simm.s32 $0x19200;
	v3 =	vperm.xlane v3, v2  }
0x342: {  	[tilespmem:s2], [sflag:$0x2] =	stream.indirect_vreg.gather [hbm4b:s1+s3], $0x80, v4, vm0, $0xb8;
	[tilespmem:$0x1C200] =	vst v63  }
0x343: {  	s11 =	simm.s32 $0x19A00;
	v3 =	vadd.s32 v1, v3  }
0x344: {  	[tilespmem:s11], [sflag:$0x2] =	stream.indirect_vreg.gather [hbm4b:s26+s3], $0x80, v4, vm0, $0xb8;
	[tilespmem:$0x1C200] =	vst v63  }
0x345: {  	s9 =	simm.s32 $0x1A200  }
0x346: {  	[tilespmem:s9], [sflag:$0x2] =	stream.indirect_vreg.gather [hbm4b:s28+s3], $0x80, v4, vm0, $0xb8;
	[tilespmem:$0x1C200] =	vst v63  }
0x347: {  	s12 =	simm.s32 $0x1AA00  }
0x348: {  	[tilespmem:s12], [sflag:$0x2] =	stream.indirect_vreg.gather [hbm4b:s1+s3], $0x80, v3, vm0, $0xb8;
	[tilespmem:$0x1C200] =	vst v63  }
0x349: {  	s13 =	simm.s32 $0x1B200  }
0x34a: {  	[tilespmem:s13], [sflag:$0x2] =	stream.indirect_vreg.gather [hbm4b:s26+s3], $0x80, v3, vm0, $0xb8;
	[tilespmem:$0x1C200] =	vst v63  }
0x34b: {  	s14 =	simm.s32 $0x1BA00  }
0x34c: {  	[tilespmem:s14], [sflag:$0x2] =	stream.indirect_vreg.gather [hbm4b:s28+s3], $0x80, v3, vm0, $0xb8;
	[tilespmem:$0x1C200] =	vst v63  }
0x34d: {  	_ =	swait.ge [sflag:s10], $0xC000  }
0x34e: {  	[sflag:s10] =	ssyncset.done $0x0  }
0x34f: {  	s2 =	rddreg [dreg:$0x1a];
	[sflag:s10] =	ssyncadd.s32 $0xFFFF4000  }
0x350: {  	[hbm4b:s2+s3] =	stream.linear.scatter [tilespmem:s15], [sflag:$0x3], $0xC000, $0x38;
	[tilespmem:$0x1C200] =	vst v63  }
0x351: {  	_ =	swait.ge [sflag:s31], $0xC000  }
0x352: {  	[sflag:s31] =	ssyncset.done $0x0  }
0x353: {  	[sflag:s31] =	ssyncadd.s32 $0xFFFF4000  }
0x354: {  	v3 =	vld [tilespmem:$0x100C0];
	_ =	sdelay $0x4  }
0x355: {  	v44 =	vshrl.u32 v3, $0x3  }
0x356: {  	v4 =	vmul.u32 $0x30, v44  }
0x357: {  	v3 =	vand.u32 $0x7, v3  }
0x358: {  	v3 =	vor.u32 v3, v4  }
0x359: {  	v4 =	vperm.xlane v3, v0;
	_ =	sdelay $0x1  }
0x35a: {  	v4 =	vadd.s32 v1, v4;
	_ =	sdelay $0x3  }
0x35b: {  	v3 =	vperm.xlane v3, v2  }
0x35c: {  	[tilespmem:s15], [sflag:$0x2] =	stream.indirect_vreg.gather [hbm4b:s1+s3], $0x80, v4, vm0, $0xb8;
	[tilespmem:$0x1C200] =	vst v63  }
0x35d: {  	s17 =	simm.s32 $0x10A00;
	v3 =	vadd.s32 v1, v3  }
0x35e: {  	[tilespmem:s17], [sflag:$0x2] =	stream.indirect_vreg.gather [hbm4b:s26+s3], $0x80, v4, vm0, $0xb8;
	[tilespmem:$0x1C200] =	vst v63  }
0x35f: {  	s18 =	simm.s32 $0x11200  }
0x360: {  	[tilespmem:s18], [sflag:$0x2] =	stream.indirect_vreg.gather [hbm4b:s28+s3], $0x80, v4, vm0, $0xb8;
	[tilespmem:$0x1C200] =	vst v63  }
0x361: {  	s19 =	simm.s32 $0x11A00  }
0x362: {  	[tilespmem:s19], [sflag:$0x2] =	stream.indirect_vreg.gather [hbm4b:s1+s3], $0x80, v3, vm0, $0xb8;
	[tilespmem:$0x1C200] =	vst v63  }
0x363: {  	s20 =	simm.s32 $0x12200  }
0x364: {  	[tilespmem:s20], [sflag:$0x2] =	stream.indirect_vreg.gather [hbm4b:s26+s3], $0x80, v3, vm0, $0xb8;
	[tilespmem:$0x1C200] =	vst v63  }
0x365: {  	s19 =	simm.s32 $0x12A00  }
0x366: {  	[tilespmem:s19], [sflag:$0x2] =	stream.indirect_vreg.gather [hbm4b:s28+s3], $0x80, v3, vm0, $0xb8;
	[tilespmem:$0x1C200] =	vst v63  }
0x367: {  	v3 =	vld [tilespmem:$0x100D0];
	_ =	sdelay $0x4  }
0x368: {  	v45 =	vshrl.u32 v3, $0x3  }
0x369: {  	v4 =	vmul.u32 $0x30, v45  }
0x36a: {  	v3 =	vand.u32 $0x7, v3  }
0x36b: {  	v3 =	vor.u32 v3, v4  }
0x36c: {  	v4 =	vperm.xlane v3, v0;
	_ =	sdelay $0x1  }
0x36d: {  	v4 =	vadd.s32 v1, v4;
	_ =	sdelay $0x3  }
0x36e: {  	s19 =	simm.s32 $0x13200;
	v3 =	vperm.xlane v3, v2  }
0x36f: {  	[tilespmem:s19], [sflag:$0x2] =	stream.indirect_vreg.gather [hbm4b:s1+s3], $0x80, v4, vm0, $0xb8;
	[tilespmem:$0x1C200] =	vst v63  }
0x370: {  	s21 =	simm.s32 $0x13A00;
	v3 =	vadd.s32 v1, v3  }
0x371: {  	[tilespmem:s21], [sflag:$0x2] =	stream.indirect_vreg.gather [hbm4b:s26+s3], $0x80, v4, vm0, $0xb8;
	[tilespmem:$0x1C200] =	vst v63  }
0x372: {  	s22 =	simm.s32 $0x14200  }
0x373: {  	[tilespmem:s22], [sflag:$0x2] =	stream.indirect_vreg.gather [hbm4b:s28+s3], $0x80, v4, vm0, $0xb8;
	[tilespmem:$0x1C200] =	vst v63  }
0x374: {  	s23 =	simm.s32 $0x14A00  }
0x375: {  	[tilespmem:s23], [sflag:$0x2] =	stream.indirect_vreg.gather [hbm4b:s1+s3], $0x80, v3, vm0, $0xb8;
	[tilespmem:$0x1C200] =	vst v63  }
0x376: {  	s24 =	simm.s32 $0x15200  }
0x377: {  	[tilespmem:s24], [sflag:$0x2] =	stream.indirect_vreg.gather [hbm4b:s26+s3], $0x80, v3, vm0, $0xb8;
	[tilespmem:$0x1C200] =	vst v63  }
0x378: {  	s19 =	simm.s32 $0x15A00  }
0x379: {  	[tilespmem:s19], [sflag:$0x2] =	stream.indirect_vreg.gather [hbm4b:s28+s3], $0x80, v3, vm0, $0xb8;
	[tilespmem:$0x1C200] =	vst v63  }
0x37a: {  	v3 =	vld [tilespmem:$0x100E0];
	_ =	sdelay $0x4  }
0x37b: {  	v46 =	vshrl.u32 v3, $0x3  }
0x37c: {  	v4 =	vmul.u32 $0x30, v46  }
0x37d: {  	v3 =	vand.u32 $0x7, v3  }
0x37e: {  	v3 =	vor.u32 v3, v4  }
0x37f: {  	v4 =	vperm.xlane v3, v0;
	_ =	sdelay $0x1  }
0x380: {  	v4 =	vadd.s32 v1, v4;
	_ =	sdelay $0x3  }
0x381: {  	s19 =	simm.s32 $0x16200;
	v3 =	vperm.xlane v3, v2  }
0x382: {  	[tilespmem:s19], [sflag:$0x2] =	stream.indirect_vreg.gather [hbm4b:s1+s3], $0x80, v4, vm0, $0xb8;
	[tilespmem:$0x1C200] =	vst v63  }
0x383: {  	s16 =	simm.s32 $0x16A00;
	v3 =	vadd.s32 v1, v3  }
0x384: {  	[tilespmem:s16], [sflag:$0x2] =	stream.indirect_vreg.gather [hbm4b:s26+s3], $0x80, v4, vm0, $0xb8;
	[tilespmem:$0x1C200] =	vst v63  }
0x385: {  	s25 =	simm.s32 $0x17200  }
0x386: {  	[tilespmem:s25], [sflag:$0x2] =	stream.indirect_vreg.gather [hbm4b:s28+s3], $0x80, v4, vm0, $0xb8;
	[tilespmem:$0x1C200] =	vst v63  }
0x387: {  	s29 =	simm.s32 $0x17A00  }
0x388: {  	[tilespmem:s29], [sflag:$0x2] =	stream.indirect_vreg.gather [hbm4b:s1+s3], $0x80, v3, vm0, $0xb8;
	[tilespmem:$0x1C200] =	vst v63  }
0x389: {  	s30 =	simm.s32 $0x18200  }
0x38a: {  	[tilespmem:s30], [sflag:$0x2] =	stream.indirect_vreg.gather [hbm4b:s26+s3], $0x80, v3, vm0, $0xb8;
	[tilespmem:$0x1C200] =	vst v63  }
0x38b: {  	s19 =	simm.s32 $0x18A00  }
0x38c: {  	[tilespmem:s19], [sflag:$0x2] =	stream.indirect_vreg.gather [hbm4b:s28+s3], $0x80, v3, vm0, $0xb8;
	[tilespmem:$0x1C200] =	vst v63  }
0x38d: {  	v3 =	vld [tilespmem:$0x100F0];
	_ =	sdelay $0x4  }
0x38e: {  	v47 =	vshrl.u32 v3, $0x3  }
0x38f: {  	v4 =	vmul.u32 $0x30, v47  }
0x390: {  	v3 =	vand.u32 $0x7, v3  }
0x391: {  	v3 =	vor.u32 v3, v4  }
0x392: {  	v4 =	vperm.xlane v3, v0;
	_ =	sdelay $0x1  }
0x393: {  	v4 =	vadd.s32 v1, v4;
	_ =	sdelay $0x3  }
0x394: {  	s19 =	simm.s32 $0x19200;
	v3 =	vperm.xlane v3, v2  }
0x395: {  	[tilespmem:s19], [sflag:$0x2] =	stream.indirect_vreg.gather [hbm4b:s1+s3], $0x80, v4, vm0, $0xb8;
	[tilespmem:$0x1C200] =	vst v63  }
0x396: {  	s11 =	simm.s32 $0x19A00;
	v3 =	vadd.s32 v1, v3  }
0x397: {  	[tilespmem:s11], [sflag:$0x2] =	stream.indirect_vreg.gather [hbm4b:s26+s3], $0x80, v4, vm0, $0xb8;
	[tilespmem:$0x1C200] =	vst v63  }
0x398: {  	s9 =	simm.s32 $0x1A200  }
0x399: {  	[tilespmem:s9], [sflag:$0x2] =	stream.indirect_vreg.gather [hbm4b:s28+s3], $0x80, v4, vm0, $0xb8;
	[tilespmem:$0x1C200] =	vst v63  }
0x39a: {  	s12 =	simm.s32 $0x1AA00  }
0x39b: {  	[tilespmem:s12], [sflag:$0x2] =	stream.indirect_vreg.gather [hbm4b:s1+s3], $0x80, v3, vm0, $0xb8;
	[tilespmem:$0x1C200] =	vst v63  }
0x39c: {  	s13 =	simm.s32 $0x1B200  }
0x39d: {  	[tilespmem:s13], [sflag:$0x2] =	stream.indirect_vreg.gather [hbm4b:s26+s3], $0x80, v3, vm0, $0xb8;
	[tilespmem:$0x1C200] =	vst v63  }
0x39e: {  	s14 =	simm.s32 $0x1BA00  }
0x39f: {  	[tilespmem:s14], [sflag:$0x2] =	stream.indirect_vreg.gather [hbm4b:s28+s3], $0x80, v3, vm0, $0xb8;
	[tilespmem:$0x1C200] =	vst v63  }
0x3a0: {  	_ =	swait.ge [sflag:s10], $0xC000  }
0x3a1: {  	[sflag:s10] =	ssyncset.done $0x0  }
0x3a2: {  	s14 =	rddreg [dreg:$0x13];
	[sflag:s10] =	ssyncadd.s32 $0xFFFF4000  }
0x3a3: {  	[hbm4b:s14+s3] =	stream.linear.scatter [tilespmem:s15], [sflag:$0x3], $0xC000, $0x38;
	[tilespmem:$0x1C200] =	vst v63  }
0x3a4: {  	_ =	swait.ge [sflag:s31], $0xC000  }
0x3a5: {  	[sflag:s31] =	ssyncset.done $0x0  }
0x3a6: {  	[sflag:s31] =	ssyncadd.s32 $0xFFFF4000  }
0x3a7: {  	v3 =	vld [tilespmem:$0x10100];
	_ =	sdelay $0x4  }
0x3a8: {  	v48 =	vshrl.u32 v3, $0x3  }
0x3a9: {  	v4 =	vmul.u32 $0x30, v48  }
0x3aa: {  	v3 =	vand.u32 $0x7, v3  }
0x3ab: {  	v3 =	vor.u32 v3, v4  }
0x3ac: {  	v4 =	vperm.xlane v3, v0;
	_ =	sdelay $0x1  }
0x3ad: {  	v4 =	vadd.s32 v1, v4;
	_ =	sdelay $0x3  }
0x3ae: {  	v3 =	vperm.xlane v3, v2  }
0x3af: {  	[tilespmem:s15], [sflag:$0x2] =	stream.indirect_vreg.gather [hbm4b:s1+s3], $0x80, v4, vm0, $0xb8;
	[tilespmem:$0x1C200] =	vst v63  }
0x3b0: {  	s17 =	simm.s32 $0x10A00;
	v3 =	vadd.s32 v1, v3  }
0x3b1: {  	[tilespmem:s17], [sflag:$0x2] =	stream.indirect_vreg.gather [hbm4b:s26+s3], $0x80, v4, vm0, $0xb8;
	[tilespmem:$0x1C200] =	vst v63  }
0x3b2: {  	s18 =	simm.s32 $0x11200  }
0x3b3: {  	[tilespmem:s18], [sflag:$0x2] =	stream.indirect_vreg.gather [hbm4b:s28+s3], $0x80, v4, vm0, $0xb8;
	[tilespmem:$0x1C200] =	vst v63  }
0x3b4: {  	s18 =	simm.s32 $0x11A00  }
0x3b5: {  	[tilespmem:s18], [sflag:$0x2] =	stream.indirect_vreg.gather [hbm4b:s1+s3], $0x80, v3, vm0, $0xb8;
	[tilespmem:$0x1C200] =	vst v63  }
0x3b6: {  	s20 =	simm.s32 $0x12200  }
0x3b7: {  	[tilespmem:s20], [sflag:$0x2] =	stream.indirect_vreg.gather [hbm4b:s26+s3], $0x80, v3, vm0, $0xb8;
	[tilespmem:$0x1C200] =	vst v63  }
0x3b8: {  	s20 =	simm.s32 $0x12A00  }
0x3b9: {  	[tilespmem:s20], [sflag:$0x2] =	stream.indirect_vreg.gather [hbm4b:s28+s3], $0x80, v3, vm0, $0xb8;
	[tilespmem:$0x1C200] =	vst v63  }
0x3ba: {  	v3 =	vld [tilespmem:$0x10110];
	_ =	sdelay $0x4  }
0x3bb: {  	v49 =	vshrl.u32 v3, $0x3  }
0x3bc: {  	v4 =	vmul.u32 $0x30, v49  }
0x3bd: {  	v3 =	vand.u32 $0x7, v3  }
0x3be: {  	v3 =	vor.u32 v3, v4  }
0x3bf: {  	v4 =	vperm.xlane v3, v0;
	_ =	sdelay $0x1  }
0x3c0: {  	v4 =	vadd.s32 v1, v4;
	_ =	sdelay $0x3  }
0x3c1: {  	s20 =	simm.s32 $0x13200;
	v3 =	vperm.xlane v3, v2  }
0x3c2: {  	[tilespmem:s20], [sflag:$0x2] =	stream.indirect_vreg.gather [hbm4b:s1+s3], $0x80, v4, vm0, $0xb8;
	[tilespmem:$0x1C200] =	vst v63  }
0x3c3: {  	s21 =	simm.s32 $0x13A00;
	v3 =	vadd.s32 v1, v3  }
0x3c4: {  	[tilespmem:s21], [sflag:$0x2] =	stream.indirect_vreg.gather [hbm4b:s26+s3], $0x80, v4, vm0, $0xb8;
	[tilespmem:$0x1C200] =	vst v63  }
0x3c5: {  	s22 =	simm.s32 $0x14200  }
0x3c6: {  	[tilespmem:s22], [sflag:$0x2] =	stream.indirect_vreg.gather [hbm4b:s28+s3], $0x80, v4, vm0, $0xb8;
	[tilespmem:$0x1C200] =	vst v63  }
0x3c7: {  	s23 =	simm.s32 $0x14A00  }
0x3c8: {  	[tilespmem:s23], [sflag:$0x2] =	stream.indirect_vreg.gather [hbm4b:s1+s3], $0x80, v3, vm0, $0xb8;
	[tilespmem:$0x1C200] =	vst v63  }
0x3c9: {  	s24 =	simm.s32 $0x15200  }
0x3ca: {  	[tilespmem:s24], [sflag:$0x2] =	stream.indirect_vreg.gather [hbm4b:s26+s3], $0x80, v3, vm0, $0xb8;
	[tilespmem:$0x1C200] =	vst v63  }
0x3cb: {  	s20 =	simm.s32 $0x15A00  }
0x3cc: {  	[tilespmem:s20], [sflag:$0x2] =	stream.indirect_vreg.gather [hbm4b:s28+s3], $0x80, v3, vm0, $0xb8;
	[tilespmem:$0x1C200] =	vst v63  }
0x3cd: {  	v3 =	vld [tilespmem:$0x10120];
	_ =	sdelay $0x4  }
0x3ce: {  	v50 =	vshrl.u32 v3, $0x3  }
0x3cf: {  	v4 =	vmul.u32 $0x30, v50  }
0x3d0: {  	v3 =	vand.u32 $0x7, v3  }
0x3d1: {  	v3 =	vor.u32 v3, v4  }
0x3d2: {  	v4 =	vperm.xlane v3, v0;
	_ =	sdelay $0x1  }
0x3d3: {  	v4 =	vadd.s32 v1, v4;
	_ =	sdelay $0x3  }
0x3d4: {  	s20 =	simm.s32 $0x16200;
	v3 =	vperm.xlane v3, v2  }
0x3d5: {  	[tilespmem:s20], [sflag:$0x2] =	stream.indirect_vreg.gather [hbm4b:s1+s3], $0x80, v4, vm0, $0xb8;
	[tilespmem:$0x1C200] =	vst v63  }
0x3d6: {  	s16 =	simm.s32 $0x16A00;
	v3 =	vadd.s32 v1, v3  }
0x3d7: {  	[tilespmem:s16], [sflag:$0x2] =	stream.indirect_vreg.gather [hbm4b:s26+s3], $0x80, v4, vm0, $0xb8;
	[tilespmem:$0x1C200] =	vst v63  }
0x3d8: {  	s25 =	simm.s32 $0x17200  }
0x3d9: {  	[tilespmem:s25], [sflag:$0x2] =	stream.indirect_vreg.gather [hbm4b:s28+s3], $0x80, v4, vm0, $0xb8;
	[tilespmem:$0x1C200] =	vst v63  }
0x3da: {  	s29 =	simm.s32 $0x17A00  }
0x3db: {  	[tilespmem:s29], [sflag:$0x2] =	stream.indirect_vreg.gather [hbm4b:s1+s3], $0x80, v3, vm0, $0xb8;
	[tilespmem:$0x1C200] =	vst v63  }
0x3dc: {  	s30 =	simm.s32 $0x18200  }
0x3dd: {  	[tilespmem:s30], [sflag:$0x2] =	stream.indirect_vreg.gather [hbm4b:s26+s3], $0x80, v3, vm0, $0xb8;
	[tilespmem:$0x1C200] =	vst v63  }
0x3de: {  	s20 =	simm.s32 $0x18A00  }
0x3df: {  	[tilespmem:s20], [sflag:$0x2] =	stream.indirect_vreg.gather [hbm4b:s28+s3], $0x80, v3, vm0, $0xb8;
	[tilespmem:$0x1C200] =	vst v63  }
0x3e0: {  	v3 =	vld [tilespmem:$0x10130];
	_ =	sdelay $0x4  }
0x3e1: {  	v51 =	vshrl.u32 v3, $0x3  }
0x3e2: {  	v4 =	vmul.u32 $0x30, v51  }
0x3e3: {  	v3 =	vand.u32 $0x7, v3  }
0x3e4: {  	v3 =	vor.u32 v3, v4  }
0x3e5: {  	v4 =	vperm.xlane v3, v0;
	_ =	sdelay $0x1  }
0x3e6: {  	v4 =	vadd.s32 v1, v4;
	_ =	sdelay $0x3  }
0x3e7: {  	s20 =	simm.s32 $0x19200;
	v3 =	vperm.xlane v3, v2  }
0x3e8: {  	[tilespmem:s20], [sflag:$0x2] =	stream.indirect_vreg.gather [hbm4b:s1+s3], $0x80, v4, vm0, $0xb8;
	[tilespmem:$0x1C200] =	vst v63  }
0x3e9: {  	s11 =	simm.s32 $0x19A00;
	v3 =	vadd.s32 v1, v3  }
0x3ea: {  	[tilespmem:s11], [sflag:$0x2] =	stream.indirect_vreg.gather [hbm4b:s26+s3], $0x80, v4, vm0, $0xb8;
	[tilespmem:$0x1C200] =	vst v63  }
0x3eb: {  	s9 =	simm.s32 $0x1A200  }
0x3ec: {  	[tilespmem:s9], [sflag:$0x2] =	stream.indirect_vreg.gather [hbm4b:s28+s3], $0x80, v4, vm0, $0xb8;
	[tilespmem:$0x1C200] =	vst v63  }
0x3ed: {  	s19 =	simm.s32 $0x1AA00  }
0x3ee: {  	[tilespmem:s19], [sflag:$0x2] =	stream.indirect_vreg.gather [hbm4b:s1+s3], $0x80, v3, vm0, $0xb8;
	[tilespmem:$0x1C200] =	vst v63  }
0x3ef: {  	s12 =	simm.s32 $0x1B200  }
0x3f0: {  	[tilespmem:s12], [sflag:$0x2] =	stream.indirect_vreg.gather [hbm4b:s26+s3], $0x80, v3, vm0, $0xb8;
	[tilespmem:$0x1C200] =	vst v63  }
0x3f1: {  	s13 =	simm.s32 $0x1BA00  }
0x3f2: {  	[tilespmem:s13], [sflag:$0x2] =	stream.indirect_vreg.gather [hbm4b:s28+s3], $0x80, v3, vm0, $0xb8;
	[tilespmem:$0x1C200] =	vst v63  }
0x3f3: {  	_ =	swait.ge [sflag:s10], $0xC000  }
0x3f4: {  	[sflag:s10] =	ssyncset.done $0x0  }
0x3f5: {  	s13 =	rddreg [dreg:$0x14];
	[sflag:s10] =	ssyncadd.s32 $0xFFFF4000  }
0x3f6: {  	[hbm4b:s13+s3] =	stream.linear.scatter [tilespmem:s15], [sflag:$0x3], $0xC000, $0x38;
	[tilespmem:$0x1C200] =	vst v63  }
0x3f7: {  	_ =	swait.ge [sflag:s31], $0xC000  }
0x3f8: {  	[sflag:s31] =	ssyncset.done $0x0  }
0x3f9: {  	[sflag:s31] =	ssyncadd.s32 $0xFFFF4000  }
0x3fa: {  	v3 =	vld [tilespmem:$0x10140];
	_ =	sdelay $0x4  }
0x3fb: {  	v52 =	vshrl.u32 v3, $0x3  }
0x3fc: {  	v4 =	vmul.u32 $0x30, v52  }
0x3fd: {  	v3 =	vand.u32 $0x7, v3  }
0x3fe: {  	v3 =	vor.u32 v3, v4  }
0x3ff: {  	v4 =	vperm.xlane v3, v0;
	_ =	sdelay $0x1  }
0x400: {  	v4 =	vadd.s32 v1, v4;
	_ =	sdelay $0x3  }
0x401: {  	v3 =	vperm.xlane v3, v2  }
0x402: {  	[tilespmem:s15], [sflag:$0x2] =	stream.indirect_vreg.gather [hbm4b:s1+s3], $0x80, v4, vm0, $0xb8;
	[tilespmem:$0x1C200] =	vst v63  }
0x403: {  	s14 =	simm.s32 $0x10A00;
	v3 =	vadd.s32 v1, v3  }
0x404: {  	[tilespmem:s14], [sflag:$0x2] =	stream.indirect_vreg.gather [hbm4b:s26+s3], $0x80, v4, vm0, $0xb8;
	[tilespmem:$0x1C200] =	vst v63  }
0x405: {  	s17 =	simm.s32 $0x11200  }
0x406: {  	[tilespmem:s17], [sflag:$0x2] =	stream.indirect_vreg.gather [hbm4b:s28+s3], $0x80, v4, vm0, $0xb8;
	[tilespmem:$0x1C200] =	vst v63  }
0x407: {  	s18 =	simm.s32 $0x11A00  }
0x408: {  	[tilespmem:s18], [sflag:$0x2] =	stream.indirect_vreg.gather [hbm4b:s1+s3], $0x80, v3, vm0, $0xb8;
	[tilespmem:$0x1C200] =	vst v63  }
0x409: {  	s17 =	simm.s32 $0x12200  }
0x40a: {  	[tilespmem:s17], [sflag:$0x2] =	stream.indirect_vreg.gather [hbm4b:s26+s3], $0x80, v3, vm0, $0xb8;
	[tilespmem:$0x1C200] =	vst v63  }
0x40b: {  	s18 =	simm.s32 $0x12A00  }
0x40c: {  	[tilespmem:s18], [sflag:$0x2] =	stream.indirect_vreg.gather [hbm4b:s28+s3], $0x80, v3, vm0, $0xb8;
	[tilespmem:$0x1C200] =	vst v63  }
0x40d: {  	v3 =	vld [tilespmem:$0x10150];
	_ =	sdelay $0x4  }
0x40e: {  	v53 =	vshrl.u32 v3, $0x3  }
0x40f: {  	v4 =	vmul.u32 $0x30, v53  }
0x410: {  	v3 =	vand.u32 $0x7, v3  }
0x411: {  	v3 =	vor.u32 v3, v4  }
0x412: {  	v4 =	vperm.xlane v3, v0;
	_ =	sdelay $0x1  }
0x413: {  	v4 =	vadd.s32 v1, v4;
	_ =	sdelay $0x3  }
0x414: {  	s18 =	simm.s32 $0x13200;
	v3 =	vperm.xlane v3, v2  }
0x415: {  	[tilespmem:s18], [sflag:$0x2] =	stream.indirect_vreg.gather [hbm4b:s1+s3], $0x80, v4, vm0, $0xb8;
	[tilespmem:$0x1C200] =	vst v63  }
0x416: {  	s21 =	simm.s32 $0x13A00;
	v3 =	vadd.s32 v1, v3  }
0x417: {  	[tilespmem:s21], [sflag:$0x2] =	stream.indirect_vreg.gather [hbm4b:s26+s3], $0x80, v4, vm0, $0xb8;
	[tilespmem:$0x1C200] =	vst v63  }
0x418: {  	s22 =	simm.s32 $0x14200  }
0x419: {  	[tilespmem:s22], [sflag:$0x2] =	stream.indirect_vreg.gather [hbm4b:s28+s3], $0x80, v4, vm0, $0xb8;
	[tilespmem:$0x1C200] =	vst v63  }
0x41a: {  	s23 =	simm.s32 $0x14A00  }
0x41b: {  	[tilespmem:s23], [sflag:$0x2] =	stream.indirect_vreg.gather [hbm4b:s1+s3], $0x80, v3, vm0, $0xb8;
	[tilespmem:$0x1C200] =	vst v63  }
0x41c: {  	s24 =	simm.s32 $0x15200  }
0x41d: {  	[tilespmem:s24], [sflag:$0x2] =	stream.indirect_vreg.gather [hbm4b:s26+s3], $0x80, v3, vm0, $0xb8;
	[tilespmem:$0x1C200] =	vst v63  }
0x41e: {  	s23 =	simm.s32 $0x15A00  }
0x41f: {  	[tilespmem:s23], [sflag:$0x2] =	stream.indirect_vreg.gather [hbm4b:s28+s3], $0x80, v3, vm0, $0xb8;
	[tilespmem:$0x1C200] =	vst v63  }
0x420: {  	v3 =	vld [tilespmem:$0x10160];
	_ =	sdelay $0x4  }
0x421: {  	v54 =	vshrl.u32 v3, $0x3  }
0x422: {  	v4 =	vmul.u32 $0x30, v54  }
0x423: {  	v3 =	vand.u32 $0x7, v3  }
0x424: {  	v3 =	vor.u32 v3, v4  }
0x425: {  	v4 =	vperm.xlane v3, v0;
	_ =	sdelay $0x1  }
0x426: {  	v4 =	vadd.s32 v1, v4;
	_ =	sdelay $0x3  }
0x427: {  	s24 =	simm.s32 $0x16200;
	v3 =	vperm.xlane v3, v2  }
0x428: {  	[tilespmem:s24], [sflag:$0x2] =	stream.indirect_vreg.gather [hbm4b:s1+s3], $0x80, v4, vm0, $0xb8;
	[tilespmem:$0x1C200] =	vst v63  }
0x429: {  	s16 =	simm.s32 $0x16A00;
	v3 =	vadd.s32 v1, v3  }
0x42a: {  	[tilespmem:s16], [sflag:$0x2] =	stream.indirect_vreg.gather [hbm4b:s26+s3], $0x80, v4, vm0, $0xb8;
	[tilespmem:$0x1C200] =	vst v63  }
0x42b: {  	s25 =	simm.s32 $0x17200  }
0x42c: {  	[tilespmem:s25], [sflag:$0x2] =	stream.indirect_vreg.gather [hbm4b:s28+s3], $0x80, v4, vm0, $0xb8;
	[tilespmem:$0x1C200] =	vst v63  }
0x42d: {  	s29 =	simm.s32 $0x17A00  }
0x42e: {  	[tilespmem:s29], [sflag:$0x2] =	stream.indirect_vreg.gather [hbm4b:s1+s3], $0x80, v3, vm0, $0xb8;
	[tilespmem:$0x1C200] =	vst v63  }
0x42f: {  	s30 =	simm.s32 $0x18200  }
0x430: {  	[tilespmem:s30], [sflag:$0x2] =	stream.indirect_vreg.gather [hbm4b:s26+s3], $0x80, v3, vm0, $0xb8;
	[tilespmem:$0x1C200] =	vst v63  }
0x431: {  	s29 =	simm.s32 $0x18A00  }
0x432: {  	[tilespmem:s29], [sflag:$0x2] =	stream.indirect_vreg.gather [hbm4b:s28+s3], $0x80, v3, vm0, $0xb8;
	[tilespmem:$0x1C200] =	vst v63  }
0x433: {  	v3 =	vld [tilespmem:$0x10170];
	_ =	sdelay $0x4  }
0x434: {  	v55 =	vshrl.u32 v3, $0x3  }
0x435: {  	v4 =	vmul.u32 $0x30, v55  }
0x436: {  	v3 =	vand.u32 $0x7, v3  }
0x437: {  	v3 =	vor.u32 v3, v4  }
0x438: {  	v4 =	vperm.xlane v3, v0;
	_ =	sdelay $0x1  }
0x439: {  	v4 =	vadd.s32 v1, v4;
	_ =	sdelay $0x3  }
0x43a: {  	s30 =	simm.s32 $0x19200;
	v3 =	vperm.xlane v3, v2  }
0x43b: {  	[tilespmem:s30], [sflag:$0x2] =	stream.indirect_vreg.gather [hbm4b:s1+s3], $0x80, v4, vm0, $0xb8;
	[tilespmem:$0x1C200] =	vst v63  }
0x43c: {  	s11 =	simm.s32 $0x19A00;
	v3 =	vadd.s32 v1, v3  }
0x43d: {  	[tilespmem:s11], [sflag:$0x2] =	stream.indirect_vreg.gather [hbm4b:s26+s3], $0x80, v4, vm0, $0xb8;
	[tilespmem:$0x1C200] =	vst v63  }
0x43e: {  	s9 =	simm.s32 $0x1A200  }
0x43f: {  	[tilespmem:s9], [sflag:$0x2] =	stream.indirect_vreg.gather [hbm4b:s28+s3], $0x80, v4, vm0, $0xb8;
	[tilespmem:$0x1C200] =	vst v63  }
0x440: {  	s20 =	simm.s32 $0x1AA00  }
0x441: {  	[tilespmem:s20], [sflag:$0x2] =	stream.indirect_vreg.gather [hbm4b:s1+s3], $0x80, v3, vm0, $0xb8;
	[tilespmem:$0x1C200] =	vst v63  }
0x442: {  	s19 =	simm.s32 $0x1B200  }
0x443: {  	[tilespmem:s19], [sflag:$0x2] =	stream.indirect_vreg.gather [hbm4b:s26+s3], $0x80, v3, vm0, $0xb8;
	[tilespmem:$0x1C200] =	vst v63  }
0x444: {  	s12 =	simm.s32 $0x1BA00  }
0x445: {  	[tilespmem:s12], [sflag:$0x2] =	stream.indirect_vreg.gather [hbm4b:s28+s3], $0x80, v3, vm0, $0xb8;
	[tilespmem:$0x1C200] =	vst v63  }
0x446: {  	_ =	swait.ge [sflag:s10], $0xC000  }
0x447: {  	[sflag:s10] =	ssyncset.done $0x0  }
0x448: {  	s12 =	rddreg [dreg:$0x15];
	[sflag:s10] =	ssyncadd.s32 $0xFFFF4000  }
0x449: {  	[hbm4b:s12+s3] =	stream.linear.scatter [tilespmem:s15], [sflag:$0x3], $0xC000, $0x38;
	[tilespmem:$0x1C200] =	vst v63  }
0x44a: {  	_ =	swait.ge [sflag:s31], $0xC000  }
0x44b: {  	[sflag:s31] =	ssyncset.done $0x0  }
0x44c: {  	[sflag:s31] =	ssyncadd.s32 $0xFFFF4000  }
0x44d: {  	v3 =	vld [tilespmem:$0x10180];
	_ =	sdelay $0x4  }
0x44e: {  	v56 =	vshrl.u32 v3, $0x3  }
0x44f: {  	v4 =	vmul.u32 $0x30, v56  }
0x450: {  	v3 =	vand.u32 $0x7, v3  }
0x451: {  	v3 =	vor.u32 v3, v4  }
0x452: {  	v4 =	vperm.xlane v3, v0;
	_ =	sdelay $0x1  }
0x453: {  	v4 =	vadd.s32 v1, v4;
	_ =	sdelay $0x3  }
0x454: {  	v3 =	vperm.xlane v3, v2  }
0x455: {  	[tilespmem:s15], [sflag:$0x2] =	stream.indirect_vreg.gather [hbm4b:s1+s3], $0x80, v4, vm0, $0xb8;
	[tilespmem:$0x1C200] =	vst v63  }
0x456: {  	s13 =	simm.s32 $0x10A00;
	v3 =	vadd.s32 v1, v3  }
0x457: {  	[tilespmem:s13], [sflag:$0x2] =	stream.indirect_vreg.gather [hbm4b:s26+s3], $0x80, v4, vm0, $0xb8;
	[tilespmem:$0x1C200] =	vst v63  }
0x458: {  	s14 =	simm.s32 $0x11200  }
0x459: {  	[tilespmem:s14], [sflag:$0x2] =	stream.indirect_vreg.gather [hbm4b:s28+s3], $0x80, v4, vm0, $0xb8;
	[tilespmem:$0x1C200] =	vst v63  }
0x45a: {  	s19 =	simm.s32 $0x11A00  }
0x45b: {  	[tilespmem:s19], [sflag:$0x2] =	stream.indirect_vreg.gather [hbm4b:s1+s3], $0x80, v3, vm0, $0xb8;
	[tilespmem:$0x1C200] =	vst v63  }
0x45c: {  	s17 =	simm.s32 $0x12200  }
0x45d: {  	[tilespmem:s17], [sflag:$0x2] =	stream.indirect_vreg.gather [hbm4b:s26+s3], $0x80, v3, vm0, $0xb8;
	[tilespmem:$0x1C200] =	vst v63  }
0x45e: {  	s22 =	simm.s32 $0x12A00  }
0x45f: {  	[tilespmem:s22], [sflag:$0x2] =	stream.indirect_vreg.gather [hbm4b:s28+s3], $0x80, v3, vm0, $0xb8;
	[tilespmem:$0x1C200] =	vst v63  }
0x460: {  	v3 =	vld [tilespmem:$0x10190];
	_ =	sdelay $0x4  }
0x461: {  	v57 =	vshrl.u32 v3, $0x3  }
0x462: {  	v4 =	vmul.u32 $0x30, v57  }
0x463: {  	v3 =	vand.u32 $0x7, v3  }
0x464: {  	v3 =	vor.u32 v3, v4  }
0x465: {  	v4 =	vperm.xlane v3, v0;
	_ =	sdelay $0x1  }
0x466: {  	v4 =	vadd.s32 v1, v4;
	_ =	sdelay $0x3  }
0x467: {  	s23 =	simm.s32 $0x13200;
	v3 =	vperm.xlane v3, v2  }
0x468: {  	[tilespmem:s23], [sflag:$0x2] =	stream.indirect_vreg.gather [hbm4b:s1+s3], $0x80, v4, vm0, $0xb8;
	[tilespmem:$0x1C200] =	vst v63  }
0x469: {  	s24 =	simm.s32 $0x13A00;
	v3 =	vadd.s32 v1, v3  }
0x46a: {  	[tilespmem:s24], [sflag:$0x2] =	stream.indirect_vreg.gather [hbm4b:s26+s3], $0x80, v4, vm0, $0xb8;
	[tilespmem:$0x1C200] =	vst v63  }
0x46b: {  	s25 =	simm.s32 $0x14200  }
0x46c: {  	[tilespmem:s25], [sflag:$0x2] =	stream.indirect_vreg.gather [hbm4b:s28+s3], $0x80, v4, vm0, $0xb8;
	[tilespmem:$0x1C200] =	vst v63  }
0x46d: {  	s29 =	simm.s32 $0x14A00  }
0x46e: {  	[tilespmem:s29], [sflag:$0x2] =	stream.indirect_vreg.gather [hbm4b:s1+s3], $0x80, v3, vm0, $0xb8;
	[tilespmem:$0x1C200] =	vst v63  }
0x46f: {  	s30 =	simm.s32 $0x15200  }
0x470: {  	[tilespmem:s30], [sflag:$0x2] =	stream.indirect_vreg.gather [hbm4b:s26+s3], $0x80, v3, vm0, $0xb8;
	[tilespmem:$0x1C200] =	vst v63  }
0x471: {  	s13 =	simm.s32 $0x15A00  }
0x472: {  	[tilespmem:s13], [sflag:$0x2] =	stream.indirect_vreg.gather [hbm4b:s28+s3], $0x80, v3, vm0, $0xb8;
	[tilespmem:$0x1C200] =	vst v63  }
0x473: {  	v3 =	vld [tilespmem:$0x101A0];
	_ =	sdelay $0x4  }
0x474: {  	v58 =	vshrl.u32 v3, $0x3  }
0x475: {  	v4 =	vmul.u32 $0x30, v58  }
0x476: {  	v3 =	vand.u32 $0x7, v3  }
0x477: {  	v3 =	vor.u32 v3, v4  }
0x478: {  	v4 =	vperm.xlane v3, v0;
	_ =	sdelay $0x1  }
0x479: {  	v4 =	vadd.s32 v1, v4;
	_ =	sdelay $0x3  }
0x47a: {  	s17 =	simm.s32 $0x16200;
	v3 =	vperm.xlane v3, v2  }
0x47b: {  	[tilespmem:s17], [sflag:$0x2] =	stream.indirect_vreg.gather [hbm4b:s1+s3], $0x80, v4, vm0, $0xb8;
	[tilespmem:$0x1C200] =	vst v63  }
0x47c: {  	s29 =	simm.s32 $0x16A00;
	v3 =	vadd.s32 v1, v3  }
0x47d: {  	[tilespmem:s29], [sflag:$0x2] =	stream.indirect_vreg.gather [hbm4b:s26+s3], $0x80, v4, vm0, $0xb8;
	[tilespmem:$0x1C200] =	vst v63  }
0x47e: {  	s30 =	simm.s32 $0x17200  }
0x47f: {  	[tilespmem:s30], [sflag:$0x2] =	stream.indirect_vreg.gather [hbm4b:s28+s3], $0x80, v4, vm0, $0xb8;
	[tilespmem:$0x1C200] =	vst v63  }
0x480: {  	s13 =	simm.s32 $0x17A00  }
0x481: {  	[tilespmem:s13], [sflag:$0x2] =	stream.indirect_vreg.gather [hbm4b:s1+s3], $0x80, v3, vm0, $0xb8;
	[tilespmem:$0x1C200] =	vst v63  }
0x482: {  	s17 =	simm.s32 $0x18200  }
0x483: {  	[tilespmem:s17], [sflag:$0x2] =	stream.indirect_vreg.gather [hbm4b:s26+s3], $0x80, v3, vm0, $0xb8;
	[tilespmem:$0x1C200] =	vst v63  }
0x484: {  	s13 =	simm.s32 $0x18A00  }
0x485: {  	[tilespmem:s13], [sflag:$0x2] =	stream.indirect_vreg.gather [hbm4b:s28+s3], $0x80, v3, vm0, $0xb8;
	[tilespmem:$0x1C200] =	vst v63  }
0x486: {  	v3 =	vld [tilespmem:$0x101B0];
	_ =	sdelay $0x4  }
0x487: {  	v59 =	vshrl.u32 v3, $0x3  }
0x488: {  	v4 =	vmul.u32 $0x30, v59  }
0x489: {  	v3 =	vand.u32 $0x7, v3  }
0x48a: {  	v3 =	vor.u32 v3, v4  }
0x48b: {  	v4 =	vperm.xlane v3, v0;
	_ =	sdelay $0x1  }
0x48c: {  	v4 =	vadd.s32 v1, v4;
	_ =	sdelay $0x3  }
0x48d: {  	s17 =	simm.s32 $0x19200;
	v3 =	vperm.xlane v3, v2  }
0x48e: {  	[tilespmem:s17], [sflag:$0x2] =	stream.indirect_vreg.gather [hbm4b:s1+s3], $0x80, v4, vm0, $0xb8;
	[tilespmem:$0x1C200] =	vst v63  }
0x48f: {  	s11 =	simm.s32 $0x19A00;
	v3 =	vadd.s32 v1, v3  }
0x490: {  	[tilespmem:s11], [sflag:$0x2] =	stream.indirect_vreg.gather [hbm4b:s26+s3], $0x80, v4, vm0, $0xb8;
	[tilespmem:$0x1C200] =	vst v63  }
0x491: {  	s16 =	simm.s32 $0x1A200  }
0x492: {  	[tilespmem:s16], [sflag:$0x2] =	stream.indirect_vreg.gather [hbm4b:s28+s3], $0x80, v4, vm0, $0xb8;
	[tilespmem:$0x1C200] =	vst v63  }
0x493: {  	s21 =	simm.s32 $0x1AA00  }
0x494: {  	[tilespmem:s21], [sflag:$0x2] =	stream.indirect_vreg.gather [hbm4b:s1+s3], $0x80, v3, vm0, $0xb8;
	[tilespmem:$0x1C200] =	vst v63  }
0x495: {  	s20 =	simm.s32 $0x1B200  }
0x496: {  	[tilespmem:s20], [sflag:$0x2] =	stream.indirect_vreg.gather [hbm4b:s26+s3], $0x80, v3, vm0, $0xb8;
	[tilespmem:$0x1C200] =	vst v63  }
0x497: {  	s18 =	simm.s32 $0x1BA00  }
0x498: {  	[tilespmem:s18], [sflag:$0x2] =	stream.indirect_vreg.gather [hbm4b:s28+s3], $0x80, v3, vm0, $0xb8;
	[tilespmem:$0x1C200] =	vst v63  }
0x499: {  	_ =	swait.ge [sflag:s10], $0xC000  }
0x49a: {  	[sflag:s10] =	ssyncset.done $0x0  }
0x49b: {  	s20 =	rddreg [dreg:$0x16];
	[sflag:s10] =	ssyncadd.s32 $0xFFFF4000  }
0x49c: {  	[hbm4b:s20+s3] =	stream.linear.scatter [tilespmem:s15], [sflag:$0x3], $0xC000, $0x38;
	[tilespmem:$0x1C200] =	vst v63  }
0x49d: {  	_ =	swait.ge [sflag:s31], $0xC000  }
0x49e: {  	[sflag:s31] =	ssyncset.done $0x0  }
0x49f: {  	[sflag:s31] =	ssyncadd.s32 $0xFFFF4000  }
0x4a0: {  	v3 =	vld [tilespmem:$0x101C0];
	_ =	sdelay $0x4  }
0x4a1: {  	v60 =	vshrl.u32 v3, $0x3  }
0x4a2: {  	v4 =	vmul.u32 $0x30, v60  }
0x4a3: {  	v3 =	vand.u32 $0x7, v3  }
0x4a4: {  	v3 =	vor.u32 v3, v4  }
0x4a5: {  	v4 =	vperm.xlane v3, v0;
	_ =	sdelay $0x1  }
0x4a6: {  	v4 =	vadd.s32 v1, v4;
	_ =	sdelay $0x3  }
0x4a7: {  	v3 =	vperm.xlane v3, v2  }
0x4a8: {  	[tilespmem:s15], [sflag:$0x2] =	stream.indirect_vreg.gather [hbm4b:s1+s3], $0x80, v4, vm0, $0xb8;
	[tilespmem:$0x1C200] =	vst v63  }
0x4a9: {  	s9 =	simm.s32 $0x10A00;
	v3 =	vadd.s32 v1, v3  }
0x4aa: {  	[tilespmem:s9], [sflag:$0x2] =	stream.indirect_vreg.gather [hbm4b:s26+s3], $0x80, v4, vm0, $0xb8;
	[tilespmem:$0x1C200] =	vst v63  }
0x4ab: {  	s12 =	simm.s32 $0x11200  }
0x4ac: {  	[tilespmem:s12], [sflag:$0x2] =	stream.indirect_vreg.gather [hbm4b:s28+s3], $0x80, v4, vm0, $0xb8;
	[tilespmem:$0x1C200] =	vst v63  }
0x4ad: {  	s19 =	simm.s32 $0x11A00  }
0x4ae: {  	[tilespmem:s19], [sflag:$0x2] =	stream.indirect_vreg.gather [hbm4b:s1+s3], $0x80, v3, vm0, $0xb8;
	[tilespmem:$0x1C200] =	vst v63  }
0x4af: {  	s14 =	simm.s32 $0x12200  }
0x4b0: {  	[tilespmem:s14], [sflag:$0x2] =	stream.indirect_vreg.gather [hbm4b:s26+s3], $0x80, v3, vm0, $0xb8;
	[tilespmem:$0x1C200] =	vst v63  }
0x4b1: {  	s12 =	simm.s32 $0x12A00  }
0x4b2: {  	[tilespmem:s12], [sflag:$0x2] =	stream.indirect_vreg.gather [hbm4b:s28+s3], $0x80, v3, vm0, $0xb8;
	[tilespmem:$0x1C200] =	vst v63  }
0x4b3: {  	v3 =	vld [tilespmem:$0x101D0];
	_ =	sdelay $0x4  }
0x4b4: {  	v61 =	vshrl.u32 v3, $0x3  }
0x4b5: {  	v4 =	vmul.u32 $0x30, v61  }
0x4b6: {  	v3 =	vand.u32 $0x7, v3  }
0x4b7: {  	v3 =	vor.u32 v3, v4  }
0x4b8: {  	v4 =	vperm.xlane v3, v0;
	_ =	sdelay $0x1  }
0x4b9: {  	v4 =	vadd.s32 v1, v4;
	_ =	sdelay $0x3  }
0x4ba: {  	s14 =	simm.s32 $0x13200;
	v3 =	vperm.xlane v3, v2  }
0x4bb: {  	[tilespmem:s14], [sflag:$0x2] =	stream.indirect_vreg.gather [hbm4b:s1+s3], $0x80, v4, vm0, $0xb8;
	[tilespmem:$0x1C200] =	vst v63  }
0x4bc: {  	s22 =	simm.s32 $0x13A00;
	v3 =	vadd.s32 v1, v3  }
0x4bd: {  	[tilespmem:s22], [sflag:$0x2] =	stream.indirect_vreg.gather [hbm4b:s26+s3], $0x80, v4, vm0, $0xb8;
	[tilespmem:$0x1C200] =	vst v63  }
0x4be: {  	s23 =	simm.s32 $0x14200  }
0x4bf: {  	[tilespmem:s23], [sflag:$0x2] =	stream.indirect_vreg.gather [hbm4b:s28+s3], $0x80, v4, vm0, $0xb8;
	[tilespmem:$0x1C200] =	vst v63  }
0x4c0: {  	s24 =	simm.s32 $0x14A00  }
0x4c1: {  	[tilespmem:s24], [sflag:$0x2] =	stream.indirect_vreg.gather [hbm4b:s1+s3], $0x80, v3, vm0, $0xb8;
	[tilespmem:$0x1C200] =	vst v63  }
0x4c2: {  	s25 =	simm.s32 $0x15200  }
0x4c3: {  	[tilespmem:s25], [sflag:$0x2] =	stream.indirect_vreg.gather [hbm4b:s26+s3], $0x80, v3, vm0, $0xb8;
	[tilespmem:$0x1C200] =	vst v63  }
0x4c4: {  	s18 =	simm.s32 $0x15A00  }
0x4c5: {  	[tilespmem:s18], [sflag:$0x2] =	stream.indirect_vreg.gather [hbm4b:s28+s3], $0x80, v3, vm0, $0xb8;
	[tilespmem:$0x1C200] =	vst v63  }
0x4c6: {  	v3 =	vld [tilespmem:$0x101E0];
	_ =	sdelay $0x4  }
0x4c7: {  	v62 =	vshrl.u32 v3, $0x3  }
0x4c8: {  	v4 =	vmul.u32 $0x30, v62  }
0x4c9: {  	v3 =	vand.u32 $0x7, v3  }
0x4ca: {  	v3 =	vor.u32 v3, v4  }
0x4cb: {  	v4 =	vperm.xlane v3, v0;
	_ =	sdelay $0x1  }
0x4cc: {  	v4 =	vadd.s32 v1, v4;
	_ =	sdelay $0x3  }
0x4cd: {  	s19 =	simm.s32 $0x16200;
	v3 =	vperm.xlane v3, v2  }
0x4ce: {  	[tilespmem:s19], [sflag:$0x2] =	stream.indirect_vreg.gather [hbm4b:s1+s3], $0x80, v4, vm0, $0xb8;
	[tilespmem:$0x1C200] =	vst v63  }
0x4cf: {  	s29 =	simm.s32 $0x16A00;
	v3 =	vadd.s32 v1, v3  }
0x4d0: {  	[tilespmem:s29], [sflag:$0x2] =	stream.indirect_vreg.gather [hbm4b:s26+s3], $0x80, v4, vm0, $0xb8;
	[tilespmem:$0x1C200] =	vst v63  }
0x4d1: {  	s30 =	simm.s32 $0x17200  }
0x4d2: {  	[tilespmem:s30], [sflag:$0x2] =	stream.indirect_vreg.gather [hbm4b:s28+s3], $0x80, v4, vm0, $0xb8;
	[tilespmem:$0x1C200] =	vst v63  }
0x4d3: {  	s20 =	simm.s32 $0x17A00  }
0x4d4: {  	[tilespmem:s20], [sflag:$0x2] =	stream.indirect_vreg.gather [hbm4b:s1+s3], $0x80, v3, vm0, $0xb8;
	[tilespmem:$0x1C200] =	vst v63  }
0x4d5: {  	s22 =	simm.s32 $0x18200  }
0x4d6: {  	[tilespmem:s22], [sflag:$0x2] =	stream.indirect_vreg.gather [hbm4b:s26+s3], $0x80, v3, vm0, $0xb8;
	[tilespmem:$0x1C200] =	vst v63  }
0x4d7: {  	s23 =	simm.s32 $0x18A00  }
0x4d8: {  	[tilespmem:s23], [sflag:$0x2] =	stream.indirect_vreg.gather [hbm4b:s28+s3], $0x80, v3, vm0, $0xb8;
	[tilespmem:$0x1C200] =	vst v63  }
0x4d9: {  	v3 =	vld [tilespmem:$0x101F0];
	_ =	sdelay $0x4  }
0x4da: {  	v63 =	vshrl.u32 v3, $0x3  }
0x4db: {  	v4 =	vmul.u32 $0x30, v63  }
0x4dc: {  	v3 =	vand.u32 $0x7, v3  }
0x4dd: {  	v3 =	vor.u32 v3, v4  }
0x4de: {  	v4 =	vperm.xlane v3, v0;
	_ =	sdelay $0x1  }
0x4df: {  	v4 =	vadd.s32 v1, v4;
	_ =	sdelay $0x3  }
0x4e0: {  	s24 =	simm.s32 $0x19200;
	v3 =	vperm.xlane v3, v2  }
0x4e1: {  	[tilespmem:s24], [sflag:$0x2] =	stream.indirect_vreg.gather [hbm4b:s1+s3], $0x80, v4, vm0, $0xb8;
	[tilespmem:$0x1C200] =	vst v63  }
0x4e2: {  	s13 =	simm.s32 $0x19A00;
	v3 =	vadd.s32 v1, v3  }
0x4e3: {  	[tilespmem:s13], [sflag:$0x2] =	stream.indirect_vreg.gather [hbm4b:s26+s3], $0x80, v4, vm0, $0xb8;
	[tilespmem:$0x1C200] =	vst v63  }
0x4e4: {  	s11 =	simm.s32 $0x1A200  }
0x4e5: {  	[tilespmem:s11], [sflag:$0x2] =	stream.indirect_vreg.gather [hbm4b:s28+s3], $0x80, v4, vm0, $0xb8;
	[tilespmem:$0x1C200] =	vst v63  }
0x4e6: {  	s21 =	simm.s32 $0x1AA00  }
0x4e7: {  	[tilespmem:s21], [sflag:$0x2] =	stream.indirect_vreg.gather [hbm4b:s1+s3], $0x80, v3, vm0, $0xb8;
	[tilespmem:$0x1C200] =	vst v63  }
0x4e8: {  	s17 =	simm.s32 $0x1B200  }
0x4e9: {  	[tilespmem:s17], [sflag:$0x2] =	stream.indirect_vreg.gather [hbm4b:s26+s3], $0x80, v3, vm0, $0xb8;
	[tilespmem:$0x1C200] =	vst v63  }
0x4ea: {  	s16 =	simm.s32 $0x1BA00  }
0x4eb: {  	[tilespmem:s16], [sflag:$0x2] =	stream.indirect_vreg.gather [hbm4b:s28+s3], $0x80, v3, vm0, $0xb8;
	[tilespmem:$0x1C200] =	vst v63  }
0x4ec: {  	_ =	swait.ge [sflag:s10], $0xC000  }
0x4ed: {  	[sflag:s10] =	ssyncset.done $0x0  }
0x4ee: {  	s25 =	rddreg [dreg:$0x17];
	[sflag:s10] =	ssyncadd.s32 $0xFFFF4000  }
0x4ef: {  	[hbm4b:s25+s3] =	stream.linear.scatter [tilespmem:s15], [sflag:$0x3], $0xC000, $0x38;
	[tilespmem:$0x1C200] =	vst v63  }
0x4f0: {  	_ =	swait.ge [sflag:s31], $0xC000  }
0x4f1: {  	s29 =	rddreg [dreg:$0x1b]  }
0x4f2: {  	s30 =	rddreg [dreg:$0x18];
	s10 =	sadd.s32 $0x1, s29  }
0x4f3: {  	p0 =	sne.s32 s10, s30  }
.Ltmp10:
0x4f4: {  	_ = 	snop;
	(pc) =	sbr.rel @p0 .LBB2_1-.Ltmp10, $3  }
0x4f5: {  	_ =	sdelay $0x1  }
0x4f6: {  	[sflag:s31] =	ssyncset.done $0x0  }
0x4f7: {  	s9 =	simm.s32 $0x10000;
	[sflag:s31] =	ssyncadd.s32 $0xFFFF4000  }
0x4f8: {  	_ =	sfence.sel $0x180000  }
0x4f9: {  	[bflag:$0x0] =	sbarrier.arrive $0xFFFF  }
0x4fa: {  	_ =	strace $0x90000047  }
0x4fb: {  	s0 =	stileid.u32;
	[bflag:$0x2] =	sbarrier.arrive $0xFFFF  }
0x4fc: {  	p0 =	sne.s32 s0, $0x0;
	s0 =	rddreg [dreg:$0x7]  }
0x4fd: {  	s0 =	sadd.s32 @!p0 $0x100000, s0  }
0x4fe: {  	[sflag:s0] =	ssyncadd.tile.s32 @!p0 $0x1;
	_ =	shalt  }
.Lfunc_end2:
_tile_overlayer_lowered:
.L_overlay_start_2:
0x4ff: {  	(tag) =	ssettag $0x2  }
0x500: {  	s0 =	rddreg [dreg:$0x0];
	s2 =	stileid.u32  }
0x501: {  	s1 =	rddreg [dreg:$0x1];
	p0 =	sne.s32 s2, $0x0  }
0x502: {  	s3 =	rddreg [dreg:$0x2];
	[bflag:$0x3] =	sbarrier.arrive $0xFFFF;
	s2 =	simm.s32 @!p0 $0x1C03  }
0x503: {  	[timem:s3], [sflag:s2] =	dma.local @!p0 [hbm:s0], s1  }
0x504: {  	s0 =	simm.s32 @!p0 $0x3  }
0x505: {  	_ =	swait.ge @!p0 [sflag:s0], s1  }
0x506: {  	s1 =	ssub.s32 @!p0 $0x0, s1;
	[sflag:s0] =	ssyncset.done @!p0 $0x0  }
0x507: {  	[sflag:s0] =	ssyncadd.s32 @!p0 s1  }
0x508: {  	[bflag:$0x3] =	sbarrier.arrive $0xFFFF  }
0x509: {  	_ =	shalt  }

</sc_bundles>
